<compile_context>
chip_gen: v7x
topology: tpu7x:2x2x1
jax: 0.10.2.dev20260603
libtpu: 0.0.44.dev20260713+nightly
codegen_flags: <defaults>
</compile_context>

<pallas_src>
import functools

import jax
import jax.numpy as jnp
from jax import lax
from jax.experimental import pallas as pl
from jax.experimental.pallas import tpu as pltpu
from jax.experimental.pallas import tpu_sc as plsc

E = 320000
NN = 10000
D = 128
DE = 16

NC = 2
NS = 16
NW = NC * NS

GATE_BLK = 8192
SC_SPLITS = (163840, 156160)
SC_BASES = (0, 163840)
GATE_OFF = (0, 20)
GATE_GRID = (20, 20)
W_OFF = (0, 0)

RPT = 624
RPT_LAST = 640
ZR = 80

ADD_BLK = 2000


def _gate_body(xj_ref, ei_ref, xi_ref, w1_ref, w2_ref, w3_ref, b_ref, out_ref):
    dn = (((1,), (1,)), ((), ()))
    s = jax.lax.dot_general(w1_ref[...], xj_ref[...], dn,
                            preferred_element_type=jnp.float32)
    s = s + jax.lax.dot_general(w2_ref[...], ei_ref[...], dn,
                                preferred_element_type=jnp.float32)
    s = s + jax.lax.dot_general(w3_ref[...], xi_ref[...], dn,
                                preferred_element_type=jnp.float32)
    out_ref[...] = jnp.tanh(s + b_ref[0])[0]


def _make_gate_call(off, grid):
    return pl.pallas_call(
        _gate_body,
        grid=(grid,),
        in_specs=[
            pl.BlockSpec((GATE_BLK, D), lambda i: (i + off, 0)),
            pl.BlockSpec((GATE_BLK, DE), lambda i: (i + off, 0)),
            pl.BlockSpec((GATE_BLK, D), lambda i: (i + off, 0)),
            pl.BlockSpec((1, D), lambda i: (0, 0)),
            pl.BlockSpec((1, DE), lambda i: (0, 0)),
            pl.BlockSpec((1, D), lambda i: (0, 0)),
            pl.BlockSpec((1,), lambda i: (0,)),
        ],
        out_specs=pl.BlockSpec((GATE_BLK,), lambda i: (i,)),
        out_shape=jax.ShapeDtypeStruct((grid * GATE_BLK,), jnp.float32),
    )


_gate_calls = [_make_gate_call(o, g) for o, g in zip(GATE_OFF, GATE_GRID)]


_mesh = plsc.VectorSubcoreMesh(core_axis_name="c", subcore_axis_name="s")


def _make_sc_scatter(e_base, epw, CH, w_off):
    nchunk = epw // CH
    assert nchunk * CH == epw and epw % 8 == 0 and CH % 8 == 0 and CH <= 128
    assert CH % 2 == 0 and w_off % 8 == 0

    @functools.partial(
        pl.kernel,
        mesh=_mesh,
        out_type=jax.ShapeDtypeStruct((NC * NN, D), jnp.float32),
        scratch_types=[
            pltpu.VMEM((2, CH, D), jnp.float32),
            pltpu.VMEM((2, CH), jnp.float32),
            pltpu.VMEM((2, CH), jnp.int32),
            pltpu.VMEM((ZR, D), jnp.float32),
            pltpu.VMEM_SHARED((NN, D), jnp.float32),
            pltpu.SemaphoreType.DMA,
            pltpu.SemaphoreType.DMA,
        ],
        compiler_params=pltpu.CompilerParams(needs_layout_passes=False),
    )
    def _sc_scatter(msg_hbm, w_hbm, idx_hbm, out_hbm, msg_v, w_v, idx_v, z_v,
                    acc, isem0, isem1):
        cid = lax.axis_index("c")
        sid = lax.axis_index("s")
        wid = cid * NS + sid
        rbase = w_off + wid * epw
        abase = e_base + wid * epw
        isems = (isem0, isem1)

        def _zrow(r, carry):
            for c in range(D // 16):
                z_v[r, pl.ds(c * 16, 16)] = jnp.zeros((16,), jnp.float32)
            return carry

        lax.fori_loop(0, ZR, _zrow, 0)

        def _zcopy(k, carry):
            pltpu.sync_copy(z_v, acc.at[pl.ds(sid * RPT + k * ZR, ZR)])
            return carry

        lax.fori_loop(0, RPT_LAST // ZR, _zcopy, 0)
        plsc.subcore_barrier()

        def _in_dmas(j, b):
            return (
                pltpu.make_async_copy(
                    msg_hbm.at[pl.ds(abase + j * CH, CH)], msg_v.at[b],
                    isems[b]),
                pltpu.make_async_copy(
                    w_hbm.at[pl.ds(rbase + j * CH, CH)], w_v.at[b],
                    isems[b]),
                pltpu.make_async_copy(
                    idx_hbm.at[pl.ds(abase + j * CH, CH)], idx_v.at[b],
                    isems[b]),
            )

        def _start_in(j, b):
            for d in _in_dmas(j, b):
                d.start()

        def _process(j, b):
            for d in _in_dmas(j, b):
                d.wait()

            def _mrow(r2, inner):
                for u in range(2):
                    r = 2 * r2 + u
                    wb = plsc.load_gather(w_v.at[b],
                                          [jnp.full((16,), r, jnp.int32)])
                    for c in range(D // 16):
                        sl = pl.ds(c * 16, 16)
                        msg_v[b, r, sl] = msg_v[b, r, sl] * wb
                return inner

            lax.fori_loop(0, CH // 2, _mrow, 0)
            pltpu.sync_copy(msg_v.at[b], acc.at[idx_v.at[b]], add=True)

        _start_in(0, 0)

        def _pair(k, carry):
            j0 = 2 * k
            _start_in(j0 + 1, 1)
            _process(j0, 0)
            _start_in(j0 + 2, 0)
            _process(j0 + 1, 1)
            return carry

        if nchunk % 2 == 1:
            lax.fori_loop(0, (nchunk - 1) // 2, _pair, 0)
            _process(nchunk - 1, 0)
        else:
            lax.fori_loop(0, (nchunk - 2) // 2, _pair, 0)
            _start_in(nchunk - 1, 1)
            _process(nchunk - 2, 0)
            _process(nchunk - 1, 1)
        plsc.subcore_barrier()

        @pl.when(sid < NS - 1)
        def _drain_body():
            pltpu.sync_copy(
                acc.at[pl.ds(sid * RPT, RPT)],
                out_hbm.at[pl.ds(cid * NN + sid * RPT, RPT)],
            )

        @pl.when(sid == NS - 1)
        def _drain_last():
            pltpu.sync_copy(
                acc.at[pl.ds((NS - 1) * RPT, RPT_LAST)],
                out_hbm.at[pl.ds(cid * NN + (NS - 1) * RPT, RPT_LAST)],
            )

    return _sc_scatter


_sc_scatters = [
    _make_sc_scatter(b, s // NW, 80, w)
    for b, s, w in zip(SC_BASES, SC_SPLITS, W_OFF)
]


def _add_body(a_ref, b_ref, c_ref, d_ref, o_ref):
    o_ref[...] = (a_ref[...] + b_ref[...]) + (c_ref[...] + d_ref[...])


_combine_call = pl.pallas_call(
    _add_body,
    grid=(NN // ADD_BLK,),
    in_specs=[pl.BlockSpec((ADD_BLK, D), lambda i: (i, 0))] * 4,
    out_specs=pl.BlockSpec((ADD_BLK, D), lambda i: (i, 0)),
    out_shape=jax.ShapeDtypeStruct((NN, D), jnp.float32),
)


def kernel(msg, x_i, x_j, e_ij, index, num_nodes, W, b):
    w1 = W[:D].T
    w2 = W[D:D + DE].T
    w3 = W[D + DE:].T
    idx = jnp.minimum(index, num_nodes - 1).astype(jnp.int32)
    parts = []
    for gate_call, sc_call in zip(_gate_calls, _sc_scatters):
        gate = gate_call(x_j, e_ij, x_i, w1, w2, w3, b)
        p = sc_call(msg, gate, idx)
        parts.extend([p[:NN], p[NN:]])
    return _combine_call(*parts)

# --- scband reference (transcript-rebuilt; emitter-appended) ---
"""Pipeline reference for scband-gate-89163521065173 (READ-ONLY COPY).

The authoritative reference and input builder live on the scoring server;
editing this copy changes nothing except your own understanding.
"""

import jax, jax.numpy as jnp
import numpy as np

E = 320000
N = 10000
D = 128
DE = 16
IN_SIZE = 2 * D + DE  # q = concat(x_j, e_ij) -> D+DE; then concat with x_i -> 2D+DE


def setup_inputs(seed: int = 0) -> dict:
    key = jax.random.key(seed)
    ks = jax.random.split(key, 8)
    msg = jax.random.normal(ks[0], (E, D), dtype=jnp.float32)
    x_i = jax.random.normal(ks[1], (E, D), dtype=jnp.float32)
    x_j = jax.random.normal(ks[2], (E, D), dtype=jnp.float32)
    e_ij = jax.random.normal(ks[3], (E, DE), dtype=jnp.float32)
    index = jnp.sort(jax.random.randint(ks[4], (E,), 0, N, dtype=jnp.int32))
    W = jax.random.normal(ks[5], (IN_SIZE, 1), dtype=jnp.float32) * (1.0 / np.sqrt(IN_SIZE))
    b = jnp.zeros((1,), dtype=jnp.float32)
    return {"msg": msg, "x_i": x_i, "x_j": x_j, "e_ij": e_ij,
            "index": index, "num_nodes": N, "W": W, "b": b}


def reference(msg, x_i, x_j, e_ij, index, num_nodes, W, b):
    # agg_q: concatenate (x_j, e_ij) along feature dim
    q = jnp.concatenate([x_j, e_ij], axis=-1)
    # gate weight: tanh(Linear(concat(q, x_i)))
    w = jnp.tanh(jnp.concatenate([q, x_i], axis=-1) @ W + b)
    # scatter-sum gated messages to destination nodes
    index = jnp.minimum(index, num_nodes - 1)
    out = jax.ops.segment_sum(w * msg, index, num_segments=N)
    return out

if __name__ == "__main__":
    import jax
    _d = setup_inputs()
    print(jax.jit(kernel)(*tuple(_d.values())))

</pallas_src>

<mosaic_0001>
#map = affine_map<(d0, d1) -> (0, 0)>
#map1 = affine_map<(d0, d1) -> (0)>
module attributes {stable_mosaic.version = 14 : i64} {
  func.func @_sc_scatter(%arg0: i32, %arg1: i32, %arg2: memref<320000x128xf32, #tpu.memory_space<hbm>>, %arg3: memref<163840xf32, #tpu.memory_space<hbm>>, %arg4: memref<320000xi32, #tpu.memory_space<hbm>>, %arg5: memref<20000x128xf32, #tpu.memory_space<hbm>>, %arg6: memref<2x80x128xf32, #tpu.memory_space<vmem>>, %arg7: memref<2x80xf32, #tpu.memory_space<vmem>>, %arg8: memref<2x80xi32, #tpu.memory_space<vmem>>, %arg9: memref<80x128xf32, #tpu.memory_space<vmem>>, %arg10: memref<10000x128xf32, #tpu.memory_space<vmem_shared>>, %arg11: memref<!tpu.dma_semaphore, #tpu.memory_space<semaphore_mem>>, %arg12: memref<!tpu.dma_semaphore, #tpu.memory_space<semaphore_mem>>) attributes {dimension_semantics = [#tpu.dimension_semantics<core_parallel>, #tpu.dimension_semantics<subcore_parallel>], iteration_bounds = array<i64: 2, 16>, scalar_prefetch = 0 : i64, scratch_operands = 7 : i64, tpu.core_type = #tpu.core_type<sc_vector_subcore>, window_params = [{transform_indices = #map}, {transform_indices = #map1}, {transform_indices = #map1}, {transform_indices = #map}]} {
    %mul3A = arith.constant 16 : i32
    %mul3A_0 = arith.muli %arg0, %mul3A : i32
    %add3A = arith.addi %mul3A_0, %arg1 : i32
    %mul3A_1 = arith.constant 5120 : i32
    %mul3A_2 = arith.muli %add3A, %mul3A_1 : i32
    %add3A_3 = arith.constant 0 : i32
    %add3A_4 = arith.addi %add3A_3, %mul3A_2 : i32
    %mul3A_5 = arith.constant 5120 : i32
    %mul3A_6 = arith.muli %add3A, %mul3A_5 : i32
    %add3A_7 = arith.constant 0 : i32
    %add3A_8 = arith.addi %add3A_7, %mul3A_6 : i32
    %scan3A = arith.constant 0 : i32
    %scan3A_9 = arith.constant 0 : i32
    %scan3A_10 = arith.constant 80 : i32
    %scan3A_11 = arith.addi %scan3A_9, %scan3A_10 : i32
    %scan3A_12 = arith.constant 1 : i32
    scf.for %scan3A_194 = %scan3A_9 to %scan3A_11 step %scan3A_12  : i32 {
      %broadcast_in_dim3A = arith.constant 0.000000e+00 : f32
      %broadcast_in_dim3A_195 = vector.broadcast %broadcast_in_dim3A : f32 to vector<16xf32>
      %swap3A = arith.index_cast %scan3A_194 : i32 to index
      %swap3A_196 = arith.constant 0 : index
      %swap3A_197 = tpu.vector_load %arg9[%swap3A, %swap3A_196] {strides = array<i32>} : memref<80x128xf32, #tpu.memory_space<vmem>>, vector<16xf32>,
      tpu.vector_store %arg9[%swap3A, %swap3A_196], %broadcast_in_dim3A_195 {strides = array<i32>} : memref<80x128xf32, #tpu.memory_space<vmem>>, vector<16xf32>,
      %broadcast_in_dim3A_198 = arith.constant 0.000000e+00 : f32
      %broadcast_in_dim3A_199 = vector.broadcast %broadcast_in_dim3A_198 : f32 to vector<16xf32>
      %swap3A_200 = arith.index_cast %scan3A_194 : i32 to index
      %swap3A_201 = arith.constant 16 : index
      %swap3A_202 = tpu.vector_load %arg9[%swap3A_200, %swap3A_201] {strides = array<i32>} : memref<80x128xf32, #tpu.memory_space<vmem>>, vector<16xf32>,
      tpu.vector_store %arg9[%swap3A_200, %swap3A_201], %broadcast_in_dim3A_199 {strides = array<i32>} : memref<80x128xf32, #tpu.memory_space<vmem>>, vector<16xf32>,
      %broadcast_in_dim3A_203 = arith.constant 0.000000e+00 : f32
      %broadcast_in_dim3A_204 = vector.broadcast %broadcast_in_dim3A_203 : f32 to vector<16xf32>
      %swap3A_205 = arith.index_cast %scan3A_194 : i32 to index
      %swap3A_206 = arith.constant 32 : index
      %swap3A_207 = tpu.vector_load %arg9[%swap3A_205, %swap3A_206] {strides = array<i32>} : memref<80x128xf32, #tpu.memory_space<vmem>>, vector<16xf32>,
      tpu.vector_store %arg9[%swap3A_205, %swap3A_206], %broadcast_in_dim3A_204 {strides = array<i32>} : memref<80x128xf32, #tpu.memory_space<vmem>>, vector<16xf32>,
      %broadcast_in_dim3A_208 = arith.constant 0.000000e+00 : f32
      %broadcast_in_dim3A_209 = vector.broadcast %broadcast_in_dim3A_208 : f32 to vector<16xf32>
      %swap3A_210 = arith.index_cast %scan3A_194 : i32 to index
      %swap3A_211 = arith.constant 48 : index
      %swap3A_212 = tpu.vector_load %arg9[%swap3A_210, %swap3A_211] {strides = array<i32>} : memref<80x128xf32, #tpu.memory_space<vmem>>, vector<16xf32>,
      tpu.vector_store %arg9[%swap3A_210, %swap3A_211], %broadcast_in_dim3A_209 {strides = array<i32>} : memref<80x128xf32, #tpu.memory_space<vmem>>, vector<16xf32>,
      %broadcast_in_dim3A_213 = arith.constant 0.000000e+00 : f32
      %broadcast_in_dim3A_214 = vector.broadcast %broadcast_in_dim3A_213 : f32 to vector<16xf32>
      %swap3A_215 = arith.index_cast %scan3A_194 : i32 to index
      %swap3A_216 = arith.constant 64 : index
      %swap3A_217 = tpu.vector_load %arg9[%swap3A_215, %swap3A_216] {strides = array<i32>} : memref<80x128xf32, #tpu.memory_space<vmem>>, vector<16xf32>,
      tpu.vector_store %arg9[%swap3A_215, %swap3A_216], %broadcast_in_dim3A_214 {strides = array<i32>} : memref<80x128xf32, #tpu.memory_space<vmem>>, vector<16xf32>,
      %broadcast_in_dim3A_218 = arith.constant 0.000000e+00 : f32
      %broadcast_in_dim3A_219 = vector.broadcast %broadcast_in_dim3A_218 : f32 to vector<16xf32>
      %swap3A_220 = arith.index_cast %scan3A_194 : i32 to index
      %swap3A_221 = arith.constant 80 : index
      %swap3A_222 = tpu.vector_load %arg9[%swap3A_220, %swap3A_221] {strides = array<i32>} : memref<80x128xf32, #tpu.memory_space<vmem>>, vector<16xf32>,
      tpu.vector_store %arg9[%swap3A_220, %swap3A_221], %broadcast_in_dim3A_219 {strides = array<i32>} : memref<80x128xf32, #tpu.memory_space<vmem>>, vector<16xf32>,
      %broadcast_in_dim3A_223 = arith.constant 0.000000e+00 : f32
      %broadcast_in_dim3A_224 = vector.broadcast %broadcast_in_dim3A_223 : f32 to vector<16xf32>
      %swap3A_225 = arith.index_cast %scan3A_194 : i32 to index
      %swap3A_226 = arith.constant 96 : index
      %swap3A_227 = tpu.vector_load %arg9[%swap3A_225, %swap3A_226] {strides = array<i32>} : memref<80x128xf32, #tpu.memory_space<vmem>>, vector<16xf32>,
      tpu.vector_store %arg9[%swap3A_225, %swap3A_226], %broadcast_in_dim3A_224 {strides = array<i32>} : memref<80x128xf32, #tpu.memory_space<vmem>>, vector<16xf32>,
      %broadcast_in_dim3A_228 = arith.constant 0.000000e+00 : f32
      %broadcast_in_dim3A_229 = vector.broadcast %broadcast_in_dim3A_228 : f32 to vector<16xf32>
      %swap3A_230 = arith.index_cast %scan3A_194 : i32 to index
      %swap3A_231 = arith.constant 112 : index
      %swap3A_232 = tpu.vector_load %arg9[%swap3A_230, %swap3A_231] {strides = array<i32>} : memref<80x128xf32, #tpu.memory_space<vmem>>, vector<16xf32>,
      tpu.vector_store %arg9[%swap3A_230, %swap3A_231], %broadcast_in_dim3A_229 {strides = array<i32>} : memref<80x128xf32, #tpu.memory_space<vmem>>, vector<16xf32>,
    }
    %scan3A_13 = arith.constant 80 : i32
    %scan3A_14 = arith.constant 0 : i32
    %scan3A_15 = arith.constant 0 : i32
    %scan3A_16 = arith.constant 8 : i32
    %scan3A_17 = arith.addi %scan3A_15, %scan3A_16 : i32
    %scan3A_18 = arith.constant 1 : i32
    scf.for %scan3A_194 = %scan3A_15 to %scan3A_17 step %scan3A_18  : i32 {
      %mul3A_195 = arith.constant 624 : i32
      %mul3A_196 = arith.muli %arg1, %mul3A_195 : i32
      %mul3A_197 = arith.constant 80 : i32
      %mul3A_198 = arith.muli %scan3A_194, %mul3A_197 : i32
      %add3A_199 = arith.addi %mul3A_196, %mul3A_198 : i32
      "tpu.region"() ({
        %run_scoped3A_200 = tpu.sem_alloc : memref<!tpu.dma_semaphore, #tpu.memory_space<semaphore_mem>>
        %dma_start3A_201 = arith.constant 0 : i32
        %dma_start3A_202 = tpu.memref_slice %arg10[%add3A_199, %dma_start3A_201] : memref<10000x128xf32, #tpu.memory_space<vmem_shared>> -> memref<80x128xf32, #tpu.memory_space<vmem_shared>>
        %dma_start3A_203 = arith.constant 0 : i32
        %dma_start3A_204 = tpu.memref_slice %arg10[%add3A_199, %dma_start3A_203] : memref<10000x128xf32, #tpu.memory_space<vmem_shared>> -> memref<80x128xf32, #tpu.memory_space<vmem_shared>>
        tpu.enqueue_dma source(%arg9 : memref<80x128xf32, #tpu.memory_space<vmem>>) target(%dma_start3A_204 : memref<80x128xf32, #tpu.memory_space<vmem_shared>>) target_semaphore(%run_scoped3A_200 : memref<!tpu.dma_semaphore, #tpu.memory_space<semaphore_mem>>)
        %dma_wait3A_205 = arith.constant 0 : i32
        %dma_wait3A_206 = tpu.memref_slice %arg10[%add3A_199, %dma_wait3A_205] : memref<10000x128xf32, #tpu.memory_space<vmem_shared>> -> memref<80x128xf32, #tpu.memory_space<vmem_shared>>
        %dma_wait3A_207 = arith.constant 0 : i32
        %dma_wait3A_208 = tpu.memref_slice %arg10[%add3A_199, %dma_wait3A_207] : memref<10000x128xf32, #tpu.memory_space<vmem_shared>> -> memref<80x128xf32, #tpu.memory_space<vmem_shared>>
        tpu.wait_dma2 semaphore(%run_scoped3A_200 : memref<!tpu.dma_semaphore, #tpu.memory_space<semaphore_mem>>) src(%arg9 : memref<80x128xf32, #tpu.memory_space<vmem>>) dst(%dma_wait3A_208 : memref<80x128xf32, #tpu.memory_space<vmem_shared>>)
        tpu.yield
      }) : () -> ()
    }
    %scan3A_19 = arith.constant 8 : i32
    %barrier3A = arith.constant 0 : index
    tpu.barrier barrier_id(%barrier3A)
    %add3A_20 = arith.constant 0 : i32
    %add3A_21 = arith.addi %add3A_8, %add3A_20 : i32
    %add3A_22 = arith.constant 0 : i32
    %add3A_23 = arith.addi %add3A_4, %add3A_22 : i32
    %add3A_24 = arith.constant 0 : i32
    %add3A_25 = arith.addi %add3A_8, %add3A_24 : i32
    %dma_start3A = arith.constant 0 : i32
    %dma_start3A_26 = arith.constant 0 : i32
    %dma_start3A_27 = arith.constant 0 : i32
    %dma_start3A_28 = tpu.memref_slice %arg6[%dma_start3A, %dma_start3A_26, %dma_start3A_27] : memref<2x80x128xf32, #tpu.memory_space<vmem>> -> memref<1x80x128xf32, #tpu.memory_space<vmem>>
    %dma_start3A_29 = tpu.memref_squeeze %dma_start3A_28 : memref<1x80x128xf32, #tpu.memory_space<vmem>> -> memref<80x128xf32, #tpu.memory_space<vmem>>
    %dma_start3A_30 = arith.constant 0 : i32
    %dma_start3A_31 = tpu.memref_slice %arg2[%add3A_21, %dma_start3A_30] : memref<320000x128xf32, #tpu.memory_space<hbm>> -> memref<80x128xf32, #tpu.memory_space<hbm>>
    %dma_start3A_32 = arith.constant 0 : i32
    %dma_start3A_33 = arith.constant 0 : i32
    %dma_start3A_34 = tpu.memref_slice %arg6[%dma_start3A, %dma_start3A_32, %dma_start3A_33] : memref<2x80x128xf32, #tpu.memory_space<vmem>> -> memref<1x80x128xf32, #tpu.memory_space<vmem>>
    %dma_start3A_35 = tpu.memref_squeeze %dma_start3A_34 : memref<1x80x128xf32, #tpu.memory_space<vmem>> -> memref<80x128xf32, #tpu.memory_space<vmem>>
    %dma_start3A_36 = arith.constant 0 : i32
    %dma_start3A_37 = tpu.memref_slice %arg2[%add3A_21, %dma_start3A_36] : memref<320000x128xf32, #tpu.memory_space<hbm>> -> memref<80x128xf32, #tpu.memory_space<hbm>>
    tpu.enqueue_dma source(%dma_start3A_37 : memref<80x128xf32, #tpu.memory_space<hbm>>) target(%dma_start3A_35 : memref<80x128xf32, #tpu.memory_space<vmem>>) target_semaphore(%arg11 : memref<!tpu.dma_semaphore, #tpu.memory_space<semaphore_mem>>)
    %dma_start3A_38 = arith.constant 0 : i32
    %dma_start3A_39 = arith.constant 0 : i32
    %dma_start3A_40 = tpu.memref_slice %arg7[%dma_start3A_38, %dma_start3A_39] : memref<2x80xf32, #tpu.memory_space<vmem>> -> memref<1x80xf32, #tpu.memory_space<vmem>>
    %dma_start3A_41 = tpu.memref_squeeze %dma_start3A_40 : memref<1x80xf32, #tpu.memory_space<vmem>> -> memref<80xf32, #tpu.memory_space<vmem>>
    %dma_start3A_42 = tpu.memref_slice %arg3[%add3A_23] : memref<163840xf32, #tpu.memory_space<hbm>> -> memref<80xf32, #tpu.memory_space<hbm>>
    %dma_start3A_43 = arith.constant 0 : i32
    %dma_start3A_44 = tpu.memref_slice %arg7[%dma_start3A_38, %dma_start3A_43] : memref<2x80xf32, #tpu.memory_space<vmem>> -> memref<1x80xf32, #tpu.memory_space<vmem>>
    %dma_start3A_45 = tpu.memref_squeeze %dma_start3A_44 : memref<1x80xf32, #tpu.memory_space<vmem>> -> memref<80xf32, #tpu.memory_space<vmem>>
    %dma_start3A_46 = tpu.memref_slice %arg3[%add3A_23] : memref<163840xf32, #tpu.memory_space<hbm>> -> memref<80xf32, #tpu.memory_space<hbm>>
    tpu.enqueue_dma source(%dma_start3A_46 : memref<80xf32, #tpu.memory_space<hbm>>) target(%dma_start3A_45 : memref<80xf32, #tpu.memory_space<vmem>>) target_semaphore(%arg11 : memref<!tpu.dma_semaphore, #tpu.memory_space<semaphore_mem>>)
    %dma_start3A_47 = arith.constant 0 : i32
    %dma_start3A_48 = arith.constant 0 : i32
    %dma_start3A_49 = tpu.memref_slice %arg8[%dma_start3A_47, %dma_start3A_48] : memref<2x80xi32, #tpu.memory_space<vmem>> -> memref<1x80xi32, #tpu.memory_space<vmem>>
    %dma_start3A_50 = tpu.memref_squeeze %dma_start3A_49 : memref<1x80xi32, #tpu.memory_space<vmem>> -> memref<80xi32, #tpu.memory_space<vmem>>
    %dma_start3A_51 = tpu.memref_slice %arg4[%add3A_25] : memref<320000xi32, #tpu.memory_space<hbm>> -> memref<80xi32, #tpu.memory_space<hbm>>
    %dma_start3A_52 = arith.constant 0 : i32
    %dma_start3A_53 = tpu.memref_slice %arg8[%dma_start3A_47, %dma_start3A_52] : memref<2x80xi32, #tpu.memory_space<vmem>> -> memref<1x80xi32, #tpu.memory_space<vmem>>
    %dma_start3A_54 = tpu.memref_squeeze %dma_start3A_53 : memref<1x80xi32, #tpu.memory_space<vmem>> -> memref<80xi32, #tpu.memory_space<vmem>>
    %dma_start3A_55 = tpu.memref_slice %arg4[%add3A_25] : memref<320000xi32, #tpu.memory_space<hbm>> -> memref<80xi32, #tpu.memory_space<hbm>>
    tpu.enqueue_dma source(%dma_start3A_55 : memref<80xi32, #tpu.memory_space<hbm>>) target(%dma_start3A_54 : memref<80xi32, #tpu.memory_space<vmem>>) target_semaphore(%arg11 : memref<!tpu.dma_semaphore, #tpu.memory_space<semaphore_mem>>)
    %scan3A_56 = arith.constant 0 : i32
    %scan3A_57 = arith.constant 0 : i32
    %scan3A_58 = arith.constant 31 : i32
    %scan3A_59 = arith.addi %scan3A_57, %scan3A_58 : i32
    %scan3A_60 = arith.constant 1 : i32
    scf.for %scan3A_194 = %scan3A_57 to %scan3A_59 step %scan3A_60  : i32 {
      %mul3A_195 = arith.constant 2 : i32
      %mul3A_196 = arith.muli %mul3A_195, %scan3A_194 : i32
      %add3A_197 = arith.constant 1 : i32
      %add3A_198 = arith.addi %mul3A_196, %add3A_197 : i32
      %mul3A_199 = arith.constant 80 : i32
      %mul3A_200 = arith.muli %add3A_198, %mul3A_199 : i32
      %add3A_201 = arith.addi %add3A_8, %mul3A_200 : i32
      %mul3A_202 = arith.constant 80 : i32
      %mul3A_203 = arith.muli %add3A_198, %mul3A_202 : i32
      %add3A_204 = arith.addi %add3A_4, %mul3A_203 : i32
      %mul3A_205 = arith.constant 80 : i32
      %mul3A_206 = arith.muli %add3A_198, %mul3A_205 : i32
      %add3A_207 = arith.addi %add3A_8, %mul3A_206 : i32
      %dma_start3A_208 = arith.constant 1 : i32
      %dma_start3A_209 = arith.constant 0 : i32
      %dma_start3A_210 = arith.constant 0 : i32
      %dma_start3A_211 = tpu.memref_slice %arg6[%dma_start3A_208, %dma_start3A_209, %dma_start3A_210] : memref<2x80x128xf32, #tpu.memory_space<vmem>> -> memref<1x80x128xf32, #tpu.memory_space<vmem>>
      %dma_start3A_212 = tpu.memref_squeeze %dma_start3A_211 : memref<1x80x128xf32, #tpu.memory_space<vmem>> -> memref<80x128xf32, #tpu.memory_space<vmem>>
      %dma_start3A_213 = arith.constant 0 : i32
      %dma_start3A_214 = tpu.memref_slice %arg2[%add3A_201, %dma_start3A_213] : memref<320000x128xf32, #tpu.memory_space<hbm>> -> memref<80x128xf32, #tpu.memory_space<hbm>>
      %dma_start3A_215 = arith.constant 0 : i32
      %dma_start3A_216 = arith.constant 0 : i32
      %dma_start3A_217 = tpu.memref_slice %arg6[%dma_start3A_208, %dma_start3A_215, %dma_start3A_216] : memref<2x80x128xf32, #tpu.memory_space<vmem>> -> memref<1x80x128xf32, #tpu.memory_space<vmem>>
      %dma_start3A_218 = tpu.memref_squeeze %dma_start3A_217 : memref<1x80x128xf32, #tpu.memory_space<vmem>> -> memref<80x128xf32, #tpu.memory_space<vmem>>
      %dma_start3A_219 = arith.constant 0 : i32
      %dma_start3A_220 = tpu.memref_slice %arg2[%add3A_201, %dma_start3A_219] : memref<320000x128xf32, #tpu.memory_space<hbm>> -> memref<80x128xf32, #tpu.memory_space<hbm>>
      tpu.enqueue_dma source(%dma_start3A_220 : memref<80x128xf32, #tpu.memory_space<hbm>>) target(%dma_start3A_218 : memref<80x128xf32, #tpu.memory_space<vmem>>) target_semaphore(%arg12 : memref<!tpu.dma_semaphore, #tpu.memory_space<semaphore_mem>>)
      %dma_start3A_221 = arith.constant 1 : i32
      %dma_start3A_222 = arith.constant 0 : i32
      %dma_start3A_223 = tpu.memref_slice %arg7[%dma_start3A_221, %dma_start3A_222] : memref<2x80xf32, #tpu.memory_space<vmem>> -> memref<1x80xf32, #tpu.memory_space<vmem>>
      %dma_start3A_224 = tpu.memref_squeeze %dma_start3A_223 : memref<1x80xf32, #tpu.memory_space<vmem>> -> memref<80xf32, #tpu.memory_space<vmem>>
      %dma_start3A_225 = tpu.memref_slice %arg3[%add3A_204] : memref<163840xf32, #tpu.memory_space<hbm>> -> memref<80xf32, #tpu.memory_space<hbm>>
      %dma_start3A_226 = arith.constant 0 : i32
      %dma_start3A_227 = tpu.memref_slice %arg7[%dma_start3A_221, %dma_start3A_226] : memref<2x80xf32, #tpu.memory_space<vmem>> -> memref<1x80xf32, #tpu.memory_space<vmem>>
      %dma_start3A_228 = tpu.memref_squeeze %dma_start3A_227 : memref<1x80xf32, #tpu.memory_space<vmem>> -> memref<80xf32, #tpu.memory_space<vmem>>
      %dma_start3A_229 = tpu.memref_slice %arg3[%add3A_204] : memref<163840xf32, #tpu.memory_space<hbm>> -> memref<80xf32, #tpu.memory_space<hbm>>
      tpu.enqueue_dma source(%dma_start3A_229 : memref<80xf32, #tpu.memory_space<hbm>>) target(%dma_start3A_228 : memref<80xf32, #tpu.memory_space<vmem>>) target_semaphore(%arg12 : memref<!tpu.dma_semaphore, #tpu.memory_space<semaphore_mem>>)
      %dma_start3A_230 = arith.constant 1 : i32
      %dma_start3A_231 = arith.constant 0 : i32
      %dma_start3A_232 = tpu.memref_slice %arg8[%dma_start3A_230, %dma_start3A_231] : memref<2x80xi32, #tpu.memory_space<vmem>> -> memref<1x80xi32, #tpu.memory_space<vmem>>
      %dma_start3A_233 = tpu.memref_squeeze %dma_start3A_232 : memref<1x80xi32, #tpu.memory_space<vmem>> -> memref<80xi32, #tpu.memory_space<vmem>>
      %dma_start3A_234 = tpu.memref_slice %arg4[%add3A_207] : memref<320000xi32, #tpu.memory_space<hbm>> -> memref<80xi32, #tpu.memory_space<hbm>>
      %dma_start3A_235 = arith.constant 0 : i32
      %dma_start3A_236 = tpu.memref_slice %arg8[%dma_start3A_230, %dma_start3A_235] : memref<2x80xi32, #tpu.memory_space<vmem>> -> memref<1x80xi32, #tpu.memory_space<vmem>>
      %dma_start3A_237 = tpu.memref_squeeze %dma_start3A_236 : memref<1x80xi32, #tpu.memory_space<vmem>> -> memref<80xi32, #tpu.memory_space<vmem>>
      %dma_start3A_238 = tpu.memref_slice %arg4[%add3A_207] : memref<320000xi32, #tpu.memory_space<hbm>> -> memref<80xi32, #tpu.memory_space<hbm>>
      tpu.enqueue_dma source(%dma_start3A_238 : memref<80xi32, #tpu.memory_space<hbm>>) target(%dma_start3A_237 : memref<80xi32, #tpu.memory_space<vmem>>) target_semaphore(%arg12 : memref<!tpu.dma_semaphore, #tpu.memory_space<semaphore_mem>>)
      %mul3A_239 = arith.constant 80 : i32
      %mul3A_240 = arith.muli %mul3A_196, %mul3A_239 : i32
      %add3A_241 = arith.addi %add3A_8, %mul3A_240 : i32
      %mul3A_242 = arith.constant 80 : i32
      %mul3A_243 = arith.muli %mul3A_196, %mul3A_242 : i32
      %add3A_244 = arith.addi %add3A_4, %mul3A_243 : i32
      %mul3A_245 = arith.constant 80 : i32
      %mul3A_246 = arith.muli %mul3A_196, %mul3A_245 : i32
      %add3A_247 = arith.addi %add3A_8, %mul3A_246 : i32
      %dma_wait3A_248 = arith.constant 0 : i32
      %dma_wait3A_249 = arith.constant 0 : i32
      %dma_wait3A_250 = arith.constant 0 : i32
      %dma_wait3A_251 = tpu.memref_slice %arg6[%dma_wait3A_248, %dma_wait3A_249, %dma_wait3A_250] : memref<2x80x128xf32, #tpu.memory_space<vmem>> -> memref<1x80x128xf32, #tpu.memory_space<vmem>>
      %dma_wait3A_252 = tpu.memref_squeeze %dma_wait3A_251 : memref<1x80x128xf32, #tpu.memory_space<vmem>> -> memref<80x128xf32, #tpu.memory_space<vmem>>
      %dma_wait3A_253 = arith.constant 0 : i32
      %dma_wait3A_254 = tpu.memref_slice %arg2[%add3A_241, %dma_wait3A_253] : memref<320000x128xf32, #tpu.memory_space<hbm>> -> memref<80x128xf32, #tpu.memory_space<hbm>>
      %dma_wait3A_255 = arith.constant 0 : i32
      %dma_wait3A_256 = arith.constant 0 : i32
      %dma_wait3A_257 = tpu.memref_slice %arg6[%dma_wait3A_248, %dma_wait3A_255, %dma_wait3A_256] : memref<2x80x128xf32, #tpu.memory_space<vmem>> -> memref<1x80x128xf32, #tpu.memory_space<vmem>>
      %dma_wait3A_258 = tpu.memref_squeeze %dma_wait3A_257 : memref<1x80x128xf32, #tpu.memory_space<vmem>> -> memref<80x128xf32, #tpu.memory_space<vmem>>
      %dma_wait3A_259 = arith.constant 0 : i32
      %dma_wait3A_260 = tpu.memref_slice %arg2[%add3A_241, %dma_wait3A_259] : memref<320000x128xf32, #tpu.memory_space<hbm>> -> memref<80x128xf32, #tpu.memory_space<hbm>>
      tpu.wait_dma2 semaphore(%arg11 : memref<!tpu.dma_semaphore, #tpu.memory_space<semaphore_mem>>) src(%dma_wait3A_260 : memref<80x128xf32, #tpu.memory_space<hbm>>) dst(%dma_wait3A_258 : memref<80x128xf32, #tpu.memory_space<vmem>>)
      %dma_wait3A_261 = arith.constant 0 : i32
      %dma_wait3A_262 = arith.constant 0 : i32
      %dma_wait3A_263 = tpu.memref_slice %arg7[%dma_wait3A_261, %dma_wait3A_262] : memref<2x80xf32, #tpu.memory_space<vmem>> -> memref<1x80xf32, #tpu.memory_space<vmem>>
      %dma_wait3A_264 = tpu.memref_squeeze %dma_wait3A_263 : memref<1x80xf32, #tpu.memory_space<vmem>> -> memref<80xf32, #tpu.memory_space<vmem>>
      %dma_wait3A_265 = tpu.memref_slice %arg3[%add3A_244] : memref<163840xf32, #tpu.memory_space<hbm>> -> memref<80xf32, #tpu.memory_space<hbm>>
      %dma_wait3A_266 = arith.constant 0 : i32
      %dma_wait3A_267 = tpu.memref_slice %arg7[%dma_wait3A_261, %dma_wait3A_266] : memref<2x80xf32, #tpu.memory_space<vmem>> -> memref<1x80xf32, #tpu.memory_space<vmem>>
      %dma_wait3A_268 = tpu.memref_squeeze %dma_wait3A_267 : memref<1x80xf32, #tpu.memory_space<vmem>> -> memref<80xf32, #tpu.memory_space<vmem>>
      %dma_wait3A_269 = tpu.memref_slice %arg3[%add3A_244] : memref<163840xf32, #tpu.memory_space<hbm>> -> memref<80xf32, #tpu.memory_space<hbm>>
      tpu.wait_dma2 semaphore(%arg11 : memref<!tpu.dma_semaphore, #tpu.memory_space<semaphore_mem>>) src(%dma_wait3A_269 : memref<80xf32, #tpu.memory_space<hbm>>) dst(%dma_wait3A_268 : memref<80xf32, #tpu.memory_space<vmem>>)
      %dma_wait3A_270 = arith.constant 0 : i32
      %dma_wait3A_271 = arith.constant 0 : i32
      %dma_wait3A_272 = tpu.memref_slice %arg8[%dma_wait3A_270, %dma_wait3A_271] : memref<2x80xi32, #tpu.memory_space<vmem>> -> memref<1x80xi32, #tpu.memory_space<vmem>>
      %dma_wait3A_273 = tpu.memref_squeeze %dma_wait3A_272 : memref<1x80xi32, #tpu.memory_space<vmem>> -> memref<80xi32, #tpu.memory_space<vmem>>
      %dma_wait3A_274 = tpu.memref_slice %arg4[%add3A_247] : memref<320000xi32, #tpu.memory_space<hbm>> -> memref<80xi32, #tpu.memory_space<hbm>>
      %dma_wait3A_275 = arith.constant 0 : i32
      %dma_wait3A_276 = tpu.memref_slice %arg8[%dma_wait3A_270, %dma_wait3A_275] : memref<2x80xi32, #tpu.memory_space<vmem>> -> memref<1x80xi32, #tpu.memory_space<vmem>>
      %dma_wait3A_277 = tpu.memref_squeeze %dma_wait3A_276 : memref<1x80xi32, #tpu.memory_space<vmem>> -> memref<80xi32, #tpu.memory_space<vmem>>
      %dma_wait3A_278 = tpu.memref_slice %arg4[%add3A_247] : memref<320000xi32, #tpu.memory_space<hbm>> -> memref<80xi32, #tpu.memory_space<hbm>>
      tpu.wait_dma2 semaphore(%arg11 : memref<!tpu.dma_semaphore, #tpu.memory_space<semaphore_mem>>) src(%dma_wait3A_278 : memref<80xi32, #tpu.memory_space<hbm>>) dst(%dma_wait3A_277 : memref<80xi32, #tpu.memory_space<vmem>>)
      %scan3A_279 = arith.constant 0 : i32
      %scan3A_280 = arith.constant 0 : i32
      %scan3A_281 = arith.constant 40 : i32
      %scan3A_282 = arith.addi %scan3A_280, %scan3A_281 : i32
      %scan3A_283 = arith.constant 1 : i32
      scf.for %scan3A_379 = %scan3A_280 to %scan3A_282 step %scan3A_283  : i32 {
        %mul3A_380 = arith.constant 2 : i32
        %mul3A_381 = arith.muli %mul3A_380, %scan3A_379 : i32
        %add3A_382 = arith.constant 0 : i32
        %add3A_383 = arith.addi %mul3A_381, %add3A_382 : i32
        %broadcast_in_dim3A = vector.broadcast %add3A_383 : i32 to vector<16xi32>
        %gather3A = arith.constant 0 : i32
        %gather3A_384 = arith.constant 0 : i32
        %gather3A_385 = tpu.memref_slice %arg7[%gather3A, %gather3A_384] : memref<2x80xf32, #tpu.memory_space<vmem>> -> memref<1x80xf32, #tpu.memory_space<vmem>>
        %gather3A_386 = tpu.memref_squeeze %gather3A_385 : memref<1x80xf32, #tpu.memory_space<vmem>> -> memref<80xf32, #tpu.memory_space<vmem>>
        %gather3A_387 = tpu.vector_load_idx %gather3A_386[%broadcast_in_dim3A] : memref<80xf32, #tpu.memory_space<vmem>>[vector<16xi32>], vector<16xf32>,
        %get3A = arith.constant 0 : i32
        %get3A_388 = arith.index_cast %get3A : i32 to index
        %get3A_389 = arith.index_cast %add3A_383 : i32 to index
        %get3A_390 = arith.constant 0 : index
        %get3A_391 = tpu.vector_load %arg6[%get3A_388, %get3A_389, %get3A_390] {strides = array<i32>} : memref<2x80x128xf32, #tpu.memory_space<vmem>>, vector<16xf32>,
        %mul3A_392 = arith.mulf %get3A_391, %gather3A_387 : vector<16xf32>
        %swap3A = arith.constant 0 : i32
        %swap3A_393 = arith.index_cast %swap3A : i32 to index
        %swap3A_394 = arith.index_cast %add3A_383 : i32 to index
        %swap3A_395 = arith.constant 0 : index
        %swap3A_396 = tpu.vector_load %arg6[%swap3A_393, %swap3A_394, %swap3A_395] {strides = array<i32>} : memref<2x80x128xf32, #tpu.memory_space<vmem>>, vector<16xf32>,
        tpu.vector_store %arg6[%swap3A_393, %swap3A_394, %swap3A_395], %mul3A_392 {strides = array<i32>} : memref<2x80x128xf32, #tpu.memory_space<vmem>>, vector<16xf32>,
        %get3A_397 = arith.constant 0 : i32
        %get3A_398 = arith.index_cast %get3A_397 : i32 to index
        %get3A_399 = arith.index_cast %add3A_383 : i32 to index
        %get3A_400 = arith.constant 16 : index
        %get3A_401 = tpu.vector_load %arg6[%get3A_398, %get3A_399, %get3A_400] {strides = array<i32>} : memref<2x80x128xf32, #tpu.memory_space<vmem>>, vector<16xf32>,
        %mul3A_402 = arith.mulf %get3A_401, %gather3A_387 : vector<16xf32>
        %swap3A_403 = arith.constant 0 : i32
        %swap3A_404 = arith.index_cast %swap3A_403 : i32 to index
        %swap3A_405 = arith.index_cast %add3A_383 : i32 to index
        %swap3A_406 = arith.constant 16 : index
        %swap3A_407 = tpu.vector_load %arg6[%swap3A_404, %swap3A_405, %swap3A_406] {strides = array<i32>} : memref<2x80x128xf32, #tpu.memory_space<vmem>>, vector<16xf32>,
        tpu.vector_store %arg6[%swap3A_404, %swap3A_405, %swap3A_406], %mul3A_402 {strides = array<i32>} : memref<2x80x128xf32, #tpu.memory_space<vmem>>, vector<16xf32>,
        %get3A_408 = arith.constant 0 : i32
        %get3A_409 = arith.index_cast %get3A_408 : i32 to index
        %get3A_410 = arith.index_cast %add3A_383 : i32 to index
        %get3A_411 = arith.constant 32 : index
        %get3A_412 = tpu.vector_load %arg6[%get3A_409, %get3A_410, %get3A_411] {strides = array<i32>} : memref<2x80x128xf32, #tpu.memory_space<vmem>>, vector<16xf32>,
        %mul3A_413 = arith.mulf %get3A_412, %gather3A_387 : vector<16xf32>
        %swap3A_414 = arith.constant 0 : i32
        %swap3A_415 = arith.index_cast %swap3A_414 : i32 to index
        %swap3A_416 = arith.index_cast %add3A_383 : i32 to index
        %swap3A_417 = arith.constant 32 : index
        %swap3A_418 = tpu.vector_load %arg6[%swap3A_415, %swap3A_416, %swap3A_417] {strides = array<i32>} : memref<2x80x128xf32, #tpu.memory_space<vmem>>, vector<16xf32>,
        tpu.vector_store %arg6[%swap3A_415, %swap3A_416, %swap3A_417], %mul3A_413 {strides = array<i32>} : memref<2x80x128xf32, #tpu.memory_space<vmem>>, vector<16xf32>,
        %get3A_419 = arith.constant 0 : i32
        %get3A_420 = arith.index_cast %get3A_419 : i32 to index
        %get3A_421 = arith.index_cast %add3A_383 : i32 to index
        %get3A_422 = arith.constant 48 : index
        %get3A_423 = tpu.vector_load %arg6[%get3A_420, %get3A_421, %get3A_422] {strides = array<i32>} : memref<2x80x128xf32, #tpu.memory_space<vmem>>, vector<16xf32>,
        %mul3A_424 = arith.mulf %get3A_423, %gather3A_387 : vector<16xf32>
        %swap3A_425 = arith.constant 0 : i32
        %swap3A_426 = arith.index_cast %swap3A_425 : i32 to index
        %swap3A_427 = arith.index_cast %add3A_383 : i32 to index
        %swap3A_428 = arith.constant 48 : index
        %swap3A_429 = tpu.vector_load %arg6[%swap3A_426, %swap3A_427, %swap3A_428] {strides = array<i32>} : memref<2x80x128xf32, #tpu.memory_space<vmem>>, vector<16xf32>,
        tpu.vector_store %arg6[%swap3A_426, %swap3A_427, %swap3A_428], %mul3A_424 {strides = array<i32>} : memref<2x80x128xf32, #tpu.memory_space<vmem>>, vector<16xf32>,
        %get3A_430 = arith.constant 0 : i32
        %get3A_431 = arith.index_cast %get3A_430 : i32 to index
        %get3A_432 = arith.index_cast %add3A_383 : i32 to index
        %get3A_433 = arith.constant 64 : index
        %get3A_434 = tpu.vector_load %arg6[%get3A_431, %get3A_432, %get3A_433] {strides = array<i32>} : memref<2x80x128xf32, #tpu.memory_space<vmem>>, vector<16xf32>,
        %mul3A_435 = arith.mulf %get3A_434, %gather3A_387 : vector<16xf32>
        %swap3A_436 = arith.constant 0 : i32
        %swap3A_437 = arith.index_cast %swap3A_436 : i32 to index
        %swap3A_438 = arith.index_cast %add3A_383 : i32 to index
        %swap3A_439 = arith.constant 64 : index
        %swap3A_440 = tpu.vector_load %arg6[%swap3A_437, %swap3A_438, %swap3A_439] {strides = array<i32>} : memref<2x80x128xf32, #tpu.memory_space<vmem>>, vector<16xf32>,
        tpu.vector_store %arg6[%swap3A_437, %swap3A_438, %swap3A_439], %mul3A_435 {strides = array<i32>} : memref<2x80x128xf32, #tpu.memory_space<vmem>>, vector<16xf32>,
        %get3A_441 = arith.constant 0 : i32
        %get3A_442 = arith.index_cast %get3A_441 : i32 to index
        %get3A_443 = arith.index_cast %add3A_383 : i32 to index
        %get3A_444 = arith.constant 80 : index
        %get3A_445 = tpu.vector_load %arg6[%get3A_442, %get3A_443, %get3A_444] {strides = array<i32>} : memref<2x80x128xf32, #tpu.memory_space<vmem>>, vector<16xf32>,
        %mul3A_446 = arith.mulf %get3A_445, %gather3A_387 : vector<16xf32>
        %swap3A_447 = arith.constant 0 : i32
        %swap3A_448 = arith.index_cast %swap3A_447 : i32 to index
        %swap3A_449 = arith.index_cast %add3A_383 : i32 to index
        %swap3A_450 = arith.constant 80 : index
        %swap3A_451 = tpu.vector_load %arg6[%swap3A_448, %swap3A_449, %swap3A_450] {strides = array<i32>} : memref<2x80x128xf32, #tpu.memory_space<vmem>>, vector<16xf32>,
        tpu.vector_store %arg6[%swap3A_448, %swap3A_449, %swap3A_450], %mul3A_446 {strides = array<i32>} : memref<2x80x128xf32, #tpu.memory_space<vmem>>, vector<16xf32>,
        %get3A_452 = arith.constant 0 : i32
        %get3A_453 = arith.index_cast %get3A_452 : i32 to index
        %get3A_454 = arith.index_cast %add3A_383 : i32 to index
        %get3A_455 = arith.constant 96 : index
        %get3A_456 = tpu.vector_load %arg6[%get3A_453, %get3A_454, %get3A_455] {strides = array<i32>} : memref<2x80x128xf32, #tpu.memory_space<vmem>>, vector<16xf32>,
        %mul3A_457 = arith.mulf %get3A_456, %gather3A_387 : vector<16xf32>
        %swap3A_458 = arith.constant 0 : i32
        %swap3A_459 = arith.index_cast %swap3A_458 : i32 to index
        %swap3A_460 = arith.index_cast %add3A_383 : i32 to index
        %swap3A_461 = arith.constant 96 : index
        %swap3A_462 = tpu.vector_load %arg6[%swap3A_459, %swap3A_460, %swap3A_461] {strides = array<i32>} : memref<2x80x128xf32, #tpu.memory_space<vmem>>, vector<16xf32>,
        tpu.vector_store %arg6[%swap3A_459, %swap3A_460, %swap3A_461], %mul3A_457 {strides = array<i32>} : memref<2x80x128xf32, #tpu.memory_space<vmem>>, vector<16xf32>,
        %get3A_463 = arith.constant 0 : i32
        %get3A_464 = arith.index_cast %get3A_463 : i32 to index
        %get3A_465 = arith.index_cast %add3A_383 : i32 to index
        %get3A_466 = arith.constant 112 : index
        %get3A_467 = tpu.vector_load %arg6[%get3A_464, %get3A_465, %get3A_466] {strides = array<i32>} : memref<2x80x128xf32, #tpu.memory_space<vmem>>, vector<16xf32>,
        %mul3A_468 = arith.mulf %get3A_467, %gather3A_387 : vector<16xf32>
        %swap3A_469 = arith.constant 0 : i32
        %swap3A_470 = arith.index_cast %swap3A_469 : i32 to index
        %swap3A_471 = arith.index_cast %add3A_383 : i32 to index
        %swap3A_472 = arith.constant 112 : index
        %swap3A_473 = tpu.vector_load %arg6[%swap3A_470, %swap3A_471, %swap3A_472] {strides = array<i32>} : memref<2x80x128xf32, #tpu.memory_space<vmem>>, vector<16xf32>,
        tpu.vector_store %arg6[%swap3A_470, %swap3A_471, %swap3A_472], %mul3A_468 {strides = array<i32>} : memref<2x80x128xf32, #tpu.memory_space<vmem>>, vector<16xf32>,
        %mul3A_474 = arith.constant 2 : i32
        %mul3A_475 = arith.muli %mul3A_474, %scan3A_379 : i32
        %add3A_476 = arith.constant 1 : i32
        %add3A_477 = arith.addi %mul3A_475, %add3A_476 : i32
        %broadcast_in_dim3A_478 = vector.broadcast %add3A_477 : i32 to vector<16xi32>
        %gather3A_479 = arith.constant 0 : i32
        %gather3A_480 = arith.constant 0 : i32
        %gather3A_481 = tpu.memref_slice %arg7[%gather3A_479, %gather3A_480] : memref<2x80xf32, #tpu.memory_space<vmem>> -> memref<1x80xf32, #tpu.memory_space<vmem>>
        %gather3A_482 = tpu.memref_squeeze %gather3A_481 : memref<1x80xf32, #tpu.memory_space<vmem>> -> memref<80xf32, #tpu.memory_space<vmem>>
        %gather3A_483 = tpu.vector_load_idx %gather3A_482[%broadcast_in_dim3A_478] : memref<80xf32, #tpu.memory_space<vmem>>[vector<16xi32>], vector<16xf32>,
        %get3A_484 = arith.constant 0 : i32
        %get3A_485 = arith.index_cast %get3A_484 : i32 to index
        %get3A_486 = arith.index_cast %add3A_477 : i32 to index
        %get3A_487 = arith.constant 0 : index
        %get3A_488 = tpu.vector_load %arg6[%get3A_485, %get3A_486, %get3A_487] {strides = array<i32>} : memref<2x80x128xf32, #tpu.memory_space<vmem>>, vector<16xf32>,
        %mul3A_489 = arith.mulf %get3A_488, %gather3A_483 : vector<16xf32>
        %swap3A_490 = arith.constant 0 : i32
        %swap3A_491 = arith.index_cast %swap3A_490 : i32 to index
        %swap3A_492 = arith.index_cast %add3A_477 : i32 to index
        %swap3A_493 = arith.constant 0 : index
        %swap3A_494 = tpu.vector_load %arg6[%swap3A_491, %swap3A_492, %swap3A_493] {strides = array<i32>} : memref<2x80x128xf32, #tpu.memory_space<vmem>>, vector<16xf32>,
        tpu.vector_store %arg6[%swap3A_491, %swap3A_492, %swap3A_493], %mul3A_489 {strides = array<i32>} : memref<2x80x128xf32, #tpu.memory_space<vmem>>, vector<16xf32>,
        %get3A_495 = arith.constant 0 : i32
        %get3A_496 = arith.index_cast %get3A_495 : i32 to index
        %get3A_497 = arith.index_cast %add3A_477 : i32 to index
        %get3A_498 = arith.constant 16 : index
        %get3A_499 = tpu.vector_load %arg6[%get3A_496, %get3A_497, %get3A_498] {strides = array<i32>} : memref<2x80x128xf32, #tpu.memory_space<vmem>>, vector<16xf32>,
        %mul3A_500 = arith.mulf %get3A_499, %gather3A_483 : vector<16xf32>
        %swap3A_501 = arith.constant 0 : i32
        %swap3A_502 = arith.index_cast %swap3A_501 : i32 to index
        %swap3A_503 = arith.index_cast %add3A_477 : i32 to index
        %swap3A_504 = arith.constant 16 : index
        %swap3A_505 = tpu.vector_load %arg6[%swap3A_502, %swap3A_503, %swap3A_504] {strides = array<i32>} : memref<2x80x128xf32, #tpu.memory_space<vmem>>, vector<16xf32>,
        tpu.vector_store %arg6[%swap3A_502, %swap3A_503, %swap3A_504], %mul3A_500 {strides = array<i32>} : memref<2x80x128xf32, #tpu.memory_space<vmem>>, vector<16xf32>,
        %get3A_506 = arith.constant 0 : i32
        %get3A_507 = arith.index_cast %get3A_506 : i32 to index
        %get3A_508 = arith.index_cast %add3A_477 : i32 to index
        %get3A_509 = arith.constant 32 : index
        %get3A_510 = tpu.vector_load %arg6[%get3A_507, %get3A_508, %get3A_509] {strides = array<i32>} : memref<2x80x128xf32, #tpu.memory_space<vmem>>, vector<16xf32>,
        %mul3A_511 = arith.mulf %get3A_510, %gather3A_483 : vector<16xf32>
        %swap3A_512 = arith.constant 0 : i32
        %swap3A_513 = arith.index_cast %swap3A_512 : i32 to index
        %swap3A_514 = arith.index_cast %add3A_477 : i32 to index
        %swap3A_515 = arith.constant 32 : index
        %swap3A_516 = tpu.vector_load %arg6[%swap3A_513, %swap3A_514, %swap3A_515] {strides = array<i32>} : memref<2x80x128xf32, #tpu.memory_space<vmem>>, vector<16xf32>,
        tpu.vector_store %arg6[%swap3A_513, %swap3A_514, %swap3A_515], %mul3A_511 {strides = array<i32>} : memref<2x80x128xf32, #tpu.memory_space<vmem>>, vector<16xf32>,
        %get3A_517 = arith.constant 0 : i32
        %get3A_518 = arith.index_cast %get3A_517 : i32 to index
        %get3A_519 = arith.index_cast %add3A_477 : i32 to index
        %get3A_520 = arith.constant 48 : index
        %get3A_521 = tpu.vector_load %arg6[%get3A_518, %get3A_519, %get3A_520] {strides = array<i32>} : memref<2x80x128xf32, #tpu.memory_space<vmem>>, vector<16xf32>,
        %mul3A_522 = arith.mulf %get3A_521, %gather3A_483 : vector<16xf32>
        %swap3A_523 = arith.constant 0 : i32
        %swap3A_524 = arith.index_cast %swap3A_523 : i32 to index
        %swap3A_525 = arith.index_cast %add3A_477 : i32 to index
        %swap3A_526 = arith.constant 48 : index
        %swap3A_527 = tpu.vector_load %arg6[%swap3A_524, %swap3A_525, %swap3A_526] {strides = array<i32>} : memref<2x80x128xf32, #tpu.memory_space<vmem>>, vector<16xf32>,
        tpu.vector_store %arg6[%swap3A_524, %swap3A_525, %swap3A_526], %mul3A_522 {strides = array<i32>} : memref<2x80x128xf32, #tpu.memory_space<vmem>>, vector<16xf32>,
        %get3A_528 = arith.constant 0 : i32
        %get3A_529 = arith.index_cast %get3A_528 : i32 to index
        %get3A_530 = arith.index_cast %add3A_477 : i32 to index
        %get3A_531 = arith.constant 64 : index
        %get3A_532 = tpu.vector_load %arg6[%get3A_529, %get3A_530, %get3A_531] {strides = array<i32>} : memref<2x80x128xf32, #tpu.memory_space<vmem>>, vector<16xf32>,
        %mul3A_533 = arith.mulf %get3A_532, %gather3A_483 : vector<16xf32>
        %swap3A_534 = arith.constant 0 : i32
        %swap3A_535 = arith.index_cast %swap3A_534 : i32 to index
        %swap3A_536 = arith.index_cast %add3A_477 : i32 to index
        %swap3A_537 = arith.constant 64 : index
        %swap3A_538 = tpu.vector_load %arg6[%swap3A_535, %swap3A_536, %swap3A_537] {strides = array<i32>} : memref<2x80x128xf32, #tpu.memory_space<vmem>>, vector<16xf32>,
        tpu.vector_store %arg6[%swap3A_535, %swap3A_536, %swap3A_537], %mul3A_533 {strides = array<i32>} : memref<2x80x128xf32, #tpu.memory_space<vmem>>, vector<16xf32>,
        %get3A_539 = arith.constant 0 : i32
        %get3A_540 = arith.index_cast %get3A_539 : i32 to index
        %get3A_541 = arith.index_cast %add3A_477 : i32 to index
        %get3A_542 = arith.constant 80 : index
        %get3A_543 = tpu.vector_load %arg6[%get3A_540, %get3A_541, %get3A_542] {strides = array<i32>} : memref<2x80x128xf32, #tpu.memory_space<vmem>>, vector<16xf32>,
        %mul3A_544 = arith.mulf %get3A_543, %gather3A_483 : vector<16xf32>
        %swap3A_545 = arith.constant 0 : i32
        %swap3A_546 = arith.index_cast %swap3A_545 : i32 to index
        %swap3A_547 = arith.index_cast %add3A_477 : i32 to index
        %swap3A_548 = arith.constant 80 : index
        %swap3A_549 = tpu.vector_load %arg6[%swap3A_546, %swap3A_547, %swap3A_548] {strides = array<i32>} : memref<2x80x128xf32, #tpu.memory_space<vmem>>, vector<16xf32>,
        tpu.vector_store %arg6[%swap3A_546, %swap3A_547, %swap3A_548], %mul3A_544 {strides = array<i32>} : memref<2x80x128xf32, #tpu.memory_space<vmem>>, vector<16xf32>,
        %get3A_550 = arith.constant 0 : i32
        %get3A_551 = arith.index_cast %get3A_550 : i32 to index
        %get3A_552 = arith.index_cast %add3A_477 : i32 to index
        %get3A_553 = arith.constant 96 : index
        %get3A_554 = tpu.vector_load %arg6[%get3A_551, %get3A_552, %get3A_553] {strides = array<i32>} : memref<2x80x128xf32, #tpu.memory_space<vmem>>, vector<16xf32>,
        %mul3A_555 = arith.mulf %get3A_554, %gather3A_483 : vector<16xf32>
        %swap3A_556 = arith.constant 0 : i32
        %swap3A_557 = arith.index_cast %swap3A_556 : i32 to index
        %swap3A_558 = arith.index_cast %add3A_477 : i32 to index
        %swap3A_559 = arith.constant 96 : index
        %swap3A_560 = tpu.vector_load %arg6[%swap3A_557, %swap3A_558, %swap3A_559] {strides = array<i32>} : memref<2x80x128xf32, #tpu.memory_space<vmem>>, vector<16xf32>,
        tpu.vector_store %arg6[%swap3A_557, %swap3A_558, %swap3A_559], %mul3A_555 {strides = array<i32>} : memref<2x80x128xf32, #tpu.memory_space<vmem>>, vector<16xf32>,
        %get3A_561 = arith.constant 0 : i32
        %get3A_562 = arith.index_cast %get3A_561 : i32 to index
        %get3A_563 = arith.index_cast %add3A_477 : i32 to index
        %get3A_564 = arith.constant 112 : index
        %get3A_565 = tpu.vector_load %arg6[%get3A_562, %get3A_563, %get3A_564] {strides = array<i32>} : memref<2x80x128xf32, #tpu.memory_space<vmem>>, vector<16xf32>,
        %mul3A_566 = arith.mulf %get3A_565, %gather3A_483 : vector<16xf32>
        %swap3A_567 = arith.constant 0 : i32
        %swap3A_568 = arith.index_cast %swap3A_567 : i32 to index
        %swap3A_569 = arith.index_cast %add3A_477 : i32 to index
        %swap3A_570 = arith.constant 112 : index
        %swap3A_571 = tpu.vector_load %arg6[%swap3A_568, %swap3A_569, %swap3A_570] {strides = array<i32>} : memref<2x80x128xf32, #tpu.memory_space<vmem>>, vector<16xf32>,
        tpu.vector_store %arg6[%swap3A_568, %swap3A_569, %swap3A_570], %mul3A_566 {strides = array<i32>} : memref<2x80x128xf32, #tpu.memory_space<vmem>>, vector<16xf32>,
      }
      %scan3A_284 = arith.constant 40 : i32
      %run_scoped3A_285 = arith.constant 0 : i32
      %run_scoped3A_286 = arith.constant 0 : i32
      "tpu.region"() ({
        %run_scoped3A_379 = tpu.sem_alloc : memref<!tpu.dma_semaphore, #tpu.memory_space<semaphore_mem>>
        %dma_start3A_380 = arith.constant 0 : i32
        %dma_start3A_381 = arith.constant 0 : i32
        %dma_start3A_382 = tpu.memref_slice %arg6[%run_scoped3A_285, %dma_start3A_380, %dma_start3A_381] : memref<2x80x128xf32, #tpu.memory_space<vmem>> -> memref<1x80x128xf32, #tpu.memory_space<vmem>>
        %dma_start3A_383 = tpu.memref_squeeze %dma_start3A_382 : memref<1x80x128xf32, #tpu.memory_space<vmem>> -> memref<80x128xf32, #tpu.memory_space<vmem>>
        %dma_start3A_384 = arith.constant 0 : i32
        %dma_start3A_385 = tpu.memref_slice %arg8[%run_scoped3A_286, %dma_start3A_384] : memref<2x80xi32, #tpu.memory_space<vmem>> -> memref<1x80xi32, #tpu.memory_space<vmem>>
        %dma_start3A_386 = tpu.memref_squeeze %dma_start3A_385 : memref<1x80xi32, #tpu.memory_space<vmem>> -> memref<80xi32, #tpu.memory_space<vmem>>
        %dma_start3A_387 = arith.constant 0 : i32
        %dma_start3A_388 = arith.constant 0 : i32
        %dma_start3A_389 = tpu.memref_slice %arg10[%dma_start3A_387, %dma_start3A_388] : memref<10000x128xf32, #tpu.memory_space<vmem_shared>> -> memref<10000x128xf32, #tpu.memory_space<vmem_shared>>
        tpu.enqueue_indirect_dma source(%dma_start3A_383 : memref<80x128xf32, #tpu.memory_space<vmem>>) target(%dma_start3A_389 : memref<10000x128xf32, #tpu.memory_space<vmem_shared>>) offsets(%dma_start3A_386 : memref<80xi32, #tpu.memory_space<vmem>>) semaphore(%run_scoped3A_379 : memref<!tpu.dma_semaphore, #tpu.memory_space<semaphore_mem>>) {add = true}
        %dma_wait3A_390 = arith.constant 0 : i32
        %dma_wait3A_391 = arith.constant 0 : i32
        %dma_wait3A_392 = tpu.memref_slice %arg6[%run_scoped3A_285, %dma_wait3A_390, %dma_wait3A_391] : memref<2x80x128xf32, #tpu.memory_space<vmem>> -> memref<1x80x128xf32, #tpu.memory_space<vmem>>
        %dma_wait3A_393 = tpu.memref_squeeze %dma_wait3A_392 : memref<1x80x128xf32, #tpu.memory_space<vmem>> -> memref<80x128xf32, #tpu.memory_space<vmem>>
        %dma_wait3A_394 = arith.constant 0 : i32
        %dma_wait3A_395 = tpu.memref_slice %arg8[%run_scoped3A_286, %dma_wait3A_394] : memref<2x80xi32, #tpu.memory_space<vmem>> -> memref<1x80xi32, #tpu.memory_space<vmem>>
        %dma_wait3A_396 = tpu.memref_squeeze %dma_wait3A_395 : memref<1x80xi32, #tpu.memory_space<vmem>> -> memref<80xi32, #tpu.memory_space<vmem>>
        %dma_wait3A_397 = arith.constant 0 : i32
        %dma_wait3A_398 = arith.constant 0 : i32
        %dma_wait3A_399 = tpu.memref_slice %arg10[%dma_wait3A_397, %dma_wait3A_398] : memref<10000x128xf32, #tpu.memory_space<vmem_shared>> -> memref<10000x128xf32, #tpu.memory_space<vmem_shared>>
        tpu.wait_indirect_dma semaphore(%run_scoped3A_379 : memref<!tpu.dma_semaphore, #tpu.memory_space<semaphore_mem>>) src(%dma_wait3A_393 : memref<80x128xf32, #tpu.memory_space<vmem>>) dst(%dma_wait3A_399 : memref<10000x128xf32, #tpu.memory_space<vmem_shared>>)
        tpu.yield
      }) : () -> ()
      %add3A_287 = arith.constant 2 : i32
      %add3A_288 = arith.addi %mul3A_196, %add3A_287 : i32
      %mul3A_289 = arith.constant 80 : i32
      %mul3A_290 = arith.muli %add3A_288, %mul3A_289 : i32
      %add3A_291 = arith.addi %add3A_8, %mul3A_290 : i32
      %mul3A_292 = arith.constant 80 : i32
      %mul3A_293 = arith.muli %add3A_288, %mul3A_292 : i32
      %add3A_294 = arith.addi %add3A_4, %mul3A_293 : i32
      %mul3A_295 = arith.constant 80 : i32
      %mul3A_296 = arith.muli %add3A_288, %mul3A_295 : i32
      %add3A_297 = arith.addi %add3A_8, %mul3A_296 : i32
      %dma_start3A_298 = arith.constant 0 : i32
      %dma_start3A_299 = arith.constant 0 : i32
      %dma_start3A_300 = arith.constant 0 : i32
      %dma_start3A_301 = tpu.memref_slice %arg6[%dma_start3A_298, %dma_start3A_299, %dma_start3A_300] : memref<2x80x128xf32, #tpu.memory_space<vmem>> -> memref<1x80x128xf32, #tpu.memory_space<vmem>>
      %dma_start3A_302 = tpu.memref_squeeze %dma_start3A_301 : memref<1x80x128xf32, #tpu.memory_space<vmem>> -> memref<80x128xf32, #tpu.memory_space<vmem>>
      %dma_start3A_303 = arith.constant 0 : i32
      %dma_start3A_304 = tpu.memref_slice %arg2[%add3A_291, %dma_start3A_303] : memref<320000x128xf32, #tpu.memory_space<hbm>> -> memref<80x128xf32, #tpu.memory_space<hbm>>
      %dma_start3A_305 = arith.constant 0 : i32
      %dma_start3A_306 = arith.constant 0 : i32
      %dma_start3A_307 = tpu.memref_slice %arg6[%dma_start3A_298, %dma_start3A_305, %dma_start3A_306] : memref<2x80x128xf32, #tpu.memory_space<vmem>> -> memref<1x80x128xf32, #tpu.memory_space<vmem>>
      %dma_start3A_308 = tpu.memref_squeeze %dma_start3A_307 : memref<1x80x128xf32, #tpu.memory_space<vmem>> -> memref<80x128xf32, #tpu.memory_space<vmem>>
      %dma_start3A_309 = arith.constant 0 : i32
      %dma_start3A_310 = tpu.memref_slice %arg2[%add3A_291, %dma_start3A_309] : memref<320000x128xf32, #tpu.memory_space<hbm>> -> memref<80x128xf32, #tpu.memory_space<hbm>>
      tpu.enqueue_dma source(%dma_start3A_310 : memref<80x128xf32, #tpu.memory_space<hbm>>) target(%dma_start3A_308 : memref<80x128xf32, #tpu.memory_space<vmem>>) target_semaphore(%arg11 : memref<!tpu.dma_semaphore, #tpu.memory_space<semaphore_mem>>)
      %dma_start3A_311 = arith.constant 0 : i32
      %dma_start3A_312 = arith.constant 0 : i32
      %dma_start3A_313 = tpu.memref_slice %arg7[%dma_start3A_311, %dma_start3A_312] : memref<2x80xf32, #tpu.memory_space<vmem>> -> memref<1x80xf32, #tpu.memory_space<vmem>>
      %dma_start3A_314 = tpu.memref_squeeze %dma_start3A_313 : memref<1x80xf32, #tpu.memory_space<vmem>> -> memref<80xf32, #tpu.memory_space<vmem>>
      %dma_start3A_315 = tpu.memref_slice %arg3[%add3A_294] : memref<163840xf32, #tpu.memory_space<hbm>> -> memref<80xf32, #tpu.memory_space<hbm>>
      %dma_start3A_316 = arith.constant 0 : i32
      %dma_start3A_317 = tpu.memref_slice %arg7[%dma_start3A_311, %dma_start3A_316] : memref<2x80xf32, #tpu.memory_space<vmem>> -> memref<1x80xf32, #tpu.memory_space<vmem>>
      %dma_start3A_318 = tpu.memref_squeeze %dma_start3A_317 : memref<1x80xf32, #tpu.memory_space<vmem>> -> memref<80xf32, #tpu.memory_space<vmem>>
      %dma_start3A_319 = tpu.memref_slice %arg3[%add3A_294] : memref<163840xf32, #tpu.memory_space<hbm>> -> memref<80xf32, #tpu.memory_space<hbm>>
      tpu.enqueue_dma source(%dma_start3A_319 : memref<80xf32, #tpu.memory_space<hbm>>) target(%dma_start3A_318 : memref<80xf32, #tpu.memory_space<vmem>>) target_semaphore(%arg11 : memref<!tpu.dma_semaphore, #tpu.memory_space<semaphore_mem>>)
      %dma_start3A_320 = arith.constant 0 : i32
      %dma_start3A_321 = arith.constant 0 : i32
      %dma_start3A_322 = tpu.memref_slice %arg8[%dma_start3A_320, %dma_start3A_321] : memref<2x80xi32, #tpu.memory_space<vmem>> -> memref<1x80xi32, #tpu.memory_space<vmem>>
      %dma_start3A_323 = tpu.memref_squeeze %dma_start3A_322 : memref<1x80xi32, #tpu.memory_space<vmem>> -> memref<80xi32, #tpu.memory_space<vmem>>
      %dma_start3A_324 = tpu.memref_slice %arg4[%add3A_297] : memref<320000xi32, #tpu.memory_space<hbm>> -> memref<80xi32, #tpu.memory_space<hbm>>
      %dma_start3A_325 = arith.constant 0 : i32
      %dma_start3A_326 = tpu.memref_slice %arg8[%dma_start3A_320, %dma_start3A_325] : memref<2x80xi32, #tpu.memory_space<vmem>> -> memref<1x80xi32, #tpu.memory_space<vmem>>
      %dma_start3A_327 = tpu.memref_squeeze %dma_start3A_326 : memref<1x80xi32, #tpu.memory_space<vmem>> -> memref<80xi32, #tpu.memory_space<vmem>>
      %dma_start3A_328 = tpu.memref_slice %arg4[%add3A_297] : memref<320000xi32, #tpu.memory_space<hbm>> -> memref<80xi32, #tpu.memory_space<hbm>>
      tpu.enqueue_dma source(%dma_start3A_328 : memref<80xi32, #tpu.memory_space<hbm>>) target(%dma_start3A_327 : memref<80xi32, #tpu.memory_space<vmem>>) target_semaphore(%arg11 : memref<!tpu.dma_semaphore, #tpu.memory_space<semaphore_mem>>)
      %add3A_329 = arith.constant 1 : i32
      %add3A_330 = arith.addi %mul3A_196, %add3A_329 : i32
      %mul3A_331 = arith.constant 80 : i32
      %mul3A_332 = arith.muli %add3A_330, %mul3A_331 : i32
      %add3A_333 = arith.addi %add3A_8, %mul3A_332 : i32
      %mul3A_334 = arith.constant 80 : i32
      %mul3A_335 = arith.muli %add3A_330, %mul3A_334 : i32
      %add3A_336 = arith.addi %add3A_4, %mul3A_335 : i32
      %mul3A_337 = arith.constant 80 : i32
      %mul3A_338 = arith.muli %add3A_330, %mul3A_337 : i32
      %add3A_339 = arith.addi %add3A_8, %mul3A_338 : i32
      %dma_wait3A_340 = arith.constant 1 : i32
      %dma_wait3A_341 = arith.constant 0 : i32
      %dma_wait3A_342 = arith.constant 0 : i32
      %dma_wait3A_343 = tpu.memref_slice %arg6[%dma_wait3A_340, %dma_wait3A_341, %dma_wait3A_342] : memref<2x80x128xf32, #tpu.memory_space<vmem>> -> memref<1x80x128xf32, #tpu.memory_space<vmem>>
      %dma_wait3A_344 = tpu.memref_squeeze %dma_wait3A_343 : memref<1x80x128xf32, #tpu.memory_space<vmem>> -> memref<80x128xf32, #tpu.memory_space<vmem>>
      %dma_wait3A_345 = arith.constant 0 : i32
      %dma_wait3A_346 = tpu.memref_slice %arg2[%add3A_333, %dma_wait3A_345] : memref<320000x128xf32, #tpu.memory_space<hbm>> -> memref<80x128xf32, #tpu.memory_space<hbm>>
      %dma_wait3A_347 = arith.constant 0 : i32
      %dma_wait3A_348 = arith.constant 0 : i32
      %dma_wait3A_349 = tpu.memref_slice %arg6[%dma_wait3A_340, %dma_wait3A_347, %dma_wait3A_348] : memref<2x80x128xf32, #tpu.memory_space<vmem>> -> memref<1x80x128xf32, #tpu.memory_space<vmem>>
      %dma_wait3A_350 = tpu.memref_squeeze %dma_wait3A_349 : memref<1x80x128xf32, #tpu.memory_space<vmem>> -> memref<80x128xf32, #tpu.memory_space<vmem>>
      %dma_wait3A_351 = arith.constant 0 : i32
      %dma_wait3A_352 = tpu.memref_slice %arg2[%add3A_333, %dma_wait3A_351] : memref<320000x128xf32, #tpu.memory_space<hbm>> -> memref<80x128xf32, #tpu.memory_space<hbm>>
      tpu.wait_dma2 semaphore(%arg12 : memref<!tpu.dma_semaphore, #tpu.memory_space<semaphore_mem>>) src(%dma_wait3A_352 : memref<80x128xf32, #tpu.memory_space<hbm>>) dst(%dma_wait3A_350 : memref<80x128xf32, #tpu.memory_space<vmem>>)
      %dma_wait3A_353 = arith.constant 1 : i32
      %dma_wait3A_354 = arith.constant 0 : i32
      %dma_wait3A_355 = tpu.memref_slice %arg7[%dma_wait3A_353, %dma_wait3A_354] : memref<2x80xf32, #tpu.memory_space<vmem>> -> memref<1x80xf32, #tpu.memory_space<vmem>>
      %dma_wait3A_356 = tpu.memref_squeeze %dma_wait3A_355 : memref<1x80xf32, #tpu.memory_space<vmem>> -> memref<80xf32, #tpu.memory_space<vmem>>
      %dma_wait3A_357 = tpu.memref_slice %arg3[%add3A_336] : memref<163840xf32, #tpu.memory_space<hbm>> -> memref<80xf32, #tpu.memory_space<hbm>>
      %dma_wait3A_358 = arith.constant 0 : i32
      %dma_wait3A_359 = tpu.memref_slice %arg7[%dma_wait3A_353, %dma_wait3A_358] : memref<2x80xf32, #tpu.memory_space<vmem>> -> memref<1x80xf32, #tpu.memory_space<vmem>>
      %dma_wait3A_360 = tpu.memref_squeeze %dma_wait3A_359 : memref<1x80xf32, #tpu.memory_space<vmem>> -> memref<80xf32, #tpu.memory_space<vmem>>
      %dma_wait3A_361 = tpu.memref_slice %arg3[%add3A_336] : memref<163840xf32, #tpu.memory_space<hbm>> -> memref<80xf32, #tpu.memory_space<hbm>>
      tpu.wait_dma2 semaphore(%arg12 : memref<!tpu.dma_semaphore, #tpu.memory_space<semaphore_mem>>) src(%dma_wait3A_361 : memref<80xf32, #tpu.memory_space<hbm>>) dst(%dma_wait3A_360 : memref<80xf32, #tpu.memory_space<vmem>>)
      %dma_wait3A_362 = arith.constant 1 : i32
      %dma_wait3A_363 = arith.constant 0 : i32
      %dma_wait3A_364 = tpu.memref_slice %arg8[%dma_wait3A_362, %dma_wait3A_363] : memref<2x80xi32, #tpu.memory_space<vmem>> -> memref<1x80xi32, #tpu.memory_space<vmem>>
      %dma_wait3A_365 = tpu.memref_squeeze %dma_wait3A_364 : memref<1x80xi32, #tpu.memory_space<vmem>> -> memref<80xi32, #tpu.memory_space<vmem>>
      %dma_wait3A_366 = tpu.memref_slice %arg4[%add3A_339] : memref<320000xi32, #tpu.memory_space<hbm>> -> memref<80xi32, #tpu.memory_space<hbm>>
      %dma_wait3A_367 = arith.constant 0 : i32
      %dma_wait3A_368 = tpu.memref_slice %arg8[%dma_wait3A_362, %dma_wait3A_367] : memref<2x80xi32, #tpu.memory_space<vmem>> -> memref<1x80xi32, #tpu.memory_space<vmem>>
      %dma_wait3A_369 = tpu.memref_squeeze %dma_wait3A_368 : memref<1x80xi32, #tpu.memory_space<vmem>> -> memref<80xi32, #tpu.memory_space<vmem>>
      %dma_wait3A_370 = tpu.memref_slice %arg4[%add3A_339] : memref<320000xi32, #tpu.memory_space<hbm>> -> memref<80xi32, #tpu.memory_space<hbm>>
      tpu.wait_dma2 semaphore(%arg12 : memref<!tpu.dma_semaphore, #tpu.memory_space<semaphore_mem>>) src(%dma_wait3A_370 : memref<80xi32, #tpu.memory_space<hbm>>) dst(%dma_wait3A_369 : memref<80xi32, #tpu.memory_space<vmem>>)
      %scan3A_371 = arith.constant 0 : i32
      %scan3A_372 = arith.constant 0 : i32
      %scan3A_373 = arith.constant 40 : i32
      %scan3A_374 = arith.addi %scan3A_372, %scan3A_373 : i32
      %scan3A_375 = arith.constant 1 : i32
      scf.for %scan3A_379 = %scan3A_372 to %scan3A_374 step %scan3A_375  : i32 {
        %mul3A_380 = arith.constant 2 : i32
        %mul3A_381 = arith.muli %mul3A_380, %scan3A_379 : i32
        %add3A_382 = arith.constant 0 : i32
        %add3A_383 = arith.addi %mul3A_381, %add3A_382 : i32
        %broadcast_in_dim3A = vector.broadcast %add3A_383 : i32 to vector<16xi32>
        %gather3A = arith.constant 1 : i32
        %gather3A_384 = arith.constant 0 : i32
        %gather3A_385 = tpu.memref_slice %arg7[%gather3A, %gather3A_384] : memref<2x80xf32, #tpu.memory_space<vmem>> -> memref<1x80xf32, #tpu.memory_space<vmem>>
        %gather3A_386 = tpu.memref_squeeze %gather3A_385 : memref<1x80xf32, #tpu.memory_space<vmem>> -> memref<80xf32, #tpu.memory_space<vmem>>
        %gather3A_387 = tpu.vector_load_idx %gather3A_386[%broadcast_in_dim3A] : memref<80xf32, #tpu.memory_space<vmem>>[vector<16xi32>], vector<16xf32>,
        %get3A = arith.constant 1 : i32
        %get3A_388 = arith.index_cast %get3A : i32 to index
        %get3A_389 = arith.index_cast %add3A_383 : i32 to index
        %get3A_390 = arith.constant 0 : index
        %get3A_391 = tpu.vector_load %arg6[%get3A_388, %get3A_389, %get3A_390] {strides = array<i32>} : memref<2x80x128xf32, #tpu.memory_space<vmem>>, vector<16xf32>,
        %mul3A_392 = arith.mulf %get3A_391, %gather3A_387 : vector<16xf32>
        %swap3A = arith.constant 1 : i32
        %swap3A_393 = arith.index_cast %swap3A : i32 to index
        %swap3A_394 = arith.index_cast %add3A_383 : i32 to index
        %swap3A_395 = arith.constant 0 : index
        %swap3A_396 = tpu.vector_load %arg6[%swap3A_393, %swap3A_394, %swap3A_395] {strides = array<i32>} : memref<2x80x128xf32, #tpu.memory_space<vmem>>, vector<16xf32>,
        tpu.vector_store %arg6[%swap3A_393, %swap3A_394, %swap3A_395], %mul3A_392 {strides = array<i32>} : memref<2x80x128xf32, #tpu.memory_space<vmem>>, vector<16xf32>,
        %get3A_397 = arith.constant 1 : i32
        %get3A_398 = arith.index_cast %get3A_397 : i32 to index
        %get3A_399 = arith.index_cast %add3A_383 : i32 to index
        %get3A_400 = arith.constant 16 : index
        %get3A_401 = tpu.vector_load %arg6[%get3A_398, %get3A_399, %get3A_400] {strides = array<i32>} : memref<2x80x128xf32, #tpu.memory_space<vmem>>, vector<16xf32>,
        %mul3A_402 = arith.mulf %get3A_401, %gather3A_387 : vector<16xf32>
        %swap3A_403 = arith.constant 1 : i32
        %swap3A_404 = arith.index_cast %swap3A_403 : i32 to index
        %swap3A_405 = arith.index_cast %add3A_383 : i32 to index
        %swap3A_406 = arith.constant 16 : index
        %swap3A_407 = tpu.vector_load %arg6[%swap3A_404, %swap3A_405, %swap3A_406] {strides = array<i32>} : memref<2x80x128xf32, #tpu.memory_space<vmem>>, vector<16xf32>,
        tpu.vector_store %arg6[%swap3A_404, %swap3A_405, %swap3A_406], %mul3A_402 {strides = array<i32>} : memref<2x80x128xf32, #tpu.memory_space<vmem>>, vector<16xf32>,
        %get3A_408 = arith.constant 1 : i32
        %get3A_409 = arith.index_cast %get3A_408 : i32 to index
        %get3A_410 = arith.index_cast %add3A_383 : i32 to index
        %get3A_411 = arith.constant 32 : index
        %get3A_412 = tpu.vector_load %arg6[%get3A_409, %get3A_410, %get3A_411] {strides = array<i32>} : memref<2x80x128xf32, #tpu.memory_space<vmem>>, vector<16xf32>,
        %mul3A_413 = arith.mulf %get3A_412, %gather3A_387 : vector<16xf32>
        %swap3A_414 = arith.constant 1 : i32
        %swap3A_415 = arith.index_cast %swap3A_414 : i32 to index
        %swap3A_416 = arith.index_cast %add3A_383 : i32 to index
        %swap3A_417 = arith.constant 32 : index
        %swap3A_418 = tpu.vector_load %arg6[%swap3A_415, %swap3A_416, %swap3A_417] {strides = array<i32>} : memref<2x80x128xf32, #tpu.memory_space<vmem>>, vector<16xf32>,
        tpu.vector_store %arg6[%swap3A_415, %swap3A_416, %swap3A_417], %mul3A_413 {strides = array<i32>} : memref<2x80x128xf32, #tpu.memory_space<vmem>>, vector<16xf32>,
        %get3A_419 = arith.constant 1 : i32
        %get3A_420 = arith.index_cast %get3A_419 : i32 to index
        %get3A_421 = arith.index_cast %add3A_383 : i32 to index
        %get3A_422 = arith.constant 48 : index
        %get3A_423 = tpu.vector_load %arg6[%get3A_420, %get3A_421, %get3A_422] {strides = array<i32>} : memref<2x80x128xf32, #tpu.memory_space<vmem>>, vector<16xf32>,
        %mul3A_424 = arith.mulf %get3A_423, %gather3A_387 : vector<16xf32>
        %swap3A_425 = arith.constant 1 : i32
        %swap3A_426 = arith.index_cast %swap3A_425 : i32 to index
        %swap3A_427 = arith.index_cast %add3A_383 : i32 to index
        %swap3A_428 = arith.constant 48 : index
        %swap3A_429 = tpu.vector_load %arg6[%swap3A_426, %swap3A_427, %swap3A_428] {strides = array<i32>} : memref<2x80x128xf32, #tpu.memory_space<vmem>>, vector<16xf32>,
        tpu.vector_store %arg6[%swap3A_426, %swap3A_427, %swap3A_428], %mul3A_424 {strides = array<i32>} : memref<2x80x128xf32, #tpu.memory_space<vmem>>, vector<16xf32>,
        %get3A_430 = arith.constant 1 : i32
        %get3A_431 = arith.index_cast %get3A_430 : i32 to index
        %get3A_432 = arith.index_cast %add3A_383 : i32 to index
        %get3A_433 = arith.constant 64 : index
        %get3A_434 = tpu.vector_load %arg6[%get3A_431, %get3A_432, %get3A_433] {strides = array<i32>} : memref<2x80x128xf32, #tpu.memory_space<vmem>>, vector<16xf32>,
        %mul3A_435 = arith.mulf %get3A_434, %gather3A_387 : vector<16xf32>
        %swap3A_436 = arith.constant 1 : i32
        %swap3A_437 = arith.index_cast %swap3A_436 : i32 to index
        %swap3A_438 = arith.index_cast %add3A_383 : i32 to index
        %swap3A_439 = arith.constant 64 : index
        %swap3A_440 = tpu.vector_load %arg6[%swap3A_437, %swap3A_438, %swap3A_439] {strides = array<i32>} : memref<2x80x128xf32, #tpu.memory_space<vmem>>, vector<16xf32>,
        tpu.vector_store %arg6[%swap3A_437, %swap3A_438, %swap3A_439], %mul3A_435 {strides = array<i32>} : memref<2x80x128xf32, #tpu.memory_space<vmem>>, vector<16xf32>,
        %get3A_441 = arith.constant 1 : i32
        %get3A_442 = arith.index_cast %get3A_441 : i32 to index
        %get3A_443 = arith.index_cast %add3A_383 : i32 to index
        %get3A_444 = arith.constant 80 : index
        %get3A_445 = tpu.vector_load %arg6[%get3A_442, %get3A_443, %get3A_444] {strides = array<i32>} : memref<2x80x128xf32, #tpu.memory_space<vmem>>, vector<16xf32>,
        %mul3A_446 = arith.mulf %get3A_445, %gather3A_387 : vector<16xf32>
        %swap3A_447 = arith.constant 1 : i32
        %swap3A_448 = arith.index_cast %swap3A_447 : i32 to index
        %swap3A_449 = arith.index_cast %add3A_383 : i32 to index
        %swap3A_450 = arith.constant 80 : index
        %swap3A_451 = tpu.vector_load %arg6[%swap3A_448, %swap3A_449, %swap3A_450] {strides = array<i32>} : memref<2x80x128xf32, #tpu.memory_space<vmem>>, vector<16xf32>,
        tpu.vector_store %arg6[%swap3A_448, %swap3A_449, %swap3A_450], %mul3A_446 {strides = array<i32>} : memref<2x80x128xf32, #tpu.memory_space<vmem>>, vector<16xf32>,
        %get3A_452 = arith.constant 1 : i32
        %get3A_453 = arith.index_cast %get3A_452 : i32 to index
        %get3A_454 = arith.index_cast %add3A_383 : i32 to index
        %get3A_455 = arith.constant 96 : index
        %get3A_456 = tpu.vector_load %arg6[%get3A_453, %get3A_454, %get3A_455] {strides = array<i32>} : memref<2x80x128xf32, #tpu.memory_space<vmem>>, vector<16xf32>,
        %mul3A_457 = arith.mulf %get3A_456, %gather3A_387 : vector<16xf32>
        %swap3A_458 = arith.constant 1 : i32
        %swap3A_459 = arith.index_cast %swap3A_458 : i32 to index
        %swap3A_460 = arith.index_cast %add3A_383 : i32 to index
        %swap3A_461 = arith.constant 96 : index
        %swap3A_462 = tpu.vector_load %arg6[%swap3A_459, %swap3A_460, %swap3A_461] {strides = array<i32>} : memref<2x80x128xf32, #tpu.memory_space<vmem>>, vector<16xf32>,
        tpu.vector_store %arg6[%swap3A_459, %swap3A_460, %swap3A_461], %mul3A_457 {strides = array<i32>} : memref<2x80x128xf32, #tpu.memory_space<vmem>>, vector<16xf32>,
        %get3A_463 = arith.constant 1 : i32
        %get3A_464 = arith.index_cast %get3A_463 : i32 to index
        %get3A_465 = arith.index_cast %add3A_383 : i32 to index
        %get3A_466 = arith.constant 112 : index
        %get3A_467 = tpu.vector_load %arg6[%get3A_464, %get3A_465, %get3A_466] {strides = array<i32>} : memref<2x80x128xf32, #tpu.memory_space<vmem>>, vector<16xf32>,
        %mul3A_468 = arith.mulf %get3A_467, %gather3A_387 : vector<16xf32>
        %swap3A_469 = arith.constant 1 : i32
        %swap3A_470 = arith.index_cast %swap3A_469 : i32 to index
        %swap3A_471 = arith.index_cast %add3A_383 : i32 to index
        %swap3A_472 = arith.constant 112 : index
        %swap3A_473 = tpu.vector_load %arg6[%swap3A_470, %swap3A_471, %swap3A_472] {strides = array<i32>} : memref<2x80x128xf32, #tpu.memory_space<vmem>>, vector<16xf32>,
        tpu.vector_store %arg6[%swap3A_470, %swap3A_471, %swap3A_472], %mul3A_468 {strides = array<i32>} : memref<2x80x128xf32, #tpu.memory_space<vmem>>, vector<16xf32>,
        %mul3A_474 = arith.constant 2 : i32
        %mul3A_475 = arith.muli %mul3A_474, %scan3A_379 : i32
        %add3A_476 = arith.constant 1 : i32
        %add3A_477 = arith.addi %mul3A_475, %add3A_476 : i32
        %broadcast_in_dim3A_478 = vector.broadcast %add3A_477 : i32 to vector<16xi32>
        %gather3A_479 = arith.constant 1 : i32
        %gather3A_480 = arith.constant 0 : i32
        %gather3A_481 = tpu.memref_slice %arg7[%gather3A_479, %gather3A_480] : memref<2x80xf32, #tpu.memory_space<vmem>> -> memref<1x80xf32, #tpu.memory_space<vmem>>
        %gather3A_482 = tpu.memref_squeeze %gather3A_481 : memref<1x80xf32, #tpu.memory_space<vmem>> -> memref<80xf32, #tpu.memory_space<vmem>>
        %gather3A_483 = tpu.vector_load_idx %gather3A_482[%broadcast_in_dim3A_478] : memref<80xf32, #tpu.memory_space<vmem>>[vector<16xi32>], vector<16xf32>,
        %get3A_484 = arith.constant 1 : i32
        %get3A_485 = arith.index_cast %get3A_484 : i32 to index
        %get3A_486 = arith.index_cast %add3A_477 : i32 to index
        %get3A_487 = arith.constant 0 : index
        %get3A_488 = tpu.vector_load %arg6[%get3A_485, %get3A_486, %get3A_487] {strides = array<i32>} : memref<2x80x128xf32, #tpu.memory_space<vmem>>, vector<16xf32>,
        %mul3A_489 = arith.mulf %get3A_488, %gather3A_483 : vector<16xf32>
        %swap3A_490 = arith.constant 1 : i32
        %swap3A_491 = arith.index_cast %swap3A_490 : i32 to index
        %swap3A_492 = arith.index_cast %add3A_477 : i32 to index
        %swap3A_493 = arith.constant 0 : index
        %swap3A_494 = tpu.vector_load %arg6[%swap3A_491, %swap3A_492, %swap3A_493] {strides = array<i32>} : memref<2x80x128xf32, #tpu.memory_space<vmem>>, vector<16xf32>,
        tpu.vector_store %arg6[%swap3A_491, %swap3A_492, %swap3A_493], %mul3A_489 {strides = array<i32>} : memref<2x80x128xf32, #tpu.memory_space<vmem>>, vector<16xf32>,
        %get3A_495 = arith.constant 1 : i32
        %get3A_496 = arith.index_cast %get3A_495 : i32 to index
        %get3A_497 = arith.index_cast %add3A_477 : i32 to index
        %get3A_498 = arith.constant 16 : index
        %get3A_499 = tpu.vector_load %arg6[%get3A_496, %get3A_497, %get3A_498] {strides = array<i32>} : memref<2x80x128xf32, #tpu.memory_space<vmem>>, vector<16xf32>,
        %mul3A_500 = arith.mulf %get3A_499, %gather3A_483 : vector<16xf32>
        %swap3A_501 = arith.constant 1 : i32
        %swap3A_502 = arith.index_cast %swap3A_501 : i32 to index
        %swap3A_503 = arith.index_cast %add3A_477 : i32 to index
        %swap3A_504 = arith.constant 16 : index
        %swap3A_505 = tpu.vector_load %arg6[%swap3A_502, %swap3A_503, %swap3A_504] {strides = array<i32>} : memref<2x80x128xf32, #tpu.memory_space<vmem>>, vector<16xf32>,
        tpu.vector_store %arg6[%swap3A_502, %swap3A_503, %swap3A_504], %mul3A_500 {strides = array<i32>} : memref<2x80x128xf32, #tpu.memory_space<vmem>>, vector<16xf32>,
        %get3A_506 = arith.constant 1 : i32
        %get3A_507 = arith.index_cast %get3A_506 : i32 to index
        %get3A_508 = arith.index_cast %add3A_477 : i32 to index
        %get3A_509 = arith.constant 32 : index
        %get3A_510 = tpu.vector_load %arg6[%get3A_507, %get3A_508, %get3A_509] {strides = array<i32>} : memref<2x80x128xf32, #tpu.memory_space<vmem>>, vector<16xf32>,
        %mul3A_511 = arith.mulf %get3A_510, %gather3A_483 : vector<16xf32>
        %swap3A_512 = arith.constant 1 : i32
        %swap3A_513 = arith.index_cast %swap3A_512 : i32 to index
        %swap3A_514 = arith.index_cast %add3A_477 : i32 to index
        %swap3A_515 = arith.constant 32 : index
        %swap3A_516 = tpu.vector_load %arg6[%swap3A_513, %swap3A_514, %swap3A_515] {strides = array<i32>} : memref<2x80x128xf32, #tpu.memory_space<vmem>>, vector<16xf32>,
        tpu.vector_store %arg6[%swap3A_513, %swap3A_514, %swap3A_515], %mul3A_511 {strides = array<i32>} : memref<2x80x128xf32, #tpu.memory_space<vmem>>, vector<16xf32>,
        %get3A_517 = arith.constant 1 : i32
        %get3A_518 = arith.index_cast %get3A_517 : i32 to index
        %get3A_519 = arith.index_cast %add3A_477 : i32 to index
        %get3A_520 = arith.constant 48 : index
        %get3A_521 = tpu.vector_load %arg6[%get3A_518, %get3A_519, %get3A_520] {strides = array<i32>} : memref<2x80x128xf32, #tpu.memory_space<vmem>>, vector<16xf32>,
        %mul3A_522 = arith.mulf %get3A_521, %gather3A_483 : vector<16xf32>
        %swap3A_523 = arith.constant 1 : i32
        %swap3A_524 = arith.index_cast %swap3A_523 : i32 to index
        %swap3A_525 = arith.index_cast %add3A_477 : i32 to index
        %swap3A_526 = arith.constant 48 : index
        %swap3A_527 = tpu.vector_load %arg6[%swap3A_524, %swap3A_525, %swap3A_526] {strides = array<i32>} : memref<2x80x128xf32, #tpu.memory_space<vmem>>, vector<16xf32>,
        tpu.vector_store %arg6[%swap3A_524, %swap3A_525, %swap3A_526], %mul3A_522 {strides = array<i32>} : memref<2x80x128xf32, #tpu.memory_space<vmem>>, vector<16xf32>,
        %get3A_528 = arith.constant 1 : i32
        %get3A_529 = arith.index_cast %get3A_528 : i32 to index
        %get3A_530 = arith.index_cast %add3A_477 : i32 to index
        %get3A_531 = arith.constant 64 : index
        %get3A_532 = tpu.vector_load %arg6[%get3A_529, %get3A_530, %get3A_531] {strides = array<i32>} : memref<2x80x128xf32, #tpu.memory_space<vmem>>, vector<16xf32>,
        %mul3A_533 = arith.mulf %get3A_532, %gather3A_483 : vector<16xf32>
        %swap3A_534 = arith.constant 1 : i32
        %swap3A_535 = arith.index_cast %swap3A_534 : i32 to index
        %swap3A_536 = arith.index_cast %add3A_477 : i32 to index
        %swap3A_537 = arith.constant 64 : index
        %swap3A_538 = tpu.vector_load %arg6[%swap3A_535, %swap3A_536, %swap3A_537] {strides = array<i32>} : memref<2x80x128xf32, #tpu.memory_space<vmem>>, vector<16xf32>,
        tpu.vector_store %arg6[%swap3A_535, %swap3A_536, %swap3A_537], %mul3A_533 {strides = array<i32>} : memref<2x80x128xf32, #tpu.memory_space<vmem>>, vector<16xf32>,
        %get3A_539 = arith.constant 1 : i32
        %get3A_540 = arith.index_cast %get3A_539 : i32 to index
        %get3A_541 = arith.index_cast %add3A_477 : i32 to index
        %get3A_542 = arith.constant 80 : index
        %get3A_543 = tpu.vector_load %arg6[%get3A_540, %get3A_541, %get3A_542] {strides = array<i32>} : memref<2x80x128xf32, #tpu.memory_space<vmem>>, vector<16xf32>,
        %mul3A_544 = arith.mulf %get3A_543, %gather3A_483 : vector<16xf32>
        %swap3A_545 = arith.constant 1 : i32
        %swap3A_546 = arith.index_cast %swap3A_545 : i32 to index
        %swap3A_547 = arith.index_cast %add3A_477 : i32 to index
        %swap3A_548 = arith.constant 80 : index
        %swap3A_549 = tpu.vector_load %arg6[%swap3A_546, %swap3A_547, %swap3A_548] {strides = array<i32>} : memref<2x80x128xf32, #tpu.memory_space<vmem>>, vector<16xf32>,
        tpu.vector_store %arg6[%swap3A_546, %swap3A_547, %swap3A_548], %mul3A_544 {strides = array<i32>} : memref<2x80x128xf32, #tpu.memory_space<vmem>>, vector<16xf32>,
        %get3A_550 = arith.constant 1 : i32
        %get3A_551 = arith.index_cast %get3A_550 : i32 to index
        %get3A_552 = arith.index_cast %add3A_477 : i32 to index
        %get3A_553 = arith.constant 96 : index
        %get3A_554 = tpu.vector_load %arg6[%get3A_551, %get3A_552, %get3A_553] {strides = array<i32>} : memref<2x80x128xf32, #tpu.memory_space<vmem>>, vector<16xf32>,
        %mul3A_555 = arith.mulf %get3A_554, %gather3A_483 : vector<16xf32>
        %swap3A_556 = arith.constant 1 : i32
        %swap3A_557 = arith.index_cast %swap3A_556 : i32 to index
        %swap3A_558 = arith.index_cast %add3A_477 : i32 to index
        %swap3A_559 = arith.constant 96 : index
        %swap3A_560 = tpu.vector_load %arg6[%swap3A_557, %swap3A_558, %swap3A_559] {strides = array<i32>} : memref<2x80x128xf32, #tpu.memory_space<vmem>>, vector<16xf32>,
        tpu.vector_store %arg6[%swap3A_557, %swap3A_558, %swap3A_559], %mul3A_555 {strides = array<i32>} : memref<2x80x128xf32, #tpu.memory_space<vmem>>, vector<16xf32>,
        %get3A_561 = arith.constant 1 : i32
        %get3A_562 = arith.index_cast %get3A_561 : i32 to index
        %get3A_563 = arith.index_cast %add3A_477 : i32 to index
        %get3A_564 = arith.constant 112 : index
        %get3A_565 = tpu.vector_load %arg6[%get3A_562, %get3A_563, %get3A_564] {strides = array<i32>} : memref<2x80x128xf32, #tpu.memory_space<vmem>>, vector<16xf32>,
        %mul3A_566 = arith.mulf %get3A_565, %gather3A_483 : vector<16xf32>
        %swap3A_567 = arith.constant 1 : i32
        %swap3A_568 = arith.index_cast %swap3A_567 : i32 to index
        %swap3A_569 = arith.index_cast %add3A_477 : i32 to index
        %swap3A_570 = arith.constant 112 : index
        %swap3A_571 = tpu.vector_load %arg6[%swap3A_568, %swap3A_569, %swap3A_570] {strides = array<i32>} : memref<2x80x128xf32, #tpu.memory_space<vmem>>, vector<16xf32>,
        tpu.vector_store %arg6[%swap3A_568, %swap3A_569, %swap3A_570], %mul3A_566 {strides = array<i32>} : memref<2x80x128xf32, #tpu.memory_space<vmem>>, vector<16xf32>,
      }
      %scan3A_376 = arith.constant 40 : i32
      %run_scoped3A_377 = arith.constant 1 : i32
      %run_scoped3A_378 = arith.constant 1 : i32
      "tpu.region"() ({
        %run_scoped3A_379 = tpu.sem_alloc : memref<!tpu.dma_semaphore, #tpu.memory_space<semaphore_mem>>
        %dma_start3A_380 = arith.constant 0 : i32
        %dma_start3A_381 = arith.constant 0 : i32
        %dma_start3A_382 = tpu.memref_slice %arg6[%run_scoped3A_377, %dma_start3A_380, %dma_start3A_381] : memref<2x80x128xf32, #tpu.memory_space<vmem>> -> memref<1x80x128xf32, #tpu.memory_space<vmem>>
        %dma_start3A_383 = tpu.memref_squeeze %dma_start3A_382 : memref<1x80x128xf32, #tpu.memory_space<vmem>> -> memref<80x128xf32, #tpu.memory_space<vmem>>
        %dma_start3A_384 = arith.constant 0 : i32
        %dma_start3A_385 = tpu.memref_slice %arg8[%run_scoped3A_378, %dma_start3A_384] : memref<2x80xi32, #tpu.memory_space<vmem>> -> memref<1x80xi32, #tpu.memory_space<vmem>>
        %dma_start3A_386 = tpu.memref_squeeze %dma_start3A_385 : memref<1x80xi32, #tpu.memory_space<vmem>> -> memref<80xi32, #tpu.memory_space<vmem>>
        %dma_start3A_387 = arith.constant 0 : i32
        %dma_start3A_388 = arith.constant 0 : i32
        %dma_start3A_389 = tpu.memref_slice %arg10[%dma_start3A_387, %dma_start3A_388] : memref<10000x128xf32, #tpu.memory_space<vmem_shared>> -> memref<10000x128xf32, #tpu.memory_space<vmem_shared>>
        tpu.enqueue_indirect_dma source(%dma_start3A_383 : memref<80x128xf32, #tpu.memory_space<vmem>>) target(%dma_start3A_389 : memref<10000x128xf32, #tpu.memory_space<vmem_shared>>) offsets(%dma_start3A_386 : memref<80xi32, #tpu.memory_space<vmem>>) semaphore(%run_scoped3A_379 : memref<!tpu.dma_semaphore, #tpu.memory_space<semaphore_mem>>) {add = true}
        %dma_wait3A_390 = arith.constant 0 : i32
        %dma_wait3A_391 = arith.constant 0 : i32
        %dma_wait3A_392 = tpu.memref_slice %arg6[%run_scoped3A_377, %dma_wait3A_390, %dma_wait3A_391] : memref<2x80x128xf32, #tpu.memory_space<vmem>> -> memref<1x80x128xf32, #tpu.memory_space<vmem>>
        %dma_wait3A_393 = tpu.memref_squeeze %dma_wait3A_392 : memref<1x80x128xf32, #tpu.memory_space<vmem>> -> memref<80x128xf32, #tpu.memory_space<vmem>>
        %dma_wait3A_394 = arith.constant 0 : i32
        %dma_wait3A_395 = tpu.memref_slice %arg8[%run_scoped3A_378, %dma_wait3A_394] : memref<2x80xi32, #tpu.memory_space<vmem>> -> memref<1x80xi32, #tpu.memory_space<vmem>>
        %dma_wait3A_396 = tpu.memref_squeeze %dma_wait3A_395 : memref<1x80xi32, #tpu.memory_space<vmem>> -> memref<80xi32, #tpu.memory_space<vmem>>
        %dma_wait3A_397 = arith.constant 0 : i32
        %dma_wait3A_398 = arith.constant 0 : i32
        %dma_wait3A_399 = tpu.memref_slice %arg10[%dma_wait3A_397, %dma_wait3A_398] : memref<10000x128xf32, #tpu.memory_space<vmem_shared>> -> memref<10000x128xf32, #tpu.memory_space<vmem_shared>>
        tpu.wait_indirect_dma semaphore(%run_scoped3A_379 : memref<!tpu.dma_semaphore, #tpu.memory_space<semaphore_mem>>) src(%dma_wait3A_393 : memref<80x128xf32, #tpu.memory_space<vmem>>) dst(%dma_wait3A_399 : memref<10000x128xf32, #tpu.memory_space<vmem_shared>>)
        tpu.yield
      }) : () -> ()
    }
    %scan3A_61 = arith.constant 31 : i32
    %add3A_62 = arith.constant 5040 : i32
    %add3A_63 = arith.addi %add3A_8, %add3A_62 : i32
    %add3A_64 = arith.constant 5040 : i32
    %add3A_65 = arith.addi %add3A_4, %add3A_64 : i32
    %add3A_66 = arith.constant 5040 : i32
    %add3A_67 = arith.addi %add3A_8, %add3A_66 : i32
    %dma_start3A_68 = arith.constant 1 : i32
    %dma_start3A_69 = arith.constant 0 : i32
    %dma_start3A_70 = arith.constant 0 : i32
    %dma_start3A_71 = tpu.memref_slice %arg6[%dma_start3A_68, %dma_start3A_69, %dma_start3A_70] : memref<2x80x128xf32, #tpu.memory_space<vmem>> -> memref<1x80x128xf32, #tpu.memory_space<vmem>>
    %dma_start3A_72 = tpu.memref_squeeze %dma_start3A_71 : memref<1x80x128xf32, #tpu.memory_space<vmem>> -> memref<80x128xf32, #tpu.memory_space<vmem>>
    %dma_start3A_73 = arith.constant 0 : i32
    %dma_start3A_74 = tpu.memref_slice %arg2[%add3A_63, %dma_start3A_73] : memref<320000x128xf32, #tpu.memory_space<hbm>> -> memref<80x128xf32, #tpu.memory_space<hbm>>
    %dma_start3A_75 = arith.constant 0 : i32
    %dma_start3A_76 = arith.constant 0 : i32
    %dma_start3A_77 = tpu.memref_slice %arg6[%dma_start3A_68, %dma_start3A_75, %dma_start3A_76] : memref<2x80x128xf32, #tpu.memory_space<vmem>> -> memref<1x80x128xf32, #tpu.memory_space<vmem>>
    %dma_start3A_78 = tpu.memref_squeeze %dma_start3A_77 : memref<1x80x128xf32, #tpu.memory_space<vmem>> -> memref<80x128xf32, #tpu.memory_space<vmem>>
    %dma_start3A_79 = arith.constant 0 : i32
    %dma_start3A_80 = tpu.memref_slice %arg2[%add3A_63, %dma_start3A_79] : memref<320000x128xf32, #tpu.memory_space<hbm>> -> memref<80x128xf32, #tpu.memory_space<hbm>>
    tpu.enqueue_dma source(%dma_start3A_80 : memref<80x128xf32, #tpu.memory_space<hbm>>) target(%dma_start3A_78 : memref<80x128xf32, #tpu.memory_space<vmem>>) target_semaphore(%arg12 : memref<!tpu.dma_semaphore, #tpu.memory_space<semaphore_mem>>)
    %dma_start3A_81 = arith.constant 1 : i32
    %dma_start3A_82 = arith.constant 0 : i32
    %dma_start3A_83 = tpu.memref_slice %arg7[%dma_start3A_81, %dma_start3A_82] : memref<2x80xf32, #tpu.memory_space<vmem>> -> memref<1x80xf32, #tpu.memory_space<vmem>>
    %dma_start3A_84 = tpu.memref_squeeze %dma_start3A_83 : memref<1x80xf32, #tpu.memory_space<vmem>> -> memref<80xf32, #tpu.memory_space<vmem>>
    %dma_start3A_85 = tpu.memref_slice %arg3[%add3A_65] : memref<163840xf32, #tpu.memory_space<hbm>> -> memref<80xf32, #tpu.memory_space<hbm>>
    %dma_start3A_86 = arith.constant 0 : i32
    %dma_start3A_87 = tpu.memref_slice %arg7[%dma_start3A_81, %dma_start3A_86] : memref<2x80xf32, #tpu.memory_space<vmem>> -> memref<1x80xf32, #tpu.memory_space<vmem>>
    %dma_start3A_88 = tpu.memref_squeeze %dma_start3A_87 : memref<1x80xf32, #tpu.memory_space<vmem>> -> memref<80xf32, #tpu.memory_space<vmem>>
    %dma_start3A_89 = tpu.memref_slice %arg3[%add3A_65] : memref<163840xf32, #tpu.memory_space<hbm>> -> memref<80xf32, #tpu.memory_space<hbm>>
    tpu.enqueue_dma source(%dma_start3A_89 : memref<80xf32, #tpu.memory_space<hbm>>) target(%dma_start3A_88 : memref<80xf32, #tpu.memory_space<vmem>>) target_semaphore(%arg12 : memref<!tpu.dma_semaphore, #tpu.memory_space<semaphore_mem>>)
    %dma_start3A_90 = arith.constant 1 : i32
    %dma_start3A_91 = arith.constant 0 : i32
    %dma_start3A_92 = tpu.memref_slice %arg8[%dma_start3A_90, %dma_start3A_91] : memref<2x80xi32, #tpu.memory_space<vmem>> -> memref<1x80xi32, #tpu.memory_space<vmem>>
    %dma_start3A_93 = tpu.memref_squeeze %dma_start3A_92 : memref<1x80xi32, #tpu.memory_space<vmem>> -> memref<80xi32, #tpu.memory_space<vmem>>
    %dma_start3A_94 = tpu.memref_slice %arg4[%add3A_67] : memref<320000xi32, #tpu.memory_space<hbm>> -> memref<80xi32, #tpu.memory_space<hbm>>
    %dma_start3A_95 = arith.constant 0 : i32
    %dma_start3A_96 = tpu.memref_slice %arg8[%dma_start3A_90, %dma_start3A_95] : memref<2x80xi32, #tpu.memory_space<vmem>> -> memref<1x80xi32, #tpu.memory_space<vmem>>
    %dma_start3A_97 = tpu.memref_squeeze %dma_start3A_96 : memref<1x80xi32, #tpu.memory_space<vmem>> -> memref<80xi32, #tpu.memory_space<vmem>>
    %dma_start3A_98 = tpu.memref_slice %arg4[%add3A_67] : memref<320000xi32, #tpu.memory_space<hbm>> -> memref<80xi32, #tpu.memory_space<hbm>>
    tpu.enqueue_dma source(%dma_start3A_98 : memref<80xi32, #tpu.memory_space<hbm>>) target(%dma_start3A_97 : memref<80xi32, #tpu.memory_space<vmem>>) target_semaphore(%arg12 : memref<!tpu.dma_semaphore, #tpu.memory_space<semaphore_mem>>)
    %add3A_99 = arith.constant 4960 : i32
    %add3A_100 = arith.addi %add3A_8, %add3A_99 : i32
    %add3A_101 = arith.constant 4960 : i32
    %add3A_102 = arith.addi %add3A_4, %add3A_101 : i32
    %add3A_103 = arith.constant 4960 : i32
    %add3A_104 = arith.addi %add3A_8, %add3A_103 : i32
    %dma_wait3A = arith.constant 0 : i32
    %dma_wait3A_105 = arith.constant 0 : i32
    %dma_wait3A_106 = arith.constant 0 : i32
    %dma_wait3A_107 = tpu.memref_slice %arg6[%dma_wait3A, %dma_wait3A_105, %dma_wait3A_106] : memref<2x80x128xf32, #tpu.memory_space<vmem>> -> memref<1x80x128xf32, #tpu.memory_space<vmem>>
    %dma_wait3A_108 = tpu.memref_squeeze %dma_wait3A_107 : memref<1x80x128xf32, #tpu.memory_space<vmem>> -> memref<80x128xf32, #tpu.memory_space<vmem>>
    %dma_wait3A_109 = arith.constant 0 : i32
    %dma_wait3A_110 = tpu.memref_slice %arg2[%add3A_100, %dma_wait3A_109] : memref<320000x128xf32, #tpu.memory_space<hbm>> -> memref<80x128xf32, #tpu.memory_space<hbm>>
    %dma_wait3A_111 = arith.constant 0 : i32
    %dma_wait3A_112 = arith.constant 0 : i32
    %dma_wait3A_113 = tpu.memref_slice %arg6[%dma_wait3A, %dma_wait3A_111, %dma_wait3A_112] : memref<2x80x128xf32, #tpu.memory_space<vmem>> -> memref<1x80x128xf32, #tpu.memory_space<vmem>>
    %dma_wait3A_114 = tpu.memref_squeeze %dma_wait3A_113 : memref<1x80x128xf32, #tpu.memory_space<vmem>> -> memref<80x128xf32, #tpu.memory_space<vmem>>
    %dma_wait3A_115 = arith.constant 0 : i32
    %dma_wait3A_116 = tpu.memref_slice %arg2[%add3A_100, %dma_wait3A_115] : memref<320000x128xf32, #tpu.memory_space<hbm>> -> memref<80x128xf32, #tpu.memory_space<hbm>>
    tpu.wait_dma2 semaphore(%arg11 : memref<!tpu.dma_semaphore, #tpu.memory_space<semaphore_mem>>) src(%dma_wait3A_116 : memref<80x128xf32, #tpu.memory_space<hbm>>) dst(%dma_wait3A_114 : memref<80x128xf32, #tpu.memory_space<vmem>>)
    %dma_wait3A_117 = arith.constant 0 : i32
    %dma_wait3A_118 = arith.constant 0 : i32
    %dma_wait3A_119 = tpu.memref_slice %arg7[%dma_wait3A_117, %dma_wait3A_118] : memref<2x80xf32, #tpu.memory_space<vmem>> -> memref<1x80xf32, #tpu.memory_space<vmem>>
    %dma_wait3A_120 = tpu.memref_squeeze %dma_wait3A_119 : memref<1x80xf32, #tpu.memory_space<vmem>> -> memref<80xf32, #tpu.memory_space<vmem>>
    %dma_wait3A_121 = tpu.memref_slice %arg3[%add3A_102] : memref<163840xf32, #tpu.memory_space<hbm>> -> memref<80xf32, #tpu.memory_space<hbm>>
    %dma_wait3A_122 = arith.constant 0 : i32
    %dma_wait3A_123 = tpu.memref_slice %arg7[%dma_wait3A_117, %dma_wait3A_122] : memref<2x80xf32, #tpu.memory_space<vmem>> -> memref<1x80xf32, #tpu.memory_space<vmem>>
    %dma_wait3A_124 = tpu.memref_squeeze %dma_wait3A_123 : memref<1x80xf32, #tpu.memory_space<vmem>> -> memref<80xf32, #tpu.memory_space<vmem>>
    %dma_wait3A_125 = tpu.memref_slice %arg3[%add3A_102] : memref<163840xf32, #tpu.memory_space<hbm>> -> memref<80xf32, #tpu.memory_space<hbm>>
    tpu.wait_dma2 semaphore(%arg11 : memref<!tpu.dma_semaphore, #tpu.memory_space<semaphore_mem>>) src(%dma_wait3A_125 : memref<80xf32, #tpu.memory_space<hbm>>) dst(%dma_wait3A_124 : memref<80xf32, #tpu.memory_space<vmem>>)
    %dma_wait3A_126 = arith.constant 0 : i32
    %dma_wait3A_127 = arith.constant 0 : i32
    %dma_wait3A_128 = tpu.memref_slice %arg8[%dma_wait3A_126, %dma_wait3A_127] : memref<2x80xi32, #tpu.memory_space<vmem>> -> memref<1x80xi32, #tpu.memory_space<vmem>>
    %dma_wait3A_129 = tpu.memref_squeeze %dma_wait3A_128 : memref<1x80xi32, #tpu.memory_space<vmem>> -> memref<80xi32, #tpu.memory_space<vmem>>
    %dma_wait3A_130 = tpu.memref_slice %arg4[%add3A_104] : memref<320000xi32, #tpu.memory_space<hbm>> -> memref<80xi32, #tpu.memory_space<hbm>>
    %dma_wait3A_131 = arith.constant 0 : i32
    %dma_wait3A_132 = tpu.memref_slice %arg8[%dma_wait3A_126, %dma_wait3A_131] : memref<2x80xi32, #tpu.memory_space<vmem>> -> memref<1x80xi32, #tpu.memory_space<vmem>>
    %dma_wait3A_133 = tpu.memref_squeeze %dma_wait3A_132 : memref<1x80xi32, #tpu.memory_space<vmem>> -> memref<80xi32, #tpu.memory_space<vmem>>
    %dma_wait3A_134 = tpu.memref_slice %arg4[%add3A_104] : memref<320000xi32, #tpu.memory_space<hbm>> -> memref<80xi32, #tpu.memory_space<hbm>>
    tpu.wait_dma2 semaphore(%arg11 : memref<!tpu.dma_semaphore, #tpu.memory_space<semaphore_mem>>) src(%dma_wait3A_134 : memref<80xi32, #tpu.memory_space<hbm>>) dst(%dma_wait3A_133 : memref<80xi32, #tpu.memory_space<vmem>>)
    %scan3A_135 = arith.constant 0 : i32
    %scan3A_136 = arith.constant 0 : i32
    %scan3A_137 = arith.constant 40 : i32
    %scan3A_138 = arith.addi %scan3A_136, %scan3A_137 : i32
    %scan3A_139 = arith.constant 1 : i32
    scf.for %scan3A_194 = %scan3A_136 to %scan3A_138 step %scan3A_139  : i32 {
      %mul3A_195 = arith.constant 2 : i32
      %mul3A_196 = arith.muli %mul3A_195, %scan3A_194 : i32
      %add3A_197 = arith.constant 0 : i32
      %add3A_198 = arith.addi %mul3A_196, %add3A_197 : i32
      %broadcast_in_dim3A = vector.broadcast %add3A_198 : i32 to vector<16xi32>
      %gather3A = arith.constant 0 : i32
      %gather3A_199 = arith.constant 0 : i32
      %gather3A_200 = tpu.memref_slice %arg7[%gather3A, %gather3A_199] : memref<2x80xf32, #tpu.memory_space<vmem>> -> memref<1x80xf32, #tpu.memory_space<vmem>>
      %gather3A_201 = tpu.memref_squeeze %gather3A_200 : memref<1x80xf32, #tpu.memory_space<vmem>> -> memref<80xf32, #tpu.memory_space<vmem>>
      %gather3A_202 = tpu.vector_load_idx %gather3A_201[%broadcast_in_dim3A] : memref<80xf32, #tpu.memory_space<vmem>>[vector<16xi32>], vector<16xf32>,
      %get3A = arith.constant 0 : i32
      %get3A_203 = arith.index_cast %get3A : i32 to index
      %get3A_204 = arith.index_cast %add3A_198 : i32 to index
      %get3A_205 = arith.constant 0 : index
      %get3A_206 = tpu.vector_load %arg6[%get3A_203, %get3A_204, %get3A_205] {strides = array<i32>} : memref<2x80x128xf32, #tpu.memory_space<vmem>>, vector<16xf32>,
      %mul3A_207 = arith.mulf %get3A_206, %gather3A_202 : vector<16xf32>
      %swap3A = arith.constant 0 : i32
      %swap3A_208 = arith.index_cast %swap3A : i32 to index
      %swap3A_209 = arith.index_cast %add3A_198 : i32 to index
      %swap3A_210 = arith.constant 0 : index
      %swap3A_211 = tpu.vector_load %arg6[%swap3A_208, %swap3A_209, %swap3A_210] {strides = array<i32>} : memref<2x80x128xf32, #tpu.memory_space<vmem>>, vector<16xf32>,
      tpu.vector_store %arg6[%swap3A_208, %swap3A_209, %swap3A_210], %mul3A_207 {strides = array<i32>} : memref<2x80x128xf32, #tpu.memory_space<vmem>>, vector<16xf32>,
      %get3A_212 = arith.constant 0 : i32
      %get3A_213 = arith.index_cast %get3A_212 : i32 to index
      %get3A_214 = arith.index_cast %add3A_198 : i32 to index
      %get3A_215 = arith.constant 16 : index
      %get3A_216 = tpu.vector_load %arg6[%get3A_213, %get3A_214, %get3A_215] {strides = array<i32>} : memref<2x80x128xf32, #tpu.memory_space<vmem>>, vector<16xf32>,
      %mul3A_217 = arith.mulf %get3A_216, %gather3A_202 : vector<16xf32>
      %swap3A_218 = arith.constant 0 : i32
      %swap3A_219 = arith.index_cast %swap3A_218 : i32 to index
      %swap3A_220 = arith.index_cast %add3A_198 : i32 to index
      %swap3A_221 = arith.constant 16 : index
      %swap3A_222 = tpu.vector_load %arg6[%swap3A_219, %swap3A_220, %swap3A_221] {strides = array<i32>} : memref<2x80x128xf32, #tpu.memory_space<vmem>>, vector<16xf32>,
      tpu.vector_store %arg6[%swap3A_219, %swap3A_220, %swap3A_221], %mul3A_217 {strides = array<i32>} : memref<2x80x128xf32, #tpu.memory_space<vmem>>, vector<16xf32>,
      %get3A_223 = arith.constant 0 : i32
      %get3A_224 = arith.index_cast %get3A_223 : i32 to index
      %get3A_225 = arith.index_cast %add3A_198 : i32 to index
      %get3A_226 = arith.constant 32 : index
      %get3A_227 = tpu.vector_load %arg6[%get3A_224, %get3A_225, %get3A_226] {strides = array<i32>} : memref<2x80x128xf32, #tpu.memory_space<vmem>>, vector<16xf32>,
      %mul3A_228 = arith.mulf %get3A_227, %gather3A_202 : vector<16xf32>
      %swap3A_229 = arith.constant 0 : i32
      %swap3A_230 = arith.index_cast %swap3A_229 : i32 to index
      %swap3A_231 = arith.index_cast %add3A_198 : i32 to index
      %swap3A_232 = arith.constant 32 : index
      %swap3A_233 = tpu.vector_load %arg6[%swap3A_230, %swap3A_231, %swap3A_232] {strides = array<i32>} : memref<2x80x128xf32, #tpu.memory_space<vmem>>, vector<16xf32>,
      tpu.vector_store %arg6[%swap3A_230, %swap3A_231, %swap3A_232], %mul3A_228 {strides = array<i32>} : memref<2x80x128xf32, #tpu.memory_space<vmem>>, vector<16xf32>,
      %get3A_234 = arith.constant 0 : i32
      %get3A_235 = arith.index_cast %get3A_234 : i32 to index
      %get3A_236 = arith.index_cast %add3A_198 : i32 to index
      %get3A_237 = arith.constant 48 : index
      %get3A_238 = tpu.vector_load %arg6[%get3A_235, %get3A_236, %get3A_237] {strides = array<i32>} : memref<2x80x128xf32, #tpu.memory_space<vmem>>, vector<16xf32>,
      %mul3A_239 = arith.mulf %get3A_238, %gather3A_202 : vector<16xf32>
      %swap3A_240 = arith.constant 0 : i32
      %swap3A_241 = arith.index_cast %swap3A_240 : i32 to index
      %swap3A_242 = arith.index_cast %add3A_198 : i32 to index
      %swap3A_243 = arith.constant 48 : index
      %swap3A_244 = tpu.vector_load %arg6[%swap3A_241, %swap3A_242, %swap3A_243] {strides = array<i32>} : memref<2x80x128xf32, #tpu.memory_space<vmem>>, vector<16xf32>,
      tpu.vector_store %arg6[%swap3A_241, %swap3A_242, %swap3A_243], %mul3A_239 {strides = array<i32>} : memref<2x80x128xf32, #tpu.memory_space<vmem>>, vector<16xf32>,
      %get3A_245 = arith.constant 0 : i32
      %get3A_246 = arith.index_cast %get3A_245 : i32 to index
      %get3A_247 = arith.index_cast %add3A_198 : i32 to index
      %get3A_248 = arith.constant 64 : index
      %get3A_249 = tpu.vector_load %arg6[%get3A_246, %get3A_247, %get3A_248] {strides = array<i32>} : memref<2x80x128xf32, #tpu.memory_space<vmem>>, vector<16xf32>,
      %mul3A_250 = arith.mulf %get3A_249, %gather3A_202 : vector<16xf32>
      %swap3A_251 = arith.constant 0 : i32
      %swap3A_252 = arith.index_cast %swap3A_251 : i32 to index
      %swap3A_253 = arith.index_cast %add3A_198 : i32 to index
      %swap3A_254 = arith.constant 64 : index
      %swap3A_255 = tpu.vector_load %arg6[%swap3A_252, %swap3A_253, %swap3A_254] {strides = array<i32>} : memref<2x80x128xf32, #tpu.memory_space<vmem>>, vector<16xf32>,
      tpu.vector_store %arg6[%swap3A_252, %swap3A_253, %swap3A_254], %mul3A_250 {strides = array<i32>} : memref<2x80x128xf32, #tpu.memory_space<vmem>>, vector<16xf32>,
      %get3A_256 = arith.constant 0 : i32
      %get3A_257 = arith.index_cast %get3A_256 : i32 to index
      %get3A_258 = arith.index_cast %add3A_198 : i32 to index
      %get3A_259 = arith.constant 80 : index
      %get3A_260 = tpu.vector_load %arg6[%get3A_257, %get3A_258, %get3A_259] {strides = array<i32>} : memref<2x80x128xf32, #tpu.memory_space<vmem>>, vector<16xf32>,
      %mul3A_261 = arith.mulf %get3A_260, %gather3A_202 : vector<16xf32>
      %swap3A_262 = arith.constant 0 : i32
      %swap3A_263 = arith.index_cast %swap3A_262 : i32 to index
      %swap3A_264 = arith.index_cast %add3A_198 : i32 to index
      %swap3A_265 = arith.constant 80 : index
      %swap3A_266 = tpu.vector_load %arg6[%swap3A_263, %swap3A_264, %swap3A_265] {strides = array<i32>} : memref<2x80x128xf32, #tpu.memory_space<vmem>>, vector<16xf32>,
      tpu.vector_store %arg6[%swap3A_263, %swap3A_264, %swap3A_265], %mul3A_261 {strides = array<i32>} : memref<2x80x128xf32, #tpu.memory_space<vmem>>, vector<16xf32>,
      %get3A_267 = arith.constant 0 : i32
      %get3A_268 = arith.index_cast %get3A_267 : i32 to index
      %get3A_269 = arith.index_cast %add3A_198 : i32 to index
      %get3A_270 = arith.constant 96 : index
      %get3A_271 = tpu.vector_load %arg6[%get3A_268, %get3A_269, %get3A_270] {strides = array<i32>} : memref<2x80x128xf32, #tpu.memory_space<vmem>>, vector<16xf32>,
      %mul3A_272 = arith.mulf %get3A_271, %gather3A_202 : vector<16xf32>
      %swap3A_273 = arith.constant 0 : i32
      %swap3A_274 = arith.index_cast %swap3A_273 : i32 to index
      %swap3A_275 = arith.index_cast %add3A_198 : i32 to index
      %swap3A_276 = arith.constant 96 : index
      %swap3A_277 = tpu.vector_load %arg6[%swap3A_274, %swap3A_275, %swap3A_276] {strides = array<i32>} : memref<2x80x128xf32, #tpu.memory_space<vmem>>, vector<16xf32>,
      tpu.vector_store %arg6[%swap3A_274, %swap3A_275, %swap3A_276], %mul3A_272 {strides = array<i32>} : memref<2x80x128xf32, #tpu.memory_space<vmem>>, vector<16xf32>,
      %get3A_278 = arith.constant 0 : i32
      %get3A_279 = arith.index_cast %get3A_278 : i32 to index
      %get3A_280 = arith.index_cast %add3A_198 : i32 to index
      %get3A_281 = arith.constant 112 : index
      %get3A_282 = tpu.vector_load %arg6[%get3A_279, %get3A_280, %get3A_281] {strides = array<i32>} : memref<2x80x128xf32, #tpu.memory_space<vmem>>, vector<16xf32>,
      %mul3A_283 = arith.mulf %get3A_282, %gather3A_202 : vector<16xf32>
      %swap3A_284 = arith.constant 0 : i32
      %swap3A_285 = arith.index_cast %swap3A_284 : i32 to index
      %swap3A_286 = arith.index_cast %add3A_198 : i32 to index
      %swap3A_287 = arith.constant 112 : index
      %swap3A_288 = tpu.vector_load %arg6[%swap3A_285, %swap3A_286, %swap3A_287] {strides = array<i32>} : memref<2x80x128xf32, #tpu.memory_space<vmem>>, vector<16xf32>,
      tpu.vector_store %arg6[%swap3A_285, %swap3A_286, %swap3A_287], %mul3A_283 {strides = array<i32>} : memref<2x80x128xf32, #tpu.memory_space<vmem>>, vector<16xf32>,
      %mul3A_289 = arith.constant 2 : i32
      %mul3A_290 = arith.muli %mul3A_289, %scan3A_194 : i32
      %add3A_291 = arith.constant 1 : i32
      %add3A_292 = arith.addi %mul3A_290, %add3A_291 : i32
      %broadcast_in_dim3A_293 = vector.broadcast %add3A_292 : i32 to vector<16xi32>
      %gather3A_294 = arith.constant 0 : i32
      %gather3A_295 = arith.constant 0 : i32
      %gather3A_296 = tpu.memref_slice %arg7[%gather3A_294, %gather3A_295] : memref<2x80xf32, #tpu.memory_space<vmem>> -> memref<1x80xf32, #tpu.memory_space<vmem>>
      %gather3A_297 = tpu.memref_squeeze %gather3A_296 : memref<1x80xf32, #tpu.memory_space<vmem>> -> memref<80xf32, #tpu.memory_space<vmem>>
      %gather3A_298 = tpu.vector_load_idx %gather3A_297[%broadcast_in_dim3A_293] : memref<80xf32, #tpu.memory_space<vmem>>[vector<16xi32>], vector<16xf32>,
      %get3A_299 = arith.constant 0 : i32
      %get3A_300 = arith.index_cast %get3A_299 : i32 to index
      %get3A_301 = arith.index_cast %add3A_292 : i32 to index
      %get3A_302 = arith.constant 0 : index
      %get3A_303 = tpu.vector_load %arg6[%get3A_300, %get3A_301, %get3A_302] {strides = array<i32>} : memref<2x80x128xf32, #tpu.memory_space<vmem>>, vector<16xf32>,
      %mul3A_304 = arith.mulf %get3A_303, %gather3A_298 : vector<16xf32>
      %swap3A_305 = arith.constant 0 : i32
      %swap3A_306 = arith.index_cast %swap3A_305 : i32 to index
      %swap3A_307 = arith.index_cast %add3A_292 : i32 to index
      %swap3A_308 = arith.constant 0 : index
      %swap3A_309 = tpu.vector_load %arg6[%swap3A_306, %swap3A_307, %swap3A_308] {strides = array<i32>} : memref<2x80x128xf32, #tpu.memory_space<vmem>>, vector<16xf32>,
      tpu.vector_store %arg6[%swap3A_306, %swap3A_307, %swap3A_308], %mul3A_304 {strides = array<i32>} : memref<2x80x128xf32, #tpu.memory_space<vmem>>, vector<16xf32>,
      %get3A_310 = arith.constant 0 : i32
      %get3A_311 = arith.index_cast %get3A_310 : i32 to index
      %get3A_312 = arith.index_cast %add3A_292 : i32 to index
      %get3A_313 = arith.constant 16 : index
      %get3A_314 = tpu.vector_load %arg6[%get3A_311, %get3A_312, %get3A_313] {strides = array<i32>} : memref<2x80x128xf32, #tpu.memory_space<vmem>>, vector<16xf32>,
      %mul3A_315 = arith.mulf %get3A_314, %gather3A_298 : vector<16xf32>
      %swap3A_316 = arith.constant 0 : i32
      %swap3A_317 = arith.index_cast %swap3A_316 : i32 to index
      %swap3A_318 = arith.index_cast %add3A_292 : i32 to index
      %swap3A_319 = arith.constant 16 : index
      %swap3A_320 = tpu.vector_load %arg6[%swap3A_317, %swap3A_318, %swap3A_319] {strides = array<i32>} : memref<2x80x128xf32, #tpu.memory_space<vmem>>, vector<16xf32>,
      tpu.vector_store %arg6[%swap3A_317, %swap3A_318, %swap3A_319], %mul3A_315 {strides = array<i32>} : memref<2x80x128xf32, #tpu.memory_space<vmem>>, vector<16xf32>,
      %get3A_321 = arith.constant 0 : i32
      %get3A_322 = arith.index_cast %get3A_321 : i32 to index
      %get3A_323 = arith.index_cast %add3A_292 : i32 to index
      %get3A_324 = arith.constant 32 : index
      %get3A_325 = tpu.vector_load %arg6[%get3A_322, %get3A_323, %get3A_324] {strides = array<i32>} : memref<2x80x128xf32, #tpu.memory_space<vmem>>, vector<16xf32>,
      %mul3A_326 = arith.mulf %get3A_325, %gather3A_298 : vector<16xf32>
      %swap3A_327 = arith.constant 0 : i32
      %swap3A_328 = arith.index_cast %swap3A_327 : i32 to index
      %swap3A_329 = arith.index_cast %add3A_292 : i32 to index
      %swap3A_330 = arith.constant 32 : index
      %swap3A_331 = tpu.vector_load %arg6[%swap3A_328, %swap3A_329, %swap3A_330] {strides = array<i32>} : memref<2x80x128xf32, #tpu.memory_space<vmem>>, vector<16xf32>,
      tpu.vector_store %arg6[%swap3A_328, %swap3A_329, %swap3A_330], %mul3A_326 {strides = array<i32>} : memref<2x80x128xf32, #tpu.memory_space<vmem>>, vector<16xf32>,
      %get3A_332 = arith.constant 0 : i32
      %get3A_333 = arith.index_cast %get3A_332 : i32 to index
      %get3A_334 = arith.index_cast %add3A_292 : i32 to index
      %get3A_335 = arith.constant 48 : index
      %get3A_336 = tpu.vector_load %arg6[%get3A_333, %get3A_334, %get3A_335] {strides = array<i32>} : memref<2x80x128xf32, #tpu.memory_space<vmem>>, vector<16xf32>,
      %mul3A_337 = arith.mulf %get3A_336, %gather3A_298 : vector<16xf32>
      %swap3A_338 = arith.constant 0 : i32
      %swap3A_339 = arith.index_cast %swap3A_338 : i32 to index
      %swap3A_340 = arith.index_cast %add3A_292 : i32 to index
      %swap3A_341 = arith.constant 48 : index
      %swap3A_342 = tpu.vector_load %arg6[%swap3A_339, %swap3A_340, %swap3A_341] {strides = array<i32>} : memref<2x80x128xf32, #tpu.memory_space<vmem>>, vector<16xf32>,
      tpu.vector_store %arg6[%swap3A_339, %swap3A_340, %swap3A_341], %mul3A_337 {strides = array<i32>} : memref<2x80x128xf32, #tpu.memory_space<vmem>>, vector<16xf32>,
      %get3A_343 = arith.constant 0 : i32
      %get3A_344 = arith.index_cast %get3A_343 : i32 to index
      %get3A_345 = arith.index_cast %add3A_292 : i32 to index
      %get3A_346 = arith.constant 64 : index
      %get3A_347 = tpu.vector_load %arg6[%get3A_344, %get3A_345, %get3A_346] {strides = array<i32>} : memref<2x80x128xf32, #tpu.memory_space<vmem>>, vector<16xf32>,
      %mul3A_348 = arith.mulf %get3A_347, %gather3A_298 : vector<16xf32>
      %swap3A_349 = arith.constant 0 : i32
      %swap3A_350 = arith.index_cast %swap3A_349 : i32 to index
      %swap3A_351 = arith.index_cast %add3A_292 : i32 to index
      %swap3A_352 = arith.constant 64 : index
      %swap3A_353 = tpu.vector_load %arg6[%swap3A_350, %swap3A_351, %swap3A_352] {strides = array<i32>} : memref<2x80x128xf32, #tpu.memory_space<vmem>>, vector<16xf32>,
      tpu.vector_store %arg6[%swap3A_350, %swap3A_351, %swap3A_352], %mul3A_348 {strides = array<i32>} : memref<2x80x128xf32, #tpu.memory_space<vmem>>, vector<16xf32>,
      %get3A_354 = arith.constant 0 : i32
      %get3A_355 = arith.index_cast %get3A_354 : i32 to index
      %get3A_356 = arith.index_cast %add3A_292 : i32 to index
      %get3A_357 = arith.constant 80 : index
      %get3A_358 = tpu.vector_load %arg6[%get3A_355, %get3A_356, %get3A_357] {strides = array<i32>} : memref<2x80x128xf32, #tpu.memory_space<vmem>>, vector<16xf32>,
      %mul3A_359 = arith.mulf %get3A_358, %gather3A_298 : vector<16xf32>
      %swap3A_360 = arith.constant 0 : i32
      %swap3A_361 = arith.index_cast %swap3A_360 : i32 to index
      %swap3A_362 = arith.index_cast %add3A_292 : i32 to index
      %swap3A_363 = arith.constant 80 : index
      %swap3A_364 = tpu.vector_load %arg6[%swap3A_361, %swap3A_362, %swap3A_363] {strides = array<i32>} : memref<2x80x128xf32, #tpu.memory_space<vmem>>, vector<16xf32>,
      tpu.vector_store %arg6[%swap3A_361, %swap3A_362, %swap3A_363], %mul3A_359 {strides = array<i32>} : memref<2x80x128xf32, #tpu.memory_space<vmem>>, vector<16xf32>,
      %get3A_365 = arith.constant 0 : i32
      %get3A_366 = arith.index_cast %get3A_365 : i32 to index
      %get3A_367 = arith.index_cast %add3A_292 : i32 to index
      %get3A_368 = arith.constant 96 : index
      %get3A_369 = tpu.vector_load %arg6[%get3A_366, %get3A_367, %get3A_368] {strides = array<i32>} : memref<2x80x128xf32, #tpu.memory_space<vmem>>, vector<16xf32>,
      %mul3A_370 = arith.mulf %get3A_369, %gather3A_298 : vector<16xf32>
      %swap3A_371 = arith.constant 0 : i32
      %swap3A_372 = arith.index_cast %swap3A_371 : i32 to index
      %swap3A_373 = arith.index_cast %add3A_292 : i32 to index
      %swap3A_374 = arith.constant 96 : index
      %swap3A_375 = tpu.vector_load %arg6[%swap3A_372, %swap3A_373, %swap3A_374] {strides = array<i32>} : memref<2x80x128xf32, #tpu.memory_space<vmem>>, vector<16xf32>,
      tpu.vector_store %arg6[%swap3A_372, %swap3A_373, %swap3A_374], %mul3A_370 {strides = array<i32>} : memref<2x80x128xf32, #tpu.memory_space<vmem>>, vector<16xf32>,
      %get3A_376 = arith.constant 0 : i32
      %get3A_377 = arith.index_cast %get3A_376 : i32 to index
      %get3A_378 = arith.index_cast %add3A_292 : i32 to index
      %get3A_379 = arith.constant 112 : index
      %get3A_380 = tpu.vector_load %arg6[%get3A_377, %get3A_378, %get3A_379] {strides = array<i32>} : memref<2x80x128xf32, #tpu.memory_space<vmem>>, vector<16xf32>,
      %mul3A_381 = arith.mulf %get3A_380, %gather3A_298 : vector<16xf32>
      %swap3A_382 = arith.constant 0 : i32
      %swap3A_383 = arith.index_cast %swap3A_382 : i32 to index
      %swap3A_384 = arith.index_cast %add3A_292 : i32 to index
      %swap3A_385 = arith.constant 112 : index
      %swap3A_386 = tpu.vector_load %arg6[%swap3A_383, %swap3A_384, %swap3A_385] {strides = array<i32>} : memref<2x80x128xf32, #tpu.memory_space<vmem>>, vector<16xf32>,
      tpu.vector_store %arg6[%swap3A_383, %swap3A_384, %swap3A_385], %mul3A_381 {strides = array<i32>} : memref<2x80x128xf32, #tpu.memory_space<vmem>>, vector<16xf32>,
    }
    %scan3A_140 = arith.constant 40 : i32
    %run_scoped3A = arith.constant 0 : i32
    %run_scoped3A_141 = arith.constant 0 : i32
    "tpu.region"() ({
      %run_scoped3A_194 = tpu.sem_alloc : memref<!tpu.dma_semaphore, #tpu.memory_space<semaphore_mem>>
      %dma_start3A_195 = arith.constant 0 : i32
      %dma_start3A_196 = arith.constant 0 : i32
      %dma_start3A_197 = tpu.memref_slice %arg6[%run_scoped3A, %dma_start3A_195, %dma_start3A_196] : memref<2x80x128xf32, #tpu.memory_space<vmem>> -> memref<1x80x128xf32, #tpu.memory_space<vmem>>
      %dma_start3A_198 = tpu.memref_squeeze %dma_start3A_197 : memref<1x80x128xf32, #tpu.memory_space<vmem>> -> memref<80x128xf32, #tpu.memory_space<vmem>>
      %dma_start3A_199 = arith.constant 0 : i32
      %dma_start3A_200 = tpu.memref_slice %arg8[%run_scoped3A_141, %dma_start3A_199] : memref<2x80xi32, #tpu.memory_space<vmem>> -> memref<1x80xi32, #tpu.memory_space<vmem>>
      %dma_start3A_201 = tpu.memref_squeeze %dma_start3A_200 : memref<1x80xi32, #tpu.memory_space<vmem>> -> memref<80xi32, #tpu.memory_space<vmem>>
      %dma_start3A_202 = arith.constant 0 : i32
      %dma_start3A_203 = arith.constant 0 : i32
      %dma_start3A_204 = tpu.memref_slice %arg10[%dma_start3A_202, %dma_start3A_203] : memref<10000x128xf32, #tpu.memory_space<vmem_shared>> -> memref<10000x128xf32, #tpu.memory_space<vmem_shared>>
      tpu.enqueue_indirect_dma source(%dma_start3A_198 : memref<80x128xf32, #tpu.memory_space<vmem>>) target(%dma_start3A_204 : memref<10000x128xf32, #tpu.memory_space<vmem_shared>>) offsets(%dma_start3A_201 : memref<80xi32, #tpu.memory_space<vmem>>) semaphore(%run_scoped3A_194 : memref<!tpu.dma_semaphore, #tpu.memory_space<semaphore_mem>>) {add = true}
      %dma_wait3A_205 = arith.constant 0 : i32
      %dma_wait3A_206 = arith.constant 0 : i32
      %dma_wait3A_207 = tpu.memref_slice %arg6[%run_scoped3A, %dma_wait3A_205, %dma_wait3A_206] : memref<2x80x128xf32, #tpu.memory_space<vmem>> -> memref<1x80x128xf32, #tpu.memory_space<vmem>>
      %dma_wait3A_208 = tpu.memref_squeeze %dma_wait3A_207 : memref<1x80x128xf32, #tpu.memory_space<vmem>> -> memref<80x128xf32, #tpu.memory_space<vmem>>
      %dma_wait3A_209 = arith.constant 0 : i32
      %dma_wait3A_210 = tpu.memref_slice %arg8[%run_scoped3A_141, %dma_wait3A_209] : memref<2x80xi32, #tpu.memory_space<vmem>> -> memref<1x80xi32, #tpu.memory_space<vmem>>
      %dma_wait3A_211 = tpu.memref_squeeze %dma_wait3A_210 : memref<1x80xi32, #tpu.memory_space<vmem>> -> memref<80xi32, #tpu.memory_space<vmem>>
      %dma_wait3A_212 = arith.constant 0 : i32
      %dma_wait3A_213 = arith.constant 0 : i32
      %dma_wait3A_214 = tpu.memref_slice %arg10[%dma_wait3A_212, %dma_wait3A_213] : memref<10000x128xf32, #tpu.memory_space<vmem_shared>> -> memref<10000x128xf32, #tpu.memory_space<vmem_shared>>
      tpu.wait_indirect_dma semaphore(%run_scoped3A_194 : memref<!tpu.dma_semaphore, #tpu.memory_space<semaphore_mem>>) src(%dma_wait3A_208 : memref<80x128xf32, #tpu.memory_space<vmem>>) dst(%dma_wait3A_214 : memref<10000x128xf32, #tpu.memory_space<vmem_shared>>)
      tpu.yield
    }) : () -> ()
    %add3A_142 = arith.constant 5040 : i32
    %add3A_143 = arith.addi %add3A_8, %add3A_142 : i32
    %add3A_144 = arith.constant 5040 : i32
    %add3A_145 = arith.addi %add3A_4, %add3A_144 : i32
    %add3A_146 = arith.constant 5040 : i32
    %add3A_147 = arith.addi %add3A_8, %add3A_146 : i32
    %dma_wait3A_148 = arith.constant 1 : i32
    %dma_wait3A_149 = arith.constant 0 : i32
    %dma_wait3A_150 = arith.constant 0 : i32
    %dma_wait3A_151 = tpu.memref_slice %arg6[%dma_wait3A_148, %dma_wait3A_149, %dma_wait3A_150] : memref<2x80x128xf32, #tpu.memory_space<vmem>> -> memref<1x80x128xf32, #tpu.memory_space<vmem>>
    %dma_wait3A_152 = tpu.memref_squeeze %dma_wait3A_151 : memref<1x80x128xf32, #tpu.memory_space<vmem>> -> memref<80x128xf32, #tpu.memory_space<vmem>>
    %dma_wait3A_153 = arith.constant 0 : i32
    %dma_wait3A_154 = tpu.memref_slice %arg2[%add3A_143, %dma_wait3A_153] : memref<320000x128xf32, #tpu.memory_space<hbm>> -> memref<80x128xf32, #tpu.memory_space<hbm>>
    %dma_wait3A_155 = arith.constant 0 : i32
    %dma_wait3A_156 = arith.constant 0 : i32
    %dma_wait3A_157 = tpu.memref_slice %arg6[%dma_wait3A_148, %dma_wait3A_155, %dma_wait3A_156] : memref<2x80x128xf32, #tpu.memory_space<vmem>> -> memref<1x80x128xf32, #tpu.memory_space<vmem>>
    %dma_wait3A_158 = tpu.memref_squeeze %dma_wait3A_157 : memref<1x80x128xf32, #tpu.memory_space<vmem>> -> memref<80x128xf32, #tpu.memory_space<vmem>>
    %dma_wait3A_159 = arith.constant 0 : i32
    %dma_wait3A_160 = tpu.memref_slice %arg2[%add3A_143, %dma_wait3A_159] : memref<320000x128xf32, #tpu.memory_space<hbm>> -> memref<80x128xf32, #tpu.memory_space<hbm>>
    tpu.wait_dma2 semaphore(%arg12 : memref<!tpu.dma_semaphore, #tpu.memory_space<semaphore_mem>>) src(%dma_wait3A_160 : memref<80x128xf32, #tpu.memory_space<hbm>>) dst(%dma_wait3A_158 : memref<80x128xf32, #tpu.memory_space<vmem>>)
    %dma_wait3A_161 = arith.constant 1 : i32
    %dma_wait3A_162 = arith.constant 0 : i32
    %dma_wait3A_163 = tpu.memref_slice %arg7[%dma_wait3A_161, %dma_wait3A_162] : memref<2x80xf32, #tpu.memory_space<vmem>> -> memref<1x80xf32, #tpu.memory_space<vmem>>
    %dma_wait3A_164 = tpu.memref_squeeze %dma_wait3A_163 : memref<1x80xf32, #tpu.memory_space<vmem>> -> memref<80xf32, #tpu.memory_space<vmem>>
    %dma_wait3A_165 = tpu.memref_slice %arg3[%add3A_145] : memref<163840xf32, #tpu.memory_space<hbm>> -> memref<80xf32, #tpu.memory_space<hbm>>
    %dma_wait3A_166 = arith.constant 0 : i32
    %dma_wait3A_167 = tpu.memref_slice %arg7[%dma_wait3A_161, %dma_wait3A_166] : memref<2x80xf32, #tpu.memory_space<vmem>> -> memref<1x80xf32, #tpu.memory_space<vmem>>
    %dma_wait3A_168 = tpu.memref_squeeze %dma_wait3A_167 : memref<1x80xf32, #tpu.memory_space<vmem>> -> memref<80xf32, #tpu.memory_space<vmem>>
    %dma_wait3A_169 = tpu.memref_slice %arg3[%add3A_145] : memref<163840xf32, #tpu.memory_space<hbm>> -> memref<80xf32, #tpu.memory_space<hbm>>
    tpu.wait_dma2 semaphore(%arg12 : memref<!tpu.dma_semaphore, #tpu.memory_space<semaphore_mem>>) src(%dma_wait3A_169 : memref<80xf32, #tpu.memory_space<hbm>>) dst(%dma_wait3A_168 : memref<80xf32, #tpu.memory_space<vmem>>)
    %dma_wait3A_170 = arith.constant 1 : i32
    %dma_wait3A_171 = arith.constant 0 : i32
    %dma_wait3A_172 = tpu.memref_slice %arg8[%dma_wait3A_170, %dma_wait3A_171] : memref<2x80xi32, #tpu.memory_space<vmem>> -> memref<1x80xi32, #tpu.memory_space<vmem>>
    %dma_wait3A_173 = tpu.memref_squeeze %dma_wait3A_172 : memref<1x80xi32, #tpu.memory_space<vmem>> -> memref<80xi32, #tpu.memory_space<vmem>>
    %dma_wait3A_174 = tpu.memref_slice %arg4[%add3A_147] : memref<320000xi32, #tpu.memory_space<hbm>> -> memref<80xi32, #tpu.memory_space<hbm>>
    %dma_wait3A_175 = arith.constant 0 : i32
    %dma_wait3A_176 = tpu.memref_slice %arg8[%dma_wait3A_170, %dma_wait3A_175] : memref<2x80xi32, #tpu.memory_space<vmem>> -> memref<1x80xi32, #tpu.memory_space<vmem>>
    %dma_wait3A_177 = tpu.memref_squeeze %dma_wait3A_176 : memref<1x80xi32, #tpu.memory_space<vmem>> -> memref<80xi32, #tpu.memory_space<vmem>>
    %dma_wait3A_178 = tpu.memref_slice %arg4[%add3A_147] : memref<320000xi32, #tpu.memory_space<hbm>> -> memref<80xi32, #tpu.memory_space<hbm>>
    tpu.wait_dma2 semaphore(%arg12 : memref<!tpu.dma_semaphore, #tpu.memory_space<semaphore_mem>>) src(%dma_wait3A_178 : memref<80xi32, #tpu.memory_space<hbm>>) dst(%dma_wait3A_177 : memref<80xi32, #tpu.memory_space<vmem>>)
    %scan3A_179 = arith.constant 0 : i32
    %scan3A_180 = arith.constant 0 : i32
    %scan3A_181 = arith.constant 40 : i32
    %scan3A_182 = arith.addi %scan3A_180, %scan3A_181 : i32
    %scan3A_183 = arith.constant 1 : i32
    scf.for %scan3A_194 = %scan3A_180 to %scan3A_182 step %scan3A_183  : i32 {
      %mul3A_195 = arith.constant 2 : i32
      %mul3A_196 = arith.muli %mul3A_195, %scan3A_194 : i32
      %add3A_197 = arith.constant 0 : i32
      %add3A_198 = arith.addi %mul3A_196, %add3A_197 : i32
      %broadcast_in_dim3A = vector.broadcast %add3A_198 : i32 to vector<16xi32>
      %gather3A = arith.constant 1 : i32
      %gather3A_199 = arith.constant 0 : i32
      %gather3A_200 = tpu.memref_slice %arg7[%gather3A, %gather3A_199] : memref<2x80xf32, #tpu.memory_space<vmem>> -> memref<1x80xf32, #tpu.memory_space<vmem>>
      %gather3A_201 = tpu.memref_squeeze %gather3A_200 : memref<1x80xf32, #tpu.memory_space<vmem>> -> memref<80xf32, #tpu.memory_space<vmem>>
      %gather3A_202 = tpu.vector_load_idx %gather3A_201[%broadcast_in_dim3A] : memref<80xf32, #tpu.memory_space<vmem>>[vector<16xi32>], vector<16xf32>,
      %get3A = arith.constant 1 : i32
      %get3A_203 = arith.index_cast %get3A : i32 to index
      %get3A_204 = arith.index_cast %add3A_198 : i32 to index
      %get3A_205 = arith.constant 0 : index
      %get3A_206 = tpu.vector_load %arg6[%get3A_203, %get3A_204, %get3A_205] {strides = array<i32>} : memref<2x80x128xf32, #tpu.memory_space<vmem>>, vector<16xf32>,
      %mul3A_207 = arith.mulf %get3A_206, %gather3A_202 : vector<16xf32>
      %swap3A = arith.constant 1 : i32
      %swap3A_208 = arith.index_cast %swap3A : i32 to index
      %swap3A_209 = arith.index_cast %add3A_198 : i32 to index
      %swap3A_210 = arith.constant 0 : index
      %swap3A_211 = tpu.vector_load %arg6[%swap3A_208, %swap3A_209, %swap3A_210] {strides = array<i32>} : memref<2x80x128xf32, #tpu.memory_space<vmem>>, vector<16xf32>,
      tpu.vector_store %arg6[%swap3A_208, %swap3A_209, %swap3A_210], %mul3A_207 {strides = array<i32>} : memref<2x80x128xf32, #tpu.memory_space<vmem>>, vector<16xf32>,
      %get3A_212 = arith.constant 1 : i32
      %get3A_213 = arith.index_cast %get3A_212 : i32 to index
      %get3A_214 = arith.index_cast %add3A_198 : i32 to index
      %get3A_215 = arith.constant 16 : index
      %get3A_216 = tpu.vector_load %arg6[%get3A_213, %get3A_214, %get3A_215] {strides = array<i32>} : memref<2x80x128xf32, #tpu.memory_space<vmem>>, vector<16xf32>,
      %mul3A_217 = arith.mulf %get3A_216, %gather3A_202 : vector<16xf32>
      %swap3A_218 = arith.constant 1 : i32
      %swap3A_219 = arith.index_cast %swap3A_218 : i32 to index
      %swap3A_220 = arith.index_cast %add3A_198 : i32 to index
      %swap3A_221 = arith.constant 16 : index
      %swap3A_222 = tpu.vector_load %arg6[%swap3A_219, %swap3A_220, %swap3A_221] {strides = array<i32>} : memref<2x80x128xf32, #tpu.memory_space<vmem>>, vector<16xf32>,
      tpu.vector_store %arg6[%swap3A_219, %swap3A_220, %swap3A_221], %mul3A_217 {strides = array<i32>} : memref<2x80x128xf32, #tpu.memory_space<vmem>>, vector<16xf32>,
      %get3A_223 = arith.constant 1 : i32
      %get3A_224 = arith.index_cast %get3A_223 : i32 to index
      %get3A_225 = arith.index_cast %add3A_198 : i32 to index
      %get3A_226 = arith.constant 32 : index
      %get3A_227 = tpu.vector_load %arg6[%get3A_224, %get3A_225, %get3A_226] {strides = array<i32>} : memref<2x80x128xf32, #tpu.memory_space<vmem>>, vector<16xf32>,
      %mul3A_228 = arith.mulf %get3A_227, %gather3A_202 : vector<16xf32>
      %swap3A_229 = arith.constant 1 : i32
      %swap3A_230 = arith.index_cast %swap3A_229 : i32 to index
      %swap3A_231 = arith.index_cast %add3A_198 : i32 to index
      %swap3A_232 = arith.constant 32 : index
      %swap3A_233 = tpu.vector_load %arg6[%swap3A_230, %swap3A_231, %swap3A_232] {strides = array<i32>} : memref<2x80x128xf32, #tpu.memory_space<vmem>>, vector<16xf32>,
      tpu.vector_store %arg6[%swap3A_230, %swap3A_231, %swap3A_232], %mul3A_228 {strides = array<i32>} : memref<2x80x128xf32, #tpu.memory_space<vmem>>, vector<16xf32>,
      %get3A_234 = arith.constant 1 : i32
      %get3A_235 = arith.index_cast %get3A_234 : i32 to index
      %get3A_236 = arith.index_cast %add3A_198 : i32 to index
      %get3A_237 = arith.constant 48 : index
      %get3A_238 = tpu.vector_load %arg6[%get3A_235, %get3A_236, %get3A_237] {strides = array<i32>} : memref<2x80x128xf32, #tpu.memory_space<vmem>>, vector<16xf32>,
      %mul3A_239 = arith.mulf %get3A_238, %gather3A_202 : vector<16xf32>
      %swap3A_240 = arith.constant 1 : i32
      %swap3A_241 = arith.index_cast %swap3A_240 : i32 to index
      %swap3A_242 = arith.index_cast %add3A_198 : i32 to index
      %swap3A_243 = arith.constant 48 : index
      %swap3A_244 = tpu.vector_load %arg6[%swap3A_241, %swap3A_242, %swap3A_243] {strides = array<i32>} : memref<2x80x128xf32, #tpu.memory_space<vmem>>, vector<16xf32>,
      tpu.vector_store %arg6[%swap3A_241, %swap3A_242, %swap3A_243], %mul3A_239 {strides = array<i32>} : memref<2x80x128xf32, #tpu.memory_space<vmem>>, vector<16xf32>,
      %get3A_245 = arith.constant 1 : i32
      %get3A_246 = arith.index_cast %get3A_245 : i32 to index
      %get3A_247 = arith.index_cast %add3A_198 : i32 to index
      %get3A_248 = arith.constant 64 : index
      %get3A_249 = tpu.vector_load %arg6[%get3A_246, %get3A_247, %get3A_248] {strides = array<i32>} : memref<2x80x128xf32, #tpu.memory_space<vmem>>, vector<16xf32>,
      %mul3A_250 = arith.mulf %get3A_249, %gather3A_202 : vector<16xf32>
      %swap3A_251 = arith.constant 1 : i32
      %swap3A_252 = arith.index_cast %swap3A_251 : i32 to index
      %swap3A_253 = arith.index_cast %add3A_198 : i32 to index
      %swap3A_254 = arith.constant 64 : index
      %swap3A_255 = tpu.vector_load %arg6[%swap3A_252, %swap3A_253, %swap3A_254] {strides = array<i32>} : memref<2x80x128xf32, #tpu.memory_space<vmem>>, vector<16xf32>,
      tpu.vector_store %arg6[%swap3A_252, %swap3A_253, %swap3A_254], %mul3A_250 {strides = array<i32>} : memref<2x80x128xf32, #tpu.memory_space<vmem>>, vector<16xf32>,
      %get3A_256 = arith.constant 1 : i32
      %get3A_257 = arith.index_cast %get3A_256 : i32 to index
      %get3A_258 = arith.index_cast %add3A_198 : i32 to index
      %get3A_259 = arith.constant 80 : index
      %get3A_260 = tpu.vector_load %arg6[%get3A_257, %get3A_258, %get3A_259] {strides = array<i32>} : memref<2x80x128xf32, #tpu.memory_space<vmem>>, vector<16xf32>,
      %mul3A_261 = arith.mulf %get3A_260, %gather3A_202 : vector<16xf32>
      %swap3A_262 = arith.constant 1 : i32
      %swap3A_263 = arith.index_cast %swap3A_262 : i32 to index
      %swap3A_264 = arith.index_cast %add3A_198 : i32 to index
      %swap3A_265 = arith.constant 80 : index
      %swap3A_266 = tpu.vector_load %arg6[%swap3A_263, %swap3A_264, %swap3A_265] {strides = array<i32>} : memref<2x80x128xf32, #tpu.memory_space<vmem>>, vector<16xf32>,
      tpu.vector_store %arg6[%swap3A_263, %swap3A_264, %swap3A_265], %mul3A_261 {strides = array<i32>} : memref<2x80x128xf32, #tpu.memory_space<vmem>>, vector<16xf32>,
      %get3A_267 = arith.constant 1 : i32
      %get3A_268 = arith.index_cast %get3A_267 : i32 to index
      %get3A_269 = arith.index_cast %add3A_198 : i32 to index
      %get3A_270 = arith.constant 96 : index
      %get3A_271 = tpu.vector_load %arg6[%get3A_268, %get3A_269, %get3A_270] {strides = array<i32>} : memref<2x80x128xf32, #tpu.memory_space<vmem>>, vector<16xf32>,
      %mul3A_272 = arith.mulf %get3A_271, %gather3A_202 : vector<16xf32>
      %swap3A_273 = arith.constant 1 : i32
      %swap3A_274 = arith.index_cast %swap3A_273 : i32 to index
      %swap3A_275 = arith.index_cast %add3A_198 : i32 to index
      %swap3A_276 = arith.constant 96 : index
      %swap3A_277 = tpu.vector_load %arg6[%swap3A_274, %swap3A_275, %swap3A_276] {strides = array<i32>} : memref<2x80x128xf32, #tpu.memory_space<vmem>>, vector<16xf32>,
      tpu.vector_store %arg6[%swap3A_274, %swap3A_275, %swap3A_276], %mul3A_272 {strides = array<i32>} : memref<2x80x128xf32, #tpu.memory_space<vmem>>, vector<16xf32>,
      %get3A_278 = arith.constant 1 : i32
      %get3A_279 = arith.index_cast %get3A_278 : i32 to index
      %get3A_280 = arith.index_cast %add3A_198 : i32 to index
      %get3A_281 = arith.constant 112 : index
      %get3A_282 = tpu.vector_load %arg6[%get3A_279, %get3A_280, %get3A_281] {strides = array<i32>} : memref<2x80x128xf32, #tpu.memory_space<vmem>>, vector<16xf32>,
      %mul3A_283 = arith.mulf %get3A_282, %gather3A_202 : vector<16xf32>
      %swap3A_284 = arith.constant 1 : i32
      %swap3A_285 = arith.index_cast %swap3A_284 : i32 to index
      %swap3A_286 = arith.index_cast %add3A_198 : i32 to index
      %swap3A_287 = arith.constant 112 : index
      %swap3A_288 = tpu.vector_load %arg6[%swap3A_285, %swap3A_286, %swap3A_287] {strides = array<i32>} : memref<2x80x128xf32, #tpu.memory_space<vmem>>, vector<16xf32>,
      tpu.vector_store %arg6[%swap3A_285, %swap3A_286, %swap3A_287], %mul3A_283 {strides = array<i32>} : memref<2x80x128xf32, #tpu.memory_space<vmem>>, vector<16xf32>,
      %mul3A_289 = arith.constant 2 : i32
      %mul3A_290 = arith.muli %mul3A_289, %scan3A_194 : i32
      %add3A_291 = arith.constant 1 : i32
      %add3A_292 = arith.addi %mul3A_290, %add3A_291 : i32
      %broadcast_in_dim3A_293 = vector.broadcast %add3A_292 : i32 to vector<16xi32>
      %gather3A_294 = arith.constant 1 : i32
      %gather3A_295 = arith.constant 0 : i32
      %gather3A_296 = tpu.memref_slice %arg7[%gather3A_294, %gather3A_295] : memref<2x80xf32, #tpu.memory_space<vmem>> -> memref<1x80xf32, #tpu.memory_space<vmem>>
      %gather3A_297 = tpu.memref_squeeze %gather3A_296 : memref<1x80xf32, #tpu.memory_space<vmem>> -> memref<80xf32, #tpu.memory_space<vmem>>
      %gather3A_298 = tpu.vector_load_idx %gather3A_297[%broadcast_in_dim3A_293] : memref<80xf32, #tpu.memory_space<vmem>>[vector<16xi32>], vector<16xf32>,
      %get3A_299 = arith.constant 1 : i32
      %get3A_300 = arith.index_cast %get3A_299 : i32 to index
      %get3A_301 = arith.index_cast %add3A_292 : i32 to index
      %get3A_302 = arith.constant 0 : index
      %get3A_303 = tpu.vector_load %arg6[%get3A_300, %get3A_301, %get3A_302] {strides = array<i32>} : memref<2x80x128xf32, #tpu.memory_space<vmem>>, vector<16xf32>,
      %mul3A_304 = arith.mulf %get3A_303, %gather3A_298 : vector<16xf32>
      %swap3A_305 = arith.constant 1 : i32
      %swap3A_306 = arith.index_cast %swap3A_305 : i32 to index
      %swap3A_307 = arith.index_cast %add3A_292 : i32 to index
      %swap3A_308 = arith.constant 0 : index
      %swap3A_309 = tpu.vector_load %arg6[%swap3A_306, %swap3A_307, %swap3A_308] {strides = array<i32>} : memref<2x80x128xf32, #tpu.memory_space<vmem>>, vector<16xf32>,
      tpu.vector_store %arg6[%swap3A_306, %swap3A_307, %swap3A_308], %mul3A_304 {strides = array<i32>} : memref<2x80x128xf32, #tpu.memory_space<vmem>>, vector<16xf32>,
      %get3A_310 = arith.constant 1 : i32
      %get3A_311 = arith.index_cast %get3A_310 : i32 to index
      %get3A_312 = arith.index_cast %add3A_292 : i32 to index
      %get3A_313 = arith.constant 16 : index
      %get3A_314 = tpu.vector_load %arg6[%get3A_311, %get3A_312, %get3A_313] {strides = array<i32>} : memref<2x80x128xf32, #tpu.memory_space<vmem>>, vector<16xf32>,
      %mul3A_315 = arith.mulf %get3A_314, %gather3A_298 : vector<16xf32>
      %swap3A_316 = arith.constant 1 : i32
      %swap3A_317 = arith.index_cast %swap3A_316 : i32 to index
      %swap3A_318 = arith.index_cast %add3A_292 : i32 to index
      %swap3A_319 = arith.constant 16 : index
      %swap3A_320 = tpu.vector_load %arg6[%swap3A_317, %swap3A_318, %swap3A_319] {strides = array<i32>} : memref<2x80x128xf32, #tpu.memory_space<vmem>>, vector<16xf32>,
      tpu.vector_store %arg6[%swap3A_317, %swap3A_318, %swap3A_319], %mul3A_315 {strides = array<i32>} : memref<2x80x128xf32, #tpu.memory_space<vmem>>, vector<16xf32>,
      %get3A_321 = arith.constant 1 : i32
      %get3A_322 = arith.index_cast %get3A_321 : i32 to index
      %get3A_323 = arith.index_cast %add3A_292 : i32 to index
      %get3A_324 = arith.constant 32 : index
      %get3A_325 = tpu.vector_load %arg6[%get3A_322, %get3A_323, %get3A_324] {strides = array<i32>} : memref<2x80x128xf32, #tpu.memory_space<vmem>>, vector<16xf32>,
      %mul3A_326 = arith.mulf %get3A_325, %gather3A_298 : vector<16xf32>
      %swap3A_327 = arith.constant 1 : i32
      %swap3A_328 = arith.index_cast %swap3A_327 : i32 to index
      %swap3A_329 = arith.index_cast %add3A_292 : i32 to index
      %swap3A_330 = arith.constant 32 : index
      %swap3A_331 = tpu.vector_load %arg6[%swap3A_328, %swap3A_329, %swap3A_330] {strides = array<i32>} : memref<2x80x128xf32, #tpu.memory_space<vmem>>, vector<16xf32>,
      tpu.vector_store %arg6[%swap3A_328, %swap3A_329, %swap3A_330], %mul3A_326 {strides = array<i32>} : memref<2x80x128xf32, #tpu.memory_space<vmem>>, vector<16xf32>,
      %get3A_332 = arith.constant 1 : i32
      %get3A_333 = arith.index_cast %get3A_332 : i32 to index
      %get3A_334 = arith.index_cast %add3A_292 : i32 to index
      %get3A_335 = arith.constant 48 : index
      %get3A_336 = tpu.vector_load %arg6[%get3A_333, %get3A_334, %get3A_335] {strides = array<i32>} : memref<2x80x128xf32, #tpu.memory_space<vmem>>, vector<16xf32>,
      %mul3A_337 = arith.mulf %get3A_336, %gather3A_298 : vector<16xf32>
      %swap3A_338 = arith.constant 1 : i32
      %swap3A_339 = arith.index_cast %swap3A_338 : i32 to index
      %swap3A_340 = arith.index_cast %add3A_292 : i32 to index
      %swap3A_341 = arith.constant 48 : index
      %swap3A_342 = tpu.vector_load %arg6[%swap3A_339, %swap3A_340, %swap3A_341] {strides = array<i32>} : memref<2x80x128xf32, #tpu.memory_space<vmem>>, vector<16xf32>,
      tpu.vector_store %arg6[%swap3A_339, %swap3A_340, %swap3A_341], %mul3A_337 {strides = array<i32>} : memref<2x80x128xf32, #tpu.memory_space<vmem>>, vector<16xf32>,
      %get3A_343 = arith.constant 1 : i32
      %get3A_344 = arith.index_cast %get3A_343 : i32 to index
      %get3A_345 = arith.index_cast %add3A_292 : i32 to index
      %get3A_346 = arith.constant 64 : index
      %get3A_347 = tpu.vector_load %arg6[%get3A_344, %get3A_345, %get3A_346] {strides = array<i32>} : memref<2x80x128xf32, #tpu.memory_space<vmem>>, vector<16xf32>,
      %mul3A_348 = arith.mulf %get3A_347, %gather3A_298 : vector<16xf32>
      %swap3A_349 = arith.constant 1 : i32
      %swap3A_350 = arith.index_cast %swap3A_349 : i32 to index
      %swap3A_351 = arith.index_cast %add3A_292 : i32 to index
      %swap3A_352 = arith.constant 64 : index
      %swap3A_353 = tpu.vector_load %arg6[%swap3A_350, %swap3A_351, %swap3A_352] {strides = array<i32>} : memref<2x80x128xf32, #tpu.memory_space<vmem>>, vector<16xf32>,
      tpu.vector_store %arg6[%swap3A_350, %swap3A_351, %swap3A_352], %mul3A_348 {strides = array<i32>} : memref<2x80x128xf32, #tpu.memory_space<vmem>>, vector<16xf32>,
      %get3A_354 = arith.constant 1 : i32
      %get3A_355 = arith.index_cast %get3A_354 : i32 to index
      %get3A_356 = arith.index_cast %add3A_292 : i32 to index
      %get3A_357 = arith.constant 80 : index
      %get3A_358 = tpu.vector_load %arg6[%get3A_355, %get3A_356, %get3A_357] {strides = array<i32>} : memref<2x80x128xf32, #tpu.memory_space<vmem>>, vector<16xf32>,
      %mul3A_359 = arith.mulf %get3A_358, %gather3A_298 : vector<16xf32>
      %swap3A_360 = arith.constant 1 : i32
      %swap3A_361 = arith.index_cast %swap3A_360 : i32 to index
      %swap3A_362 = arith.index_cast %add3A_292 : i32 to index
      %swap3A_363 = arith.constant 80 : index
      %swap3A_364 = tpu.vector_load %arg6[%swap3A_361, %swap3A_362, %swap3A_363] {strides = array<i32>} : memref<2x80x128xf32, #tpu.memory_space<vmem>>, vector<16xf32>,
      tpu.vector_store %arg6[%swap3A_361, %swap3A_362, %swap3A_363], %mul3A_359 {strides = array<i32>} : memref<2x80x128xf32, #tpu.memory_space<vmem>>, vector<16xf32>,
      %get3A_365 = arith.constant 1 : i32
      %get3A_366 = arith.index_cast %get3A_365 : i32 to index
      %get3A_367 = arith.index_cast %add3A_292 : i32 to index
      %get3A_368 = arith.constant 96 : index
      %get3A_369 = tpu.vector_load %arg6[%get3A_366, %get3A_367, %get3A_368] {strides = array<i32>} : memref<2x80x128xf32, #tpu.memory_space<vmem>>, vector<16xf32>,
      %mul3A_370 = arith.mulf %get3A_369, %gather3A_298 : vector<16xf32>
      %swap3A_371 = arith.constant 1 : i32
      %swap3A_372 = arith.index_cast %swap3A_371 : i32 to index
      %swap3A_373 = arith.index_cast %add3A_292 : i32 to index
      %swap3A_374 = arith.constant 96 : index
      %swap3A_375 = tpu.vector_load %arg6[%swap3A_372, %swap3A_373, %swap3A_374] {strides = array<i32>} : memref<2x80x128xf32, #tpu.memory_space<vmem>>, vector<16xf32>,
      tpu.vector_store %arg6[%swap3A_372, %swap3A_373, %swap3A_374], %mul3A_370 {strides = array<i32>} : memref<2x80x128xf32, #tpu.memory_space<vmem>>, vector<16xf32>,
      %get3A_376 = arith.constant 1 : i32
      %get3A_377 = arith.index_cast %get3A_376 : i32 to index
      %get3A_378 = arith.index_cast %add3A_292 : i32 to index
      %get3A_379 = arith.constant 112 : index
      %get3A_380 = tpu.vector_load %arg6[%get3A_377, %get3A_378, %get3A_379] {strides = array<i32>} : memref<2x80x128xf32, #tpu.memory_space<vmem>>, vector<16xf32>,
      %mul3A_381 = arith.mulf %get3A_380, %gather3A_298 : vector<16xf32>
      %swap3A_382 = arith.constant 1 : i32
      %swap3A_383 = arith.index_cast %swap3A_382 : i32 to index
      %swap3A_384 = arith.index_cast %add3A_292 : i32 to index
      %swap3A_385 = arith.constant 112 : index
      %swap3A_386 = tpu.vector_load %arg6[%swap3A_383, %swap3A_384, %swap3A_385] {strides = array<i32>} : memref<2x80x128xf32, #tpu.memory_space<vmem>>, vector<16xf32>,
      tpu.vector_store %arg6[%swap3A_383, %swap3A_384, %swap3A_385], %mul3A_381 {strides = array<i32>} : memref<2x80x128xf32, #tpu.memory_space<vmem>>, vector<16xf32>,
    }
    %scan3A_184 = arith.constant 40 : i32
    %run_scoped3A_185 = arith.constant 1 : i32
    %run_scoped3A_186 = arith.constant 1 : i32
    "tpu.region"() ({
      %run_scoped3A_194 = tpu.sem_alloc : memref<!tpu.dma_semaphore, #tpu.memory_space<semaphore_mem>>
      %dma_start3A_195 = arith.constant 0 : i32
      %dma_start3A_196 = arith.constant 0 : i32
      %dma_start3A_197 = tpu.memref_slice %arg6[%run_scoped3A_185, %dma_start3A_195, %dma_start3A_196] : memref<2x80x128xf32, #tpu.memory_space<vmem>> -> memref<1x80x128xf32, #tpu.memory_space<vmem>>
      %dma_start3A_198 = tpu.memref_squeeze %dma_start3A_197 : memref<1x80x128xf32, #tpu.memory_space<vmem>> -> memref<80x128xf32, #tpu.memory_space<vmem>>
      %dma_start3A_199 = arith.constant 0 : i32
      %dma_start3A_200 = tpu.memref_slice %arg8[%run_scoped3A_186, %dma_start3A_199] : memref<2x80xi32, #tpu.memory_space<vmem>> -> memref<1x80xi32, #tpu.memory_space<vmem>>
      %dma_start3A_201 = tpu.memref_squeeze %dma_start3A_200 : memref<1x80xi32, #tpu.memory_space<vmem>> -> memref<80xi32, #tpu.memory_space<vmem>>
      %dma_start3A_202 = arith.constant 0 : i32
      %dma_start3A_203 = arith.constant 0 : i32
      %dma_start3A_204 = tpu.memref_slice %arg10[%dma_start3A_202, %dma_start3A_203] : memref<10000x128xf32, #tpu.memory_space<vmem_shared>> -> memref<10000x128xf32, #tpu.memory_space<vmem_shared>>
      tpu.enqueue_indirect_dma source(%dma_start3A_198 : memref<80x128xf32, #tpu.memory_space<vmem>>) target(%dma_start3A_204 : memref<10000x128xf32, #tpu.memory_space<vmem_shared>>) offsets(%dma_start3A_201 : memref<80xi32, #tpu.memory_space<vmem>>) semaphore(%run_scoped3A_194 : memref<!tpu.dma_semaphore, #tpu.memory_space<semaphore_mem>>) {add = true}
      %dma_wait3A_205 = arith.constant 0 : i32
      %dma_wait3A_206 = arith.constant 0 : i32
      %dma_wait3A_207 = tpu.memref_slice %arg6[%run_scoped3A_185, %dma_wait3A_205, %dma_wait3A_206] : memref<2x80x128xf32, #tpu.memory_space<vmem>> -> memref<1x80x128xf32, #tpu.memory_space<vmem>>
      %dma_wait3A_208 = tpu.memref_squeeze %dma_wait3A_207 : memref<1x80x128xf32, #tpu.memory_space<vmem>> -> memref<80x128xf32, #tpu.memory_space<vmem>>
      %dma_wait3A_209 = arith.constant 0 : i32
      %dma_wait3A_210 = tpu.memref_slice %arg8[%run_scoped3A_186, %dma_wait3A_209] : memref<2x80xi32, #tpu.memory_space<vmem>> -> memref<1x80xi32, #tpu.memory_space<vmem>>
      %dma_wait3A_211 = tpu.memref_squeeze %dma_wait3A_210 : memref<1x80xi32, #tpu.memory_space<vmem>> -> memref<80xi32, #tpu.memory_space<vmem>>
      %dma_wait3A_212 = arith.constant 0 : i32
      %dma_wait3A_213 = arith.constant 0 : i32
      %dma_wait3A_214 = tpu.memref_slice %arg10[%dma_wait3A_212, %dma_wait3A_213] : memref<10000x128xf32, #tpu.memory_space<vmem_shared>> -> memref<10000x128xf32, #tpu.memory_space<vmem_shared>>
      tpu.wait_indirect_dma semaphore(%run_scoped3A_194 : memref<!tpu.dma_semaphore, #tpu.memory_space<semaphore_mem>>) src(%dma_wait3A_208 : memref<80x128xf32, #tpu.memory_space<vmem>>) dst(%dma_wait3A_214 : memref<10000x128xf32, #tpu.memory_space<vmem_shared>>)
      tpu.yield
    }) : () -> ()
    %barrier3A_187 = arith.constant 0 : index
    tpu.barrier barrier_id(%barrier3A_187)
    %lt3A = arith.constant 15 : i32
    %lt3A_188 = arith.cmpi slt, %arg1, %lt3A : i32
    %convert_element_type3A = arith.extui %lt3A_188 : i1 to i32
    %cond3A = arith.constant 0 : i32
    %cond3A_189 = arith.cmpi ne, %convert_element_type3A, %cond3A : i32
    scf.if %cond3A_189 {
      %mul3A_194 = arith.constant 624 : i32
      %mul3A_195 = arith.muli %arg1, %mul3A_194 : i32
      %mul3A_196 = arith.constant 10000 : i32
      %mul3A_197 = arith.muli %arg0, %mul3A_196 : i32
      %mul3A_198 = arith.constant 624 : i32
      %mul3A_199 = arith.muli %arg1, %mul3A_198 : i32
      %add3A_200 = arith.addi %mul3A_197, %mul3A_199 : i32
      "tpu.region"() ({
        %run_scoped3A_201 = tpu.sem_alloc : memref<!tpu.dma_semaphore, #tpu.memory_space<semaphore_mem>>
        %dma_start3A_202 = arith.constant 0 : i32
        %dma_start3A_203 = tpu.memref_slice %arg5[%add3A_200, %dma_start3A_202] : memref<20000x128xf32, #tpu.memory_space<hbm>> -> memref<624x128xf32, #tpu.memory_space<hbm>>
        %dma_start3A_204 = arith.constant 0 : i32
        %dma_start3A_205 = tpu.memref_slice %arg10[%mul3A_195, %dma_start3A_204] : memref<10000x128xf32, #tpu.memory_space<vmem_shared>> -> memref<624x128xf32, #tpu.memory_space<vmem_shared>>
        tpu.enqueue_dma source(%dma_start3A_205 : memref<624x128xf32, #tpu.memory_space<vmem_shared>>) target(%dma_start3A_203 : memref<624x128xf32, #tpu.memory_space<hbm>>) target_semaphore(%run_scoped3A_201 : memref<!tpu.dma_semaphore, #tpu.memory_space<semaphore_mem>>)
        %dma_wait3A_206 = arith.constant 0 : i32
        %dma_wait3A_207 = tpu.memref_slice %arg5[%add3A_200, %dma_wait3A_206] : memref<20000x128xf32, #tpu.memory_space<hbm>> -> memref<624x128xf32, #tpu.memory_space<hbm>>
        %dma_wait3A_208 = arith.constant 0 : i32
        %dma_wait3A_209 = tpu.memref_slice %arg10[%mul3A_195, %dma_wait3A_208] : memref<10000x128xf32, #tpu.memory_space<vmem_shared>> -> memref<624x128xf32, #tpu.memory_space<vmem_shared>>
        tpu.wait_dma2 semaphore(%run_scoped3A_201 : memref<!tpu.dma_semaphore, #tpu.memory_space<semaphore_mem>>) src(%dma_wait3A_209 : memref<624x128xf32, #tpu.memory_space<vmem_shared>>) dst(%dma_wait3A_207 : memref<624x128xf32, #tpu.memory_space<hbm>>)
        tpu.yield
      }) : () -> ()
    } else {
    }
    %eq3A = arith.constant 15 : i32
    %eq3A_190 = arith.cmpi eq, %arg1, %eq3A : i32
    %convert_element_type3A_191 = arith.extui %eq3A_190 : i1 to i32
    %cond3A_192 = arith.constant 0 : i32
    %cond3A_193 = arith.cmpi ne, %convert_element_type3A_191, %cond3A_192 : i32
    scf.if %cond3A_193 {
      %mul3A_194 = arith.constant 10000 : i32
      %mul3A_195 = arith.muli %arg0, %mul3A_194 : i32
      %add3A_196 = arith.constant 9360 : i32
      %add3A_197 = arith.addi %mul3A_195, %add3A_196 : i32
      "tpu.region"() ({
        %run_scoped3A_198 = tpu.sem_alloc : memref<!tpu.dma_semaphore, #tpu.memory_space<semaphore_mem>>
        %dma_start3A_199 = arith.constant 0 : i32
        %dma_start3A_200 = tpu.memref_slice %arg5[%add3A_197, %dma_start3A_199] : memref<20000x128xf32, #tpu.memory_space<hbm>> -> memref<640x128xf32, #tpu.memory_space<hbm>>
        %dma_start3A_201 = arith.constant 9360 : i32
        %dma_start3A_202 = arith.constant 0 : i32
        %dma_start3A_203 = tpu.memref_slice %arg10[%dma_start3A_201, %dma_start3A_202] : memref<10000x128xf32, #tpu.memory_space<vmem_shared>> -> memref<640x128xf32, #tpu.memory_space<vmem_shared>>
        tpu.enqueue_dma source(%dma_start3A_203 : memref<640x128xf32, #tpu.memory_space<vmem_shared>>) target(%dma_start3A_200 : memref<640x128xf32, #tpu.memory_space<hbm>>) target_semaphore(%run_scoped3A_198 : memref<!tpu.dma_semaphore, #tpu.memory_space<semaphore_mem>>)
        %dma_wait3A_204 = arith.constant 0 : i32
        %dma_wait3A_205 = tpu.memref_slice %arg5[%add3A_197, %dma_wait3A_204] : memref<20000x128xf32, #tpu.memory_space<hbm>> -> memref<640x128xf32, #tpu.memory_space<hbm>>
        %dma_wait3A_206 = arith.constant 9360 : i32
        %dma_wait3A_207 = arith.constant 0 : i32
        %dma_wait3A_208 = tpu.memref_slice %arg10[%dma_wait3A_206, %dma_wait3A_207] : memref<10000x128xf32, #tpu.memory_space<vmem_shared>> -> memref<640x128xf32, #tpu.memory_space<vmem_shared>>
        tpu.wait_dma2 semaphore(%run_scoped3A_198 : memref<!tpu.dma_semaphore, #tpu.memory_space<semaphore_mem>>) src(%dma_wait3A_208 : memref<640x128xf32, #tpu.memory_space<vmem_shared>>) dst(%dma_wait3A_205 : memref<640x128xf32, #tpu.memory_space<hbm>>)
        tpu.yield
      }) : () -> ()
    } else {
    }
    return
  }
}

#map = affine_map<(d0, d1) -> (0, 0)>
#map1 = affine_map<(d0, d1) -> (0)>
module attributes {stable_mosaic.version = 14 : i64} {
  func.func @_sc_scatter(%arg0: i32, %arg1: i32, %arg2: memref<320000x128xf32, #tpu.memory_space<hbm>>, %arg3: memref<163840xf32, #tpu.memory_space<hbm>>, %arg4: memref<320000xi32, #tpu.memory_space<hbm>>, %arg5: memref<20000x128xf32, #tpu.memory_space<hbm>>, %arg6: memref<2x80x128xf32, #tpu.memory_space<vmem>>, %arg7: memref<2x80xf32, #tpu.memory_space<vmem>>, %arg8: memref<2x80xi32, #tpu.memory_space<vmem>>, %arg9: memref<80x128xf32, #tpu.memory_space<vmem>>, %arg10: memref<10000x128xf32, #tpu.memory_space<vmem_shared>>, %arg11: memref<!tpu.dma_semaphore, #tpu.memory_space<semaphore_mem>>, %arg12: memref<!tpu.dma_semaphore, #tpu.memory_space<semaphore_mem>>) attributes {dimension_semantics = [#tpu.dimension_semantics<core_parallel>, #tpu.dimension_semantics<subcore_parallel>], iteration_bounds = array<i64: 2, 16>, scalar_prefetch = 0 : i64, scratch_operands = 7 : i64, tpu.core_type = #tpu.core_type<sc_vector_subcore>, window_params = [{transform_indices = #map}, {transform_indices = #map1}, {transform_indices = #map1}, {transform_indices = #map}]} {
    %mul3A = arith.constant 16 : i32
    %mul3A_0 = arith.muli %arg0, %mul3A : i32
    %add3A = arith.addi %mul3A_0, %arg1 : i32
    %mul3A_1 = arith.constant 4880 : i32
    %mul3A_2 = arith.muli %add3A, %mul3A_1 : i32
    %add3A_3 = arith.constant 0 : i32
    %add3A_4 = arith.addi %add3A_3, %mul3A_2 : i32
    %mul3A_5 = arith.constant 4880 : i32
    %mul3A_6 = arith.muli %add3A, %mul3A_5 : i32
    %add3A_7 = arith.constant 163840 : i32
    %add3A_8 = arith.addi %add3A_7, %mul3A_6 : i32
    %scan3A = arith.constant 0 : i32
    %scan3A_9 = arith.constant 0 : i32
    %scan3A_10 = arith.constant 80 : i32
    %scan3A_11 = arith.addi %scan3A_9, %scan3A_10 : i32
    %scan3A_12 = arith.constant 1 : i32
    scf.for %scan3A_112 = %scan3A_9 to %scan3A_11 step %scan3A_12  : i32 {
      %broadcast_in_dim3A = arith.constant 0.000000e+00 : f32
      %broadcast_in_dim3A_113 = vector.broadcast %broadcast_in_dim3A : f32 to vector<16xf32>
      %swap3A = arith.index_cast %scan3A_112 : i32 to index
      %swap3A_114 = arith.constant 0 : index
      %swap3A_115 = tpu.vector_load %arg9[%swap3A, %swap3A_114] {strides = array<i32>} : memref<80x128xf32, #tpu.memory_space<vmem>>, vector<16xf32>,
      tpu.vector_store %arg9[%swap3A, %swap3A_114], %broadcast_in_dim3A_113 {strides = array<i32>} : memref<80x128xf32, #tpu.memory_space<vmem>>, vector<16xf32>,
      %broadcast_in_dim3A_116 = arith.constant 0.000000e+00 : f32
      %broadcast_in_dim3A_117 = vector.broadcast %broadcast_in_dim3A_116 : f32 to vector<16xf32>
      %swap3A_118 = arith.index_cast %scan3A_112 : i32 to index
      %swap3A_119 = arith.constant 16 : index
      %swap3A_120 = tpu.vector_load %arg9[%swap3A_118, %swap3A_119] {strides = array<i32>} : memref<80x128xf32, #tpu.memory_space<vmem>>, vector<16xf32>,
      tpu.vector_store %arg9[%swap3A_118, %swap3A_119], %broadcast_in_dim3A_117 {strides = array<i32>} : memref<80x128xf32, #tpu.memory_space<vmem>>, vector<16xf32>,
      %broadcast_in_dim3A_121 = arith.constant 0.000000e+00 : f32
      %broadcast_in_dim3A_122 = vector.broadcast %broadcast_in_dim3A_121 : f32 to vector<16xf32>
      %swap3A_123 = arith.index_cast %scan3A_112 : i32 to index
      %swap3A_124 = arith.constant 32 : index
      %swap3A_125 = tpu.vector_load %arg9[%swap3A_123, %swap3A_124] {strides = array<i32>} : memref<80x128xf32, #tpu.memory_space<vmem>>, vector<16xf32>,
      tpu.vector_store %arg9[%swap3A_123, %swap3A_124], %broadcast_in_dim3A_122 {strides = array<i32>} : memref<80x128xf32, #tpu.memory_space<vmem>>, vector<16xf32>,
      %broadcast_in_dim3A_126 = arith.constant 0.000000e+00 : f32
      %broadcast_in_dim3A_127 = vector.broadcast %broadcast_in_dim3A_126 : f32 to vector<16xf32>
      %swap3A_128 = arith.index_cast %scan3A_112 : i32 to index
      %swap3A_129 = arith.constant 48 : index
      %swap3A_130 = tpu.vector_load %arg9[%swap3A_128, %swap3A_129] {strides = array<i32>} : memref<80x128xf32, #tpu.memory_space<vmem>>, vector<16xf32>,
      tpu.vector_store %arg9[%swap3A_128, %swap3A_129], %broadcast_in_dim3A_127 {strides = array<i32>} : memref<80x128xf32, #tpu.memory_space<vmem>>, vector<16xf32>,
      %broadcast_in_dim3A_131 = arith.constant 0.000000e+00 : f32
      %broadcast_in_dim3A_132 = vector.broadcast %broadcast_in_dim3A_131 : f32 to vector<16xf32>
      %swap3A_133 = arith.index_cast %scan3A_112 : i32 to index
      %swap3A_134 = arith.constant 64 : index
      %swap3A_135 = tpu.vector_load %arg9[%swap3A_133, %swap3A_134] {strides = array<i32>} : memref<80x128xf32, #tpu.memory_space<vmem>>, vector<16xf32>,
      tpu.vector_store %arg9[%swap3A_133, %swap3A_134], %broadcast_in_dim3A_132 {strides = array<i32>} : memref<80x128xf32, #tpu.memory_space<vmem>>, vector<16xf32>,
      %broadcast_in_dim3A_136 = arith.constant 0.000000e+00 : f32
      %broadcast_in_dim3A_137 = vector.broadcast %broadcast_in_dim3A_136 : f32 to vector<16xf32>
      %swap3A_138 = arith.index_cast %scan3A_112 : i32 to index
      %swap3A_139 = arith.constant 80 : index
      %swap3A_140 = tpu.vector_load %arg9[%swap3A_138, %swap3A_139] {strides = array<i32>} : memref<80x128xf32, #tpu.memory_space<vmem>>, vector<16xf32>,
      tpu.vector_store %arg9[%swap3A_138, %swap3A_139], %broadcast_in_dim3A_137 {strides = array<i32>} : memref<80x128xf32, #tpu.memory_space<vmem>>, vector<16xf32>,
      %broadcast_in_dim3A_141 = arith.constant 0.000000e+00 : f32
      %broadcast_in_dim3A_142 = vector.broadcast %broadcast_in_dim3A_141 : f32 to vector<16xf32>
      %swap3A_143 = arith.index_cast %scan3A_112 : i32 to index
      %swap3A_144 = arith.constant 96 : index
      %swap3A_145 = tpu.vector_load %arg9[%swap3A_143, %swap3A_144] {strides = array<i32>} : memref<80x128xf32, #tpu.memory_space<vmem>>, vector<16xf32>,
      tpu.vector_store %arg9[%swap3A_143, %swap3A_144], %broadcast_in_dim3A_142 {strides = array<i32>} : memref<80x128xf32, #tpu.memory_space<vmem>>, vector<16xf32>,
      %broadcast_in_dim3A_146 = arith.constant 0.000000e+00 : f32
      %broadcast_in_dim3A_147 = vector.broadcast %broadcast_in_dim3A_146 : f32 to vector<16xf32>
      %swap3A_148 = arith.index_cast %scan3A_112 : i32 to index
      %swap3A_149 = arith.constant 112 : index
      %swap3A_150 = tpu.vector_load %arg9[%swap3A_148, %swap3A_149] {strides = array<i32>} : memref<80x128xf32, #tpu.memory_space<vmem>>, vector<16xf32>,
      tpu.vector_store %arg9[%swap3A_148, %swap3A_149], %broadcast_in_dim3A_147 {strides = array<i32>} : memref<80x128xf32, #tpu.memory_space<vmem>>, vector<16xf32>,
    }
    %scan3A_13 = arith.constant 80 : i32
    %scan3A_14 = arith.constant 0 : i32
    %scan3A_15 = arith.constant 0 : i32
    %scan3A_16 = arith.constant 8 : i32
    %scan3A_17 = arith.addi %scan3A_15, %scan3A_16 : i32
    %scan3A_18 = arith.constant 1 : i32
    scf.for %scan3A_112 = %scan3A_15 to %scan3A_17 step %scan3A_18  : i32 {
      %mul3A_113 = arith.constant 624 : i32
      %mul3A_114 = arith.muli %arg1, %mul3A_113 : i32
      %mul3A_115 = arith.constant 80 : i32
      %mul3A_116 = arith.muli %scan3A_112, %mul3A_115 : i32
      %add3A_117 = arith.addi %mul3A_114, %mul3A_116 : i32
      "tpu.region"() ({
        %run_scoped3A_118 = tpu.sem_alloc : memref<!tpu.dma_semaphore, #tpu.memory_space<semaphore_mem>>
        %dma_start3A_119 = arith.constant 0 : i32
        %dma_start3A_120 = tpu.memref_slice %arg10[%add3A_117, %dma_start3A_119] : memref<10000x128xf32, #tpu.memory_space<vmem_shared>> -> memref<80x128xf32, #tpu.memory_space<vmem_shared>>
        %dma_start3A_121 = arith.constant 0 : i32
        %dma_start3A_122 = tpu.memref_slice %arg10[%add3A_117, %dma_start3A_121] : memref<10000x128xf32, #tpu.memory_space<vmem_shared>> -> memref<80x128xf32, #tpu.memory_space<vmem_shared>>
        tpu.enqueue_dma source(%arg9 : memref<80x128xf32, #tpu.memory_space<vmem>>) target(%dma_start3A_122 : memref<80x128xf32, #tpu.memory_space<vmem_shared>>) target_semaphore(%run_scoped3A_118 : memref<!tpu.dma_semaphore, #tpu.memory_space<semaphore_mem>>)
        %dma_wait3A_123 = arith.constant 0 : i32
        %dma_wait3A_124 = tpu.memref_slice %arg10[%add3A_117, %dma_wait3A_123] : memref<10000x128xf32, #tpu.memory_space<vmem_shared>> -> memref<80x128xf32, #tpu.memory_space<vmem_shared>>
        %dma_wait3A_125 = arith.constant 0 : i32
        %dma_wait3A_126 = tpu.memref_slice %arg10[%add3A_117, %dma_wait3A_125] : memref<10000x128xf32, #tpu.memory_space<vmem_shared>> -> memref<80x128xf32, #tpu.memory_space<vmem_shared>>
        tpu.wait_dma2 semaphore(%run_scoped3A_118 : memref<!tpu.dma_semaphore, #tpu.memory_space<semaphore_mem>>) src(%arg9 : memref<80x128xf32, #tpu.memory_space<vmem>>) dst(%dma_wait3A_126 : memref<80x128xf32, #tpu.memory_space<vmem_shared>>)
        tpu.yield
      }) : () -> ()
    }
    %scan3A_19 = arith.constant 8 : i32
    %barrier3A = arith.constant 0 : index
    tpu.barrier barrier_id(%barrier3A)
    %add3A_20 = arith.constant 0 : i32
    %add3A_21 = arith.addi %add3A_8, %add3A_20 : i32
    %add3A_22 = arith.constant 0 : i32
    %add3A_23 = arith.addi %add3A_4, %add3A_22 : i32
    %add3A_24 = arith.constant 0 : i32
    %add3A_25 = arith.addi %add3A_8, %add3A_24 : i32
    %dma_start3A = arith.constant 0 : i32
    %dma_start3A_26 = arith.constant 0 : i32
    %dma_start3A_27 = arith.constant 0 : i32
    %dma_start3A_28 = tpu.memref_slice %arg6[%dma_start3A, %dma_start3A_26, %dma_start3A_27] : memref<2x80x128xf32, #tpu.memory_space<vmem>> -> memref<1x80x128xf32, #tpu.memory_space<vmem>>
    %dma_start3A_29 = tpu.memref_squeeze %dma_start3A_28 : memref<1x80x128xf32, #tpu.memory_space<vmem>> -> memref<80x128xf32, #tpu.memory_space<vmem>>
    %dma_start3A_30 = arith.constant 0 : i32
    %dma_start3A_31 = tpu.memref_slice %arg2[%add3A_21, %dma_start3A_30] : memref<320000x128xf32, #tpu.memory_space<hbm>> -> memref<80x128xf32, #tpu.memory_space<hbm>>
    %dma_start3A_32 = arith.constant 0 : i32
    %dma_start3A_33 = arith.constant 0 : i32
    %dma_start3A_34 = tpu.memref_slice %arg6[%dma_start3A, %dma_start3A_32, %dma_start3A_33] : memref<2x80x128xf32, #tpu.memory_space<vmem>> -> memref<1x80x128xf32, #tpu.memory_space<vmem>>
    %dma_start3A_35 = tpu.memref_squeeze %dma_start3A_34 : memref<1x80x128xf32, #tpu.memory_space<vmem>> -> memref<80x128xf32, #tpu.memory_space<vmem>>
    %dma_start3A_36 = arith.constant 0 : i32
    %dma_start3A_37 = tpu.memref_slice %arg2[%add3A_21, %dma_start3A_36] : memref<320000x128xf32, #tpu.memory_space<hbm>> -> memref<80x128xf32, #tpu.memory_space<hbm>>
    tpu.enqueue_dma source(%dma_start3A_37 : memref<80x128xf32, #tpu.memory_space<hbm>>) target(%dma_start3A_35 : memref<80x128xf32, #tpu.memory_space<vmem>>) target_semaphore(%arg11 : memref<!tpu.dma_semaphore, #tpu.memory_space<semaphore_mem>>)
    %dma_start3A_38 = arith.constant 0 : i32
    %dma_start3A_39 = arith.constant 0 : i32
    %dma_start3A_40 = tpu.memref_slice %arg7[%dma_start3A_38, %dma_start3A_39] : memref<2x80xf32, #tpu.memory_space<vmem>> -> memref<1x80xf32, #tpu.memory_space<vmem>>
    %dma_start3A_41 = tpu.memref_squeeze %dma_start3A_40 : memref<1x80xf32, #tpu.memory_space<vmem>> -> memref<80xf32, #tpu.memory_space<vmem>>
    %dma_start3A_42 = tpu.memref_slice %arg3[%add3A_23] : memref<163840xf32, #tpu.memory_space<hbm>> -> memref<80xf32, #tpu.memory_space<hbm>>
    %dma_start3A_43 = arith.constant 0 : i32
    %dma_start3A_44 = tpu.memref_slice %arg7[%dma_start3A_38, %dma_start3A_43] : memref<2x80xf32, #tpu.memory_space<vmem>> -> memref<1x80xf32, #tpu.memory_space<vmem>>
    %dma_start3A_45 = tpu.memref_squeeze %dma_start3A_44 : memref<1x80xf32, #tpu.memory_space<vmem>> -> memref<80xf32, #tpu.memory_space<vmem>>
    %dma_start3A_46 = tpu.memref_slice %arg3[%add3A_23] : memref<163840xf32, #tpu.memory_space<hbm>> -> memref<80xf32, #tpu.memory_space<hbm>>
    tpu.enqueue_dma source(%dma_start3A_46 : memref<80xf32, #tpu.memory_space<hbm>>) target(%dma_start3A_45 : memref<80xf32, #tpu.memory_space<vmem>>) target_semaphore(%arg11 : memref<!tpu.dma_semaphore, #tpu.memory_space<semaphore_mem>>)
    %dma_start3A_47 = arith.constant 0 : i32
    %dma_start3A_48 = arith.constant 0 : i32
    %dma_start3A_49 = tpu.memref_slice %arg8[%dma_start3A_47, %dma_start3A_48] : memref<2x80xi32, #tpu.memory_space<vmem>> -> memref<1x80xi32, #tpu.memory_space<vmem>>
    %dma_start3A_50 = tpu.memref_squeeze %dma_start3A_49 : memref<1x80xi32, #tpu.memory_space<vmem>> -> memref<80xi32, #tpu.memory_space<vmem>>
    %dma_start3A_51 = tpu.memref_slice %arg4[%add3A_25] : memref<320000xi32, #tpu.memory_space<hbm>> -> memref<80xi32, #tpu.memory_space<hbm>>
    %dma_start3A_52 = arith.constant 0 : i32
    %dma_start3A_53 = tpu.memref_slice %arg8[%dma_start3A_47, %dma_start3A_52] : memref<2x80xi32, #tpu.memory_space<vmem>> -> memref<1x80xi32, #tpu.memory_space<vmem>>
    %dma_start3A_54 = tpu.memref_squeeze %dma_start3A_53 : memref<1x80xi32, #tpu.memory_space<vmem>> -> memref<80xi32, #tpu.memory_space<vmem>>
    %dma_start3A_55 = tpu.memref_slice %arg4[%add3A_25] : memref<320000xi32, #tpu.memory_space<hbm>> -> memref<80xi32, #tpu.memory_space<hbm>>
    tpu.enqueue_dma source(%dma_start3A_55 : memref<80xi32, #tpu.memory_space<hbm>>) target(%dma_start3A_54 : memref<80xi32, #tpu.memory_space<vmem>>) target_semaphore(%arg11 : memref<!tpu.dma_semaphore, #tpu.memory_space<semaphore_mem>>)
    %scan3A_56 = arith.constant 0 : i32
    %scan3A_57 = arith.constant 0 : i32
    %scan3A_58 = arith.constant 30 : i32
    %scan3A_59 = arith.addi %scan3A_57, %scan3A_58 : i32
    %scan3A_60 = arith.constant 1 : i32
    scf.for %scan3A_112 = %scan3A_57 to %scan3A_59 step %scan3A_60  : i32 {
      %mul3A_113 = arith.constant 2 : i32
      %mul3A_114 = arith.muli %mul3A_113, %scan3A_112 : i32
      %add3A_115 = arith.constant 1 : i32
      %add3A_116 = arith.addi %mul3A_114, %add3A_115 : i32
      %mul3A_117 = arith.constant 80 : i32
      %mul3A_118 = arith.muli %add3A_116, %mul3A_117 : i32
      %add3A_119 = arith.addi %add3A_8, %mul3A_118 : i32
      %mul3A_120 = arith.constant 80 : i32
      %mul3A_121 = arith.muli %add3A_116, %mul3A_120 : i32
      %add3A_122 = arith.addi %add3A_4, %mul3A_121 : i32
      %mul3A_123 = arith.constant 80 : i32
      %mul3A_124 = arith.muli %add3A_116, %mul3A_123 : i32
      %add3A_125 = arith.addi %add3A_8, %mul3A_124 : i32
      %dma_start3A_126 = arith.constant 1 : i32
      %dma_start3A_127 = arith.constant 0 : i32
      %dma_start3A_128 = arith.constant 0 : i32
      %dma_start3A_129 = tpu.memref_slice %arg6[%dma_start3A_126, %dma_start3A_127, %dma_start3A_128] : memref<2x80x128xf32, #tpu.memory_space<vmem>> -> memref<1x80x128xf32, #tpu.memory_space<vmem>>
      %dma_start3A_130 = tpu.memref_squeeze %dma_start3A_129 : memref<1x80x128xf32, #tpu.memory_space<vmem>> -> memref<80x128xf32, #tpu.memory_space<vmem>>
      %dma_start3A_131 = arith.constant 0 : i32
      %dma_start3A_132 = tpu.memref_slice %arg2[%add3A_119, %dma_start3A_131] : memref<320000x128xf32, #tpu.memory_space<hbm>> -> memref<80x128xf32, #tpu.memory_space<hbm>>
      %dma_start3A_133 = arith.constant 0 : i32
      %dma_start3A_134 = arith.constant 0 : i32
      %dma_start3A_135 = tpu.memref_slice %arg6[%dma_start3A_126, %dma_start3A_133, %dma_start3A_134] : memref<2x80x128xf32, #tpu.memory_space<vmem>> -> memref<1x80x128xf32, #tpu.memory_space<vmem>>
      %dma_start3A_136 = tpu.memref_squeeze %dma_start3A_135 : memref<1x80x128xf32, #tpu.memory_space<vmem>> -> memref<80x128xf32, #tpu.memory_space<vmem>>
      %dma_start3A_137 = arith.constant 0 : i32
      %dma_start3A_138 = tpu.memref_slice %arg2[%add3A_119, %dma_start3A_137] : memref<320000x128xf32, #tpu.memory_space<hbm>> -> memref<80x128xf32, #tpu.memory_space<hbm>>
      tpu.enqueue_dma source(%dma_start3A_138 : memref<80x128xf32, #tpu.memory_space<hbm>>) target(%dma_start3A_136 : memref<80x128xf32, #tpu.memory_space<vmem>>) target_semaphore(%arg12 : memref<!tpu.dma_semaphore, #tpu.memory_space<semaphore_mem>>)
      %dma_start3A_139 = arith.constant 1 : i32
      %dma_start3A_140 = arith.constant 0 : i32
      %dma_start3A_141 = tpu.memref_slice %arg7[%dma_start3A_139, %dma_start3A_140] : memref<2x80xf32, #tpu.memory_space<vmem>> -> memref<1x80xf32, #tpu.memory_space<vmem>>
      %dma_start3A_142 = tpu.memref_squeeze %dma_start3A_141 : memref<1x80xf32, #tpu.memory_space<vmem>> -> memref<80xf32, #tpu.memory_space<vmem>>
      %dma_start3A_143 = tpu.memref_slice %arg3[%add3A_122] : memref<163840xf32, #tpu.memory_space<hbm>> -> memref<80xf32, #tpu.memory_space<hbm>>
      %dma_start3A_144 = arith.constant 0 : i32
      %dma_start3A_145 = tpu.memref_slice %arg7[%dma_start3A_139, %dma_start3A_144] : memref<2x80xf32, #tpu.memory_space<vmem>> -> memref<1x80xf32, #tpu.memory_space<vmem>>
      %dma_start3A_146 = tpu.memref_squeeze %dma_start3A_145 : memref<1x80xf32, #tpu.memory_space<vmem>> -> memref<80xf32, #tpu.memory_space<vmem>>
      %dma_start3A_147 = tpu.memref_slice %arg3[%add3A_122] : memref<163840xf32, #tpu.memory_space<hbm>> -> memref<80xf32, #tpu.memory_space<hbm>>
      tpu.enqueue_dma source(%dma_start3A_147 : memref<80xf32, #tpu.memory_space<hbm>>) target(%dma_start3A_146 : memref<80xf32, #tpu.memory_space<vmem>>) target_semaphore(%arg12 : memref<!tpu.dma_semaphore, #tpu.memory_space<semaphore_mem>>)
      %dma_start3A_148 = arith.constant 1 : i32
      %dma_start3A_149 = arith.constant 0 : i32
      %dma_start3A_150 = tpu.memref_slice %arg8[%dma_start3A_148, %dma_start3A_149] : memref<2x80xi32, #tpu.memory_space<vmem>> -> memref<1x80xi32, #tpu.memory_space<vmem>>
      %dma_start3A_151 = tpu.memref_squeeze %dma_start3A_150 : memref<1x80xi32, #tpu.memory_space<vmem>> -> memref<80xi32, #tpu.memory_space<vmem>>
      %dma_start3A_152 = tpu.memref_slice %arg4[%add3A_125] : memref<320000xi32, #tpu.memory_space<hbm>> -> memref<80xi32, #tpu.memory_space<hbm>>
      %dma_start3A_153 = arith.constant 0 : i32
      %dma_start3A_154 = tpu.memref_slice %arg8[%dma_start3A_148, %dma_start3A_153] : memref<2x80xi32, #tpu.memory_space<vmem>> -> memref<1x80xi32, #tpu.memory_space<vmem>>
      %dma_start3A_155 = tpu.memref_squeeze %dma_start3A_154 : memref<1x80xi32, #tpu.memory_space<vmem>> -> memref<80xi32, #tpu.memory_space<vmem>>
      %dma_start3A_156 = tpu.memref_slice %arg4[%add3A_125] : memref<320000xi32, #tpu.memory_space<hbm>> -> memref<80xi32, #tpu.memory_space<hbm>>
      tpu.enqueue_dma source(%dma_start3A_156 : memref<80xi32, #tpu.memory_space<hbm>>) target(%dma_start3A_155 : memref<80xi32, #tpu.memory_space<vmem>>) target_semaphore(%arg12 : memref<!tpu.dma_semaphore, #tpu.memory_space<semaphore_mem>>)
      %mul3A_157 = arith.constant 80 : i32
      %mul3A_158 = arith.muli %mul3A_114, %mul3A_157 : i32
      %add3A_159 = arith.addi %add3A_8, %mul3A_158 : i32
      %mul3A_160 = arith.constant 80 : i32
      %mul3A_161 = arith.muli %mul3A_114, %mul3A_160 : i32
      %add3A_162 = arith.addi %add3A_4, %mul3A_161 : i32
      %mul3A_163 = arith.constant 80 : i32
      %mul3A_164 = arith.muli %mul3A_114, %mul3A_163 : i32
      %add3A_165 = arith.addi %add3A_8, %mul3A_164 : i32
      %dma_wait3A_166 = arith.constant 0 : i32
      %dma_wait3A_167 = arith.constant 0 : i32
      %dma_wait3A_168 = arith.constant 0 : i32
      %dma_wait3A_169 = tpu.memref_slice %arg6[%dma_wait3A_166, %dma_wait3A_167, %dma_wait3A_168] : memref<2x80x128xf32, #tpu.memory_space<vmem>> -> memref<1x80x128xf32, #tpu.memory_space<vmem>>
      %dma_wait3A_170 = tpu.memref_squeeze %dma_wait3A_169 : memref<1x80x128xf32, #tpu.memory_space<vmem>> -> memref<80x128xf32, #tpu.memory_space<vmem>>
      %dma_wait3A_171 = arith.constant 0 : i32
      %dma_wait3A_172 = tpu.memref_slice %arg2[%add3A_159, %dma_wait3A_171] : memref<320000x128xf32, #tpu.memory_space<hbm>> -> memref<80x128xf32, #tpu.memory_space<hbm>>
      %dma_wait3A_173 = arith.constant 0 : i32
      %dma_wait3A_174 = arith.constant 0 : i32
      %dma_wait3A_175 = tpu.memref_slice %arg6[%dma_wait3A_166, %dma_wait3A_173, %dma_wait3A_174] : memref<2x80x128xf32, #tpu.memory_space<vmem>> -> memref<1x80x128xf32, #tpu.memory_space<vmem>>
      %dma_wait3A_176 = tpu.memref_squeeze %dma_wait3A_175 : memref<1x80x128xf32, #tpu.memory_space<vmem>> -> memref<80x128xf32, #tpu.memory_space<vmem>>
      %dma_wait3A_177 = arith.constant 0 : i32
      %dma_wait3A_178 = tpu.memref_slice %arg2[%add3A_159, %dma_wait3A_177] : memref<320000x128xf32, #tpu.memory_space<hbm>> -> memref<80x128xf32, #tpu.memory_space<hbm>>
      tpu.wait_dma2 semaphore(%arg11 : memref<!tpu.dma_semaphore, #tpu.memory_space<semaphore_mem>>) src(%dma_wait3A_178 : memref<80x128xf32, #tpu.memory_space<hbm>>) dst(%dma_wait3A_176 : memref<80x128xf32, #tpu.memory_space<vmem>>)
      %dma_wait3A_179 = arith.constant 0 : i32
      %dma_wait3A_180 = arith.constant 0 : i32
      %dma_wait3A_181 = tpu.memref_slice %arg7[%dma_wait3A_179, %dma_wait3A_180] : memref<2x80xf32, #tpu.memory_space<vmem>> -> memref<1x80xf32, #tpu.memory_space<vmem>>
      %dma_wait3A_182 = tpu.memref_squeeze %dma_wait3A_181 : memref<1x80xf32, #tpu.memory_space<vmem>> -> memref<80xf32, #tpu.memory_space<vmem>>
      %dma_wait3A_183 = tpu.memref_slice %arg3[%add3A_162] : memref<163840xf32, #tpu.memory_space<hbm>> -> memref<80xf32, #tpu.memory_space<hbm>>
      %dma_wait3A_184 = arith.constant 0 : i32
      %dma_wait3A_185 = tpu.memref_slice %arg7[%dma_wait3A_179, %dma_wait3A_184] : memref<2x80xf32, #tpu.memory_space<vmem>> -> memref<1x80xf32, #tpu.memory_space<vmem>>
      %dma_wait3A_186 = tpu.memref_squeeze %dma_wait3A_185 : memref<1x80xf32, #tpu.memory_space<vmem>> -> memref<80xf32, #tpu.memory_space<vmem>>
      %dma_wait3A_187 = tpu.memref_slice %arg3[%add3A_162] : memref<163840xf32, #tpu.memory_space<hbm>> -> memref<80xf32, #tpu.memory_space<hbm>>
      tpu.wait_dma2 semaphore(%arg11 : memref<!tpu.dma_semaphore, #tpu.memory_space<semaphore_mem>>) src(%dma_wait3A_187 : memref<80xf32, #tpu.memory_space<hbm>>) dst(%dma_wait3A_186 : memref<80xf32, #tpu.memory_space<vmem>>)
      %dma_wait3A_188 = arith.constant 0 : i32
      %dma_wait3A_189 = arith.constant 0 : i32
      %dma_wait3A_190 = tpu.memref_slice %arg8[%dma_wait3A_188, %dma_wait3A_189] : memref<2x80xi32, #tpu.memory_space<vmem>> -> memref<1x80xi32, #tpu.memory_space<vmem>>
      %dma_wait3A_191 = tpu.memref_squeeze %dma_wait3A_190 : memref<1x80xi32, #tpu.memory_space<vmem>> -> memref<80xi32, #tpu.memory_space<vmem>>
      %dma_wait3A_192 = tpu.memref_slice %arg4[%add3A_165] : memref<320000xi32, #tpu.memory_space<hbm>> -> memref<80xi32, #tpu.memory_space<hbm>>
      %dma_wait3A_193 = arith.constant 0 : i32
      %dma_wait3A_194 = tpu.memref_slice %arg8[%dma_wait3A_188, %dma_wait3A_193] : memref<2x80xi32, #tpu.memory_space<vmem>> -> memref<1x80xi32, #tpu.memory_space<vmem>>
      %dma_wait3A_195 = tpu.memref_squeeze %dma_wait3A_194 : memref<1x80xi32, #tpu.memory_space<vmem>> -> memref<80xi32, #tpu.memory_space<vmem>>
      %dma_wait3A_196 = tpu.memref_slice %arg4[%add3A_165] : memref<320000xi32, #tpu.memory_space<hbm>> -> memref<80xi32, #tpu.memory_space<hbm>>
      tpu.wait_dma2 semaphore(%arg11 : memref<!tpu.dma_semaphore, #tpu.memory_space<semaphore_mem>>) src(%dma_wait3A_196 : memref<80xi32, #tpu.memory_space<hbm>>) dst(%dma_wait3A_195 : memref<80xi32, #tpu.memory_space<vmem>>)
      %scan3A_197 = arith.constant 0 : i32
      %scan3A_198 = arith.constant 0 : i32
      %scan3A_199 = arith.constant 40 : i32
      %scan3A_200 = arith.addi %scan3A_198, %scan3A_199 : i32
      %scan3A_201 = arith.constant 1 : i32
      scf.for %scan3A_297 = %scan3A_198 to %scan3A_200 step %scan3A_201  : i32 {
        %mul3A_298 = arith.constant 2 : i32
        %mul3A_299 = arith.muli %mul3A_298, %scan3A_297 : i32
        %add3A_300 = arith.constant 0 : i32
        %add3A_301 = arith.addi %mul3A_299, %add3A_300 : i32
        %broadcast_in_dim3A = vector.broadcast %add3A_301 : i32 to vector<16xi32>
        %gather3A = arith.constant 0 : i32
        %gather3A_302 = arith.constant 0 : i32
        %gather3A_303 = tpu.memref_slice %arg7[%gather3A, %gather3A_302] : memref<2x80xf32, #tpu.memory_space<vmem>> -> memref<1x80xf32, #tpu.memory_space<vmem>>
        %gather3A_304 = tpu.memref_squeeze %gather3A_303 : memref<1x80xf32, #tpu.memory_space<vmem>> -> memref<80xf32, #tpu.memory_space<vmem>>
        %gather3A_305 = tpu.vector_load_idx %gather3A_304[%broadcast_in_dim3A] : memref<80xf32, #tpu.memory_space<vmem>>[vector<16xi32>], vector<16xf32>,
        %get3A = arith.constant 0 : i32
        %get3A_306 = arith.index_cast %get3A : i32 to index
        %get3A_307 = arith.index_cast %add3A_301 : i32 to index
        %get3A_308 = arith.constant 0 : index
        %get3A_309 = tpu.vector_load %arg6[%get3A_306, %get3A_307, %get3A_308] {strides = array<i32>} : memref<2x80x128xf32, #tpu.memory_space<vmem>>, vector<16xf32>,
        %mul3A_310 = arith.mulf %get3A_309, %gather3A_305 : vector<16xf32>
        %swap3A = arith.constant 0 : i32
        %swap3A_311 = arith.index_cast %swap3A : i32 to index
        %swap3A_312 = arith.index_cast %add3A_301 : i32 to index
        %swap3A_313 = arith.constant 0 : index
        %swap3A_314 = tpu.vector_load %arg6[%swap3A_311, %swap3A_312, %swap3A_313] {strides = array<i32>} : memref<2x80x128xf32, #tpu.memory_space<vmem>>, vector<16xf32>,
        tpu.vector_store %arg6[%swap3A_311, %swap3A_312, %swap3A_313], %mul3A_310 {strides = array<i32>} : memref<2x80x128xf32, #tpu.memory_space<vmem>>, vector<16xf32>,
        %get3A_315 = arith.constant 0 : i32
        %get3A_316 = arith.index_cast %get3A_315 : i32 to index
        %get3A_317 = arith.index_cast %add3A_301 : i32 to index
        %get3A_318 = arith.constant 16 : index
        %get3A_319 = tpu.vector_load %arg6[%get3A_316, %get3A_317, %get3A_318] {strides = array<i32>} : memref<2x80x128xf32, #tpu.memory_space<vmem>>, vector<16xf32>,
        %mul3A_320 = arith.mulf %get3A_319, %gather3A_305 : vector<16xf32>
        %swap3A_321 = arith.constant 0 : i32
        %swap3A_322 = arith.index_cast %swap3A_321 : i32 to index
        %swap3A_323 = arith.index_cast %add3A_301 : i32 to index
        %swap3A_324 = arith.constant 16 : index
        %swap3A_325 = tpu.vector_load %arg6[%swap3A_322, %swap3A_323, %swap3A_324] {strides = array<i32>} : memref<2x80x128xf32, #tpu.memory_space<vmem>>, vector<16xf32>,
        tpu.vector_store %arg6[%swap3A_322, %swap3A_323, %swap3A_324], %mul3A_320 {strides = array<i32>} : memref<2x80x128xf32, #tpu.memory_space<vmem>>, vector<16xf32>,
        %get3A_326 = arith.constant 0 : i32
        %get3A_327 = arith.index_cast %get3A_326 : i32 to index
        %get3A_328 = arith.index_cast %add3A_301 : i32 to index
        %get3A_329 = arith.constant 32 : index
        %get3A_330 = tpu.vector_load %arg6[%get3A_327, %get3A_328, %get3A_329] {strides = array<i32>} : memref<2x80x128xf32, #tpu.memory_space<vmem>>, vector<16xf32>,
        %mul3A_331 = arith.mulf %get3A_330, %gather3A_305 : vector<16xf32>
        %swap3A_332 = arith.constant 0 : i32
        %swap3A_333 = arith.index_cast %swap3A_332 : i32 to index
        %swap3A_334 = arith.index_cast %add3A_301 : i32 to index
        %swap3A_335 = arith.constant 32 : index
        %swap3A_336 = tpu.vector_load %arg6[%swap3A_333, %swap3A_334, %swap3A_335] {strides = array<i32>} : memref<2x80x128xf32, #tpu.memory_space<vmem>>, vector<16xf32>,
        tpu.vector_store %arg6[%swap3A_333, %swap3A_334, %swap3A_335], %mul3A_331 {strides = array<i32>} : memref<2x80x128xf32, #tpu.memory_space<vmem>>, vector<16xf32>,
        %get3A_337 = arith.constant 0 : i32
        %get3A_338 = arith.index_cast %get3A_337 : i32 to index
        %get3A_339 = arith.index_cast %add3A_301 : i32 to index
        %get3A_340 = arith.constant 48 : index
        %get3A_341 = tpu.vector_load %arg6[%get3A_338, %get3A_339, %get3A_340] {strides = array<i32>} : memref<2x80x128xf32, #tpu.memory_space<vmem>>, vector<16xf32>,
        %mul3A_342 = arith.mulf %get3A_341, %gather3A_305 : vector<16xf32>
        %swap3A_343 = arith.constant 0 : i32
        %swap3A_344 = arith.index_cast %swap3A_343 : i32 to index
        %swap3A_345 = arith.index_cast %add3A_301 : i32 to index
        %swap3A_346 = arith.constant 48 : index
        %swap3A_347 = tpu.vector_load %arg6[%swap3A_344, %swap3A_345, %swap3A_346] {strides = array<i32>} : memref<2x80x128xf32, #tpu.memory_space<vmem>>, vector<16xf32>,
        tpu.vector_store %arg6[%swap3A_344, %swap3A_345, %swap3A_346], %mul3A_342 {strides = array<i32>} : memref<2x80x128xf32, #tpu.memory_space<vmem>>, vector<16xf32>,
        %get3A_348 = arith.constant 0 : i32
        %get3A_349 = arith.index_cast %get3A_348 : i32 to index
        %get3A_350 = arith.index_cast %add3A_301 : i32 to index
        %get3A_351 = arith.constant 64 : index
        %get3A_352 = tpu.vector_load %arg6[%get3A_349, %get3A_350, %get3A_351] {strides = array<i32>} : memref<2x80x128xf32, #tpu.memory_space<vmem>>, vector<16xf32>,
        %mul3A_353 = arith.mulf %get3A_352, %gather3A_305 : vector<16xf32>
        %swap3A_354 = arith.constant 0 : i32
        %swap3A_355 = arith.index_cast %swap3A_354 : i32 to index
        %swap3A_356 = arith.index_cast %add3A_301 : i32 to index
        %swap3A_357 = arith.constant 64 : index
        %swap3A_358 = tpu.vector_load %arg6[%swap3A_355, %swap3A_356, %swap3A_357] {strides = array<i32>} : memref<2x80x128xf32, #tpu.memory_space<vmem>>, vector<16xf32>,
        tpu.vector_store %arg6[%swap3A_355, %swap3A_356, %swap3A_357], %mul3A_353 {strides = array<i32>} : memref<2x80x128xf32, #tpu.memory_space<vmem>>, vector<16xf32>,
        %get3A_359 = arith.constant 0 : i32
        %get3A_360 = arith.index_cast %get3A_359 : i32 to index
        %get3A_361 = arith.index_cast %add3A_301 : i32 to index
        %get3A_362 = arith.constant 80 : index
        %get3A_363 = tpu.vector_load %arg6[%get3A_360, %get3A_361, %get3A_362] {strides = array<i32>} : memref<2x80x128xf32, #tpu.memory_space<vmem>>, vector<16xf32>,
        %mul3A_364 = arith.mulf %get3A_363, %gather3A_305 : vector<16xf32>
        %swap3A_365 = arith.constant 0 : i32
        %swap3A_366 = arith.index_cast %swap3A_365 : i32 to index
        %swap3A_367 = arith.index_cast %add3A_301 : i32 to index
        %swap3A_368 = arith.constant 80 : index
        %swap3A_369 = tpu.vector_load %arg6[%swap3A_366, %swap3A_367, %swap3A_368] {strides = array<i32>} : memref<2x80x128xf32, #tpu.memory_space<vmem>>, vector<16xf32>,
        tpu.vector_store %arg6[%swap3A_366, %swap3A_367, %swap3A_368], %mul3A_364 {strides = array<i32>} : memref<2x80x128xf32, #tpu.memory_space<vmem>>, vector<16xf32>,
        %get3A_370 = arith.constant 0 : i32
        %get3A_371 = arith.index_cast %get3A_370 : i32 to index
        %get3A_372 = arith.index_cast %add3A_301 : i32 to index
        %get3A_373 = arith.constant 96 : index
        %get3A_374 = tpu.vector_load %arg6[%get3A_371, %get3A_372, %get3A_373] {strides = array<i32>} : memref<2x80x128xf32, #tpu.memory_space<vmem>>, vector<16xf32>,
        %mul3A_375 = arith.mulf %get3A_374, %gather3A_305 : vector<16xf32>
        %swap3A_376 = arith.constant 0 : i32
        %swap3A_377 = arith.index_cast %swap3A_376 : i32 to index
        %swap3A_378 = arith.index_cast %add3A_301 : i32 to index
        %swap3A_379 = arith.constant 96 : index
        %swap3A_380 = tpu.vector_load %arg6[%swap3A_377, %swap3A_378, %swap3A_379] {strides = array<i32>} : memref<2x80x128xf32, #tpu.memory_space<vmem>>, vector<16xf32>,
        tpu.vector_store %arg6[%swap3A_377, %swap3A_378, %swap3A_379], %mul3A_375 {strides = array<i32>} : memref<2x80x128xf32, #tpu.memory_space<vmem>>, vector<16xf32>,
        %get3A_381 = arith.constant 0 : i32
        %get3A_382 = arith.index_cast %get3A_381 : i32 to index
        %get3A_383 = arith.index_cast %add3A_301 : i32 to index
        %get3A_384 = arith.constant 112 : index
        %get3A_385 = tpu.vector_load %arg6[%get3A_382, %get3A_383, %get3A_384] {strides = array<i32>} : memref<2x80x128xf32, #tpu.memory_space<vmem>>, vector<16xf32>,
        %mul3A_386 = arith.mulf %get3A_385, %gather3A_305 : vector<16xf32>
        %swap3A_387 = arith.constant 0 : i32
        %swap3A_388 = arith.index_cast %swap3A_387 : i32 to index
        %swap3A_389 = arith.index_cast %add3A_301 : i32 to index
        %swap3A_390 = arith.constant 112 : index
        %swap3A_391 = tpu.vector_load %arg6[%swap3A_388, %swap3A_389, %swap3A_390] {strides = array<i32>} : memref<2x80x128xf32, #tpu.memory_space<vmem>>, vector<16xf32>,
        tpu.vector_store %arg6[%swap3A_388, %swap3A_389, %swap3A_390], %mul3A_386 {strides = array<i32>} : memref<2x80x128xf32, #tpu.memory_space<vmem>>, vector<16xf32>,
        %mul3A_392 = arith.constant 2 : i32
        %mul3A_393 = arith.muli %mul3A_392, %scan3A_297 : i32
        %add3A_394 = arith.constant 1 : i32
        %add3A_395 = arith.addi %mul3A_393, %add3A_394 : i32
        %broadcast_in_dim3A_396 = vector.broadcast %add3A_395 : i32 to vector<16xi32>
        %gather3A_397 = arith.constant 0 : i32
        %gather3A_398 = arith.constant 0 : i32
        %gather3A_399 = tpu.memref_slice %arg7[%gather3A_397, %gather3A_398] : memref<2x80xf32, #tpu.memory_space<vmem>> -> memref<1x80xf32, #tpu.memory_space<vmem>>
        %gather3A_400 = tpu.memref_squeeze %gather3A_399 : memref<1x80xf32, #tpu.memory_space<vmem>> -> memref<80xf32, #tpu.memory_space<vmem>>
        %gather3A_401 = tpu.vector_load_idx %gather3A_400[%broadcast_in_dim3A_396] : memref<80xf32, #tpu.memory_space<vmem>>[vector<16xi32>], vector<16xf32>,
        %get3A_402 = arith.constant 0 : i32
        %get3A_403 = arith.index_cast %get3A_402 : i32 to index
        %get3A_404 = arith.index_cast %add3A_395 : i32 to index
        %get3A_405 = arith.constant 0 : index
        %get3A_406 = tpu.vector_load %arg6[%get3A_403, %get3A_404, %get3A_405] {strides = array<i32>} : memref<2x80x128xf32, #tpu.memory_space<vmem>>, vector<16xf32>,
        %mul3A_407 = arith.mulf %get3A_406, %gather3A_401 : vector<16xf32>
        %swap3A_408 = arith.constant 0 : i32
        %swap3A_409 = arith.index_cast %swap3A_408 : i32 to index
        %swap3A_410 = arith.index_cast %add3A_395 : i32 to index
        %swap3A_411 = arith.constant 0 : index
        %swap3A_412 = tpu.vector_load %arg6[%swap3A_409, %swap3A_410, %swap3A_411] {strides = array<i32>} : memref<2x80x128xf32, #tpu.memory_space<vmem>>, vector<16xf32>,
        tpu.vector_store %arg6[%swap3A_409, %swap3A_410, %swap3A_411], %mul3A_407 {strides = array<i32>} : memref<2x80x128xf32, #tpu.memory_space<vmem>>, vector<16xf32>,
        %get3A_413 = arith.constant 0 : i32
        %get3A_414 = arith.index_cast %get3A_413 : i32 to index
        %get3A_415 = arith.index_cast %add3A_395 : i32 to index
        %get3A_416 = arith.constant 16 : index
        %get3A_417 = tpu.vector_load %arg6[%get3A_414, %get3A_415, %get3A_416] {strides = array<i32>} : memref<2x80x128xf32, #tpu.memory_space<vmem>>, vector<16xf32>,
        %mul3A_418 = arith.mulf %get3A_417, %gather3A_401 : vector<16xf32>
        %swap3A_419 = arith.constant 0 : i32
        %swap3A_420 = arith.index_cast %swap3A_419 : i32 to index
        %swap3A_421 = arith.index_cast %add3A_395 : i32 to index
        %swap3A_422 = arith.constant 16 : index
        %swap3A_423 = tpu.vector_load %arg6[%swap3A_420, %swap3A_421, %swap3A_422] {strides = array<i32>} : memref<2x80x128xf32, #tpu.memory_space<vmem>>, vector<16xf32>,
        tpu.vector_store %arg6[%swap3A_420, %swap3A_421, %swap3A_422], %mul3A_418 {strides = array<i32>} : memref<2x80x128xf32, #tpu.memory_space<vmem>>, vector<16xf32>,
        %get3A_424 = arith.constant 0 : i32
        %get3A_425 = arith.index_cast %get3A_424 : i32 to index
        %get3A_426 = arith.index_cast %add3A_395 : i32 to index
        %get3A_427 = arith.constant 32 : index
        %get3A_428 = tpu.vector_load %arg6[%get3A_425, %get3A_426, %get3A_427] {strides = array<i32>} : memref<2x80x128xf32, #tpu.memory_space<vmem>>, vector<16xf32>,
        %mul3A_429 = arith.mulf %get3A_428, %gather3A_401 : vector<16xf32>
        %swap3A_430 = arith.constant 0 : i32
        %swap3A_431 = arith.index_cast %swap3A_430 : i32 to index
        %swap3A_432 = arith.index_cast %add3A_395 : i32 to index
        %swap3A_433 = arith.constant 32 : index
        %swap3A_434 = tpu.vector_load %arg6[%swap3A_431, %swap3A_432, %swap3A_433] {strides = array<i32>} : memref<2x80x128xf32, #tpu.memory_space<vmem>>, vector<16xf32>,
        tpu.vector_store %arg6[%swap3A_431, %swap3A_432, %swap3A_433], %mul3A_429 {strides = array<i32>} : memref<2x80x128xf32, #tpu.memory_space<vmem>>, vector<16xf32>,
        %get3A_435 = arith.constant 0 : i32
        %get3A_436 = arith.index_cast %get3A_435 : i32 to index
        %get3A_437 = arith.index_cast %add3A_395 : i32 to index
        %get3A_438 = arith.constant 48 : index
        %get3A_439 = tpu.vector_load %arg6[%get3A_436, %get3A_437, %get3A_438] {strides = array<i32>} : memref<2x80x128xf32, #tpu.memory_space<vmem>>, vector<16xf32>,
        %mul3A_440 = arith.mulf %get3A_439, %gather3A_401 : vector<16xf32>
        %swap3A_441 = arith.constant 0 : i32
        %swap3A_442 = arith.index_cast %swap3A_441 : i32 to index
        %swap3A_443 = arith.index_cast %add3A_395 : i32 to index
        %swap3A_444 = arith.constant 48 : index
        %swap3A_445 = tpu.vector_load %arg6[%swap3A_442, %swap3A_443, %swap3A_444] {strides = array<i32>} : memref<2x80x128xf32, #tpu.memory_space<vmem>>, vector<16xf32>,
        tpu.vector_store %arg6[%swap3A_442, %swap3A_443, %swap3A_444], %mul3A_440 {strides = array<i32>} : memref<2x80x128xf32, #tpu.memory_space<vmem>>, vector<16xf32>,
        %get3A_446 = arith.constant 0 : i32
        %get3A_447 = arith.index_cast %get3A_446 : i32 to index
        %get3A_448 = arith.index_cast %add3A_395 : i32 to index
        %get3A_449 = arith.constant 64 : index
        %get3A_450 = tpu.vector_load %arg6[%get3A_447, %get3A_448, %get3A_449] {strides = array<i32>} : memref<2x80x128xf32, #tpu.memory_space<vmem>>, vector<16xf32>,
        %mul3A_451 = arith.mulf %get3A_450, %gather3A_401 : vector<16xf32>
        %swap3A_452 = arith.constant 0 : i32
        %swap3A_453 = arith.index_cast %swap3A_452 : i32 to index
        %swap3A_454 = arith.index_cast %add3A_395 : i32 to index
        %swap3A_455 = arith.constant 64 : index
        %swap3A_456 = tpu.vector_load %arg6[%swap3A_453, %swap3A_454, %swap3A_455] {strides = array<i32>} : memref<2x80x128xf32, #tpu.memory_space<vmem>>, vector<16xf32>,
        tpu.vector_store %arg6[%swap3A_453, %swap3A_454, %swap3A_455], %mul3A_451 {strides = array<i32>} : memref<2x80x128xf32, #tpu.memory_space<vmem>>, vector<16xf32>,
        %get3A_457 = arith.constant 0 : i32
        %get3A_458 = arith.index_cast %get3A_457 : i32 to index
        %get3A_459 = arith.index_cast %add3A_395 : i32 to index
        %get3A_460 = arith.constant 80 : index
        %get3A_461 = tpu.vector_load %arg6[%get3A_458, %get3A_459, %get3A_460] {strides = array<i32>} : memref<2x80x128xf32, #tpu.memory_space<vmem>>, vector<16xf32>,
        %mul3A_462 = arith.mulf %get3A_461, %gather3A_401 : vector<16xf32>
        %swap3A_463 = arith.constant 0 : i32
        %swap3A_464 = arith.index_cast %swap3A_463 : i32 to index
        %swap3A_465 = arith.index_cast %add3A_395 : i32 to index
        %swap3A_466 = arith.constant 80 : index
        %swap3A_467 = tpu.vector_load %arg6[%swap3A_464, %swap3A_465, %swap3A_466] {strides = array<i32>} : memref<2x80x128xf32, #tpu.memory_space<vmem>>, vector<16xf32>,
        tpu.vector_store %arg6[%swap3A_464, %swap3A_465, %swap3A_466], %mul3A_462 {strides = array<i32>} : memref<2x80x128xf32, #tpu.memory_space<vmem>>, vector<16xf32>,
        %get3A_468 = arith.constant 0 : i32
        %get3A_469 = arith.index_cast %get3A_468 : i32 to index
        %get3A_470 = arith.index_cast %add3A_395 : i32 to index
        %get3A_471 = arith.constant 96 : index
        %get3A_472 = tpu.vector_load %arg6[%get3A_469, %get3A_470, %get3A_471] {strides = array<i32>} : memref<2x80x128xf32, #tpu.memory_space<vmem>>, vector<16xf32>,
        %mul3A_473 = arith.mulf %get3A_472, %gather3A_401 : vector<16xf32>
        %swap3A_474 = arith.constant 0 : i32
        %swap3A_475 = arith.index_cast %swap3A_474 : i32 to index
        %swap3A_476 = arith.index_cast %add3A_395 : i32 to index
        %swap3A_477 = arith.constant 96 : index
        %swap3A_478 = tpu.vector_load %arg6[%swap3A_475, %swap3A_476, %swap3A_477] {strides = array<i32>} : memref<2x80x128xf32, #tpu.memory_space<vmem>>, vector<16xf32>,
        tpu.vector_store %arg6[%swap3A_475, %swap3A_476, %swap3A_477], %mul3A_473 {strides = array<i32>} : memref<2x80x128xf32, #tpu.memory_space<vmem>>, vector<16xf32>,
        %get3A_479 = arith.constant 0 : i32
        %get3A_480 = arith.index_cast %get3A_479 : i32 to index
        %get3A_481 = arith.index_cast %add3A_395 : i32 to index
        %get3A_482 = arith.constant 112 : index
        %get3A_483 = tpu.vector_load %arg6[%get3A_480, %get3A_481, %get3A_482] {strides = array<i32>} : memref<2x80x128xf32, #tpu.memory_space<vmem>>, vector<16xf32>,
        %mul3A_484 = arith.mulf %get3A_483, %gather3A_401 : vector<16xf32>
        %swap3A_485 = arith.constant 0 : i32
        %swap3A_486 = arith.index_cast %swap3A_485 : i32 to index
        %swap3A_487 = arith.index_cast %add3A_395 : i32 to index
        %swap3A_488 = arith.constant 112 : index
        %swap3A_489 = tpu.vector_load %arg6[%swap3A_486, %swap3A_487, %swap3A_488] {strides = array<i32>} : memref<2x80x128xf32, #tpu.memory_space<vmem>>, vector<16xf32>,
        tpu.vector_store %arg6[%swap3A_486, %swap3A_487, %swap3A_488], %mul3A_484 {strides = array<i32>} : memref<2x80x128xf32, #tpu.memory_space<vmem>>, vector<16xf32>,
      }
      %scan3A_202 = arith.constant 40 : i32
      %run_scoped3A_203 = arith.constant 0 : i32
      %run_scoped3A_204 = arith.constant 0 : i32
      "tpu.region"() ({
        %run_scoped3A_297 = tpu.sem_alloc : memref<!tpu.dma_semaphore, #tpu.memory_space<semaphore_mem>>
        %dma_start3A_298 = arith.constant 0 : i32
        %dma_start3A_299 = arith.constant 0 : i32
        %dma_start3A_300 = tpu.memref_slice %arg6[%run_scoped3A_203, %dma_start3A_298, %dma_start3A_299] : memref<2x80x128xf32, #tpu.memory_space<vmem>> -> memref<1x80x128xf32, #tpu.memory_space<vmem>>
        %dma_start3A_301 = tpu.memref_squeeze %dma_start3A_300 : memref<1x80x128xf32, #tpu.memory_space<vmem>> -> memref<80x128xf32, #tpu.memory_space<vmem>>
        %dma_start3A_302 = arith.constant 0 : i32
        %dma_start3A_303 = tpu.memref_slice %arg8[%run_scoped3A_204, %dma_start3A_302] : memref<2x80xi32, #tpu.memory_space<vmem>> -> memref<1x80xi32, #tpu.memory_space<vmem>>
        %dma_start3A_304 = tpu.memref_squeeze %dma_start3A_303 : memref<1x80xi32, #tpu.memory_space<vmem>> -> memref<80xi32, #tpu.memory_space<vmem>>
        %dma_start3A_305 = arith.constant 0 : i32
        %dma_start3A_306 = arith.constant 0 : i32
        %dma_start3A_307 = tpu.memref_slice %arg10[%dma_start3A_305, %dma_start3A_306] : memref<10000x128xf32, #tpu.memory_space<vmem_shared>> -> memref<10000x128xf32, #tpu.memory_space<vmem_shared>>
        tpu.enqueue_indirect_dma source(%dma_start3A_301 : memref<80x128xf32, #tpu.memory_space<vmem>>) target(%dma_start3A_307 : memref<10000x128xf32, #tpu.memory_space<vmem_shared>>) offsets(%dma_start3A_304 : memref<80xi32, #tpu.memory_space<vmem>>) semaphore(%run_scoped3A_297 : memref<!tpu.dma_semaphore, #tpu.memory_space<semaphore_mem>>) {add = true}
        %dma_wait3A_308 = arith.constant 0 : i32
        %dma_wait3A_309 = arith.constant 0 : i32
        %dma_wait3A_310 = tpu.memref_slice %arg6[%run_scoped3A_203, %dma_wait3A_308, %dma_wait3A_309] : memref<2x80x128xf32, #tpu.memory_space<vmem>> -> memref<1x80x128xf32, #tpu.memory_space<vmem>>
        %dma_wait3A_311 = tpu.memref_squeeze %dma_wait3A_310 : memref<1x80x128xf32, #tpu.memory_space<vmem>> -> memref<80x128xf32, #tpu.memory_space<vmem>>
        %dma_wait3A_312 = arith.constant 0 : i32
        %dma_wait3A_313 = tpu.memref_slice %arg8[%run_scoped3A_204, %dma_wait3A_312] : memref<2x80xi32, #tpu.memory_space<vmem>> -> memref<1x80xi32, #tpu.memory_space<vmem>>
        %dma_wait3A_314 = tpu.memref_squeeze %dma_wait3A_313 : memref<1x80xi32, #tpu.memory_space<vmem>> -> memref<80xi32, #tpu.memory_space<vmem>>
        %dma_wait3A_315 = arith.constant 0 : i32
        %dma_wait3A_316 = arith.constant 0 : i32
        %dma_wait3A_317 = tpu.memref_slice %arg10[%dma_wait3A_315, %dma_wait3A_316] : memref<10000x128xf32, #tpu.memory_space<vmem_shared>> -> memref<10000x128xf32, #tpu.memory_space<vmem_shared>>
        tpu.wait_indirect_dma semaphore(%run_scoped3A_297 : memref<!tpu.dma_semaphore, #tpu.memory_space<semaphore_mem>>) src(%dma_wait3A_311 : memref<80x128xf32, #tpu.memory_space<vmem>>) dst(%dma_wait3A_317 : memref<10000x128xf32, #tpu.memory_space<vmem_shared>>)
        tpu.yield
      }) : () -> ()
      %add3A_205 = arith.constant 2 : i32
      %add3A_206 = arith.addi %mul3A_114, %add3A_205 : i32
      %mul3A_207 = arith.constant 80 : i32
      %mul3A_208 = arith.muli %add3A_206, %mul3A_207 : i32
      %add3A_209 = arith.addi %add3A_8, %mul3A_208 : i32
      %mul3A_210 = arith.constant 80 : i32
      %mul3A_211 = arith.muli %add3A_206, %mul3A_210 : i32
      %add3A_212 = arith.addi %add3A_4, %mul3A_211 : i32
      %mul3A_213 = arith.constant 80 : i32
      %mul3A_214 = arith.muli %add3A_206, %mul3A_213 : i32
      %add3A_215 = arith.addi %add3A_8, %mul3A_214 : i32
      %dma_start3A_216 = arith.constant 0 : i32
      %dma_start3A_217 = arith.constant 0 : i32
      %dma_start3A_218 = arith.constant 0 : i32
      %dma_start3A_219 = tpu.memref_slice %arg6[%dma_start3A_216, %dma_start3A_217, %dma_start3A_218] : memref<2x80x128xf32, #tpu.memory_space<vmem>> -> memref<1x80x128xf32, #tpu.memory_space<vmem>>
      %dma_start3A_220 = tpu.memref_squeeze %dma_start3A_219 : memref<1x80x128xf32, #tpu.memory_space<vmem>> -> memref<80x128xf32, #tpu.memory_space<vmem>>
      %dma_start3A_221 = arith.constant 0 : i32
      %dma_start3A_222 = tpu.memref_slice %arg2[%add3A_209, %dma_start3A_221] : memref<320000x128xf32, #tpu.memory_space<hbm>> -> memref<80x128xf32, #tpu.memory_space<hbm>>
      %dma_start3A_223 = arith.constant 0 : i32
      %dma_start3A_224 = arith.constant 0 : i32
      %dma_start3A_225 = tpu.memref_slice %arg6[%dma_start3A_216, %dma_start3A_223, %dma_start3A_224] : memref<2x80x128xf32, #tpu.memory_space<vmem>> -> memref<1x80x128xf32, #tpu.memory_space<vmem>>
      %dma_start3A_226 = tpu.memref_squeeze %dma_start3A_225 : memref<1x80x128xf32, #tpu.memory_space<vmem>> -> memref<80x128xf32, #tpu.memory_space<vmem>>
      %dma_start3A_227 = arith.constant 0 : i32
      %dma_start3A_228 = tpu.memref_slice %arg2[%add3A_209, %dma_start3A_227] : memref<320000x128xf32, #tpu.memory_space<hbm>> -> memref<80x128xf32, #tpu.memory_space<hbm>>
      tpu.enqueue_dma source(%dma_start3A_228 : memref<80x128xf32, #tpu.memory_space<hbm>>) target(%dma_start3A_226 : memref<80x128xf32, #tpu.memory_space<vmem>>) target_semaphore(%arg11 : memref<!tpu.dma_semaphore, #tpu.memory_space<semaphore_mem>>)
      %dma_start3A_229 = arith.constant 0 : i32
      %dma_start3A_230 = arith.constant 0 : i32
      %dma_start3A_231 = tpu.memref_slice %arg7[%dma_start3A_229, %dma_start3A_230] : memref<2x80xf32, #tpu.memory_space<vmem>> -> memref<1x80xf32, #tpu.memory_space<vmem>>
      %dma_start3A_232 = tpu.memref_squeeze %dma_start3A_231 : memref<1x80xf32, #tpu.memory_space<vmem>> -> memref<80xf32, #tpu.memory_space<vmem>>
      %dma_start3A_233 = tpu.memref_slice %arg3[%add3A_212] : memref<163840xf32, #tpu.memory_space<hbm>> -> memref<80xf32, #tpu.memory_space<hbm>>
      %dma_start3A_234 = arith.constant 0 : i32
      %dma_start3A_235 = tpu.memref_slice %arg7[%dma_start3A_229, %dma_start3A_234] : memref<2x80xf32, #tpu.memory_space<vmem>> -> memref<1x80xf32, #tpu.memory_space<vmem>>
      %dma_start3A_236 = tpu.memref_squeeze %dma_start3A_235 : memref<1x80xf32, #tpu.memory_space<vmem>> -> memref<80xf32, #tpu.memory_space<vmem>>
      %dma_start3A_237 = tpu.memref_slice %arg3[%add3A_212] : memref<163840xf32, #tpu.memory_space<hbm>> -> memref<80xf32, #tpu.memory_space<hbm>>
      tpu.enqueue_dma source(%dma_start3A_237 : memref<80xf32, #tpu.memory_space<hbm>>) target(%dma_start3A_236 : memref<80xf32, #tpu.memory_space<vmem>>) target_semaphore(%arg11 : memref<!tpu.dma_semaphore, #tpu.memory_space<semaphore_mem>>)
      %dma_start3A_238 = arith.constant 0 : i32
      %dma_start3A_239 = arith.constant 0 : i32
      %dma_start3A_240 = tpu.memref_slice %arg8[%dma_start3A_238, %dma_start3A_239] : memref<2x80xi32, #tpu.memory_space<vmem>> -> memref<1x80xi32, #tpu.memory_space<vmem>>
      %dma_start3A_241 = tpu.memref_squeeze %dma_start3A_240 : memref<1x80xi32, #tpu.memory_space<vmem>> -> memref<80xi32, #tpu.memory_space<vmem>>
      %dma_start3A_242 = tpu.memref_slice %arg4[%add3A_215] : memref<320000xi32, #tpu.memory_space<hbm>> -> memref<80xi32, #tpu.memory_space<hbm>>
      %dma_start3A_243 = arith.constant 0 : i32
      %dma_start3A_244 = tpu.memref_slice %arg8[%dma_start3A_238, %dma_start3A_243] : memref<2x80xi32, #tpu.memory_space<vmem>> -> memref<1x80xi32, #tpu.memory_space<vmem>>
      %dma_start3A_245 = tpu.memref_squeeze %dma_start3A_244 : memref<1x80xi32, #tpu.memory_space<vmem>> -> memref<80xi32, #tpu.memory_space<vmem>>
      %dma_start3A_246 = tpu.memref_slice %arg4[%add3A_215] : memref<320000xi32, #tpu.memory_space<hbm>> -> memref<80xi32, #tpu.memory_space<hbm>>
      tpu.enqueue_dma source(%dma_start3A_246 : memref<80xi32, #tpu.memory_space<hbm>>) target(%dma_start3A_245 : memref<80xi32, #tpu.memory_space<vmem>>) target_semaphore(%arg11 : memref<!tpu.dma_semaphore, #tpu.memory_space<semaphore_mem>>)
      %add3A_247 = arith.constant 1 : i32
      %add3A_248 = arith.addi %mul3A_114, %add3A_247 : i32
      %mul3A_249 = arith.constant 80 : i32
      %mul3A_250 = arith.muli %add3A_248, %mul3A_249 : i32
      %add3A_251 = arith.addi %add3A_8, %mul3A_250 : i32
      %mul3A_252 = arith.constant 80 : i32
      %mul3A_253 = arith.muli %add3A_248, %mul3A_252 : i32
      %add3A_254 = arith.addi %add3A_4, %mul3A_253 : i32
      %mul3A_255 = arith.constant 80 : i32
      %mul3A_256 = arith.muli %add3A_248, %mul3A_255 : i32
      %add3A_257 = arith.addi %add3A_8, %mul3A_256 : i32
      %dma_wait3A_258 = arith.constant 1 : i32
      %dma_wait3A_259 = arith.constant 0 : i32
      %dma_wait3A_260 = arith.constant 0 : i32
      %dma_wait3A_261 = tpu.memref_slice %arg6[%dma_wait3A_258, %dma_wait3A_259, %dma_wait3A_260] : memref<2x80x128xf32, #tpu.memory_space<vmem>> -> memref<1x80x128xf32, #tpu.memory_space<vmem>>
      %dma_wait3A_262 = tpu.memref_squeeze %dma_wait3A_261 : memref<1x80x128xf32, #tpu.memory_space<vmem>> -> memref<80x128xf32, #tpu.memory_space<vmem>>
      %dma_wait3A_263 = arith.constant 0 : i32
      %dma_wait3A_264 = tpu.memref_slice %arg2[%add3A_251, %dma_wait3A_263] : memref<320000x128xf32, #tpu.memory_space<hbm>> -> memref<80x128xf32, #tpu.memory_space<hbm>>
      %dma_wait3A_265 = arith.constant 0 : i32
      %dma_wait3A_266 = arith.constant 0 : i32
      %dma_wait3A_267 = tpu.memref_slice %arg6[%dma_wait3A_258, %dma_wait3A_265, %dma_wait3A_266] : memref<2x80x128xf32, #tpu.memory_space<vmem>> -> memref<1x80x128xf32, #tpu.memory_space<vmem>>
      %dma_wait3A_268 = tpu.memref_squeeze %dma_wait3A_267 : memref<1x80x128xf32, #tpu.memory_space<vmem>> -> memref<80x128xf32, #tpu.memory_space<vmem>>
      %dma_wait3A_269 = arith.constant 0 : i32
      %dma_wait3A_270 = tpu.memref_slice %arg2[%add3A_251, %dma_wait3A_269] : memref<320000x128xf32, #tpu.memory_space<hbm>> -> memref<80x128xf32, #tpu.memory_space<hbm>>
      tpu.wait_dma2 semaphore(%arg12 : memref<!tpu.dma_semaphore, #tpu.memory_space<semaphore_mem>>) src(%dma_wait3A_270 : memref<80x128xf32, #tpu.memory_space<hbm>>) dst(%dma_wait3A_268 : memref<80x128xf32, #tpu.memory_space<vmem>>)
      %dma_wait3A_271 = arith.constant 1 : i32
      %dma_wait3A_272 = arith.constant 0 : i32
      %dma_wait3A_273 = tpu.memref_slice %arg7[%dma_wait3A_271, %dma_wait3A_272] : memref<2x80xf32, #tpu.memory_space<vmem>> -> memref<1x80xf32, #tpu.memory_space<vmem>>
      %dma_wait3A_274 = tpu.memref_squeeze %dma_wait3A_273 : memref<1x80xf32, #tpu.memory_space<vmem>> -> memref<80xf32, #tpu.memory_space<vmem>>
      %dma_wait3A_275 = tpu.memref_slice %arg3[%add3A_254] : memref<163840xf32, #tpu.memory_space<hbm>> -> memref<80xf32, #tpu.memory_space<hbm>>
      %dma_wait3A_276 = arith.constant 0 : i32
      %dma_wait3A_277 = tpu.memref_slice %arg7[%dma_wait3A_271, %dma_wait3A_276] : memref<2x80xf32, #tpu.memory_space<vmem>> -> memref<1x80xf32, #tpu.memory_space<vmem>>
      %dma_wait3A_278 = tpu.memref_squeeze %dma_wait3A_277 : memref<1x80xf32, #tpu.memory_space<vmem>> -> memref<80xf32, #tpu.memory_space<vmem>>
      %dma_wait3A_279 = tpu.memref_slice %arg3[%add3A_254] : memref<163840xf32, #tpu.memory_space<hbm>> -> memref<80xf32, #tpu.memory_space<hbm>>
      tpu.wait_dma2 semaphore(%arg12 : memref<!tpu.dma_semaphore, #tpu.memory_space<semaphore_mem>>) src(%dma_wait3A_279 : memref<80xf32, #tpu.memory_space<hbm>>) dst(%dma_wait3A_278 : memref<80xf32, #tpu.memory_space<vmem>>)
      %dma_wait3A_280 = arith.constant 1 : i32
      %dma_wait3A_281 = arith.constant 0 : i32
      %dma_wait3A_282 = tpu.memref_slice %arg8[%dma_wait3A_280, %dma_wait3A_281] : memref<2x80xi32, #tpu.memory_space<vmem>> -> memref<1x80xi32, #tpu.memory_space<vmem>>
      %dma_wait3A_283 = tpu.memref_squeeze %dma_wait3A_282 : memref<1x80xi32, #tpu.memory_space<vmem>> -> memref<80xi32, #tpu.memory_space<vmem>>
      %dma_wait3A_284 = tpu.memref_slice %arg4[%add3A_257] : memref<320000xi32, #tpu.memory_space<hbm>> -> memref<80xi32, #tpu.memory_space<hbm>>
      %dma_wait3A_285 = arith.constant 0 : i32
      %dma_wait3A_286 = tpu.memref_slice %arg8[%dma_wait3A_280, %dma_wait3A_285] : memref<2x80xi32, #tpu.memory_space<vmem>> -> memref<1x80xi32, #tpu.memory_space<vmem>>
      %dma_wait3A_287 = tpu.memref_squeeze %dma_wait3A_286 : memref<1x80xi32, #tpu.memory_space<vmem>> -> memref<80xi32, #tpu.memory_space<vmem>>
      %dma_wait3A_288 = tpu.memref_slice %arg4[%add3A_257] : memref<320000xi32, #tpu.memory_space<hbm>> -> memref<80xi32, #tpu.memory_space<hbm>>
      tpu.wait_dma2 semaphore(%arg12 : memref<!tpu.dma_semaphore, #tpu.memory_space<semaphore_mem>>) src(%dma_wait3A_288 : memref<80xi32, #tpu.memory_space<hbm>>) dst(%dma_wait3A_287 : memref<80xi32, #tpu.memory_space<vmem>>)
      %scan3A_289 = arith.constant 0 : i32
      %scan3A_290 = arith.constant 0 : i32
      %scan3A_291 = arith.constant 40 : i32
      %scan3A_292 = arith.addi %scan3A_290, %scan3A_291 : i32
      %scan3A_293 = arith.constant 1 : i32
      scf.for %scan3A_297 = %scan3A_290 to %scan3A_292 step %scan3A_293  : i32 {
        %mul3A_298 = arith.constant 2 : i32
        %mul3A_299 = arith.muli %mul3A_298, %scan3A_297 : i32
        %add3A_300 = arith.constant 0 : i32
        %add3A_301 = arith.addi %mul3A_299, %add3A_300 : i32
        %broadcast_in_dim3A = vector.broadcast %add3A_301 : i32 to vector<16xi32>
        %gather3A = arith.constant 1 : i32
        %gather3A_302 = arith.constant 0 : i32
        %gather3A_303 = tpu.memref_slice %arg7[%gather3A, %gather3A_302] : memref<2x80xf32, #tpu.memory_space<vmem>> -> memref<1x80xf32, #tpu.memory_space<vmem>>
        %gather3A_304 = tpu.memref_squeeze %gather3A_303 : memref<1x80xf32, #tpu.memory_space<vmem>> -> memref<80xf32, #tpu.memory_space<vmem>>
        %gather3A_305 = tpu.vector_load_idx %gather3A_304[%broadcast_in_dim3A] : memref<80xf32, #tpu.memory_space<vmem>>[vector<16xi32>], vector<16xf32>,
        %get3A = arith.constant 1 : i32
        %get3A_306 = arith.index_cast %get3A : i32 to index
        %get3A_307 = arith.index_cast %add3A_301 : i32 to index
        %get3A_308 = arith.constant 0 : index
        %get3A_309 = tpu.vector_load %arg6[%get3A_306, %get3A_307, %get3A_308] {strides = array<i32>} : memref<2x80x128xf32, #tpu.memory_space<vmem>>, vector<16xf32>,
        %mul3A_310 = arith.mulf %get3A_309, %gather3A_305 : vector<16xf32>
        %swap3A = arith.constant 1 : i32
        %swap3A_311 = arith.index_cast %swap3A : i32 to index
        %swap3A_312 = arith.index_cast %add3A_301 : i32 to index
        %swap3A_313 = arith.constant 0 : index
        %swap3A_314 = tpu.vector_load %arg6[%swap3A_311, %swap3A_312, %swap3A_313] {strides = array<i32>} : memref<2x80x128xf32, #tpu.memory_space<vmem>>, vector<16xf32>,
        tpu.vector_store %arg6[%swap3A_311, %swap3A_312, %swap3A_313], %mul3A_310 {strides = array<i32>} : memref<2x80x128xf32, #tpu.memory_space<vmem>>, vector<16xf32>,
        %get3A_315 = arith.constant 1 : i32
        %get3A_316 = arith.index_cast %get3A_315 : i32 to index
        %get3A_317 = arith.index_cast %add3A_301 : i32 to index
        %get3A_318 = arith.constant 16 : index
        %get3A_319 = tpu.vector_load %arg6[%get3A_316, %get3A_317, %get3A_318] {strides = array<i32>} : memref<2x80x128xf32, #tpu.memory_space<vmem>>, vector<16xf32>,
        %mul3A_320 = arith.mulf %get3A_319, %gather3A_305 : vector<16xf32>
        %swap3A_321 = arith.constant 1 : i32
        %swap3A_322 = arith.index_cast %swap3A_321 : i32 to index
        %swap3A_323 = arith.index_cast %add3A_301 : i32 to index
        %swap3A_324 = arith.constant 16 : index
        %swap3A_325 = tpu.vector_load %arg6[%swap3A_322, %swap3A_323, %swap3A_324] {strides = array<i32>} : memref<2x80x128xf32, #tpu.memory_space<vmem>>, vector<16xf32>,
        tpu.vector_store %arg6[%swap3A_322, %swap3A_323, %swap3A_324], %mul3A_320 {strides = array<i32>} : memref<2x80x128xf32, #tpu.memory_space<vmem>>, vector<16xf32>,
        %get3A_326 = arith.constant 1 : i32
        %get3A_327 = arith.index_cast %get3A_326 : i32 to index
        %get3A_328 = arith.index_cast %add3A_301 : i32 to index
        %get3A_329 = arith.constant 32 : index
        %get3A_330 = tpu.vector_load %arg6[%get3A_327, %get3A_328, %get3A_329] {strides = array<i32>} : memref<2x80x128xf32, #tpu.memory_space<vmem>>, vector<16xf32>,
        %mul3A_331 = arith.mulf %get3A_330, %gather3A_305 : vector<16xf32>
        %swap3A_332 = arith.constant 1 : i32
        %swap3A_333 = arith.index_cast %swap3A_332 : i32 to index
        %swap3A_334 = arith.index_cast %add3A_301 : i32 to index
        %swap3A_335 = arith.constant 32 : index
        %swap3A_336 = tpu.vector_load %arg6[%swap3A_333, %swap3A_334, %swap3A_335] {strides = array<i32>} : memref<2x80x128xf32, #tpu.memory_space<vmem>>, vector<16xf32>,
        tpu.vector_store %arg6[%swap3A_333, %swap3A_334, %swap3A_335], %mul3A_331 {strides = array<i32>} : memref<2x80x128xf32, #tpu.memory_space<vmem>>, vector<16xf32>,
        %get3A_337 = arith.constant 1 : i32
        %get3A_338 = arith.index_cast %get3A_337 : i32 to index
        %get3A_339 = arith.index_cast %add3A_301 : i32 to index
        %get3A_340 = arith.constant 48 : index
        %get3A_341 = tpu.vector_load %arg6[%get3A_338, %get3A_339, %get3A_340] {strides = array<i32>} : memref<2x80x128xf32, #tpu.memory_space<vmem>>, vector<16xf32>,
        %mul3A_342 = arith.mulf %get3A_341, %gather3A_305 : vector<16xf32>
        %swap3A_343 = arith.constant 1 : i32
        %swap3A_344 = arith.index_cast %swap3A_343 : i32 to index
        %swap3A_345 = arith.index_cast %add3A_301 : i32 to index
        %swap3A_346 = arith.constant 48 : index
        %swap3A_347 = tpu.vector_load %arg6[%swap3A_344, %swap3A_345, %swap3A_346] {strides = array<i32>} : memref<2x80x128xf32, #tpu.memory_space<vmem>>, vector<16xf32>,
        tpu.vector_store %arg6[%swap3A_344, %swap3A_345, %swap3A_346], %mul3A_342 {strides = array<i32>} : memref<2x80x128xf32, #tpu.memory_space<vmem>>, vector<16xf32>,
        %get3A_348 = arith.constant 1 : i32
        %get3A_349 = arith.index_cast %get3A_348 : i32 to index
        %get3A_350 = arith.index_cast %add3A_301 : i32 to index
        %get3A_351 = arith.constant 64 : index
        %get3A_352 = tpu.vector_load %arg6[%get3A_349, %get3A_350, %get3A_351] {strides = array<i32>} : memref<2x80x128xf32, #tpu.memory_space<vmem>>, vector<16xf32>,
        %mul3A_353 = arith.mulf %get3A_352, %gather3A_305 : vector<16xf32>
        %swap3A_354 = arith.constant 1 : i32
        %swap3A_355 = arith.index_cast %swap3A_354 : i32 to index
        %swap3A_356 = arith.index_cast %add3A_301 : i32 to index
        %swap3A_357 = arith.constant 64 : index
        %swap3A_358 = tpu.vector_load %arg6[%swap3A_355, %swap3A_356, %swap3A_357] {strides = array<i32>} : memref<2x80x128xf32, #tpu.memory_space<vmem>>, vector<16xf32>,
        tpu.vector_store %arg6[%swap3A_355, %swap3A_356, %swap3A_357], %mul3A_353 {strides = array<i32>} : memref<2x80x128xf32, #tpu.memory_space<vmem>>, vector<16xf32>,
        %get3A_359 = arith.constant 1 : i32
        %get3A_360 = arith.index_cast %get3A_359 : i32 to index
        %get3A_361 = arith.index_cast %add3A_301 : i32 to index
        %get3A_362 = arith.constant 80 : index
        %get3A_363 = tpu.vector_load %arg6[%get3A_360, %get3A_361, %get3A_362] {strides = array<i32>} : memref<2x80x128xf32, #tpu.memory_space<vmem>>, vector<16xf32>,
        %mul3A_364 = arith.mulf %get3A_363, %gather3A_305 : vector<16xf32>
        %swap3A_365 = arith.constant 1 : i32
        %swap3A_366 = arith.index_cast %swap3A_365 : i32 to index
        %swap3A_367 = arith.index_cast %add3A_301 : i32 to index
        %swap3A_368 = arith.constant 80 : index
        %swap3A_369 = tpu.vector_load %arg6[%swap3A_366, %swap3A_367, %swap3A_368] {strides = array<i32>} : memref<2x80x128xf32, #tpu.memory_space<vmem>>, vector<16xf32>,
        tpu.vector_store %arg6[%swap3A_366, %swap3A_367, %swap3A_368], %mul3A_364 {strides = array<i32>} : memref<2x80x128xf32, #tpu.memory_space<vmem>>, vector<16xf32>,
        %get3A_370 = arith.constant 1 : i32
        %get3A_371 = arith.index_cast %get3A_370 : i32 to index
        %get3A_372 = arith.index_cast %add3A_301 : i32 to index
        %get3A_373 = arith.constant 96 : index
        %get3A_374 = tpu.vector_load %arg6[%get3A_371, %get3A_372, %get3A_373] {strides = array<i32>} : memref<2x80x128xf32, #tpu.memory_space<vmem>>, vector<16xf32>,
        %mul3A_375 = arith.mulf %get3A_374, %gather3A_305 : vector<16xf32>
        %swap3A_376 = arith.constant 1 : i32
        %swap3A_377 = arith.index_cast %swap3A_376 : i32 to index
        %swap3A_378 = arith.index_cast %add3A_301 : i32 to index
        %swap3A_379 = arith.constant 96 : index
        %swap3A_380 = tpu.vector_load %arg6[%swap3A_377, %swap3A_378, %swap3A_379] {strides = array<i32>} : memref<2x80x128xf32, #tpu.memory_space<vmem>>, vector<16xf32>,
        tpu.vector_store %arg6[%swap3A_377, %swap3A_378, %swap3A_379], %mul3A_375 {strides = array<i32>} : memref<2x80x128xf32, #tpu.memory_space<vmem>>, vector<16xf32>,
        %get3A_381 = arith.constant 1 : i32
        %get3A_382 = arith.index_cast %get3A_381 : i32 to index
        %get3A_383 = arith.index_cast %add3A_301 : i32 to index
        %get3A_384 = arith.constant 112 : index
        %get3A_385 = tpu.vector_load %arg6[%get3A_382, %get3A_383, %get3A_384] {strides = array<i32>} : memref<2x80x128xf32, #tpu.memory_space<vmem>>, vector<16xf32>,
        %mul3A_386 = arith.mulf %get3A_385, %gather3A_305 : vector<16xf32>
        %swap3A_387 = arith.constant 1 : i32
        %swap3A_388 = arith.index_cast %swap3A_387 : i32 to index
        %swap3A_389 = arith.index_cast %add3A_301 : i32 to index
        %swap3A_390 = arith.constant 112 : index
        %swap3A_391 = tpu.vector_load %arg6[%swap3A_388, %swap3A_389, %swap3A_390] {strides = array<i32>} : memref<2x80x128xf32, #tpu.memory_space<vmem>>, vector<16xf32>,
        tpu.vector_store %arg6[%swap3A_388, %swap3A_389, %swap3A_390], %mul3A_386 {strides = array<i32>} : memref<2x80x128xf32, #tpu.memory_space<vmem>>, vector<16xf32>,
        %mul3A_392 = arith.constant 2 : i32
        %mul3A_393 = arith.muli %mul3A_392, %scan3A_297 : i32
        %add3A_394 = arith.constant 1 : i32
        %add3A_395 = arith.addi %mul3A_393, %add3A_394 : i32
        %broadcast_in_dim3A_396 = vector.broadcast %add3A_395 : i32 to vector<16xi32>
        %gather3A_397 = arith.constant 1 : i32
        %gather3A_398 = arith.constant 0 : i32
        %gather3A_399 = tpu.memref_slice %arg7[%gather3A_397, %gather3A_398] : memref<2x80xf32, #tpu.memory_space<vmem>> -> memref<1x80xf32, #tpu.memory_space<vmem>>
        %gather3A_400 = tpu.memref_squeeze %gather3A_399 : memref<1x80xf32, #tpu.memory_space<vmem>> -> memref<80xf32, #tpu.memory_space<vmem>>
        %gather3A_401 = tpu.vector_load_idx %gather3A_400[%broadcast_in_dim3A_396] : memref<80xf32, #tpu.memory_space<vmem>>[vector<16xi32>], vector<16xf32>,
        %get3A_402 = arith.constant 1 : i32
        %get3A_403 = arith.index_cast %get3A_402 : i32 to index
        %get3A_404 = arith.index_cast %add3A_395 : i32 to index
        %get3A_405 = arith.constant 0 : index
        %get3A_406 = tpu.vector_load %arg6[%get3A_403, %get3A_404, %get3A_405] {strides = array<i32>} : memref<2x80x128xf32, #tpu.memory_space<vmem>>, vector<16xf32>,
        %mul3A_407 = arith.mulf %get3A_406, %gather3A_401 : vector<16xf32>
        %swap3A_408 = arith.constant 1 : i32
        %swap3A_409 = arith.index_cast %swap3A_408 : i32 to index
        %swap3A_410 = arith.index_cast %add3A_395 : i32 to index
        %swap3A_411 = arith.constant 0 : index
        %swap3A_412 = tpu.vector_load %arg6[%swap3A_409, %swap3A_410, %swap3A_411] {strides = array<i32>} : memref<2x80x128xf32, #tpu.memory_space<vmem>>, vector<16xf32>,
        tpu.vector_store %arg6[%swap3A_409, %swap3A_410, %swap3A_411], %mul3A_407 {strides = array<i32>} : memref<2x80x128xf32, #tpu.memory_space<vmem>>, vector<16xf32>,
        %get3A_413 = arith.constant 1 : i32
        %get3A_414 = arith.index_cast %get3A_413 : i32 to index
        %get3A_415 = arith.index_cast %add3A_395 : i32 to index
        %get3A_416 = arith.constant 16 : index
        %get3A_417 = tpu.vector_load %arg6[%get3A_414, %get3A_415, %get3A_416] {strides = array<i32>} : memref<2x80x128xf32, #tpu.memory_space<vmem>>, vector<16xf32>,
        %mul3A_418 = arith.mulf %get3A_417, %gather3A_401 : vector<16xf32>
        %swap3A_419 = arith.constant 1 : i32
        %swap3A_420 = arith.index_cast %swap3A_419 : i32 to index
        %swap3A_421 = arith.index_cast %add3A_395 : i32 to index
        %swap3A_422 = arith.constant 16 : index
        %swap3A_423 = tpu.vector_load %arg6[%swap3A_420, %swap3A_421, %swap3A_422] {strides = array<i32>} : memref<2x80x128xf32, #tpu.memory_space<vmem>>, vector<16xf32>,
        tpu.vector_store %arg6[%swap3A_420, %swap3A_421, %swap3A_422], %mul3A_418 {strides = array<i32>} : memref<2x80x128xf32, #tpu.memory_space<vmem>>, vector<16xf32>,
        %get3A_424 = arith.constant 1 : i32
        %get3A_425 = arith.index_cast %get3A_424 : i32 to index
        %get3A_426 = arith.index_cast %add3A_395 : i32 to index
        %get3A_427 = arith.constant 32 : index
        %get3A_428 = tpu.vector_load %arg6[%get3A_425, %get3A_426, %get3A_427] {strides = array<i32>} : memref<2x80x128xf32, #tpu.memory_space<vmem>>, vector<16xf32>,
        %mul3A_429 = arith.mulf %get3A_428, %gather3A_401 : vector<16xf32>
        %swap3A_430 = arith.constant 1 : i32
        %swap3A_431 = arith.index_cast %swap3A_430 : i32 to index
        %swap3A_432 = arith.index_cast %add3A_395 : i32 to index
        %swap3A_433 = arith.constant 32 : index
        %swap3A_434 = tpu.vector_load %arg6[%swap3A_431, %swap3A_432, %swap3A_433] {strides = array<i32>} : memref<2x80x128xf32, #tpu.memory_space<vmem>>, vector<16xf32>,
        tpu.vector_store %arg6[%swap3A_431, %swap3A_432, %swap3A_433], %mul3A_429 {strides = array<i32>} : memref<2x80x128xf32, #tpu.memory_space<vmem>>, vector<16xf32>,
        %get3A_435 = arith.constant 1 : i32
        %get3A_436 = arith.index_cast %get3A_435 : i32 to index
        %get3A_437 = arith.index_cast %add3A_395 : i32 to index
        %get3A_438 = arith.constant 48 : index
        %get3A_439 = tpu.vector_load %arg6[%get3A_436, %get3A_437, %get3A_438] {strides = array<i32>} : memref<2x80x128xf32, #tpu.memory_space<vmem>>, vector<16xf32>,
        %mul3A_440 = arith.mulf %get3A_439, %gather3A_401 : vector<16xf32>
        %swap3A_441 = arith.constant 1 : i32
        %swap3A_442 = arith.index_cast %swap3A_441 : i32 to index
        %swap3A_443 = arith.index_cast %add3A_395 : i32 to index
        %swap3A_444 = arith.constant 48 : index
        %swap3A_445 = tpu.vector_load %arg6[%swap3A_442, %swap3A_443, %swap3A_444] {strides = array<i32>} : memref<2x80x128xf32, #tpu.memory_space<vmem>>, vector<16xf32>,
        tpu.vector_store %arg6[%swap3A_442, %swap3A_443, %swap3A_444], %mul3A_440 {strides = array<i32>} : memref<2x80x128xf32, #tpu.memory_space<vmem>>, vector<16xf32>,
        %get3A_446 = arith.constant 1 : i32
        %get3A_447 = arith.index_cast %get3A_446 : i32 to index
        %get3A_448 = arith.index_cast %add3A_395 : i32 to index
        %get3A_449 = arith.constant 64 : index
        %get3A_450 = tpu.vector_load %arg6[%get3A_447, %get3A_448, %get3A_449] {strides = array<i32>} : memref<2x80x128xf32, #tpu.memory_space<vmem>>, vector<16xf32>,
        %mul3A_451 = arith.mulf %get3A_450, %gather3A_401 : vector<16xf32>
        %swap3A_452 = arith.constant 1 : i32
        %swap3A_453 = arith.index_cast %swap3A_452 : i32 to index
        %swap3A_454 = arith.index_cast %add3A_395 : i32 to index
        %swap3A_455 = arith.constant 64 : index
        %swap3A_456 = tpu.vector_load %arg6[%swap3A_453, %swap3A_454, %swap3A_455] {strides = array<i32>} : memref<2x80x128xf32, #tpu.memory_space<vmem>>, vector<16xf32>,
        tpu.vector_store %arg6[%swap3A_453, %swap3A_454, %swap3A_455], %mul3A_451 {strides = array<i32>} : memref<2x80x128xf32, #tpu.memory_space<vmem>>, vector<16xf32>,
        %get3A_457 = arith.constant 1 : i32
        %get3A_458 = arith.index_cast %get3A_457 : i32 to index
        %get3A_459 = arith.index_cast %add3A_395 : i32 to index
        %get3A_460 = arith.constant 80 : index
        %get3A_461 = tpu.vector_load %arg6[%get3A_458, %get3A_459, %get3A_460] {strides = array<i32>} : memref<2x80x128xf32, #tpu.memory_space<vmem>>, vector<16xf32>,
        %mul3A_462 = arith.mulf %get3A_461, %gather3A_401 : vector<16xf32>
        %swap3A_463 = arith.constant 1 : i32
        %swap3A_464 = arith.index_cast %swap3A_463 : i32 to index
        %swap3A_465 = arith.index_cast %add3A_395 : i32 to index
        %swap3A_466 = arith.constant 80 : index
        %swap3A_467 = tpu.vector_load %arg6[%swap3A_464, %swap3A_465, %swap3A_466] {strides = array<i32>} : memref<2x80x128xf32, #tpu.memory_space<vmem>>, vector<16xf32>,
        tpu.vector_store %arg6[%swap3A_464, %swap3A_465, %swap3A_466], %mul3A_462 {strides = array<i32>} : memref<2x80x128xf32, #tpu.memory_space<vmem>>, vector<16xf32>,
        %get3A_468 = arith.constant 1 : i32
        %get3A_469 = arith.index_cast %get3A_468 : i32 to index
        %get3A_470 = arith.index_cast %add3A_395 : i32 to index
        %get3A_471 = arith.constant 96 : index
        %get3A_472 = tpu.vector_load %arg6[%get3A_469, %get3A_470, %get3A_471] {strides = array<i32>} : memref<2x80x128xf32, #tpu.memory_space<vmem>>, vector<16xf32>,
        %mul3A_473 = arith.mulf %get3A_472, %gather3A_401 : vector<16xf32>
        %swap3A_474 = arith.constant 1 : i32
        %swap3A_475 = arith.index_cast %swap3A_474 : i32 to index
        %swap3A_476 = arith.index_cast %add3A_395 : i32 to index
        %swap3A_477 = arith.constant 96 : index
        %swap3A_478 = tpu.vector_load %arg6[%swap3A_475, %swap3A_476, %swap3A_477] {strides = array<i32>} : memref<2x80x128xf32, #tpu.memory_space<vmem>>, vector<16xf32>,
        tpu.vector_store %arg6[%swap3A_475, %swap3A_476, %swap3A_477], %mul3A_473 {strides = array<i32>} : memref<2x80x128xf32, #tpu.memory_space<vmem>>, vector<16xf32>,
        %get3A_479 = arith.constant 1 : i32
        %get3A_480 = arith.index_cast %get3A_479 : i32 to index
        %get3A_481 = arith.index_cast %add3A_395 : i32 to index
        %get3A_482 = arith.constant 112 : index
        %get3A_483 = tpu.vector_load %arg6[%get3A_480, %get3A_481, %get3A_482] {strides = array<i32>} : memref<2x80x128xf32, #tpu.memory_space<vmem>>, vector<16xf32>,
        %mul3A_484 = arith.mulf %get3A_483, %gather3A_401 : vector<16xf32>
        %swap3A_485 = arith.constant 1 : i32
        %swap3A_486 = arith.index_cast %swap3A_485 : i32 to index
        %swap3A_487 = arith.index_cast %add3A_395 : i32 to index
        %swap3A_488 = arith.constant 112 : index
        %swap3A_489 = tpu.vector_load %arg6[%swap3A_486, %swap3A_487, %swap3A_488] {strides = array<i32>} : memref<2x80x128xf32, #tpu.memory_space<vmem>>, vector<16xf32>,
        tpu.vector_store %arg6[%swap3A_486, %swap3A_487, %swap3A_488], %mul3A_484 {strides = array<i32>} : memref<2x80x128xf32, #tpu.memory_space<vmem>>, vector<16xf32>,
      }
      %scan3A_294 = arith.constant 40 : i32
      %run_scoped3A_295 = arith.constant 1 : i32
      %run_scoped3A_296 = arith.constant 1 : i32
      "tpu.region"() ({
        %run_scoped3A_297 = tpu.sem_alloc : memref<!tpu.dma_semaphore, #tpu.memory_space<semaphore_mem>>
        %dma_start3A_298 = arith.constant 0 : i32
        %dma_start3A_299 = arith.constant 0 : i32
        %dma_start3A_300 = tpu.memref_slice %arg6[%run_scoped3A_295, %dma_start3A_298, %dma_start3A_299] : memref<2x80x128xf32, #tpu.memory_space<vmem>> -> memref<1x80x128xf32, #tpu.memory_space<vmem>>
        %dma_start3A_301 = tpu.memref_squeeze %dma_start3A_300 : memref<1x80x128xf32, #tpu.memory_space<vmem>> -> memref<80x128xf32, #tpu.memory_space<vmem>>
        %dma_start3A_302 = arith.constant 0 : i32
        %dma_start3A_303 = tpu.memref_slice %arg8[%run_scoped3A_296, %dma_start3A_302] : memref<2x80xi32, #tpu.memory_space<vmem>> -> memref<1x80xi32, #tpu.memory_space<vmem>>
        %dma_start3A_304 = tpu.memref_squeeze %dma_start3A_303 : memref<1x80xi32, #tpu.memory_space<vmem>> -> memref<80xi32, #tpu.memory_space<vmem>>
        %dma_start3A_305 = arith.constant 0 : i32
        %dma_start3A_306 = arith.constant 0 : i32
        %dma_start3A_307 = tpu.memref_slice %arg10[%dma_start3A_305, %dma_start3A_306] : memref<10000x128xf32, #tpu.memory_space<vmem_shared>> -> memref<10000x128xf32, #tpu.memory_space<vmem_shared>>
        tpu.enqueue_indirect_dma source(%dma_start3A_301 : memref<80x128xf32, #tpu.memory_space<vmem>>) target(%dma_start3A_307 : memref<10000x128xf32, #tpu.memory_space<vmem_shared>>) offsets(%dma_start3A_304 : memref<80xi32, #tpu.memory_space<vmem>>) semaphore(%run_scoped3A_297 : memref<!tpu.dma_semaphore, #tpu.memory_space<semaphore_mem>>) {add = true}
        %dma_wait3A_308 = arith.constant 0 : i32
        %dma_wait3A_309 = arith.constant 0 : i32
        %dma_wait3A_310 = tpu.memref_slice %arg6[%run_scoped3A_295, %dma_wait3A_308, %dma_wait3A_309] : memref<2x80x128xf32, #tpu.memory_space<vmem>> -> memref<1x80x128xf32, #tpu.memory_space<vmem>>
        %dma_wait3A_311 = tpu.memref_squeeze %dma_wait3A_310 : memref<1x80x128xf32, #tpu.memory_space<vmem>> -> memref<80x128xf32, #tpu.memory_space<vmem>>
        %dma_wait3A_312 = arith.constant 0 : i32
        %dma_wait3A_313 = tpu.memref_slice %arg8[%run_scoped3A_296, %dma_wait3A_312] : memref<2x80xi32, #tpu.memory_space<vmem>> -> memref<1x80xi32, #tpu.memory_space<vmem>>
        %dma_wait3A_314 = tpu.memref_squeeze %dma_wait3A_313 : memref<1x80xi32, #tpu.memory_space<vmem>> -> memref<80xi32, #tpu.memory_space<vmem>>
        %dma_wait3A_315 = arith.constant 0 : i32
        %dma_wait3A_316 = arith.constant 0 : i32
        %dma_wait3A_317 = tpu.memref_slice %arg10[%dma_wait3A_315, %dma_wait3A_316] : memref<10000x128xf32, #tpu.memory_space<vmem_shared>> -> memref<10000x128xf32, #tpu.memory_space<vmem_shared>>
        tpu.wait_indirect_dma semaphore(%run_scoped3A_297 : memref<!tpu.dma_semaphore, #tpu.memory_space<semaphore_mem>>) src(%dma_wait3A_311 : memref<80x128xf32, #tpu.memory_space<vmem>>) dst(%dma_wait3A_317 : memref<10000x128xf32, #tpu.memory_space<vmem_shared>>)
        tpu.yield
      }) : () -> ()
    }
    %scan3A_61 = arith.constant 30 : i32
    %add3A_62 = arith.constant 4800 : i32
    %add3A_63 = arith.addi %add3A_8, %add3A_62 : i32
    %add3A_64 = arith.constant 4800 : i32
    %add3A_65 = arith.addi %add3A_4, %add3A_64 : i32
    %add3A_66 = arith.constant 4800 : i32
    %add3A_67 = arith.addi %add3A_8, %add3A_66 : i32
    %dma_wait3A = arith.constant 0 : i32
    %dma_wait3A_68 = arith.constant 0 : i32
    %dma_wait3A_69 = arith.constant 0 : i32
    %dma_wait3A_70 = tpu.memref_slice %arg6[%dma_wait3A, %dma_wait3A_68, %dma_wait3A_69] : memref<2x80x128xf32, #tpu.memory_space<vmem>> -> memref<1x80x128xf32, #tpu.memory_space<vmem>>
    %dma_wait3A_71 = tpu.memref_squeeze %dma_wait3A_70 : memref<1x80x128xf32, #tpu.memory_space<vmem>> -> memref<80x128xf32, #tpu.memory_space<vmem>>
    %dma_wait3A_72 = arith.constant 0 : i32
    %dma_wait3A_73 = tpu.memref_slice %arg2[%add3A_63, %dma_wait3A_72] : memref<320000x128xf32, #tpu.memory_space<hbm>> -> memref<80x128xf32, #tpu.memory_space<hbm>>
    %dma_wait3A_74 = arith.constant 0 : i32
    %dma_wait3A_75 = arith.constant 0 : i32
    %dma_wait3A_76 = tpu.memref_slice %arg6[%dma_wait3A, %dma_wait3A_74, %dma_wait3A_75] : memref<2x80x128xf32, #tpu.memory_space<vmem>> -> memref<1x80x128xf32, #tpu.memory_space<vmem>>
    %dma_wait3A_77 = tpu.memref_squeeze %dma_wait3A_76 : memref<1x80x128xf32, #tpu.memory_space<vmem>> -> memref<80x128xf32, #tpu.memory_space<vmem>>
    %dma_wait3A_78 = arith.constant 0 : i32
    %dma_wait3A_79 = tpu.memref_slice %arg2[%add3A_63, %dma_wait3A_78] : memref<320000x128xf32, #tpu.memory_space<hbm>> -> memref<80x128xf32, #tpu.memory_space<hbm>>
    tpu.wait_dma2 semaphore(%arg11 : memref<!tpu.dma_semaphore, #tpu.memory_space<semaphore_mem>>) src(%dma_wait3A_79 : memref<80x128xf32, #tpu.memory_space<hbm>>) dst(%dma_wait3A_77 : memref<80x128xf32, #tpu.memory_space<vmem>>)
    %dma_wait3A_80 = arith.constant 0 : i32
    %dma_wait3A_81 = arith.constant 0 : i32
    %dma_wait3A_82 = tpu.memref_slice %arg7[%dma_wait3A_80, %dma_wait3A_81] : memref<2x80xf32, #tpu.memory_space<vmem>> -> memref<1x80xf32, #tpu.memory_space<vmem>>
    %dma_wait3A_83 = tpu.memref_squeeze %dma_wait3A_82 : memref<1x80xf32, #tpu.memory_space<vmem>> -> memref<80xf32, #tpu.memory_space<vmem>>
    %dma_wait3A_84 = tpu.memref_slice %arg3[%add3A_65] : memref<163840xf32, #tpu.memory_space<hbm>> -> memref<80xf32, #tpu.memory_space<hbm>>
    %dma_wait3A_85 = arith.constant 0 : i32
    %dma_wait3A_86 = tpu.memref_slice %arg7[%dma_wait3A_80, %dma_wait3A_85] : memref<2x80xf32, #tpu.memory_space<vmem>> -> memref<1x80xf32, #tpu.memory_space<vmem>>
    %dma_wait3A_87 = tpu.memref_squeeze %dma_wait3A_86 : memref<1x80xf32, #tpu.memory_space<vmem>> -> memref<80xf32, #tpu.memory_space<vmem>>
    %dma_wait3A_88 = tpu.memref_slice %arg3[%add3A_65] : memref<163840xf32, #tpu.memory_space<hbm>> -> memref<80xf32, #tpu.memory_space<hbm>>
    tpu.wait_dma2 semaphore(%arg11 : memref<!tpu.dma_semaphore, #tpu.memory_space<semaphore_mem>>) src(%dma_wait3A_88 : memref<80xf32, #tpu.memory_space<hbm>>) dst(%dma_wait3A_87 : memref<80xf32, #tpu.memory_space<vmem>>)
    %dma_wait3A_89 = arith.constant 0 : i32
    %dma_wait3A_90 = arith.constant 0 : i32
    %dma_wait3A_91 = tpu.memref_slice %arg8[%dma_wait3A_89, %dma_wait3A_90] : memref<2x80xi32, #tpu.memory_space<vmem>> -> memref<1x80xi32, #tpu.memory_space<vmem>>
    %dma_wait3A_92 = tpu.memref_squeeze %dma_wait3A_91 : memref<1x80xi32, #tpu.memory_space<vmem>> -> memref<80xi32, #tpu.memory_space<vmem>>
    %dma_wait3A_93 = tpu.memref_slice %arg4[%add3A_67] : memref<320000xi32, #tpu.memory_space<hbm>> -> memref<80xi32, #tpu.memory_space<hbm>>
    %dma_wait3A_94 = arith.constant 0 : i32
    %dma_wait3A_95 = tpu.memref_slice %arg8[%dma_wait3A_89, %dma_wait3A_94] : memref<2x80xi32, #tpu.memory_space<vmem>> -> memref<1x80xi32, #tpu.memory_space<vmem>>
    %dma_wait3A_96 = tpu.memref_squeeze %dma_wait3A_95 : memref<1x80xi32, #tpu.memory_space<vmem>> -> memref<80xi32, #tpu.memory_space<vmem>>
    %dma_wait3A_97 = tpu.memref_slice %arg4[%add3A_67] : memref<320000xi32, #tpu.memory_space<hbm>> -> memref<80xi32, #tpu.memory_space<hbm>>
    tpu.wait_dma2 semaphore(%arg11 : memref<!tpu.dma_semaphore, #tpu.memory_space<semaphore_mem>>) src(%dma_wait3A_97 : memref<80xi32, #tpu.memory_space<hbm>>) dst(%dma_wait3A_96 : memref<80xi32, #tpu.memory_space<vmem>>)
    %scan3A_98 = arith.constant 0 : i32
    %scan3A_99 = arith.constant 0 : i32
    %scan3A_100 = arith.constant 40 : i32
    %scan3A_101 = arith.addi %scan3A_99, %scan3A_100 : i32
    %scan3A_102 = arith.constant 1 : i32
    scf.for %scan3A_112 = %scan3A_99 to %scan3A_101 step %scan3A_102  : i32 {
      %mul3A_113 = arith.constant 2 : i32
      %mul3A_114 = arith.muli %mul3A_113, %scan3A_112 : i32
      %add3A_115 = arith.constant 0 : i32
      %add3A_116 = arith.addi %mul3A_114, %add3A_115 : i32
      %broadcast_in_dim3A = vector.broadcast %add3A_116 : i32 to vector<16xi32>
      %gather3A = arith.constant 0 : i32
      %gather3A_117 = arith.constant 0 : i32
      %gather3A_118 = tpu.memref_slice %arg7[%gather3A, %gather3A_117] : memref<2x80xf32, #tpu.memory_space<vmem>> -> memref<1x80xf32, #tpu.memory_space<vmem>>
      %gather3A_119 = tpu.memref_squeeze %gather3A_118 : memref<1x80xf32, #tpu.memory_space<vmem>> -> memref<80xf32, #tpu.memory_space<vmem>>
      %gather3A_120 = tpu.vector_load_idx %gather3A_119[%broadcast_in_dim3A] : memref<80xf32, #tpu.memory_space<vmem>>[vector<16xi32>], vector<16xf32>,
      %get3A = arith.constant 0 : i32
      %get3A_121 = arith.index_cast %get3A : i32 to index
      %get3A_122 = arith.index_cast %add3A_116 : i32 to index
      %get3A_123 = arith.constant 0 : index
      %get3A_124 = tpu.vector_load %arg6[%get3A_121, %get3A_122, %get3A_123] {strides = array<i32>} : memref<2x80x128xf32, #tpu.memory_space<vmem>>, vector<16xf32>,
      %mul3A_125 = arith.mulf %get3A_124, %gather3A_120 : vector<16xf32>
      %swap3A = arith.constant 0 : i32
      %swap3A_126 = arith.index_cast %swap3A : i32 to index
      %swap3A_127 = arith.index_cast %add3A_116 : i32 to index
      %swap3A_128 = arith.constant 0 : index
      %swap3A_129 = tpu.vector_load %arg6[%swap3A_126, %swap3A_127, %swap3A_128] {strides = array<i32>} : memref<2x80x128xf32, #tpu.memory_space<vmem>>, vector<16xf32>,
      tpu.vector_store %arg6[%swap3A_126, %swap3A_127, %swap3A_128], %mul3A_125 {strides = array<i32>} : memref<2x80x128xf32, #tpu.memory_space<vmem>>, vector<16xf32>,
      %get3A_130 = arith.constant 0 : i32
      %get3A_131 = arith.index_cast %get3A_130 : i32 to index
      %get3A_132 = arith.index_cast %add3A_116 : i32 to index
      %get3A_133 = arith.constant 16 : index
      %get3A_134 = tpu.vector_load %arg6[%get3A_131, %get3A_132, %get3A_133] {strides = array<i32>} : memref<2x80x128xf32, #tpu.memory_space<vmem>>, vector<16xf32>,
      %mul3A_135 = arith.mulf %get3A_134, %gather3A_120 : vector<16xf32>
      %swap3A_136 = arith.constant 0 : i32
      %swap3A_137 = arith.index_cast %swap3A_136 : i32 to index
      %swap3A_138 = arith.index_cast %add3A_116 : i32 to index
      %swap3A_139 = arith.constant 16 : index
      %swap3A_140 = tpu.vector_load %arg6[%swap3A_137, %swap3A_138, %swap3A_139] {strides = array<i32>} : memref<2x80x128xf32, #tpu.memory_space<vmem>>, vector<16xf32>,
      tpu.vector_store %arg6[%swap3A_137, %swap3A_138, %swap3A_139], %mul3A_135 {strides = array<i32>} : memref<2x80x128xf32, #tpu.memory_space<vmem>>, vector<16xf32>,
      %get3A_141 = arith.constant 0 : i32
      %get3A_142 = arith.index_cast %get3A_141 : i32 to index
      %get3A_143 = arith.index_cast %add3A_116 : i32 to index
      %get3A_144 = arith.constant 32 : index
      %get3A_145 = tpu.vector_load %arg6[%get3A_142, %get3A_143, %get3A_144] {strides = array<i32>} : memref<2x80x128xf32, #tpu.memory_space<vmem>>, vector<16xf32>,
      %mul3A_146 = arith.mulf %get3A_145, %gather3A_120 : vector<16xf32>
      %swap3A_147 = arith.constant 0 : i32
      %swap3A_148 = arith.index_cast %swap3A_147 : i32 to index
      %swap3A_149 = arith.index_cast %add3A_116 : i32 to index
      %swap3A_150 = arith.constant 32 : index
      %swap3A_151 = tpu.vector_load %arg6[%swap3A_148, %swap3A_149, %swap3A_150] {strides = array<i32>} : memref<2x80x128xf32, #tpu.memory_space<vmem>>, vector<16xf32>,
      tpu.vector_store %arg6[%swap3A_148, %swap3A_149, %swap3A_150], %mul3A_146 {strides = array<i32>} : memref<2x80x128xf32, #tpu.memory_space<vmem>>, vector<16xf32>,
      %get3A_152 = arith.constant 0 : i32
      %get3A_153 = arith.index_cast %get3A_152 : i32 to index
      %get3A_154 = arith.index_cast %add3A_116 : i32 to index
      %get3A_155 = arith.constant 48 : index
      %get3A_156 = tpu.vector_load %arg6[%get3A_153, %get3A_154, %get3A_155] {strides = array<i32>} : memref<2x80x128xf32, #tpu.memory_space<vmem>>, vector<16xf32>,
      %mul3A_157 = arith.mulf %get3A_156, %gather3A_120 : vector<16xf32>
      %swap3A_158 = arith.constant 0 : i32
      %swap3A_159 = arith.index_cast %swap3A_158 : i32 to index
      %swap3A_160 = arith.index_cast %add3A_116 : i32 to index
      %swap3A_161 = arith.constant 48 : index
      %swap3A_162 = tpu.vector_load %arg6[%swap3A_159, %swap3A_160, %swap3A_161] {strides = array<i32>} : memref<2x80x128xf32, #tpu.memory_space<vmem>>, vector<16xf32>,
      tpu.vector_store %arg6[%swap3A_159, %swap3A_160, %swap3A_161], %mul3A_157 {strides = array<i32>} : memref<2x80x128xf32, #tpu.memory_space<vmem>>, vector<16xf32>,
      %get3A_163 = arith.constant 0 : i32
      %get3A_164 = arith.index_cast %get3A_163 : i32 to index
      %get3A_165 = arith.index_cast %add3A_116 : i32 to index
      %get3A_166 = arith.constant 64 : index
      %get3A_167 = tpu.vector_load %arg6[%get3A_164, %get3A_165, %get3A_166] {strides = array<i32>} : memref<2x80x128xf32, #tpu.memory_space<vmem>>, vector<16xf32>,
      %mul3A_168 = arith.mulf %get3A_167, %gather3A_120 : vector<16xf32>
      %swap3A_169 = arith.constant 0 : i32
      %swap3A_170 = arith.index_cast %swap3A_169 : i32 to index
      %swap3A_171 = arith.index_cast %add3A_116 : i32 to index
      %swap3A_172 = arith.constant 64 : index
      %swap3A_173 = tpu.vector_load %arg6[%swap3A_170, %swap3A_171, %swap3A_172] {strides = array<i32>} : memref<2x80x128xf32, #tpu.memory_space<vmem>>, vector<16xf32>,
      tpu.vector_store %arg6[%swap3A_170, %swap3A_171, %swap3A_172], %mul3A_168 {strides = array<i32>} : memref<2x80x128xf32, #tpu.memory_space<vmem>>, vector<16xf32>,
      %get3A_174 = arith.constant 0 : i32
      %get3A_175 = arith.index_cast %get3A_174 : i32 to index
      %get3A_176 = arith.index_cast %add3A_116 : i32 to index
      %get3A_177 = arith.constant 80 : index
      %get3A_178 = tpu.vector_load %arg6[%get3A_175, %get3A_176, %get3A_177] {strides = array<i32>} : memref<2x80x128xf32, #tpu.memory_space<vmem>>, vector<16xf32>,
      %mul3A_179 = arith.mulf %get3A_178, %gather3A_120 : vector<16xf32>
      %swap3A_180 = arith.constant 0 : i32
      %swap3A_181 = arith.index_cast %swap3A_180 : i32 to index
      %swap3A_182 = arith.index_cast %add3A_116 : i32 to index
      %swap3A_183 = arith.constant 80 : index
      %swap3A_184 = tpu.vector_load %arg6[%swap3A_181, %swap3A_182, %swap3A_183] {strides = array<i32>} : memref<2x80x128xf32, #tpu.memory_space<vmem>>, vector<16xf32>,
      tpu.vector_store %arg6[%swap3A_181, %swap3A_182, %swap3A_183], %mul3A_179 {strides = array<i32>} : memref<2x80x128xf32, #tpu.memory_space<vmem>>, vector<16xf32>,
      %get3A_185 = arith.constant 0 : i32
      %get3A_186 = arith.index_cast %get3A_185 : i32 to index
      %get3A_187 = arith.index_cast %add3A_116 : i32 to index
      %get3A_188 = arith.constant 96 : index
      %get3A_189 = tpu.vector_load %arg6[%get3A_186, %get3A_187, %get3A_188] {strides = array<i32>} : memref<2x80x128xf32, #tpu.memory_space<vmem>>, vector<16xf32>,
      %mul3A_190 = arith.mulf %get3A_189, %gather3A_120 : vector<16xf32>
      %swap3A_191 = arith.constant 0 : i32
      %swap3A_192 = arith.index_cast %swap3A_191 : i32 to index
      %swap3A_193 = arith.index_cast %add3A_116 : i32 to index
      %swap3A_194 = arith.constant 96 : index
      %swap3A_195 = tpu.vector_load %arg6[%swap3A_192, %swap3A_193, %swap3A_194] {strides = array<i32>} : memref<2x80x128xf32, #tpu.memory_space<vmem>>, vector<16xf32>,
      tpu.vector_store %arg6[%swap3A_192, %swap3A_193, %swap3A_194], %mul3A_190 {strides = array<i32>} : memref<2x80x128xf32, #tpu.memory_space<vmem>>, vector<16xf32>,
      %get3A_196 = arith.constant 0 : i32
      %get3A_197 = arith.index_cast %get3A_196 : i32 to index
      %get3A_198 = arith.index_cast %add3A_116 : i32 to index
      %get3A_199 = arith.constant 112 : index
      %get3A_200 = tpu.vector_load %arg6[%get3A_197, %get3A_198, %get3A_199] {strides = array<i32>} : memref<2x80x128xf32, #tpu.memory_space<vmem>>, vector<16xf32>,
      %mul3A_201 = arith.mulf %get3A_200, %gather3A_120 : vector<16xf32>
      %swap3A_202 = arith.constant 0 : i32
      %swap3A_203 = arith.index_cast %swap3A_202 : i32 to index
      %swap3A_204 = arith.index_cast %add3A_116 : i32 to index
      %swap3A_205 = arith.constant 112 : index
      %swap3A_206 = tpu.vector_load %arg6[%swap3A_203, %swap3A_204, %swap3A_205] {strides = array<i32>} : memref<2x80x128xf32, #tpu.memory_space<vmem>>, vector<16xf32>,
      tpu.vector_store %arg6[%swap3A_203, %swap3A_204, %swap3A_205], %mul3A_201 {strides = array<i32>} : memref<2x80x128xf32, #tpu.memory_space<vmem>>, vector<16xf32>,
      %mul3A_207 = arith.constant 2 : i32
      %mul3A_208 = arith.muli %mul3A_207, %scan3A_112 : i32
      %add3A_209 = arith.constant 1 : i32
      %add3A_210 = arith.addi %mul3A_208, %add3A_209 : i32
      %broadcast_in_dim3A_211 = vector.broadcast %add3A_210 : i32 to vector<16xi32>
      %gather3A_212 = arith.constant 0 : i32
      %gather3A_213 = arith.constant 0 : i32
      %gather3A_214 = tpu.memref_slice %arg7[%gather3A_212, %gather3A_213] : memref<2x80xf32, #tpu.memory_space<vmem>> -> memref<1x80xf32, #tpu.memory_space<vmem>>
      %gather3A_215 = tpu.memref_squeeze %gather3A_214 : memref<1x80xf32, #tpu.memory_space<vmem>> -> memref<80xf32, #tpu.memory_space<vmem>>
      %gather3A_216 = tpu.vector_load_idx %gather3A_215[%broadcast_in_dim3A_211] : memref<80xf32, #tpu.memory_space<vmem>>[vector<16xi32>], vector<16xf32>,
      %get3A_217 = arith.constant 0 : i32
      %get3A_218 = arith.index_cast %get3A_217 : i32 to index
      %get3A_219 = arith.index_cast %add3A_210 : i32 to index
      %get3A_220 = arith.constant 0 : index
      %get3A_221 = tpu.vector_load %arg6[%get3A_218, %get3A_219, %get3A_220] {strides = array<i32>} : memref<2x80x128xf32, #tpu.memory_space<vmem>>, vector<16xf32>,
      %mul3A_222 = arith.mulf %get3A_221, %gather3A_216 : vector<16xf32>
      %swap3A_223 = arith.constant 0 : i32
      %swap3A_224 = arith.index_cast %swap3A_223 : i32 to index
      %swap3A_225 = arith.index_cast %add3A_210 : i32 to index
      %swap3A_226 = arith.constant 0 : index
      %swap3A_227 = tpu.vector_load %arg6[%swap3A_224, %swap3A_225, %swap3A_226] {strides = array<i32>} : memref<2x80x128xf32, #tpu.memory_space<vmem>>, vector<16xf32>,
      tpu.vector_store %arg6[%swap3A_224, %swap3A_225, %swap3A_226], %mul3A_222 {strides = array<i32>} : memref<2x80x128xf32, #tpu.memory_space<vmem>>, vector<16xf32>,
      %get3A_228 = arith.constant 0 : i32
      %get3A_229 = arith.index_cast %get3A_228 : i32 to index
      %get3A_230 = arith.index_cast %add3A_210 : i32 to index
      %get3A_231 = arith.constant 16 : index
      %get3A_232 = tpu.vector_load %arg6[%get3A_229, %get3A_230, %get3A_231] {strides = array<i32>} : memref<2x80x128xf32, #tpu.memory_space<vmem>>, vector<16xf32>,
      %mul3A_233 = arith.mulf %get3A_232, %gather3A_216 : vector<16xf32>
      %swap3A_234 = arith.constant 0 : i32
      %swap3A_235 = arith.index_cast %swap3A_234 : i32 to index
      %swap3A_236 = arith.index_cast %add3A_210 : i32 to index
      %swap3A_237 = arith.constant 16 : index
      %swap3A_238 = tpu.vector_load %arg6[%swap3A_235, %swap3A_236, %swap3A_237] {strides = array<i32>} : memref<2x80x128xf32, #tpu.memory_space<vmem>>, vector<16xf32>,
      tpu.vector_store %arg6[%swap3A_235, %swap3A_236, %swap3A_237], %mul3A_233 {strides = array<i32>} : memref<2x80x128xf32, #tpu.memory_space<vmem>>, vector<16xf32>,
      %get3A_239 = arith.constant 0 : i32
      %get3A_240 = arith.index_cast %get3A_239 : i32 to index
      %get3A_241 = arith.index_cast %add3A_210 : i32 to index
      %get3A_242 = arith.constant 32 : index
      %get3A_243 = tpu.vector_load %arg6[%get3A_240, %get3A_241, %get3A_242] {strides = array<i32>} : memref<2x80x128xf32, #tpu.memory_space<vmem>>, vector<16xf32>,
      %mul3A_244 = arith.mulf %get3A_243, %gather3A_216 : vector<16xf32>
      %swap3A_245 = arith.constant 0 : i32
      %swap3A_246 = arith.index_cast %swap3A_245 : i32 to index
      %swap3A_247 = arith.index_cast %add3A_210 : i32 to index
      %swap3A_248 = arith.constant 32 : index
      %swap3A_249 = tpu.vector_load %arg6[%swap3A_246, %swap3A_247, %swap3A_248] {strides = array<i32>} : memref<2x80x128xf32, #tpu.memory_space<vmem>>, vector<16xf32>,
      tpu.vector_store %arg6[%swap3A_246, %swap3A_247, %swap3A_248], %mul3A_244 {strides = array<i32>} : memref<2x80x128xf32, #tpu.memory_space<vmem>>, vector<16xf32>,
      %get3A_250 = arith.constant 0 : i32
      %get3A_251 = arith.index_cast %get3A_250 : i32 to index
      %get3A_252 = arith.index_cast %add3A_210 : i32 to index
      %get3A_253 = arith.constant 48 : index
      %get3A_254 = tpu.vector_load %arg6[%get3A_251, %get3A_252, %get3A_253] {strides = array<i32>} : memref<2x80x128xf32, #tpu.memory_space<vmem>>, vector<16xf32>,
      %mul3A_255 = arith.mulf %get3A_254, %gather3A_216 : vector<16xf32>
      %swap3A_256 = arith.constant 0 : i32
      %swap3A_257 = arith.index_cast %swap3A_256 : i32 to index
      %swap3A_258 = arith.index_cast %add3A_210 : i32 to index
      %swap3A_259 = arith.constant 48 : index
      %swap3A_260 = tpu.vector_load %arg6[%swap3A_257, %swap3A_258, %swap3A_259] {strides = array<i32>} : memref<2x80x128xf32, #tpu.memory_space<vmem>>, vector<16xf32>,
      tpu.vector_store %arg6[%swap3A_257, %swap3A_258, %swap3A_259], %mul3A_255 {strides = array<i32>} : memref<2x80x128xf32, #tpu.memory_space<vmem>>, vector<16xf32>,
      %get3A_261 = arith.constant 0 : i32
      %get3A_262 = arith.index_cast %get3A_261 : i32 to index
      %get3A_263 = arith.index_cast %add3A_210 : i32 to index
      %get3A_264 = arith.constant 64 : index
      %get3A_265 = tpu.vector_load %arg6[%get3A_262, %get3A_263, %get3A_264] {strides = array<i32>} : memref<2x80x128xf32, #tpu.memory_space<vmem>>, vector<16xf32>,
      %mul3A_266 = arith.mulf %get3A_265, %gather3A_216 : vector<16xf32>
      %swap3A_267 = arith.constant 0 : i32
      %swap3A_268 = arith.index_cast %swap3A_267 : i32 to index
      %swap3A_269 = arith.index_cast %add3A_210 : i32 to index
      %swap3A_270 = arith.constant 64 : index
      %swap3A_271 = tpu.vector_load %arg6[%swap3A_268, %swap3A_269, %swap3A_270] {strides = array<i32>} : memref<2x80x128xf32, #tpu.memory_space<vmem>>, vector<16xf32>,
      tpu.vector_store %arg6[%swap3A_268, %swap3A_269, %swap3A_270], %mul3A_266 {strides = array<i32>} : memref<2x80x128xf32, #tpu.memory_space<vmem>>, vector<16xf32>,
      %get3A_272 = arith.constant 0 : i32
      %get3A_273 = arith.index_cast %get3A_272 : i32 to index
      %get3A_274 = arith.index_cast %add3A_210 : i32 to index
      %get3A_275 = arith.constant 80 : index
      %get3A_276 = tpu.vector_load %arg6[%get3A_273, %get3A_274, %get3A_275] {strides = array<i32>} : memref<2x80x128xf32, #tpu.memory_space<vmem>>, vector<16xf32>,
      %mul3A_277 = arith.mulf %get3A_276, %gather3A_216 : vector<16xf32>
      %swap3A_278 = arith.constant 0 : i32
      %swap3A_279 = arith.index_cast %swap3A_278 : i32 to index
      %swap3A_280 = arith.index_cast %add3A_210 : i32 to index
      %swap3A_281 = arith.constant 80 : index
      %swap3A_282 = tpu.vector_load %arg6[%swap3A_279, %swap3A_280, %swap3A_281] {strides = array<i32>} : memref<2x80x128xf32, #tpu.memory_space<vmem>>, vector<16xf32>,
      tpu.vector_store %arg6[%swap3A_279, %swap3A_280, %swap3A_281], %mul3A_277 {strides = array<i32>} : memref<2x80x128xf32, #tpu.memory_space<vmem>>, vector<16xf32>,
      %get3A_283 = arith.constant 0 : i32
      %get3A_284 = arith.index_cast %get3A_283 : i32 to index
      %get3A_285 = arith.index_cast %add3A_210 : i32 to index
      %get3A_286 = arith.constant 96 : index
      %get3A_287 = tpu.vector_load %arg6[%get3A_284, %get3A_285, %get3A_286] {strides = array<i32>} : memref<2x80x128xf32, #tpu.memory_space<vmem>>, vector<16xf32>,
      %mul3A_288 = arith.mulf %get3A_287, %gather3A_216 : vector<16xf32>
      %swap3A_289 = arith.constant 0 : i32
      %swap3A_290 = arith.index_cast %swap3A_289 : i32 to index
      %swap3A_291 = arith.index_cast %add3A_210 : i32 to index
      %swap3A_292 = arith.constant 96 : index
      %swap3A_293 = tpu.vector_load %arg6[%swap3A_290, %swap3A_291, %swap3A_292] {strides = array<i32>} : memref<2x80x128xf32, #tpu.memory_space<vmem>>, vector<16xf32>,
      tpu.vector_store %arg6[%swap3A_290, %swap3A_291, %swap3A_292], %mul3A_288 {strides = array<i32>} : memref<2x80x128xf32, #tpu.memory_space<vmem>>, vector<16xf32>,
      %get3A_294 = arith.constant 0 : i32
      %get3A_295 = arith.index_cast %get3A_294 : i32 to index
      %get3A_296 = arith.index_cast %add3A_210 : i32 to index
      %get3A_297 = arith.constant 112 : index
      %get3A_298 = tpu.vector_load %arg6[%get3A_295, %get3A_296, %get3A_297] {strides = array<i32>} : memref<2x80x128xf32, #tpu.memory_space<vmem>>, vector<16xf32>,
      %mul3A_299 = arith.mulf %get3A_298, %gather3A_216 : vector<16xf32>
      %swap3A_300 = arith.constant 0 : i32
      %swap3A_301 = arith.index_cast %swap3A_300 : i32 to index
      %swap3A_302 = arith.index_cast %add3A_210 : i32 to index
      %swap3A_303 = arith.constant 112 : index
      %swap3A_304 = tpu.vector_load %arg6[%swap3A_301, %swap3A_302, %swap3A_303] {strides = array<i32>} : memref<2x80x128xf32, #tpu.memory_space<vmem>>, vector<16xf32>,
      tpu.vector_store %arg6[%swap3A_301, %swap3A_302, %swap3A_303], %mul3A_299 {strides = array<i32>} : memref<2x80x128xf32, #tpu.memory_space<vmem>>, vector<16xf32>,
    }
    %scan3A_103 = arith.constant 40 : i32
    %run_scoped3A = arith.constant 0 : i32
    %run_scoped3A_104 = arith.constant 0 : i32
    "tpu.region"() ({
      %run_scoped3A_112 = tpu.sem_alloc : memref<!tpu.dma_semaphore, #tpu.memory_space<semaphore_mem>>
      %dma_start3A_113 = arith.constant 0 : i32
      %dma_start3A_114 = arith.constant 0 : i32
      %dma_start3A_115 = tpu.memref_slice %arg6[%run_scoped3A, %dma_start3A_113, %dma_start3A_114] : memref<2x80x128xf32, #tpu.memory_space<vmem>> -> memref<1x80x128xf32, #tpu.memory_space<vmem>>
      %dma_start3A_116 = tpu.memref_squeeze %dma_start3A_115 : memref<1x80x128xf32, #tpu.memory_space<vmem>> -> memref<80x128xf32, #tpu.memory_space<vmem>>
      %dma_start3A_117 = arith.constant 0 : i32
      %dma_start3A_118 = tpu.memref_slice %arg8[%run_scoped3A_104, %dma_start3A_117] : memref<2x80xi32, #tpu.memory_space<vmem>> -> memref<1x80xi32, #tpu.memory_space<vmem>>
      %dma_start3A_119 = tpu.memref_squeeze %dma_start3A_118 : memref<1x80xi32, #tpu.memory_space<vmem>> -> memref<80xi32, #tpu.memory_space<vmem>>
      %dma_start3A_120 = arith.constant 0 : i32
      %dma_start3A_121 = arith.constant 0 : i32
      %dma_start3A_122 = tpu.memref_slice %arg10[%dma_start3A_120, %dma_start3A_121] : memref<10000x128xf32, #tpu.memory_space<vmem_shared>> -> memref<10000x128xf32, #tpu.memory_space<vmem_shared>>
      tpu.enqueue_indirect_dma source(%dma_start3A_116 : memref<80x128xf32, #tpu.memory_space<vmem>>) target(%dma_start3A_122 : memref<10000x128xf32, #tpu.memory_space<vmem_shared>>) offsets(%dma_start3A_119 : memref<80xi32, #tpu.memory_space<vmem>>) semaphore(%run_scoped3A_112 : memref<!tpu.dma_semaphore, #tpu.memory_space<semaphore_mem>>) {add = true}
      %dma_wait3A_123 = arith.constant 0 : i32
      %dma_wait3A_124 = arith.constant 0 : i32
      %dma_wait3A_125 = tpu.memref_slice %arg6[%run_scoped3A, %dma_wait3A_123, %dma_wait3A_124] : memref<2x80x128xf32, #tpu.memory_space<vmem>> -> memref<1x80x128xf32, #tpu.memory_space<vmem>>
      %dma_wait3A_126 = tpu.memref_squeeze %dma_wait3A_125 : memref<1x80x128xf32, #tpu.memory_space<vmem>> -> memref<80x128xf32, #tpu.memory_space<vmem>>
      %dma_wait3A_127 = arith.constant 0 : i32
      %dma_wait3A_128 = tpu.memref_slice %arg8[%run_scoped3A_104, %dma_wait3A_127] : memref<2x80xi32, #tpu.memory_space<vmem>> -> memref<1x80xi32, #tpu.memory_space<vmem>>
      %dma_wait3A_129 = tpu.memref_squeeze %dma_wait3A_128 : memref<1x80xi32, #tpu.memory_space<vmem>> -> memref<80xi32, #tpu.memory_space<vmem>>
      %dma_wait3A_130 = arith.constant 0 : i32
      %dma_wait3A_131 = arith.constant 0 : i32
      %dma_wait3A_132 = tpu.memref_slice %arg10[%dma_wait3A_130, %dma_wait3A_131] : memref<10000x128xf32, #tpu.memory_space<vmem_shared>> -> memref<10000x128xf32, #tpu.memory_space<vmem_shared>>
      tpu.wait_indirect_dma semaphore(%run_scoped3A_112 : memref<!tpu.dma_semaphore, #tpu.memory_space<semaphore_mem>>) src(%dma_wait3A_126 : memref<80x128xf32, #tpu.memory_space<vmem>>) dst(%dma_wait3A_132 : memref<10000x128xf32, #tpu.memory_space<vmem_shared>>)
      tpu.yield
    }) : () -> ()
    %barrier3A_105 = arith.constant 0 : index
    tpu.barrier barrier_id(%barrier3A_105)
    %lt3A = arith.constant 15 : i32
    %lt3A_106 = arith.cmpi slt, %arg1, %lt3A : i32
    %convert_element_type3A = arith.extui %lt3A_106 : i1 to i32
    %cond3A = arith.constant 0 : i32
    %cond3A_107 = arith.cmpi ne, %convert_element_type3A, %cond3A : i32
    scf.if %cond3A_107 {
      %mul3A_112 = arith.constant 624 : i32
      %mul3A_113 = arith.muli %arg1, %mul3A_112 : i32
      %mul3A_114 = arith.constant 10000 : i32
      %mul3A_115 = arith.muli %arg0, %mul3A_114 : i32
      %mul3A_116 = arith.constant 624 : i32
      %mul3A_117 = arith.muli %arg1, %mul3A_116 : i32
      %add3A_118 = arith.addi %mul3A_115, %mul3A_117 : i32
      "tpu.region"() ({
        %run_scoped3A_119 = tpu.sem_alloc : memref<!tpu.dma_semaphore, #tpu.memory_space<semaphore_mem>>
        %dma_start3A_120 = arith.constant 0 : i32
        %dma_start3A_121 = tpu.memref_slice %arg5[%add3A_118, %dma_start3A_120] : memref<20000x128xf32, #tpu.memory_space<hbm>> -> memref<624x128xf32, #tpu.memory_space<hbm>>
        %dma_start3A_122 = arith.constant 0 : i32
        %dma_start3A_123 = tpu.memref_slice %arg10[%mul3A_113, %dma_start3A_122] : memref<10000x128xf32, #tpu.memory_space<vmem_shared>> -> memref<624x128xf32, #tpu.memory_space<vmem_shared>>
        tpu.enqueue_dma source(%dma_start3A_123 : memref<624x128xf32, #tpu.memory_space<vmem_shared>>) target(%dma_start3A_121 : memref<624x128xf32, #tpu.memory_space<hbm>>) target_semaphore(%run_scoped3A_119 : memref<!tpu.dma_semaphore, #tpu.memory_space<semaphore_mem>>)
        %dma_wait3A_124 = arith.constant 0 : i32
        %dma_wait3A_125 = tpu.memref_slice %arg5[%add3A_118, %dma_wait3A_124] : memref<20000x128xf32, #tpu.memory_space<hbm>> -> memref<624x128xf32, #tpu.memory_space<hbm>>
        %dma_wait3A_126 = arith.constant 0 : i32
        %dma_wait3A_127 = tpu.memref_slice %arg10[%mul3A_113, %dma_wait3A_126] : memref<10000x128xf32, #tpu.memory_space<vmem_shared>> -> memref<624x128xf32, #tpu.memory_space<vmem_shared>>
        tpu.wait_dma2 semaphore(%run_scoped3A_119 : memref<!tpu.dma_semaphore, #tpu.memory_space<semaphore_mem>>) src(%dma_wait3A_127 : memref<624x128xf32, #tpu.memory_space<vmem_shared>>) dst(%dma_wait3A_125 : memref<624x128xf32, #tpu.memory_space<hbm>>)
        tpu.yield
      }) : () -> ()
    } else {
    }
    %eq3A = arith.constant 15 : i32
    %eq3A_108 = arith.cmpi eq, %arg1, %eq3A : i32
    %convert_element_type3A_109 = arith.extui %eq3A_108 : i1 to i32
    %cond3A_110 = arith.constant 0 : i32
    %cond3A_111 = arith.cmpi ne, %convert_element_type3A_109, %cond3A_110 : i32
    scf.if %cond3A_111 {
      %mul3A_112 = arith.constant 10000 : i32
      %mul3A_113 = arith.muli %arg0, %mul3A_112 : i32
      %add3A_114 = arith.constant 9360 : i32
      %add3A_115 = arith.addi %mul3A_113, %add3A_114 : i32
      "tpu.region"() ({
        %run_scoped3A_116 = tpu.sem_alloc : memref<!tpu.dma_semaphore, #tpu.memory_space<semaphore_mem>>
        %dma_start3A_117 = arith.constant 0 : i32
        %dma_start3A_118 = tpu.memref_slice %arg5[%add3A_115, %dma_start3A_117] : memref<20000x128xf32, #tpu.memory_space<hbm>> -> memref<640x128xf32, #tpu.memory_space<hbm>>
        %dma_start3A_119 = arith.constant 9360 : i32
        %dma_start3A_120 = arith.constant 0 : i32
        %dma_start3A_121 = tpu.memref_slice %arg10[%dma_start3A_119, %dma_start3A_120] : memref<10000x128xf32, #tpu.memory_space<vmem_shared>> -> memref<640x128xf32, #tpu.memory_space<vmem_shared>>
        tpu.enqueue_dma source(%dma_start3A_121 : memref<640x128xf32, #tpu.memory_space<vmem_shared>>) target(%dma_start3A_118 : memref<640x128xf32, #tpu.memory_space<hbm>>) target_semaphore(%run_scoped3A_116 : memref<!tpu.dma_semaphore, #tpu.memory_space<semaphore_mem>>)
        %dma_wait3A_122 = arith.constant 0 : i32
        %dma_wait3A_123 = tpu.memref_slice %arg5[%add3A_115, %dma_wait3A_122] : memref<20000x128xf32, #tpu.memory_space<hbm>> -> memref<640x128xf32, #tpu.memory_space<hbm>>
        %dma_wait3A_124 = arith.constant 9360 : i32
        %dma_wait3A_125 = arith.constant 0 : i32
        %dma_wait3A_126 = tpu.memref_slice %arg10[%dma_wait3A_124, %dma_wait3A_125] : memref<10000x128xf32, #tpu.memory_space<vmem_shared>> -> memref<640x128xf32, #tpu.memory_space<vmem_shared>>
        tpu.wait_dma2 semaphore(%run_scoped3A_116 : memref<!tpu.dma_semaphore, #tpu.memory_space<semaphore_mem>>) src(%dma_wait3A_126 : memref<640x128xf32, #tpu.memory_space<vmem_shared>>) dst(%dma_wait3A_123 : memref<640x128xf32, #tpu.memory_space<hbm>>)
        tpu.yield
      }) : () -> ()
    } else {
    }
    return
  }
}

module attributes {stable_mosaic.version = 14 : i64} {
  func.func @_gate_body(%arg0: i32, %arg1: memref<8192x128xf32, #tpu.memory_space<vmem>>, %arg2: memref<8192x16xf32, #tpu.memory_space<vmem>>, %arg3: memref<8192x128xf32, #tpu.memory_space<vmem>>, %arg4: memref<1x128xf32, #tpu.memory_space<vmem>>, %arg5: memref<1x16xf32, #tpu.memory_space<vmem>>, %arg6: memref<1x128xf32, #tpu.memory_space<vmem>>, %arg7: memref<1xf32, #tpu.memory_space<vmem>>, %arg8: memref<8192xf32, #tpu.memory_space<vmem>>) attributes {dimension_semantics = [#tpu.dimension_semantics<arbitrary>], iteration_bounds = array<i64: 20>, scalar_prefetch = 0 : i64, scratch_operands = 0 : i64, tpu.core_type = #tpu.core_type<tc>, window_params = [{transform_indices = @transform_0, window_bounds = array<i64: 8192, 128>}, {transform_indices = @transform_1, window_bounds = array<i64: 8192, 16>}, {transform_indices = @transform_2, window_bounds = array<i64: 8192, 128>}, {pipeline_mode = #tpu.pipeline_mode<synchronous>, transform_indices = @transform_3, window_bounds = array<i64: 1, 128>}, {pipeline_mode = #tpu.pipeline_mode<synchronous>, transform_indices = @transform_4, window_bounds = array<i64: 1, 16>}, {pipeline_mode = #tpu.pipeline_mode<synchronous>, transform_indices = @transform_5, window_bounds = array<i64: 1, 128>}, {pipeline_mode = #tpu.pipeline_mode<synchronous>, transform_indices = @transform_6, window_bounds = array<i64: 1>}, {transform_indices = @transform_7, window_bounds = array<i64: 8192>}]} {
    %get3A = arith.constant 0 : index
    %get3A_0 = arith.constant 0 : index
    %get3A_1 = vector.load %arg4[%get3A, %get3A_0] : memref<1x128xf32, #tpu.memory_space<vmem>>, vector<1x128xf32>
    %get3A_2 = arith.constant 0 : index
    %get3A_3 = arith.constant 0 : index
    %get3A_4 = vector.load %arg1[%get3A_2, %get3A_3] : memref<8192x128xf32, #tpu.memory_space<vmem>>, vector<8192x128xf32>
    %dot_general3A = arith.constant dense<0.000000e+00> : vector<1x8192xf32>
    %dot_general3A_5 = tpu.matmul %get3A_1, %get3A_4, %dot_general3A {dimension_numbers = #tpu.dot_dimension_numbers<[1], [1], [0], [0], [0, 0, 1, 0], [], []>, transpose_lhs_hint = false} : vector<1x128xf32>, vector<8192x128xf32>, vector<1x8192xf32> -> vector<1x8192xf32>
    %get3A_6 = arith.constant 0 : index
    %get3A_7 = arith.constant 0 : index
    %get3A_8 = vector.load %arg5[%get3A_6, %get3A_7] : memref<1x16xf32, #tpu.memory_space<vmem>>, vector<1x16xf32>
    %get3A_9 = arith.constant 0 : index
    %get3A_10 = arith.constant 0 : index
    %get3A_11 = vector.load %arg2[%get3A_9, %get3A_10] : memref<8192x16xf32, #tpu.memory_space<vmem>>, vector<8192x16xf32>
    %dot_general3A_12 = arith.constant dense<0.000000e+00> : vector<1x8192xf32>
    %dot_general3A_13 = tpu.matmul %get3A_8, %get3A_11, %dot_general3A_12 {dimension_numbers = #tpu.dot_dimension_numbers<[1], [1], [0], [0], [0, 0, 1, 0], [], []>, transpose_lhs_hint = false} : vector<1x16xf32>, vector<8192x16xf32>, vector<1x8192xf32> -> vector<1x8192xf32>
    %add3A = arith.addf %dot_general3A_5, %dot_general3A_13 : vector<1x8192xf32>
    %get3A_14 = arith.constant 0 : index
    %get3A_15 = arith.constant 0 : index
    %get3A_16 = vector.load %arg6[%get3A_14, %get3A_15] : memref<1x128xf32, #tpu.memory_space<vmem>>, vector<1x128xf32>
    %get3A_17 = arith.constant 0 : index
    %get3A_18 = arith.constant 0 : index
    %get3A_19 = vector.load %arg3[%get3A_17, %get3A_18] : memref<8192x128xf32, #tpu.memory_space<vmem>>, vector<8192x128xf32>
    %dot_general3A_20 = arith.constant dense<0.000000e+00> : vector<1x8192xf32>
    %dot_general3A_21 = tpu.matmul %get3A_16, %get3A_19, %dot_general3A_20 {dimension_numbers = #tpu.dot_dimension_numbers<[1], [1], [0], [0], [0, 0, 1, 0], [], []>, transpose_lhs_hint = false} : vector<1x128xf32>, vector<8192x128xf32>, vector<1x8192xf32> -> vector<1x8192xf32>
    %add3A_22 = arith.addf %add3A, %dot_general3A_21 : vector<1x8192xf32>
    %get3A_23 = arith.constant 0 : index
    %get3A_24 = vector.load %arg7[%get3A_23] : memref<1xf32, #tpu.memory_space<vmem>>, vector<1xf32>
    %get3A_25 = vector.extract %get3A_24[0] : f32 from vector<1xf32>
    %add3A_26 = vector.broadcast %get3A_25 : f32 to vector<1x8192xf32>
    %add3A_27 = arith.addf %add3A_22, %add3A_26 : vector<1x8192xf32>
    %tanh3A = math.tanh %add3A_27 : vector<1x8192xf32>
    %squeeze3A = vector.shape_cast %tanh3A : vector<1x8192xf32> to vector<8192xf32>
    %swap3A = arith.constant 0 : index
    %swap3A_28 = vector.load %arg8[%swap3A] : memref<8192xf32, #tpu.memory_space<vmem>>, vector<8192xf32>
    tpu.vector_store %arg8[%swap3A], %squeeze3A {strides = array<i32>} : memref<8192xf32, #tpu.memory_space<vmem>>, vector<8192xf32>,
    return
  }
  func.func @transform_0(%arg0: i32) -> (i32, i32) {
    %add3A = arith.constant 0 : i32
    %add3A_0 = arith.addi %arg0, %add3A : i32
    %c0_i32 = arith.constant 0 : i32
    %c0_i32_1 = arith.constant 0 : i32
    return %add3A_0, %c0_i32 : i32, i32
  }
  func.func @transform_1(%arg0: i32) -> (i32, i32) {
    %add3A = arith.constant 0 : i32
    %add3A_0 = arith.addi %arg0, %add3A : i32
    %c0_i32 = arith.constant 0 : i32
    %c0_i32_1 = arith.constant 0 : i32
    return %add3A_0, %c0_i32 : i32, i32
  }
  func.func @transform_2(%arg0: i32) -> (i32, i32) {
    %add3A = arith.constant 0 : i32
    %add3A_0 = arith.addi %arg0, %add3A : i32
    %c0_i32 = arith.constant 0 : i32
    %c0_i32_1 = arith.constant 0 : i32
    return %add3A_0, %c0_i32 : i32, i32
  }
  func.func @transform_3(%arg0: i32) -> (i32, i32) {
    %c0_i32 = arith.constant 0 : i32
    %c0_i32_0 = arith.constant 0 : i32
    %c0_i32_1 = arith.constant 0 : i32
    return %c0_i32, %c0_i32_0 : i32, i32
  }
  func.func @transform_4(%arg0: i32) -> (i32, i32) {
    %c0_i32 = arith.constant 0 : i32
    %c0_i32_0 = arith.constant 0 : i32
    %c0_i32_1 = arith.constant 0 : i32
    return %c0_i32, %c0_i32_0 : i32, i32
  }
  func.func @transform_5(%arg0: i32) -> (i32, i32) {
    %c0_i32 = arith.constant 0 : i32
    %c0_i32_0 = arith.constant 0 : i32
    %c0_i32_1 = arith.constant 0 : i32
    return %c0_i32, %c0_i32_0 : i32, i32
  }
  func.func @transform_6(%arg0: i32) -> i32 {
    %c0_i32 = arith.constant 0 : i32
    %c0_i32_0 = arith.constant 0 : i32
    return %c0_i32 : i32
  }
  func.func @transform_7(%arg0: i32) -> i32 {
    %c0_i32 = arith.constant 0 : i32
    return %arg0 : i32
  }
}

module attributes {stable_mosaic.version = 14 : i64} {
  func.func @_gate_body(%arg0: i32, %arg1: memref<8192x128xf32, #tpu.memory_space<vmem>>, %arg2: memref<8192x16xf32, #tpu.memory_space<vmem>>, %arg3: memref<8192x128xf32, #tpu.memory_space<vmem>>, %arg4: memref<1x128xf32, #tpu.memory_space<vmem>>, %arg5: memref<1x16xf32, #tpu.memory_space<vmem>>, %arg6: memref<1x128xf32, #tpu.memory_space<vmem>>, %arg7: memref<1xf32, #tpu.memory_space<vmem>>, %arg8: memref<8192xf32, #tpu.memory_space<vmem>>) attributes {dimension_semantics = [#tpu.dimension_semantics<arbitrary>], iteration_bounds = array<i64: 20>, scalar_prefetch = 0 : i64, scratch_operands = 0 : i64, tpu.core_type = #tpu.core_type<tc>, window_params = [{transform_indices = @transform_0, window_bounds = array<i64: 8192, 128>}, {transform_indices = @transform_1, window_bounds = array<i64: 8192, 16>}, {transform_indices = @transform_2, window_bounds = array<i64: 8192, 128>}, {pipeline_mode = #tpu.pipeline_mode<synchronous>, transform_indices = @transform_3, window_bounds = array<i64: 1, 128>}, {pipeline_mode = #tpu.pipeline_mode<synchronous>, transform_indices = @transform_4, window_bounds = array<i64: 1, 16>}, {pipeline_mode = #tpu.pipeline_mode<synchronous>, transform_indices = @transform_5, window_bounds = array<i64: 1, 128>}, {pipeline_mode = #tpu.pipeline_mode<synchronous>, transform_indices = @transform_6, window_bounds = array<i64: 1>}, {transform_indices = @transform_7, window_bounds = array<i64: 8192>}]} {
    %get3A = arith.constant 0 : index
    %get3A_0 = arith.constant 0 : index
    %get3A_1 = vector.load %arg4[%get3A, %get3A_0] : memref<1x128xf32, #tpu.memory_space<vmem>>, vector<1x128xf32>
    %get3A_2 = arith.constant 0 : index
    %get3A_3 = arith.constant 0 : index
    %get3A_4 = vector.load %arg1[%get3A_2, %get3A_3] : memref<8192x128xf32, #tpu.memory_space<vmem>>, vector<8192x128xf32>
    %dot_general3A = arith.constant dense<0.000000e+00> : vector<1x8192xf32>
    %dot_general3A_5 = tpu.matmul %get3A_1, %get3A_4, %dot_general3A {dimension_numbers = #tpu.dot_dimension_numbers<[1], [1], [0], [0], [0, 0, 1, 0], [], []>, transpose_lhs_hint = false} : vector<1x128xf32>, vector<8192x128xf32>, vector<1x8192xf32> -> vector<1x8192xf32>
    %get3A_6 = arith.constant 0 : index
    %get3A_7 = arith.constant 0 : index
    %get3A_8 = vector.load %arg5[%get3A_6, %get3A_7] : memref<1x16xf32, #tpu.memory_space<vmem>>, vector<1x16xf32>
    %get3A_9 = arith.constant 0 : index
    %get3A_10 = arith.constant 0 : index
    %get3A_11 = vector.load %arg2[%get3A_9, %get3A_10] : memref<8192x16xf32, #tpu.memory_space<vmem>>, vector<8192x16xf32>
    %dot_general3A_12 = arith.constant dense<0.000000e+00> : vector<1x8192xf32>
    %dot_general3A_13 = tpu.matmul %get3A_8, %get3A_11, %dot_general3A_12 {dimension_numbers = #tpu.dot_dimension_numbers<[1], [1], [0], [0], [0, 0, 1, 0], [], []>, transpose_lhs_hint = false} : vector<1x16xf32>, vector<8192x16xf32>, vector<1x8192xf32> -> vector<1x8192xf32>
    %add3A = arith.addf %dot_general3A_5, %dot_general3A_13 : vector<1x8192xf32>
    %get3A_14 = arith.constant 0 : index
    %get3A_15 = arith.constant 0 : index
    %get3A_16 = vector.load %arg6[%get3A_14, %get3A_15] : memref<1x128xf32, #tpu.memory_space<vmem>>, vector<1x128xf32>
    %get3A_17 = arith.constant 0 : index
    %get3A_18 = arith.constant 0 : index
    %get3A_19 = vector.load %arg3[%get3A_17, %get3A_18] : memref<8192x128xf32, #tpu.memory_space<vmem>>, vector<8192x128xf32>
    %dot_general3A_20 = arith.constant dense<0.000000e+00> : vector<1x8192xf32>
    %dot_general3A_21 = tpu.matmul %get3A_16, %get3A_19, %dot_general3A_20 {dimension_numbers = #tpu.dot_dimension_numbers<[1], [1], [0], [0], [0, 0, 1, 0], [], []>, transpose_lhs_hint = false} : vector<1x128xf32>, vector<8192x128xf32>, vector<1x8192xf32> -> vector<1x8192xf32>
    %add3A_22 = arith.addf %add3A, %dot_general3A_21 : vector<1x8192xf32>
    %get3A_23 = arith.constant 0 : index
    %get3A_24 = vector.load %arg7[%get3A_23] : memref<1xf32, #tpu.memory_space<vmem>>, vector<1xf32>
    %get3A_25 = vector.extract %get3A_24[0] : f32 from vector<1xf32>
    %add3A_26 = vector.broadcast %get3A_25 : f32 to vector<1x8192xf32>
    %add3A_27 = arith.addf %add3A_22, %add3A_26 : vector<1x8192xf32>
    %tanh3A = math.tanh %add3A_27 : vector<1x8192xf32>
    %squeeze3A = vector.shape_cast %tanh3A : vector<1x8192xf32> to vector<8192xf32>
    %swap3A = arith.constant 0 : index
    %swap3A_28 = vector.load %arg8[%swap3A] : memref<8192xf32, #tpu.memory_space<vmem>>, vector<8192xf32>
    tpu.vector_store %arg8[%swap3A], %squeeze3A {strides = array<i32>} : memref<8192xf32, #tpu.memory_space<vmem>>, vector<8192xf32>,
    return
  }
  func.func @transform_0(%arg0: i32) -> (i32, i32) {
    %add3A = arith.constant 20 : i32
    %add3A_0 = arith.addi %arg0, %add3A : i32
    %c0_i32 = arith.constant 0 : i32
    %c0_i32_1 = arith.constant 0 : i32
    return %add3A_0, %c0_i32 : i32, i32
  }
  func.func @transform_1(%arg0: i32) -> (i32, i32) {
    %add3A = arith.constant 20 : i32
    %add3A_0 = arith.addi %arg0, %add3A : i32
    %c0_i32 = arith.constant 0 : i32
    %c0_i32_1 = arith.constant 0 : i32
    return %add3A_0, %c0_i32 : i32, i32
  }
  func.func @transform_2(%arg0: i32) -> (i32, i32) {
    %add3A = arith.constant 20 : i32
    %add3A_0 = arith.addi %arg0, %add3A : i32
    %c0_i32 = arith.constant 0 : i32
    %c0_i32_1 = arith.constant 0 : i32
    return %add3A_0, %c0_i32 : i32, i32
  }
  func.func @transform_3(%arg0: i32) -> (i32, i32) {
    %c0_i32 = arith.constant 0 : i32
    %c0_i32_0 = arith.constant 0 : i32
    %c0_i32_1 = arith.constant 0 : i32
    return %c0_i32, %c0_i32_0 : i32, i32
  }
  func.func @transform_4(%arg0: i32) -> (i32, i32) {
    %c0_i32 = arith.constant 0 : i32
    %c0_i32_0 = arith.constant 0 : i32
    %c0_i32_1 = arith.constant 0 : i32
    return %c0_i32, %c0_i32_0 : i32, i32
  }
  func.func @transform_5(%arg0: i32) -> (i32, i32) {
    %c0_i32 = arith.constant 0 : i32
    %c0_i32_0 = arith.constant 0 : i32
    %c0_i32_1 = arith.constant 0 : i32
    return %c0_i32, %c0_i32_0 : i32, i32
  }
  func.func @transform_6(%arg0: i32) -> i32 {
    %c0_i32 = arith.constant 0 : i32
    %c0_i32_0 = arith.constant 0 : i32
    return %c0_i32 : i32
  }
  func.func @transform_7(%arg0: i32) -> i32 {
    %c0_i32 = arith.constant 0 : i32
    return %arg0 : i32
  }
}

module attributes {stable_mosaic.version = 14 : i64} {
  func.func @_add_body(%arg0: i32, %arg1: memref<2000x128xf32, #tpu.memory_space<vmem>>, %arg2: memref<2000x128xf32, #tpu.memory_space<vmem>>, %arg3: memref<2000x128xf32, #tpu.memory_space<vmem>>, %arg4: memref<2000x128xf32, #tpu.memory_space<vmem>>, %arg5: memref<2000x128xf32, #tpu.memory_space<vmem>>) attributes {dimension_semantics = [#tpu.dimension_semantics<arbitrary>], iteration_bounds = array<i64: 5>, scalar_prefetch = 0 : i64, scratch_operands = 0 : i64, tpu.core_type = #tpu.core_type<tc>, window_params = [{transform_indices = @transform_0, window_bounds = array<i64: 2000, 128>}, {transform_indices = @transform_1, window_bounds = array<i64: 2000, 128>}, {transform_indices = @transform_2, window_bounds = array<i64: 2000, 128>}, {transform_indices = @transform_3, window_bounds = array<i64: 2000, 128>}, {transform_indices = @transform_4, window_bounds = array<i64: 2000, 128>}]} {
    %get3A = arith.constant 0 : index
    %get3A_0 = arith.constant 0 : index
    %get3A_1 = vector.load %arg1[%get3A, %get3A_0] : memref<2000x128xf32, #tpu.memory_space<vmem>>, vector<2000x128xf32>
    %get3A_2 = arith.constant 0 : index
    %get3A_3 = arith.constant 0 : index
    %get3A_4 = vector.load %arg2[%get3A_2, %get3A_3] : memref<2000x128xf32, #tpu.memory_space<vmem>>, vector<2000x128xf32>
    %add3A = arith.addf %get3A_1, %get3A_4 : vector<2000x128xf32>
    %get3A_5 = arith.constant 0 : index
    %get3A_6 = arith.constant 0 : index
    %get3A_7 = vector.load %arg3[%get3A_5, %get3A_6] : memref<2000x128xf32, #tpu.memory_space<vmem>>, vector<2000x128xf32>
    %get3A_8 = arith.constant 0 : index
    %get3A_9 = arith.constant 0 : index
    %get3A_10 = vector.load %arg4[%get3A_8, %get3A_9] : memref<2000x128xf32, #tpu.memory_space<vmem>>, vector<2000x128xf32>
    %add3A_11 = arith.addf %get3A_7, %get3A_10 : vector<2000x128xf32>
    %add3A_12 = arith.addf %add3A, %add3A_11 : vector<2000x128xf32>
    %swap3A = arith.constant 0 : index
    %swap3A_13 = arith.constant 0 : index
    %swap3A_14 = vector.load %arg5[%swap3A, %swap3A_13] : memref<2000x128xf32, #tpu.memory_space<vmem>>, vector<2000x128xf32>
    tpu.vector_store %arg5[%swap3A, %swap3A_13], %add3A_12 {strides = array<i32>} : memref<2000x128xf32, #tpu.memory_space<vmem>>, vector<2000x128xf32>,
    return
  }
  func.func @transform_0(%arg0: i32) -> (i32, i32) {
    %c0_i32 = arith.constant 0 : i32
    %c0_i32_0 = arith.constant 0 : i32
    return %arg0, %c0_i32 : i32, i32
  }
  func.func @transform_1(%arg0: i32) -> (i32, i32) {
    %c0_i32 = arith.constant 0 : i32
    %c0_i32_0 = arith.constant 0 : i32
    return %arg0, %c0_i32 : i32, i32
  }
  func.func @transform_2(%arg0: i32) -> (i32, i32) {
    %c0_i32 = arith.constant 0 : i32
    %c0_i32_0 = arith.constant 0 : i32
    return %arg0, %c0_i32 : i32, i32
  }
  func.func @transform_3(%arg0: i32) -> (i32, i32) {
    %c0_i32 = arith.constant 0 : i32
    %c0_i32_0 = arith.constant 0 : i32
    return %arg0, %c0_i32 : i32, i32
  }
  func.func @transform_4(%arg0: i32) -> (i32, i32) {
    %c0_i32 = arith.constant 0 : i32
    %c0_i32_0 = arith.constant 0 : i32
    return %arg0, %c0_i32 : i32, i32
  }
}

</mosaic_0001>

<sc_bundles>
// kernel: kernel.10.cloned.1.call-start
scs
__scs_entry_jumppad:
0x0: {  	(pc) =	sbr.rel $0x88, $3  }
0x1: {  	(tag) =	ssettag $0x0;
	lr =	simm.s32 $0x1  }
0x2: {  	[smem:$0x3F99] =	sst lr;
	_ =	strace $0xD0000000  }
0x3: {  	_ = 	snop  }
0x4: {  	_ = 	snop  }
0x5: {  	_ = 	snop  }
0x6: {  	_ = 	snop  }
0x7: {  	_ = 	snop  }
__scs_overlays_trampoline_lowered:
0x8: {  	[smem:$0x3FA8] =	sst s0  }
0x9: {  	[smem:$0x3FA9] =	sst s1  }
0xa: {  	[smem:$0x3FAA] =	sst s2  }
0xb: {  	[smem:$0x3FAB] =	sst s3  }
0xc: {  	[smem:$0x3FAC] =	sst s4  }
0xd: {  	[smem:$0x3FAD] =	sst s5  }
0xe: {  	[smem:$0x3FAE] =	sst s6  }
0xf: {  	[smem:$0x3FAF] =	sst s7  }
0x10: {  	[smem:$0x3FB0] =	sst s8  }
0x11: {  	[smem:$0x3FB1] =	sst s9;
	s0 =	simm.s32 @!p0 $0x0  }
0x12: {  	s1 =	sld [smem:$0x3F97];
	s0 =	simm.s32 @p0 $0x1  }
0x13: {  	[smem:$0x3FB2] =	sst s0;
	s0 =	simm.s32 @!p1 $0x0  }
0x14: {  	s2 =	sld [smem:$0x3F96];
	s0 =	simm.s32 @p1 $0x1  }
0x15: {  	[smem:$0x3FB3] =	sst s0;
	s0 =	simm.s32 @!p2 $0x0  }
0x16: {  	s3 =	sld [smem:$0x3FDB];
	s0 =	simm.s32 @p2 $0x1  }
0x17: {  	s4 =	simm.s32 $0x1BF5;
	[smem:$0x3FB5] =	sst s0  }
0x18: {  	s0 =	sld [smem:$0x3F98];
	_ =	swait.ge [sflag:s4], $0x0  }
0x19: {  	s7 =	sld [smem:$0x3F99]  }
0x1a: {  	s8 =	sadd.s32 $0xFFFFE003, lr  }
0x1b: {  	s9 =	sadd.s32 $0xFFFFFEF7, lr;
	s5 =	simm.s32 $0xFFFFFFFF;
	p2 =	slt.u32 s8, $0xFFFFF086  }
0x1c: {  	p1 =	slt.u32 s9, $0xF7A;
	s5 =	simm.s32 @!p2 $0x0  }
0x1d: {  	s5 =	simm.s32 @p1 $0x1;
	p0 =	seq.s32 s7, s2  }
0x1e: {  	s7 =	smul.u32 @!p0 $0xF7A, s2;
	p2 =	seq.s32 @!p0 s5, $0x0  }
0x1f: {  	s9 =	smul.u32 $0xF7A, s1;
	s8 =	simm.s32 @!p0 $0x1BF5;
	p2 =	por !p2, p0  }
0x20: {  	[sflag:s8] =	ssyncset.s32 @!p0 $0xFFFFF086;
	s6 =	sadd.s32 @!p0 s3, s7;
	s7 =	simm.s32 @!p0 $0x108  }
0x21: {  	s3 =	sadd.s32 s3, s9;
	s6 =	sadd.s32 @!p0 $0x88, s6;
	s7 =	simm.s32 @p2 $0x1082  }
0x22: {  	[simem:s7], [sflag:s8] =	dma.local @!p0 [hbm:s6], $0xF7A  }
0x23: {  	s9 =	sor.u32 $0xD0000000, s2;
	s6 =	simm.s32 $0x108;
	_ =	swait.ge @!p0 [sflag:s8], $0x0  }
0x24: {  	s3 =	sadd.s32 $0x88, s3;
	s6 =	simm.s32 @!p1 $0x1082;
	[sflag:s4] =	ssyncset.s32 $0xFFFFF086  }
0x25: {  	[simem:s6], [sflag:s4] =	dma.local [hbm:s3], $0xF7A  }
0x26: {  	[smem:$0x3F99] =	sst s1;
	(tag) =	ssettag s2;
	_ =	strace s9  }
0x27: {  	s1 =	sld [smem:$0x3FA9]  }
0x28: {  	s2 =	sld [smem:$0x3FAA]  }
0x29: {  	s4 =	sld [smem:$0x3FAC]  }
0x2a: {  	p0 =	seq.s32 s5, $0x0;
	s5 =	sld [smem:$0x3FAD]  }
0x2b: {  	s6 =	sld [smem:$0x3FAE]  }
0x2c: {  	s7 =	sld [smem:$0x3FAF]  }
0x2d: {  	s3 =	simm.s32 $0x108;
	s8 =	sld [smem:$0x3FB0]  }
0x2e: {  	s3 =	simm.s32 @!p0 $0x1082;
	s9 =	sld [smem:$0x3FB1]  }
0x2f: {  	lr =	sadd.s32 s0, s3;
	s0 =	sld [smem:$0x3FA8]  }
0x30: {  	s3 =	sld [smem:$0x3FAB]  }
0x31: {  	[smem:$0x3FB4] =	sst s10  }
0x32: {  	s10 =	sld [smem:$0x3FB2];
	_ =	sdelay $0x3  }
0x33: {  	p0 =	seq.s32 s10, $0x1;
	s10 =	sld [smem:$0x3FB4];
	_ =	sdelay $0x3  }
0x34: {  	[smem:$0x3FB4] =	sst s10  }
0x35: {  	s10 =	sld [smem:$0x3FB3];
	_ =	sdelay $0x3  }
0x36: {  	p1 =	seq.s32 s10, $0x1;
	s10 =	sld [smem:$0x3FB4];
	_ =	sdelay $0x3  }
0x37: {  	[smem:$0x3FB4] =	sst s10  }
0x38: {  	s10 =	sld [smem:$0x3FB5]  }
0x39: {  	_ = 	snop;
	(pc) =	sbr.ind lr, $3  }
0x3a: {  	_ = 	snop  }
0x3b: {  	_ = 	snop  }
0x3c: {  	p2 =	seq.s32 s10, $0x1;
	s10 =	sld [smem:$0x3FB4]  }
0x3d: {  	_ =	shalt  }
0x3e: {  	_ =	shalt  }
0x3f: {  	_ =	shalt  }
0x40: {  	_ =	shalt  }
0x41: {  	_ =	shalt  }
0x42: {  	_ =	shalt  }
0x43: {  	_ =	shalt  }
0x44: {  	_ =	shalt  }
0x45: {  	_ =	shalt  }
0x46: {  	_ =	shalt  }
0x47: {  	_ =	shalt  }
0x48: {  	_ =	shalt  }
0x49: {  	_ =	shalt  }
0x4a: {  	_ =	shalt  }
0x4b: {  	_ =	shalt  }
0x4c: {  	_ =	shalt  }
0x4d: {  	_ =	shalt  }
0x4e: {  	_ =	shalt  }
0x4f: {  	_ =	shalt  }
0x50: {  	_ =	shalt  }
0x51: {  	_ =	shalt  }
0x52: {  	_ =	shalt  }
0x53: {  	_ =	shalt  }
0x54: {  	_ =	shalt  }
0x55: {  	_ =	shalt  }
0x56: {  	_ =	shalt  }
0x57: {  	_ =	shalt  }
0x58: {  	_ =	shalt  }
0x59: {  	_ =	shalt  }
0x5a: {  	_ =	shalt  }
0x5b: {  	_ =	shalt  }
0x5c: {  	_ =	shalt  }
0x5d: {  	_ =	shalt  }
0x5e: {  	_ =	shalt  }
0x5f: {  	_ =	shalt  }
0x60: {  	_ =	shalt  }
0x61: {  	_ =	shalt  }
0x62: {  	_ =	shalt  }
0x63: {  	_ =	shalt  }
0x64: {  	_ =	shalt  }
0x65: {  	_ =	shalt  }
0x66: {  	_ =	shalt  }
0x67: {  	_ =	shalt  }
0x68: {  	_ =	shalt  }
0x69: {  	_ =	shalt  }
0x6a: {  	_ =	shalt  }
0x6b: {  	_ =	shalt  }
0x6c: {  	_ =	shalt  }
0x6d: {  	_ =	shalt  }
0x6e: {  	_ =	shalt  }
0x6f: {  	_ =	shalt  }
0x70: {  	_ =	shalt  }
0x71: {  	_ =	shalt  }
0x72: {  	_ =	shalt  }
0x73: {  	_ =	shalt  }
0x74: {  	_ =	shalt  }
0x75: {  	_ =	shalt  }
0x76: {  	_ =	shalt  }
0x77: {  	_ =	shalt  }
0x78: {  	_ =	shalt  }
0x79: {  	_ =	shalt  }
0x7a: {  	_ =	shalt  }
0x7b: {  	_ =	shalt  }
0x7c: {  	_ =	shalt  }
0x7d: {  	_ =	shalt  }
0x7e: {  	_ =	shalt  }
0x7f: {  	_ =	shalt  }
0x80: {  	_ =	shalt  }
0x81: {  	_ =	shalt  }
0x82: {  	_ =	shalt  }
0x83: {  	_ =	shalt  }
0x84: {  	_ =	shalt  }
0x85: {  	_ =	shalt  }
0x86: {  	_ =	shalt  }
0x87: {  	_ =	shalt  }
.Lfunc_end0:
.L_simem_size_0:
called_computation.1_lowered:
.L_overlay_start_0:
0x88: {  	s2 =	sld [smem:$0x3FD9]  }
0x89: {  	s3 =	sld [smem:$0x3FFE];
	_ =	sdelay $0x1  }
0x8a: {  	s1 =	srdreg.scid  }
0x8b: {  	s0 =	sand.u32 $0x1, s1  }
0x8c: {  	s17 =	sshll.u32 s0, $0xA;
	s2 =	sadd.s32 s3, s2  }
0x8d: {  	s2 =	sadd.s32 s2, s17  }
0x8e: {  	[smem:$0x3FC0] =	sst s2  }
0x8f: {  	_ = 	snop  }
0x90: {  	s4 =	sld [smem:$0x3FC9]  }
0x91: {  	s18 =	sld [smem:$0x3FD0];
	(tm) =	ssettm $0x1  }
0x92: {  	s19 =	sld [smem:$0x3FFB];
	_ =	sdelay $0x3  }
0x93: {  	_ =	strace s19  }
0x94: {  	s2 =	sld [smem:$0x3FFC];
	_ =	sdelay $0x3  }
0x95: {  	_ =	strace s2  }
0x96: {  	s2 =	sld [smem:$0x3FFD];
	_ =	sdelay $0x3  }
0x97: {  	_ =	strace s2  }
0x98: {  	_ =	strace $0x8FFFFFFF  }
0x99: {  	s20 =	sld [smem:$0x3FDB];
	_ =	sdelay $0x1  }
0x9a: {  	s5 =	simm.s32 $_scs_section_size  }
0x9b: {  	s6 =	simm.s32 $_size__tile_overlayer_lowered;
	s7 =	simm.s32 $_tile_overlayer_lowered  }
0x9c: {  	s8 =	simm.s32 $0x1BFF;
	s21 =	sshll.u32 s7, $0x1;
	s5 =	sadd.s32 s5, s20  }
0x9d: {  	s22 =	simm.s32 $0x0;
	s6 =	sshll.u32 s6, $0x1;
	s7 =	sadd.s32 s21, s5  }
0x9e: {  	[timem:s22], [sflag:s8] =	dma.local [hbm:s7], s6  }
0x9f: {  	_ =	swait.ge [sflag:s8], s6  }
0xa0: {  	s6 =	ssub.s32 $0x0, s6;
	[sflag:s8] =	ssyncset.done $0x0  }
0xa1: {  	[sflag:s8] =	ssyncadd.s32 s6;
	_ =	sdelay $0x1  }
0xa2: {  	s23 =	simm.s32 $0x1B8B  }
0xa3: {  	_ =	swait.ge [sflag:s23], $0x1  }
0xa4: {  	[sflag:s23] =	ssyncset.done $0x0  }
0xa5: {  	[sflag:s23] =	ssyncadd.s32 $0xFFFFFFFF  }
0xa6: {  	s6 =	sld [smem:$0x0]  }
0xa7: {  	s7 =	sand.u32 $0xFFFFFFFE, s1  }
0xa8: {  	p0 =	sne.s32 s1, s7  }
0xa9: {  	s7 =	sshll.u32 @p0 s7, $0xE  }
0xaa: {  	s7 =	sadd.s32 @p0 $0x11B8D, s7;
	s8 =	sshll.u32 @p0 s6, $0x11  }
0xab: {  	s7 =	sor.u32 @p0 s8, s7  }
0xac: {  	[sflag:s7] =	ssyncadd.remote.s32 @p0 $0x1;
	_ =	sdelay $0x1  }
0xad: {  	s7 =	simm.s32 @p0 $0x1B8D  }
0xae: {  	_ =	swait.eq @p0 [sflag:s7], $0x1  }
0xaf: {  	[sflag:s7] =	ssyncadd.s32 @p0 $0xFFFFFFFF  }
0xb0: {  	s8 =	sshll.u32 @!p0 s1, $0xE  }
0xb1: {  	s8 =	sor.u32 @!p0 $0x4000, s8;
	s7 =	simm.s32 @!p0 $0x1B8D  }
0xb2: {  	s6 =	sshll.u32 @!p0 s6, $0x11;
	s8 =	sadd.s32 @!p0 $0x11B8D, s8;
	_ =	swait.eq @!p0 [sflag:s7], $0x1  }
0xb3: {  	s6 =	sor.u32 @!p0 s6, s8;
	[sflag:s7] =	ssyncadd.s32 @!p0 $0xFFFFFFFF  }
0xb4: {  	s25 =	simm.s32 $0x1B8E;
	s24 =	sld [smem:$0x3FFE];
	[sflag:s6] =	ssyncadd.remote.s32 @!p0 $0x1  }
0xb5: {  	s26 =	simm.s32 $execute0_lowered;
	[smem:$0x3FD2] =	sst s25  }
0xb6: {  	s7 =	sshll.u32 s26, $0x1;
	_ =	strace $0x80000049;
	[dreg:$0x1] =	wrdreg $0xFFFFFFFF  }
0xb7: {  	s28 =	simm.s32 $_size_execute0_lowered;
	s5 =	sadd.s32 s5, s7;
	[dreg:$0x0] =	wrdreg $0x0  }
0xb8: {  	s7 =	sshll.u32 s28, $0x1;
	[dreg:$0x2] =	wrdreg s5  }
0xb9: {  	[dreg:$0x3] =	wrdreg s7  }
0xba: {  	[dreg:$0x4] =	wrdreg $0xC0  }
0xbb: {  	_ =	task [dreg:s22], $0x5FFFF  }
0xbc: {  	[dreg:$0x1] =	wrdreg $0xFFFFFFFF  }
0xbd: {  	[dreg:$0x0] =	wrdreg $0x60  }
0xbe: {  	[dreg:$0x2] =	wrdreg s4  }
0xbf: {  	[dreg:$0x3] =	wrdreg s24  }
0xc0: {  	[dreg:$0x4] =	wrdreg s18  }
0xc1: {  	[dreg:$0x5] =	wrdreg $0x7A000  }
0xc2: {  	[dreg:$0x6] =	wrdreg $0xA  }
0xc3: {  	_ =	task.clear_ibuf [dreg:s22], $0x7FFFF;
	_ =	strace $0x90000049  }
0xc4: {  	s29 =	simm.s32 $0xA;
	_ =	strace $0x8000004B  }
0xc5: {  	_ =	swait.ge [sflag:s29], $0x1  }
0xc6: {  	[sflag:s29] =	ssyncadd.s32 $0xFFFFFFFF  }
0xc7: {  	_ =	strace $0x9000004B  }
0xc8: {  	_ =	sfence  }
0xc9: {  	s30 =	sld [smem:$0x0];
	_ =	sdelay $0x2  }
0xca: {  	s31 =	sshll.u32 s1, $0xD;
	s1 =	sshrl.u32 s1, $0x2  }
0xcb: {  	s4 =	sand.u32 $0x4000, s31;
	s1 =	sadd.s32 s1, s30  }
0xcc: {  	s0 =	sor.u32 s4, s0;
	s1 =	sshll.u32 s1, $0x11  }
0xcd: {  	s0 =	sor.u32 s1, s0  }
0xce: {  	s0 =	sadd.s32 $0x8F2B, s0  }
0xcf: {  	[sflag:s0] =	ssyncadd.remote.s32 $0x1  }
0xd0: {  	_ =	sfence.sel $0xFFFF  }
0xd1: {  	[dreg:$0x0] =	wrdreg $0xFFFFFFFF;
	(pc) =	sbr.abs _section_cstart, $3  }
0xd2: {  	[dreg:$0x1] =	wrdreg $0xFFFFFFFF  }
0xd3: {  	_ =	task.clear_ibuf [dreg:s22], $0x2FFFF;
	_ =	strace $0x9FFFFFFF  }
0xd4: {  	(tm) =	ssettm $0x7FFFFFFF  }
0xd5: {  	_ =	shalt  }
tec
execute0_lowered:
.L_overlay_start_1:
0x0: {  	(tag) =	ssettag $0x1  }
0x1: {  	s0 =	rddreg [dreg:$0x0]  }
0x2: {  	s1 =	rddreg [dreg:$0x1]  }
0x3: {  	s3 =	rddreg [dreg:$0x2]  }
0x4: {  	s2 =	srdreg.scid;
	s4 =	rddreg [dreg:$0x3]  }
0x5: {  	s15 =	stileid.u32;
	s5 =	simm.s32 $0x0;
	s28 =	simm.s32 $0x5100  }
0x6: {  	s29 =	simm.s32 $0x2800;
	s30 =	simm.s32 $0x5080;
	s31 =	simm.s32 $0x5180  }
0x7: {  	s2 =	sand.u32 $0x1, s2;
	[smem:$0x7FF] =	sst s5;
	s10 =	smul.u32 $0x4E000, s15  }
0x8: {  	s7 =	sadd.s32 $0x1E00, s1;
	s20 =	smul.u32 $0x2700, s15;
	s6 =	sshll.u32 s2, $0x4  }
0x9: {  	s1 =	sadd.s32 $0x6E00, s1;
	s13 =	smul.u32 $0x27100, s2;
	s6 =	sor.u32 s15, s6  }
0xa: {  	p0 =	seq.s32 s15, $0xF;
	s9 =	ssub.s32 $0x2, s2;
	s6 =	smul.u32 $0x1310, s6  }
0xb: {  	_ =	strace $0x8000004A;
	s2 =	smul.u32 $0x138800, s2;
	s11 =	sshrl.u32 s9, $0x1  }
0xc: {  	s10 =	sshrl.u32 s10, $0x2;
	s9 =	ssub.s32 s9, s11;
	s8 =	sadd.s32 $0x28000, s6  }
0xd: {  	s23 =	sadd.s32 s20, s13;
	s24 =	smax.u32 s9, $0x1;
	s12 =	sshll.u32 s8, $0x4  }
0xe: {  	s21 =	sshrl.u32 s6, $0x3;
	[dreg:$0xa] =	wrdreg s24;
	s19 =	sadd.s32 s0, s12  }
0xf: {  	s14 =	sshrl.u32 s8, $0x3;
	s12 =	sadd.s32 s7, s21;
	[dreg:$0x5] =	wrdreg s19  }
0x10: {  	s2 =	sshrl.u32 s2, $0x3;
	s22 =	sadd.s32 s3, s14;
	[dreg:$0x6] =	wrdreg s12  }
0x11: {  	s9 =	simm.s32 $0x0;
	s24 =	simm.s32 $0x3;
	[dreg:$0x7] =	wrdreg s22  }
0x12: {  	s12 =	sadd.s32 s10, s4;
	s10 =	sadd.s32 s1, s23;
	s1 =	sadd.s32 s1, s2  }
0x13: {  	s23 =	simm.s32 $0x5200;
	s2 =	simm.s32 $0x2;
	[dreg:$0x8] =	wrdreg s10  }
0x14: {  	s10 =	sadd.s32 $0x124800, s4;
	s1 =	sadd.s32 $0x24900, s1;
	s25 =	sadd.s32 $0x2800, s12  }
0x15: {  	s26 =	sadd.s32 $0x5000, s12;
	s18 =	sadd.s32 $0x7800, s12;
	[dreg:$0x9] =	wrdreg s1  }
0x16: {  	s19 =	sadd.s32 $0xA000, s12;
	s20 =	sadd.s32 $0xC800, s12;
	[dreg:$0xb] =	wrdreg s25  }
0x17: {  	s21 =	sadd.s32 $0xF000, s12;
	s22 =	sadd.s32 $0x11800, s12;
	[dreg:$0xc] =	wrdreg s26  }
0x18: {  	v0 =	vimm.f32 $0.0e+00;
	s25 =	sshrl.u32 @p0 s10, $0x3;
	s26 =	simm.s32 $0x5000;
	s1 =	simm.s32 $0x50  }
.LBB2_1:
0x19: {  	s10 =	simm.s32 $0x0;
	s11 =	simm.s32 $0x200  }
.LBB2_2:
0x1a: {  	p1 =	sne.s32 s11, $0x9E00;
	[tilespmem:s10+$0x5270] =	vst v0  }
0x1b: {  	[tilespmem:s10+$0x5200] =	vst v0  }
0x1c: {  	[tilespmem:s10+$0x5210] =	vst v0  }
.Ltmp0:
0x1d: {  	[tilespmem:s10+$0x5220] =	vst v0;
	(pc) =	sbr.rel @p1 .LBB2_2-.Ltmp0, $4  }
0x1e: {  	[tilespmem:s10+$0x5230] =	vst v0  }
0x1f: {  	[tilespmem:s10+$0x5240] =	vst v0  }
0x20: {  	[tilespmem:s10+$0x5250] =	vst v0  }
0x21: {  	[tilespmem:s10+$0x5260] =	vst v0;
	s10 =	sshra.s32 s11, $0x2;
	s11 =	sadd.s32 $0x200, s11  }
0x22: {  	[tilespmem:s10+$0x5270] =	vst v0  }
0x23: {  	[tilespmem:s10+$0x5200] =	vst v0  }
0x24: {  	[tilespmem:s10+$0x5210] =	vst v0  }
0x25: {  	[tilespmem:s10+$0x5220] =	vst v0  }
0x26: {  	[tilespmem:s10+$0x5230] =	vst v0  }
0x27: {  	[tilespmem:s10+$0x5240] =	vst v0  }
0x28: {  	[tilespmem:s10+$0x5250] =	vst v0  }
0x29: {  	[tilespmem:s10+$0x5260] =	vst v0  }
0x2a: {  	[spmem:s12] =	stream.linear.scatter [tilespmem:s23], [sflag:$0x3], $0x2800, $0x38;
	[tilespmem:$0x1B280] =	vst v63  }
0x2b: {  	_ =	swait.ge [sflag:s24], $0x2800  }
0x2c: {  	[sflag:s24] =	ssyncset.done $0x0  }
0x2d: {  	s14 =	rddreg [dreg:$0xb];
	[sflag:s24] =	ssyncadd.s32 $0xFFFFD800  }
0x2e: {  	[spmem:s14] =	stream.linear.scatter [tilespmem:s23], [sflag:$0x3], $0x2800, $0x38;
	[tilespmem:$0x1B280] =	vst v63  }
0x2f: {  	_ =	swait.ge [sflag:s24], $0x2800  }
0x30: {  	[sflag:s24] =	ssyncset.done $0x0  }
0x31: {  	s15 =	rddreg [dreg:$0xc];
	[sflag:s24] =	ssyncadd.s32 $0xFFFFD800  }
0x32: {  	[spmem:s15] =	stream.linear.scatter [tilespmem:s23], [sflag:$0x3], $0x2800, $0x38;
	[tilespmem:$0x1B280] =	vst v63  }
0x33: {  	_ =	swait.ge [sflag:s24], $0x2800  }
0x34: {  	[sflag:s24] =	ssyncset.done $0x0  }
0x35: {  	[sflag:s24] =	ssyncadd.s32 $0xFFFFD800  }
0x36: {  	[spmem:s18] =	stream.linear.scatter [tilespmem:s23], [sflag:$0x3], $0x2800, $0x38;
	[tilespmem:$0x1B280] =	vst v63  }
0x37: {  	_ =	swait.ge [sflag:s24], $0x2800  }
0x38: {  	[sflag:s24] =	ssyncset.done $0x0  }
0x39: {  	[sflag:s24] =	ssyncadd.s32 $0xFFFFD800  }
0x3a: {  	[spmem:s19] =	stream.linear.scatter [tilespmem:s23], [sflag:$0x3], $0x2800, $0x38;
	[tilespmem:$0x1B280] =	vst v63  }
0x3b: {  	_ =	swait.ge [sflag:s24], $0x2800  }
0x3c: {  	[sflag:s24] =	ssyncset.done $0x0  }
0x3d: {  	[sflag:s24] =	ssyncadd.s32 $0xFFFFD800  }
0x3e: {  	[spmem:s20] =	stream.linear.scatter [tilespmem:s23], [sflag:$0x3], $0x2800, $0x38;
	[tilespmem:$0x1B280] =	vst v63  }
0x3f: {  	_ =	swait.ge [sflag:s24], $0x2800  }
0x40: {  	[sflag:s24] =	ssyncset.done $0x0  }
0x41: {  	[sflag:s24] =	ssyncadd.s32 $0xFFFFD800  }
0x42: {  	[spmem:s21] =	stream.linear.scatter [tilespmem:s23], [sflag:$0x3], $0x2800, $0x38;
	[tilespmem:$0x1B280] =	vst v63  }
0x43: {  	_ =	swait.ge [sflag:s24], $0x2800  }
0x44: {  	[sflag:s24] =	ssyncset.done $0x0  }
0x45: {  	[sflag:s24] =	ssyncadd.s32 $0xFFFFD800  }
0x46: {  	[spmem:s22] =	stream.linear.scatter [tilespmem:s23], [sflag:$0x3], $0x2800, $0x38;
	[tilespmem:$0x1B280] =	vst v63  }
0x47: {  	_ =	swait.ge [sflag:s24], $0x2800  }
0x48: {  	[sflag:s24] =	ssyncset.done $0x0  }
0x49: {  	[sflag:s24] =	ssyncadd.s32 $0xFFFFD800  }
0x4a: {  	[bflag:$0x0] =	sbarrier.arrive $0xFFFF  }
0x4b: {  	s10 =	simm.s32 $0x0;
	s11 =	rddreg [dreg:$0x5]  }
0x4c: {  	[tilespmem:s10], [sflag:$0x1] =	stream.linear.gather [hbm4b:s11+s10], $0x2800, $0x38;
	[tilespmem:$0x1B280] =	vst v63  }
0x4d: {  	s16 =	rddreg [dreg:$0x6]  }
0x4e: {  	[tilespmem:s26], [sflag:$0x1] =	stream.linear.gather [hbm4b:s16+s10], $0x50, $0x38;
	[tilespmem:$0x1B280] =	vst v63  }
0x4f: {  	s17 =	rddreg [dreg:$0x7]  }
0x50: {  	[tilespmem:s28], [sflag:$0x1] =	stream.linear.gather [hbm4b:s17+s10], $0x50, $0x38;
	[tilespmem:$0x1B280] =	vst v63  }
.LBB2_4:
0x51: {  	s11 =	smul.u32 $0xA0, s10;
	_ =	sdelay $0x1  }
0x52: {  	s13 =	sadd.s32 $0x50, s11  }
0x53: {  	s14 =	sadd.s32 s8, s13  }
0x54: {  	s13 =	sadd.s32 s6, s13;
	s15 =	sshll.u32 s14, $0x4  }
0x55: {  	s13 =	sshrl.u32 s13, $0x3;
	s15 =	sadd.s32 s0, s15  }
0x56: {  	[tilespmem:s29], [sflag:$0x2] =	stream.linear.gather [hbm4b:s15+s5], $0x2800, $0x38;
	[tilespmem:$0x1B280] =	vst v63  }
0x57: {  	s13 =	sadd.s32 s7, s13;
	s15 =	sshrl.u32 s14, $0x3  }
0x58: {  	[tilespmem:s30], [sflag:$0x2] =	stream.linear.gather [hbm4b:s13+s5], $0x50, $0x38;
	[tilespmem:$0x1B280] =	vst v63  }
0x59: {  	s16 =	simm.s32 $0x1;
	s13 =	sadd.s32 s3, s15  }
0x5a: {  	[tilespmem:s31], [sflag:$0x2] =	stream.linear.gather [hbm4b:s13+s5], $0x50, $0x38;
	[tilespmem:$0x1B280] =	vst v63  }
0x5b: {  	_ =	swait.ge [sflag:s16], $0x2800  }
0x5c: {  	s17 =	simm.s32 $0x0;
	[sflag:s16] =	ssyncset.done $0x0  }
0x5d: {  	v1 =	vmov s17;
	[sflag:s16] =	ssyncadd.s32 $0xFFFFD800  }
0x5e: {  	v1 =	vand.u32 $0xFFFFFFFE, v1;
	_ =	swait.ge [sflag:s16], $0x50  }
0x5f: {  	v2 =	vbroadcast v1, $0x0;
	[sflag:s16] =	ssyncset.done $0x0  }
0x60: {  	[sflag:s16] =	ssyncadd.s32 $0xFFFFFFB0  }
0x61: {  	_ =	swait.ge [sflag:s16], $0x50  }
0x62: {  	[sflag:s16] =	ssyncset.done $0x0  }
0x63: {  	s13 =	simm.s32 $0x80;
	[sflag:s16] =	ssyncadd.s32 $0xFFFFFFB0  }
0x64: {  	v5 =	vld [tilespmem:s13+$0xFFFFFFF0]  }
0x65: {  	v6 =	vld.idx.msk [tilespmem:v2+s26+$0x0], $0xffff  }
0x66: {  	v7 =	vld [tilespmem:s13+$0xFFFFFF80]  }
0x67: {  	v8 =	vld [tilespmem:s13+$0xFFFFFFA0]  }
0x68: {  	v4 =	vld [tilespmem:s13+$0xFFFFFFB0]  }
0x69: {  	v3 =	vld [tilespmem:s13+$0xFFFFFFD0]  }
0x6a: {  	v9 =	vld [tilespmem:s13+$0xFFFFFFE0];
	v5 =	vmul.f32 v5, v6  }
0x6b: {  	v10 =	vld [tilespmem:s13+$0xFFFFFF90];
	v7 =	vmul.f32 v7, v6  }
0x6c: {  	v11 =	vld [tilespmem:s13+$0xFFFFFFC0];
	v8 =	vmul.f32 v8, v6;
	[tilespmem:s13+$0xFFFFFFF0] =	vst v5  }
0x6d: {  	v4 =	vmul.f32 v4, v6;
	[tilespmem:s13+$0xFFFFFF80] =	vst v7  }
0x6e: {  	v3 =	vmul.f32 v3, v6;
	[tilespmem:s13+$0xFFFFFFA0] =	vst v8  }
0x6f: {  	v5 =	vmul.f32 v9, v6;
	[tilespmem:s13+$0xFFFFFFB0] =	vst v4;
	v7 =	vmov s16  }
0x70: {  	v1 =	vld [tilespmem:s13+$0x0];
	v4 =	vmul.f32 v10, v6;
	[tilespmem:s13+$0xFFFFFFD0] =	vst v3  }
0x71: {  	v2 =	vld [tilespmem:s13+$0x10];
	v3 =	vmul.f32 v11, v6;
	[tilespmem:s13+$0xFFFFFFE0] =	vst v5  }
0x72: {  	[tilespmem:s13+$0xFFFFFF90] =	vst v4;
	v5 =	vld [tilespmem:s13+$0x20]  }
0x73: {  	[tilespmem:s13+$0xFFFFFFC0] =	vst v3;
	v4 =	vld [tilespmem:s13+$0x70]  }
0x74: {  	s14 =	simm.s32 $0x3;
	s15 =	simm.s32 $0x80;
	v3 =	vld.idx.msk [tilespmem:v7+s26+$0x0], $0xffff  }
.LBB2_5:
0x75: {  	p1 =	sne.s32 s14, $0x4F  }
0x76: {  	v6 =	vld [tilespmem:s13+$0x50];
	s15 =	sadd.s32 $0x100, s15;
	s16 =	smov.u32 s14;
	s14 =	sadd.s32 $0x2, s14  }
0x77: {  	v7 =	vld [tilespmem:s13+$0x30]  }
0x78: {  	v8 =	vld [tilespmem:s13+$0x40]  }
0x79: {  	v9 =	vld [tilespmem:s13+$0x60];
	_ =	sdelay $0x1  }
0x7a: {  	v1 =	vmul.f32 v1, v3;
	v2 =	vmul.f32 v2, v3  }
0x7b: {  	s17 =	sadd.s32 $0xFFFFFFFF, s16;
	v5 =	vmul.f32 v5, v3;
	v7 =	vmul.f32 v7, v3  }
0x7c: {  	v10 =	vmov s17;
	v6 =	vmul.f32 v6, v3;
	[tilespmem:s13+$0x0] =	vst v1;
	v8 =	vmul.f32 v8, v3  }
0x7d: {  	v10 =	vand.u32 $0xFFFFFFFE, v10;
	v1 =	vld [tilespmem:s15+$0x0];
	[tilespmem:s13+$0x20] =	vst v5;
	v5 =	vmul.f32 v9, v3;
	v3 =	vmul.f32 v4, v3  }
0x7e: {  	v4 =	vbroadcast v10, $0x0;
	[tilespmem:s13+$0x10] =	vst v2  }
0x7f: {  	[tilespmem:s13+$0x30] =	vst v7  }
0x80: {  	v7 =	vld [tilespmem:s15+$0xFFFFFFD0];
	[tilespmem:s13+$0x70] =	vst v3  }
0x81: {  	v3 =	vld [tilespmem:s15+$0xFFFFFFB0];
	[tilespmem:s13+$0x50] =	vst v6  }
0x82: {  	v6 =	vld [tilespmem:s15+$0xFFFFFFE0];
	[tilespmem:s13+$0x60] =	vst v5  }
0x83: {  	v5 =	vld [tilespmem:s15+$0xFFFFFFF0];
	[tilespmem:s13+$0x40] =	vst v8;
	s13 =	smov.u32 s15  }
0x84: {  	v4 =	vld.idx.msk [tilespmem:v4+s26+$0x0], $0xffff  }
0x85: {  	v8 =	vld [tilespmem:s15+$0xFFFFFF80]  }
0x86: {  	v9 =	vld [tilespmem:s15+$0xFFFFFFA0]  }
0x87: {  	v10 =	vld [tilespmem:s15+$0xFFFFFF90]  }
0x88: {  	v11 =	vld [tilespmem:s15+$0xFFFFFFC0]  }
0x89: {  	v2 =	vld [tilespmem:s15+$0x10]  }
0x8a: {  	v5 =	vmul.f32 v5, v4;
	v8 =	vmul.f32 v8, v4  }
0x8b: {  	v6 =	vmul.f32 v6, v4;
	v9 =	vmul.f32 v9, v4  }
0x8c: {  	v3 =	vmul.f32 v3, v4;
	v10 =	vmul.f32 v10, v4;
	[tilespmem:s15+$0xFFFFFFF0] =	vst v5  }
0x8d: {  	[tilespmem:s15+$0xFFFFFF80] =	vst v8;
	v8 =	vmul.f32 v11, v4;
	v4 =	vmul.f32 v7, v4  }
0x8e: {  	[tilespmem:s15+$0xFFFFFFA0] =	vst v9  }
0x8f: {  	[tilespmem:s15+$0xFFFFFFB0] =	vst v3;
	v3 =	vmov s16  }
.Ltmp1:
0x90: {  	[tilespmem:s15+$0xFFFFFFD0] =	vst v4;
	(pc) =	sbr.rel @p1 .LBB2_5-.Ltmp1, $4  }
0x91: {  	[tilespmem:s15+$0xFFFFFFE0] =	vst v6  }
0x92: {  	[tilespmem:s15+$0xFFFFFF90] =	vst v10;
	v5 =	vld [tilespmem:s15+$0x20]  }
0x93: {  	[tilespmem:s15+$0xFFFFFFC0] =	vst v8;
	v4 =	vld [tilespmem:s15+$0x70]  }
0x94: {  	v3 =	vld.idx.msk [tilespmem:v3+s26+$0x0], $0xffff  }
0x95: {  	_ =	sdelay $0x2  }
0x96: {  	v6 =	vld [tilespmem:s13+$0x30]  }
0x97: {  	v7 =	vld [tilespmem:s13+$0x50];
	v1 =	vmul.f32 v1, v3  }
0x98: {  	v8 =	vld [tilespmem:s13+$0x60];
	v5 =	vmul.f32 v5, v3  }
0x99: {  	v9 =	vld [tilespmem:s13+$0x40];
	v2 =	vmul.f32 v2, v3;
	[tilespmem:s13+$0x0] =	vst v1  }
0x9a: {  	v4 =	vmul.f32 v4, v3;
	[tilespmem:s13+$0x20] =	vst v5  }
0x9b: {  	v1 =	vmul.f32 v6, v3;
	[tilespmem:s13+$0x10] =	vst v2  }
0x9c: {  	v2 =	vmul.f32 v7, v3;
	[tilespmem:s13+$0x70] =	vst v4  }
0x9d: {  	[tilespmem:s13+$0x30] =	vst v1;
	v1 =	vmul.f32 v8, v3  }
0x9e: {  	v3 =	vmul.f32 v9, v3;
	[tilespmem:s13+$0x50] =	vst v2  }
0x9f: {  	[tilespmem:s13+$0x60] =	vst v1  }
0xa0: {  	s11 =	sadd.s32 $0xA0, s11;
	[tilespmem:s13+$0x40] =	vst v3  }
0xa1: {  	[spmem:s4] =	stream.indirect.scatter.add.f32 [tilespmem:s5], [sflag:$0x3], $0x80, s28, s1, $0xb8;
	[tilespmem:$0x1B280] =	vst v63  }
0xa2: {  	s17 =	sadd.s32 s8, s11;
	_ =	swait.ge [sflag:s24], $0x2800  }
0xa3: {  	s11 =	sadd.s32 s6, s11;
	s14 =	sshll.u32 s17, $0x4;
	[sflag:s24] =	ssyncset.done $0x0  }
0xa4: {  	s11 =	sshrl.u32 s11, $0x3;
	s14 =	sadd.s32 s0, s14;
	[sflag:s24] =	ssyncadd.s32 $0xFFFFD800  }
0xa5: {  	[tilespmem:s5], [sflag:$0x1] =	stream.linear.gather [hbm4b:s14+s5], $0x2800, $0x38;
	[tilespmem:$0x1B280] =	vst v63  }
0xa6: {  	s15 =	sshrl.u32 s17, $0x3;
	s11 =	sadd.s32 s7, s11  }
0xa7: {  	[tilespmem:s26], [sflag:$0x1] =	stream.linear.gather [hbm4b:s11+s5], $0x50, $0x38;
	[tilespmem:$0x1B280] =	vst v63  }
0xa8: {  	s11 =	sadd.s32 s3, s15  }
0xa9: {  	[tilespmem:s28], [sflag:$0x1] =	stream.linear.gather [hbm4b:s11+s5], $0x50, $0x38;
	[tilespmem:$0x1B280] =	vst v63  }
0xaa: {  	_ =	swait.ge [sflag:s2], $0x2800  }
0xab: {  	s16 =	simm.s32 $0x0;
	[sflag:s2] =	ssyncset.done $0x0  }
0xac: {  	v1 =	vmov s16;
	[sflag:s2] =	ssyncadd.s32 $0xFFFFD800  }
0xad: {  	v1 =	vand.u32 $0xFFFFFFFE, v1;
	_ =	swait.ge [sflag:s2], $0x50  }
0xae: {  	v2 =	vbroadcast v1, $0x0;
	[sflag:s2] =	ssyncset.done $0x0  }
0xaf: {  	[sflag:s2] =	ssyncadd.s32 $0xFFFFFFB0  }
0xb0: {  	_ =	swait.ge [sflag:s2], $0x50  }
0xb1: {  	[sflag:s2] =	ssyncset.done $0x0  }
0xb2: {  	s11 =	simm.s32 $0x28F0;
	[sflag:s2] =	ssyncadd.s32 $0xFFFFFFB0  }
0xb3: {  	v5 =	vld [tilespmem:s11+$0xFFFFFF80]  }
0xb4: {  	v6 =	vld.idx.msk [tilespmem:v2+s30+$0x0], $0xffff  }
0xb5: {  	v7 =	vld [tilespmem:s11+$0xFFFFFF10]  }
0xb6: {  	v62 =	vld [tilespmem:s11+$0xFFFFFF30]  }
0xb7: {  	v4 =	vld [tilespmem:s11+$0xFFFFFF40]  }
0xb8: {  	v3 =	vld [tilespmem:s11+$0xFFFFFF60]  }
0xb9: {  	v63 =	vld [tilespmem:s11+$0xFFFFFF70];
	v5 =	vmul.f32 v5, v6  }
0xba: {  	v10 =	vld [tilespmem:s11+$0xFFFFFF20];
	v7 =	vmul.f32 v7, v6  }
0xbb: {  	v11 =	vld [tilespmem:s11+$0xFFFFFF50];
	v8 =	vmul.f32 v62, v6;
	[tilespmem:s11+$0xFFFFFF80] =	vst v5  }
0xbc: {  	v4 =	vmul.f32 v4, v6;
	[tilespmem:s11+$0xFFFFFF10] =	vst v7  }
0xbd: {  	s17 =	simm.s32 $0x1;
	v3 =	vmul.f32 v3, v6;
	[tilespmem:s11+$0xFFFFFF30] =	vst v8  }
0xbe: {  	v5 =	vmul.f32 v63, v6;
	[tilespmem:s11+$0xFFFFFF40] =	vst v4;
	v4 =	vmov s17  }
0xbf: {  	v1 =	vld [tilespmem:s11+$0xFFFFFF90];
	v7 =	vmul.f32 v10, v6;
	[tilespmem:s11+$0xFFFFFF60] =	vst v3  }
0xc0: {  	v2 =	vld [tilespmem:s11+$0xFFFFFFA0];
	v6 =	vmul.f32 v11, v6;
	[tilespmem:s11+$0xFFFFFF70] =	vst v5  }
0xc1: {  	v3 =	vld [tilespmem:s11+$0xFFFFFFF0];
	[tilespmem:s11+$0xFFFFFF20] =	vst v7  }
0xc2: {  	[tilespmem:s11+$0xFFFFFF50] =	vst v6;
	v5 =	vld [tilespmem:s11+$0xFFFFFFB0]  }
0xc3: {  	s13 =	simm.s32 $0x3;
	s14 =	simm.s32 $0x28F0;
	v4 =	vld.idx.msk [tilespmem:v4+s30+$0x0], $0xffff  }
.LBB2_7:
0xc4: {  	p1 =	sne.s32 s13, $0x4F  }
0xc5: {  	v6 =	vld [tilespmem:s11+$0xFFFFFFE0];
	s14 =	sadd.s32 $0x100, s14;
	s15 =	smov.u32 s13;
	s13 =	sadd.s32 $0x2, s13  }
0xc6: {  	v7 =	vld [tilespmem:s11+$0xFFFFFFC0]  }
0xc7: {  	v8 =	vld [tilespmem:s11+$0xFFFFFFD0]  }
0xc8: {  	v9 =	vld [tilespmem:s11+$0x0];
	_ =	sdelay $0x1  }
0xc9: {  	v1 =	vmul.f32 v1, v4;
	v2 =	vmul.f32 v2, v4  }
0xca: {  	s16 =	sadd.s32 $0xFFFFFFFF, s15;
	v5 =	vmul.f32 v5, v4;
	v7 =	vmul.f32 v7, v4  }
0xcb: {  	v10 =	vmov s16;
	v6 =	vmul.f32 v6, v4;
	[tilespmem:s11+$0xFFFFFF90] =	vst v1;
	v8 =	vmul.f32 v8, v4  }
0xcc: {  	v10 =	vand.u32 $0xFFFFFFFE, v10;
	v3 =	vmul.f32 v3, v4;
	v1 =	vld [tilespmem:s14+$0xFFFFFF90];
	[tilespmem:s11+$0xFFFFFFB0] =	vst v5;
	v4 =	vmul.f32 v9, v4  }
0xcd: {  	v5 =	vbroadcast v10, $0x0;
	[tilespmem:s11+$0xFFFFFFA0] =	vst v2  }
0xce: {  	[tilespmem:s11+$0xFFFFFFC0] =	vst v7  }
0xcf: {  	v7 =	vld [tilespmem:s14+$0xFFFFFF60];
	[tilespmem:s11+$0x0] =	vst v4  }
0xd0: {  	v4 =	vld [tilespmem:s14+$0xFFFFFF40];
	[tilespmem:s11+$0xFFFFFFE0] =	vst v6  }
0xd1: {  	v6 =	vld [tilespmem:s14+$0xFFFFFF70];
	[tilespmem:s11+$0xFFFFFFF0] =	vst v3  }
0xd2: {  	v3 =	vld [tilespmem:s14+$0xFFFFFF80];
	[tilespmem:s11+$0xFFFFFFD0] =	vst v8;
	s11 =	smov.u32 s14  }
0xd3: {  	v5 =	vld.idx.msk [tilespmem:v5+s30+$0x0], $0xffff  }
0xd4: {  	v8 =	vld [tilespmem:s14+$0xFFFFFF10]  }
0xd5: {  	v9 =	vld [tilespmem:s14+$0xFFFFFF30]  }
0xd6: {  	v10 =	vld [tilespmem:s14+$0xFFFFFF20]  }
0xd7: {  	v11 =	vld [tilespmem:s14+$0xFFFFFF50]  }
0xd8: {  	v2 =	vld [tilespmem:s14+$0xFFFFFFA0]  }
0xd9: {  	v3 =	vmul.f32 v3, v5;
	v8 =	vmul.f32 v8, v5  }
0xda: {  	v6 =	vmul.f32 v6, v5;
	v9 =	vmul.f32 v9, v5  }
0xdb: {  	v4 =	vmul.f32 v4, v5;
	v10 =	vmul.f32 v10, v5;
	[tilespmem:s14+$0xFFFFFF80] =	vst v3  }
0xdc: {  	v3 =	vmul.f32 v7, v5;
	[tilespmem:s14+$0xFFFFFF10] =	vst v8;
	v8 =	vmul.f32 v11, v5  }
0xdd: {  	[tilespmem:s14+$0xFFFFFF30] =	vst v9  }
0xde: {  	[tilespmem:s14+$0xFFFFFF40] =	vst v4;
	v4 =	vmov s15  }
.Ltmp2:
0xdf: {  	[tilespmem:s14+$0xFFFFFF60] =	vst v3;
	(pc) =	sbr.rel @p1 .LBB2_7-.Ltmp2, $4  }
0xe0: {  	[tilespmem:s14+$0xFFFFFF70] =	vst v6  }
0xe1: {  	[tilespmem:s14+$0xFFFFFF20] =	vst v10;
	v3 =	vld [tilespmem:s14+$0xFFFFFFF0]  }
0xe2: {  	[tilespmem:s14+$0xFFFFFF50] =	vst v8;
	v5 =	vld [tilespmem:s14+$0xFFFFFFB0]  }
0xe3: {  	v4 =	vld.idx.msk [tilespmem:v4+s30+$0x0], $0xffff  }
0xe4: {  	_ =	sdelay $0x1  }
0xe5: {  	v7 =	vld [tilespmem:s11+$0x0]  }
0xe6: {  	v6 =	vld [tilespmem:s11+$0xFFFFFFC0]  }
0xe7: {  	v8 =	vld [tilespmem:s11+$0xFFFFFFE0];
	v1 =	vmul.f32 v1, v4  }
0xe8: {  	v5 =	vmul.f32 v5, v4  }
0xe9: {  	v9 =	vld [tilespmem:s11+$0xFFFFFFD0];
	v2 =	vmul.f32 v2, v4;
	[tilespmem:s11+$0xFFFFFF90] =	vst v1  }
0xea: {  	v63 =	vmul.f32 v7, v4;
	[tilespmem:s11+$0xFFFFFFB0] =	vst v5  }
0xeb: {  	v1 =	vmul.f32 v6, v4;
	[tilespmem:s11+$0xFFFFFFA0] =	vst v2  }
0xec: {  	v2 =	vmul.f32 v8, v4;
	[tilespmem:s11+$0x0] =	vst v63  }
0xed: {  	[tilespmem:s11+$0xFFFFFFC0] =	vst v1;
	v1 =	vmul.f32 v3, v4  }
0xee: {  	s10 =	sadd.s32 $0x1, s10;
	v3 =	vmul.f32 v9, v4;
	[tilespmem:s11+$0xFFFFFFE0] =	vst v2  }
0xef: {  	p1 =	sne.s32 s10, $0x1E;
	[tilespmem:s11+$0xFFFFFFF0] =	vst v1  }
.Ltmp3:
0xf0: {  	[tilespmem:s11+$0xFFFFFFD0] =	vst v3;
	(pc) =	sbr.rel @p1 .LBB2_4-.Ltmp3, $4  }
0xf1: {  	[spmem:s4] =	stream.indirect.scatter.add.f32 [tilespmem:s29], [sflag:$0x3], $0x80, s31, s1, $0xb8;
	[tilespmem:$0x1B280] =	vst v63  }
0xf2: {  	_ =	swait.ge [sflag:s24], $0x2800  }
0xf3: {  	[sflag:s24] =	ssyncset.done $0x0  }
0xf4: {  	[sflag:s24] =	ssyncadd.s32 $0xFFFFD800  }
0xf5: {  	s11 =	simm.s32 $0x1  }
0xf6: {  	_ =	swait.ge [sflag:s11], $0x2800  }
0xf7: {  	s10 =	simm.s32 $0x0;
	[sflag:s11] =	ssyncset.done $0x0  }
0xf8: {  	v1 =	vmov s10;
	[sflag:s11] =	ssyncadd.s32 $0xFFFFD800  }
0xf9: {  	v1 =	vand.u32 $0xFFFFFFFE, v1;
	_ =	swait.ge [sflag:s11], $0x50  }
0xfa: {  	v2 =	vbroadcast v1, $0x0;
	[sflag:s11] =	ssyncset.done $0x0  }
0xfb: {  	[sflag:s11] =	ssyncadd.s32 $0xFFFFFFB0  }
0xfc: {  	_ =	swait.ge [sflag:s11], $0x50  }
0xfd: {  	[sflag:s11] =	ssyncset.done $0x0  }
0xfe: {  	s10 =	simm.s32 $0x80;
	[sflag:s11] =	ssyncadd.s32 $0xFFFFFFB0  }
0xff: {  	v5 =	vld [tilespmem:s10+$0xFFFFFFF0]  }
0x100: {  	v6 =	vld.idx.msk [tilespmem:v2+s26+$0x0], $0xffff  }
0x101: {  	v7 =	vld [tilespmem:s10+$0xFFFFFF80]  }
0x102: {  	v8 =	vld [tilespmem:s10+$0xFFFFFFA0]  }
0x103: {  	v4 =	vld [tilespmem:s10+$0xFFFFFFB0]  }
0x104: {  	v3 =	vld [tilespmem:s10+$0xFFFFFFD0]  }
0x105: {  	v9 =	vld [tilespmem:s10+$0xFFFFFFE0];
	v5 =	vmul.f32 v5, v6  }
0x106: {  	v10 =	vld [tilespmem:s10+$0xFFFFFF90];
	v7 =	vmul.f32 v7, v6  }
0x107: {  	v11 =	vld [tilespmem:s10+$0xFFFFFFC0];
	v8 =	vmul.f32 v8, v6;
	[tilespmem:s10+$0xFFFFFFF0] =	vst v5  }
0x108: {  	v4 =	vmul.f32 v4, v6;
	[tilespmem:s10+$0xFFFFFF80] =	vst v7  }
0x109: {  	v3 =	vmul.f32 v3, v6;
	[tilespmem:s10+$0xFFFFFFA0] =	vst v8  }
0x10a: {  	v5 =	vmul.f32 v9, v6;
	[tilespmem:s10+$0xFFFFFFB0] =	vst v4;
	v7 =	vmov s11  }
0x10b: {  	v1 =	vld [tilespmem:s10+$0x0];
	v4 =	vmul.f32 v10, v6;
	[tilespmem:s10+$0xFFFFFFD0] =	vst v3  }
0x10c: {  	v2 =	vld [tilespmem:s10+$0x10];
	v3 =	vmul.f32 v11, v6;
	[tilespmem:s10+$0xFFFFFFE0] =	vst v5  }
0x10d: {  	[tilespmem:s10+$0xFFFFFF90] =	vst v4;
	v5 =	vld [tilespmem:s10+$0x20]  }
0x10e: {  	[tilespmem:s10+$0xFFFFFFC0] =	vst v3;
	v4 =	vld [tilespmem:s10+$0x70]  }
0x10f: {  	s13 =	simm.s32 $0x80;
	s11 =	simm.s32 $0x3;
	v3 =	vld.idx.msk [tilespmem:v7+s26+$0x0], $0xffff  }
.LBB2_10:
0x110: {  	p1 =	sne.s32 s11, $0x4F  }
0x111: {  	v6 =	vld [tilespmem:s10+$0x50];
	s13 =	sadd.s32 $0x100, s13;
	s14 =	smov.u32 s11;
	s11 =	sadd.s32 $0x2, s11  }
0x112: {  	v7 =	vld [tilespmem:s10+$0x30]  }
0x113: {  	v8 =	vld [tilespmem:s10+$0x40]  }
0x114: {  	v9 =	vld [tilespmem:s10+$0x60];
	_ =	sdelay $0x1  }
0x115: {  	v1 =	vmul.f32 v1, v3;
	v2 =	vmul.f32 v2, v3  }
0x116: {  	s15 =	sadd.s32 $0xFFFFFFFF, s14;
	v5 =	vmul.f32 v5, v3;
	v7 =	vmul.f32 v7, v3  }
0x117: {  	v10 =	vmov s15;
	v6 =	vmul.f32 v6, v3;
	[tilespmem:s10+$0x0] =	vst v1;
	v8 =	vmul.f32 v8, v3  }
0x118: {  	v10 =	vand.u32 $0xFFFFFFFE, v10;
	v1 =	vld [tilespmem:s13+$0x0];
	[tilespmem:s10+$0x20] =	vst v5;
	v5 =	vmul.f32 v9, v3;
	v3 =	vmul.f32 v4, v3  }
0x119: {  	v4 =	vbroadcast v10, $0x0;
	[tilespmem:s10+$0x10] =	vst v2  }
0x11a: {  	[tilespmem:s10+$0x30] =	vst v7  }
0x11b: {  	v7 =	vld [tilespmem:s13+$0xFFFFFFD0];
	[tilespmem:s10+$0x70] =	vst v3  }
0x11c: {  	v3 =	vld [tilespmem:s13+$0xFFFFFFB0];
	[tilespmem:s10+$0x50] =	vst v6  }
0x11d: {  	v6 =	vld [tilespmem:s13+$0xFFFFFFE0];
	[tilespmem:s10+$0x60] =	vst v5  }
0x11e: {  	v5 =	vld [tilespmem:s13+$0xFFFFFFF0];
	[tilespmem:s10+$0x40] =	vst v8;
	s10 =	smov.u32 s13  }
0x11f: {  	v4 =	vld.idx.msk [tilespmem:v4+s26+$0x0], $0xffff  }
0x120: {  	v8 =	vld [tilespmem:s13+$0xFFFFFF80]  }
0x121: {  	v9 =	vld [tilespmem:s13+$0xFFFFFFA0]  }
0x122: {  	v10 =	vld [tilespmem:s13+$0xFFFFFF90]  }
0x123: {  	v11 =	vld [tilespmem:s13+$0xFFFFFFC0]  }
0x124: {  	v2 =	vld [tilespmem:s13+$0x10]  }
0x125: {  	v5 =	vmul.f32 v5, v4;
	v8 =	vmul.f32 v8, v4  }
0x126: {  	v6 =	vmul.f32 v6, v4;
	v9 =	vmul.f32 v9, v4  }
0x127: {  	v3 =	vmul.f32 v3, v4;
	v10 =	vmul.f32 v10, v4;
	[tilespmem:s13+$0xFFFFFFF0] =	vst v5  }
0x128: {  	[tilespmem:s13+$0xFFFFFF80] =	vst v8;
	v8 =	vmul.f32 v11, v4;
	v4 =	vmul.f32 v7, v4  }
0x129: {  	[tilespmem:s13+$0xFFFFFFA0] =	vst v9  }
0x12a: {  	[tilespmem:s13+$0xFFFFFFB0] =	vst v3;
	v3 =	vmov s14  }
.Ltmp4:
0x12b: {  	[tilespmem:s13+$0xFFFFFFD0] =	vst v4;
	(pc) =	sbr.rel @p1 .LBB2_10-.Ltmp4, $4  }
0x12c: {  	[tilespmem:s13+$0xFFFFFFE0] =	vst v6  }
0x12d: {  	[tilespmem:s13+$0xFFFFFF90] =	vst v10;
	v5 =	vld [tilespmem:s13+$0x20]  }
0x12e: {  	[tilespmem:s13+$0xFFFFFFC0] =	vst v8;
	v4 =	vld [tilespmem:s13+$0x70]  }
0x12f: {  	v3 =	vld.idx.msk [tilespmem:v3+s26+$0x0], $0xffff  }
0x130: {  	_ =	sdelay $0x2  }
0x131: {  	v6 =	vld [tilespmem:s10+$0x30]  }
0x132: {  	v7 =	vld [tilespmem:s10+$0x50];
	v1 =	vmul.f32 v1, v3  }
0x133: {  	v8 =	vld [tilespmem:s10+$0x60];
	v5 =	vmul.f32 v5, v3  }
0x134: {  	v9 =	vld [tilespmem:s10+$0x40];
	v2 =	vmul.f32 v2, v3;
	[tilespmem:s10+$0x0] =	vst v1  }
0x135: {  	v4 =	vmul.f32 v4, v3;
	[tilespmem:s10+$0x20] =	vst v5  }
0x136: {  	v1 =	vmul.f32 v6, v3;
	[tilespmem:s10+$0x10] =	vst v2  }
0x137: {  	v2 =	vmul.f32 v7, v3;
	[tilespmem:s10+$0x70] =	vst v4  }
0x138: {  	[tilespmem:s10+$0x30] =	vst v1;
	v1 =	vmul.f32 v8, v3  }
0x139: {  	v3 =	vmul.f32 v9, v3;
	[tilespmem:s10+$0x50] =	vst v2  }
0x13a: {  	[tilespmem:s10+$0x60] =	vst v1  }
0x13b: {  	[tilespmem:s10+$0x40] =	vst v3  }
0x13c: {  	[spmem:s4] =	stream.indirect.scatter.add.f32 [tilespmem:s5], [sflag:$0x3], $0x80, s28, s1, $0xb8;
	[tilespmem:$0x1B280] =	vst v63  }
0x13d: {  	_ =	swait.ge [sflag:s24], $0x2800  }
0x13e: {  	[sflag:s24] =	ssyncset.done $0x0  }
0x13f: {  	[sflag:s24] =	ssyncadd.s32 $0xFFFFD800  }
0x140: {  	[bflag:$0x0] =	sbarrier.arrive $0xFFFF  }
0x141: {  	s10 =	simm.s32 @p0 $0x1FC3;
	s11 =	rddreg [dreg:$0x9]  }
0x142: {  	[hbm:s11], [sflag:s10] =	dma.local @p0 [spmem:s25], $0x2800  }
0x143: {  	s10 =	simm.s32 @p0 $0x3  }
0x144: {  	s11 =	stileid.u32;
	_ =	swait.ge @p0 [sflag:s10], $0x2800  }
0x145: {  	s11 =	sshll.u32 @!p0 s11, $0x6;
	[sflag:s10] =	ssyncset.done @p0 $0x0;
	s13 =	rddreg [dreg:$0x8]  }
0x146: {  	[sflag:s10] =	ssyncadd.s32 @p0 $0xFFFFD800;
	s10 =	sor.u32 @!p0 $0x1C03, s11;
	s11 =	sshrl.u32 @!p0 s12, $0x3  }
0x147: {  	[hbm:s13], [sflag:s10] =	dma.local @!p0 [spmem:s11], $0x2700  }
0x148: {  	s10 =	simm.s32 @!p0 $0x3  }
0x149: {  	_ =	swait.ge @!p0 [sflag:s10], $0x2700  }
0x14a: {  	s9 =	sadd.s32 $0x1, s9;
	s17 =	rddreg [dreg:$0xa]  }
0x14b: {  	p1 =	sne.s32 s9, s17  }
.Ltmp5:
0x14c: {  	_ = 	snop;
	(pc) =	sbr.rel @p1 .LBB2_1-.Ltmp5, $3  }
0x14d: {  	_ =	sdelay $0x1  }
0x14e: {  	[sflag:s10] =	ssyncset.done @!p0 $0x0  }
0x14f: {  	[sflag:s10] =	ssyncadd.s32 @!p0 $0xFFFFD900  }
0x150: {  	_ =	sfence.sel $0x180000  }
0x151: {  	[bflag:$0x0] =	sbarrier.arrive $0xFFFF  }
0x152: {  	_ =	strace $0x9000004A  }
0x153: {  	s0 =	stileid.u32;
	[bflag:$0x2] =	sbarrier.arrive $0xFFFF  }
0x154: {  	p0 =	sne.s32 s0, $0x0;
	s0 =	rddreg [dreg:$0x4]  }
0x155: {  	s0 =	sadd.s32 @!p0 $0x100000, s0  }
0x156: {  	[sflag:s0] =	ssyncadd.tile.s32 @!p0 $0x1;
	_ =	shalt  }
.Lfunc_end2:
_tile_overlayer_lowered:
.L_overlay_start_2:
0x157: {  	(tag) =	ssettag $0x2  }
0x158: {  	s0 =	rddreg [dreg:$0x0];
	s2 =	stileid.u32  }
0x159: {  	s1 =	rddreg [dreg:$0x1];
	p0 =	sne.s32 s2, $0x0  }
0x15a: {  	s3 =	rddreg [dreg:$0x2];
	[bflag:$0x3] =	sbarrier.arrive $0xFFFF;
	s2 =	simm.s32 @!p0 $0x1C03  }
0x15b: {  	[timem:s3], [sflag:s2] =	dma.local @!p0 [hbm:s0], s1  }
0x15c: {  	s0 =	simm.s32 @!p0 $0x3  }
0x15d: {  	_ =	swait.ge @!p0 [sflag:s0], s1  }
0x15e: {  	s1 =	ssub.s32 @!p0 $0x0, s1;
	[sflag:s0] =	ssyncset.done @!p0 $0x0  }
0x15f: {  	[sflag:s0] =	ssyncadd.s32 @!p0 s1  }
0x160: {  	[bflag:$0x3] =	sbarrier.arrive $0xFFFF  }
0x161: {  	_ =	shalt  }

// kernel: kernel.7.cloned.1.call-start
scs
__scs_entry_jumppad:
0x0: {  	(pc) =	sbr.rel $0x88, $3  }
0x1: {  	(tag) =	ssettag $0x0;
	lr =	simm.s32 $0x1  }
0x2: {  	[smem:$0x3F99] =	sst lr;
	_ =	strace $0xD0000000  }
0x3: {  	_ = 	snop  }
0x4: {  	_ = 	snop  }
0x5: {  	_ = 	snop  }
0x6: {  	_ = 	snop  }
0x7: {  	_ = 	snop  }
__scs_overlays_trampoline_lowered:
0x8: {  	[smem:$0x3FA8] =	sst s0  }
0x9: {  	[smem:$0x3FA9] =	sst s1  }
0xa: {  	[smem:$0x3FAA] =	sst s2  }
0xb: {  	[smem:$0x3FAB] =	sst s3  }
0xc: {  	[smem:$0x3FAC] =	sst s4  }
0xd: {  	[smem:$0x3FAD] =	sst s5  }
0xe: {  	[smem:$0x3FAE] =	sst s6  }
0xf: {  	[smem:$0x3FAF] =	sst s7  }
0x10: {  	[smem:$0x3FB0] =	sst s8  }
0x11: {  	[smem:$0x3FB1] =	sst s9;
	s0 =	simm.s32 @!p0 $0x0  }
0x12: {  	s1 =	sld [smem:$0x3F97];
	s0 =	simm.s32 @p0 $0x1  }
0x13: {  	[smem:$0x3FB2] =	sst s0;
	s0 =	simm.s32 @!p1 $0x0  }
0x14: {  	s2 =	sld [smem:$0x3F96];
	s0 =	simm.s32 @p1 $0x1  }
0x15: {  	[smem:$0x3FB3] =	sst s0;
	s0 =	simm.s32 @!p2 $0x0  }
0x16: {  	s3 =	sld [smem:$0x3FDB];
	s0 =	simm.s32 @p2 $0x1  }
0x17: {  	s4 =	simm.s32 $0x1BF5;
	[smem:$0x3FB5] =	sst s0  }
0x18: {  	s0 =	sld [smem:$0x3F98];
	_ =	swait.ge [sflag:s4], $0x0  }
0x19: {  	s7 =	sld [smem:$0x3F99]  }
0x1a: {  	s8 =	sadd.s32 $0xFFFFE003, lr  }
0x1b: {  	s9 =	sadd.s32 $0xFFFFFEF7, lr;
	s5 =	simm.s32 $0xFFFFFFFF;
	p2 =	slt.u32 s8, $0xFFFFF086  }
0x1c: {  	p1 =	slt.u32 s9, $0xF7A;
	s5 =	simm.s32 @!p2 $0x0  }
0x1d: {  	s5 =	simm.s32 @p1 $0x1;
	p0 =	seq.s32 s7, s2  }
0x1e: {  	s7 =	smul.u32 @!p0 $0xF7A, s2;
	p2 =	seq.s32 @!p0 s5, $0x0  }
0x1f: {  	s9 =	smul.u32 $0xF7A, s1;
	s8 =	simm.s32 @!p0 $0x1BF5;
	p2 =	por !p2, p0  }
0x20: {  	[sflag:s8] =	ssyncset.s32 @!p0 $0xFFFFF086;
	s6 =	sadd.s32 @!p0 s3, s7;
	s7 =	simm.s32 @!p0 $0x108  }
0x21: {  	s3 =	sadd.s32 s3, s9;
	s6 =	sadd.s32 @!p0 $0x88, s6;
	s7 =	simm.s32 @p2 $0x1082  }
0x22: {  	[simem:s7], [sflag:s8] =	dma.local @!p0 [hbm:s6], $0xF7A  }
0x23: {  	s9 =	sor.u32 $0xD0000000, s2;
	s6 =	simm.s32 $0x108;
	_ =	swait.ge @!p0 [sflag:s8], $0x0  }
0x24: {  	s3 =	sadd.s32 $0x88, s3;
	s6 =	simm.s32 @!p1 $0x1082;
	[sflag:s4] =	ssyncset.s32 $0xFFFFF086  }
0x25: {  	[simem:s6], [sflag:s4] =	dma.local [hbm:s3], $0xF7A  }
0x26: {  	[smem:$0x3F99] =	sst s1;
	(tag) =	ssettag s2;
	_ =	strace s9  }
0x27: {  	s1 =	sld [smem:$0x3FA9]  }
0x28: {  	s2 =	sld [smem:$0x3FAA]  }
0x29: {  	s4 =	sld [smem:$0x3FAC]  }
0x2a: {  	p0 =	seq.s32 s5, $0x0;
	s5 =	sld [smem:$0x3FAD]  }
0x2b: {  	s6 =	sld [smem:$0x3FAE]  }
0x2c: {  	s7 =	sld [smem:$0x3FAF]  }
0x2d: {  	s3 =	simm.s32 $0x108;
	s8 =	sld [smem:$0x3FB0]  }
0x2e: {  	s3 =	simm.s32 @!p0 $0x1082;
	s9 =	sld [smem:$0x3FB1]  }
0x2f: {  	lr =	sadd.s32 s0, s3;
	s0 =	sld [smem:$0x3FA8]  }
0x30: {  	s3 =	sld [smem:$0x3FAB]  }
0x31: {  	[smem:$0x3FB4] =	sst s10  }
0x32: {  	s10 =	sld [smem:$0x3FB2];
	_ =	sdelay $0x3  }
0x33: {  	p0 =	seq.s32 s10, $0x1;
	s10 =	sld [smem:$0x3FB4];
	_ =	sdelay $0x3  }
0x34: {  	[smem:$0x3FB4] =	sst s10  }
0x35: {  	s10 =	sld [smem:$0x3FB3];
	_ =	sdelay $0x3  }
0x36: {  	p1 =	seq.s32 s10, $0x1;
	s10 =	sld [smem:$0x3FB4];
	_ =	sdelay $0x3  }
0x37: {  	[smem:$0x3FB4] =	sst s10  }
0x38: {  	s10 =	sld [smem:$0x3FB5]  }
0x39: {  	_ = 	snop;
	(pc) =	sbr.ind lr, $3  }
0x3a: {  	_ = 	snop  }
0x3b: {  	_ = 	snop  }
0x3c: {  	p2 =	seq.s32 s10, $0x1;
	s10 =	sld [smem:$0x3FB4]  }
0x3d: {  	_ =	shalt  }
0x3e: {  	_ =	shalt  }
0x3f: {  	_ =	shalt  }
0x40: {  	_ =	shalt  }
0x41: {  	_ =	shalt  }
0x42: {  	_ =	shalt  }
0x43: {  	_ =	shalt  }
0x44: {  	_ =	shalt  }
0x45: {  	_ =	shalt  }
0x46: {  	_ =	shalt  }
0x47: {  	_ =	shalt  }
0x48: {  	_ =	shalt  }
0x49: {  	_ =	shalt  }
0x4a: {  	_ =	shalt  }
0x4b: {  	_ =	shalt  }
0x4c: {  	_ =	shalt  }
0x4d: {  	_ =	shalt  }
0x4e: {  	_ =	shalt  }
0x4f: {  	_ =	shalt  }
0x50: {  	_ =	shalt  }
0x51: {  	_ =	shalt  }
0x52: {  	_ =	shalt  }
0x53: {  	_ =	shalt  }
0x54: {  	_ =	shalt  }
0x55: {  	_ =	shalt  }
0x56: {  	_ =	shalt  }
0x57: {  	_ =	shalt  }
0x58: {  	_ =	shalt  }
0x59: {  	_ =	shalt  }
0x5a: {  	_ =	shalt  }
0x5b: {  	_ =	shalt  }
0x5c: {  	_ =	shalt  }
0x5d: {  	_ =	shalt  }
0x5e: {  	_ =	shalt  }
0x5f: {  	_ =	shalt  }
0x60: {  	_ =	shalt  }
0x61: {  	_ =	shalt  }
0x62: {  	_ =	shalt  }
0x63: {  	_ =	shalt  }
0x64: {  	_ =	shalt  }
0x65: {  	_ =	shalt  }
0x66: {  	_ =	shalt  }
0x67: {  	_ =	shalt  }
0x68: {  	_ =	shalt  }
0x69: {  	_ =	shalt  }
0x6a: {  	_ =	shalt  }
0x6b: {  	_ =	shalt  }
0x6c: {  	_ =	shalt  }
0x6d: {  	_ =	shalt  }
0x6e: {  	_ =	shalt  }
0x6f: {  	_ =	shalt  }
0x70: {  	_ =	shalt  }
0x71: {  	_ =	shalt  }
0x72: {  	_ =	shalt  }
0x73: {  	_ =	shalt  }
0x74: {  	_ =	shalt  }
0x75: {  	_ =	shalt  }
0x76: {  	_ =	shalt  }
0x77: {  	_ =	shalt  }
0x78: {  	_ =	shalt  }
0x79: {  	_ =	shalt  }
0x7a: {  	_ =	shalt  }
0x7b: {  	_ =	shalt  }
0x7c: {  	_ =	shalt  }
0x7d: {  	_ =	shalt  }
0x7e: {  	_ =	shalt  }
0x7f: {  	_ =	shalt  }
0x80: {  	_ =	shalt  }
0x81: {  	_ =	shalt  }
0x82: {  	_ =	shalt  }
0x83: {  	_ =	shalt  }
0x84: {  	_ =	shalt  }
0x85: {  	_ =	shalt  }
0x86: {  	_ =	shalt  }
0x87: {  	_ =	shalt  }
.Lfunc_end0:
.L_simem_size_0:
called_computation_lowered:
.L_overlay_start_0:
0x88: {  	s2 =	sld [smem:$0x3FD9]  }
0x89: {  	s3 =	sld [smem:$0x3FFE];
	_ =	sdelay $0x1  }
0x8a: {  	s1 =	srdreg.scid  }
0x8b: {  	s0 =	sand.u32 $0x1, s1  }
0x8c: {  	s17 =	sshll.u32 s0, $0xA;
	s2 =	sadd.s32 s3, s2  }
0x8d: {  	s2 =	sadd.s32 s2, s17  }
0x8e: {  	[smem:$0x3FC0] =	sst s2  }
0x8f: {  	_ = 	snop  }
0x90: {  	s2 =	sld [smem:$0x3FC9]  }
0x91: {  	s18 =	sld [smem:$0x3FD0];
	(tm) =	ssettm $0x1  }
0x92: {  	s4 =	sld [smem:$0x3FFB];
	_ =	sdelay $0x3  }
0x93: {  	_ =	strace s4  }
0x94: {  	s4 =	sld [smem:$0x3FFC];
	_ =	sdelay $0x3  }
0x95: {  	_ =	strace s4  }
0x96: {  	s4 =	sld [smem:$0x3FFD];
	_ =	sdelay $0x3  }
0x97: {  	_ =	strace s4  }
0x98: {  	_ =	strace $0x8FFFFFFF  }
0x99: {  	s19 =	sld [smem:$0x3FDB];
	_ =	sdelay $0x1  }
0x9a: {  	s5 =	simm.s32 $_scs_section_size  }
0x9b: {  	s6 =	simm.s32 $_size__tile_overlayer_lowered;
	s7 =	simm.s32 $_tile_overlayer_lowered  }
0x9c: {  	s22 =	simm.s32 $0x1BFF;
	s21 =	sshll.u32 s7, $0x1;
	s4 =	sadd.s32 s5, s19  }
0x9d: {  	s8 =	simm.s32 $0x0;
	s20 =	sshll.u32 s6, $0x1;
	s6 =	sadd.s32 s21, s4  }
0x9e: {  	[timem:s8], [sflag:s22] =	dma.local [hbm:s6], s20  }
0x9f: {  	_ =	swait.ge [sflag:s22], s20  }
0xa0: {  	s5 =	ssub.s32 $0x0, s20;
	[sflag:s22] =	ssyncset.done $0x0  }
0xa1: {  	[sflag:s22] =	ssyncadd.s32 s5;
	_ =	sdelay $0x1  }
0xa2: {  	s23 =	simm.s32 $0x1B8B  }
0xa3: {  	_ =	swait.ge [sflag:s23], $0x1  }
0xa4: {  	[sflag:s23] =	ssyncset.done $0x0  }
0xa5: {  	s25 =	simm.s32 $0x1B8E;
	s24 =	sld [smem:$0x3FFE];
	[sflag:s23] =	ssyncadd.s32 $0xFFFFFFFF  }
0xa6: {  	s26 =	simm.s32 $execute0_lowered;
	[smem:$0x3FD2] =	sst s25  }
0xa7: {  	s6 =	sshll.u32 s26, $0x1;
	_ =	strace $0x80000046;
	[dreg:$0x1] =	wrdreg $0xFFFFFFFF  }
0xa8: {  	s28 =	simm.s32 $_size_execute0_lowered;
	s4 =	sadd.s32 s4, s6;
	[dreg:$0x0] =	wrdreg $0x0  }
0xa9: {  	s6 =	sshll.u32 s28, $0x1;
	[dreg:$0x2] =	wrdreg s4  }
0xaa: {  	[dreg:$0x3] =	wrdreg s6  }
0xab: {  	[dreg:$0x4] =	wrdreg $0xC0  }
0xac: {  	_ =	task [dreg:s8], $0x5FFFF  }
0xad: {  	[dreg:$0x1] =	wrdreg $0xFFFFFFFF  }
0xae: {  	[dreg:$0x0] =	wrdreg $0x60  }
0xaf: {  	[dreg:$0x2] =	wrdreg s2  }
0xb0: {  	[dreg:$0x3] =	wrdreg s24  }
0xb1: {  	[dreg:$0x4] =	wrdreg s18  }
0xb2: {  	[dreg:$0x5] =	wrdreg $0x7A000  }
0xb3: {  	[dreg:$0x6] =	wrdreg $0x9  }
0xb4: {  	_ =	task.clear_ibuf [dreg:s8], $0x7FFFF;
	_ =	strace $0x90000046  }
0xb5: {  	s29 =	simm.s32 $0x9;
	_ =	strace $0x80000048  }
0xb6: {  	_ =	swait.ge [sflag:s29], $0x1  }
0xb7: {  	[sflag:s29] =	ssyncadd.s32 $0xFFFFFFFF  }
0xb8: {  	_ =	strace $0x90000048  }
0xb9: {  	_ =	sfence  }
0xba: {  	s30 =	sld [smem:$0x0];
	_ =	sdelay $0x2  }
0xbb: {  	s31 =	sshll.u32 s1, $0xD;
	s1 =	sshrl.u32 s1, $0x2  }
0xbc: {  	s3 =	sand.u32 $0x4000, s31;
	s1 =	sadd.s32 s1, s30  }
0xbd: {  	s0 =	sor.u32 s3, s0;
	s1 =	sshll.u32 s1, $0x11  }
0xbe: {  	s0 =	sor.u32 s1, s0  }
0xbf: {  	s0 =	sadd.s32 $0x8F2B, s0  }
0xc0: {  	[sflag:s0] =	ssyncadd.remote.s32 $0x1  }
0xc1: {  	_ =	sfence.sel $0xFFFF  }
0xc2: {  	[dreg:$0x0] =	wrdreg $0xFFFFFFFF;
	(pc) =	sbr.abs _section_cstart, $3  }
0xc3: {  	[dreg:$0x1] =	wrdreg $0xFFFFFFFF  }
0xc4: {  	_ =	task.clear_ibuf [dreg:s8], $0x2FFFF;
	_ =	strace $0x9FFFFFFF  }
0xc5: {  	(tm) =	ssettm $0x7FFFFFFF  }
tec
execute0_lowered:
.L_overlay_start_1:
0x0: {  	(tag) =	ssettag $0x1  }
0x1: {  	s0 =	rddreg [dreg:$0x0]  }
0x2: {  	s1 =	rddreg [dreg:$0x1]  }
0x3: {  	s3 =	rddreg [dreg:$0x2]  }
0x4: {  	s2 =	srdreg.scid;
	s4 =	rddreg [dreg:$0x3]  }
0x5: {  	s16 =	stileid.u32;
	s5 =	simm.s32 $0x0;
	s28 =	simm.s32 $0x5200  }
0x6: {  	s29 =	simm.s32 $0x3;
	s30 =	simm.s32 $0x5000;
	s19 =	smul.u32 $0x4E000, s16  }
0x7: {  	s31 =	simm.s32 $0x5100;
	s2 =	sand.u32 $0x1, s2;
	s14 =	smul.u32 $0x2700, s16  }
0x8: {  	[smem:$0x7FF] =	sst s5;
	s6 =	sshll.u32 s2, $0x4;
	s13 =	smul.u32 $0x27100, s2  }
0x9: {  	s8 =	ssub.s32 $0x2, s2;
	s2 =	smul.u32 $0x138800, s2;
	s6 =	sor.u32 s16, s6  }
0xa: {  	p0 =	seq.s32 s16, $0xF;
	_ =	strace $0x80000047;
	s7 =	smul.u32 $0x1400, s6  }
0xb: {  	s10 =	sshrl.u32 s8, $0x1;
	s22 =	sshrl.u32 s19, $0x2;
	s9 =	smul.u32 $0x14000, s6  }
0xc: {  	s6 =	sadd.s32 $0x4E4400, s1;
	s1 =	sadd.s32 $0x4E9400, s1;
	s8 =	ssub.s32 s8, s10  }
0xd: {  	s15 =	sadd.s32 s22, s4;
	s23 =	sadd.s32 s14, s13;
	s2 =	sshrl.u32 s2, $0x3  }
0xe: {  	s24 =	smax.u32 s8, $0x1;
	s25 =	sadd.s32 $0x2800, s15;
	s26 =	sadd.s32 $0x5000, s15  }
0xf: {  	s22 =	sadd.s32 $0xA000, s15;
	s8 =	simm.s32 $0x50;
	[dreg:$0xd] =	wrdreg s24  }
0x10: {  	s9 =	sadd.s32 s0, s9;
	s17 =	sshrl.u32 s7, $0x3;
	[dreg:$0xe] =	wrdreg s25  }
0x11: {  	s10 =	sor.u32 $0x50, s7;
	s12 =	sadd.s32 $0x13B0, s7;
	[dreg:$0xf] =	wrdreg s26  }
0x12: {  	s11 =	sor.u32 $0xA0, s7;
	[dreg:$0x5] =	wrdreg s9;
	s18 =	sadd.s32 s6, s17  }
0x13: {  	s9 =	sadd.s32 s3, s17;
	s20 =	sshll.u32 s12, $0x4;
	[dreg:$0x6] =	wrdreg s18  }
0x14: {  	s21 =	sshrl.u32 s12, $0x3;
	[dreg:$0x7] =	wrdreg s9;
	s7 =	sadd.s32 s0, s20  }
0x15: {  	s24 =	sadd.s32 $0xF000, s15;
	s12 =	sadd.s32 s6, s21;
	[dreg:$0x8] =	wrdreg s7  }
0x16: {  	s26 =	sadd.s32 $0x11800, s15;
	s9 =	simm.s32 $0x2;
	[dreg:$0x9] =	wrdreg s12  }
0x17: {  	s7 =	sadd.s32 s3, s21;
	s21 =	sadd.s32 $0x7800, s15;
	s12 =	simm.s32 $0x0  }
0x18: {  	[dreg:$0xa] =	wrdreg s7;
	s7 =	sadd.s32 s1, s23;
	s1 =	sadd.s32 s1, s2  }
0x19: {  	s23 =	sadd.s32 $0xC800, s15;
	[dreg:$0xb] =	wrdreg s7;
	s1 =	sadd.s32 $0x24900, s1  }
0x1a: {  	s2 =	simm.s32 $0x5080;
	s7 =	sadd.s32 $0x124800, s4;
	[dreg:$0xc] =	wrdreg s1  }
0x1b: {  	v0 =	vimm.f32 $0.0e+00;
	s25 =	sshrl.u32 @p0 s7, $0x3;
	s1 =	simm.s32 $0x2800;
	s7 =	simm.s32 $0x5180  }
.LBB2_1:
0x1c: {  	s13 =	simm.s32 $0x0;
	s14 =	simm.s32 $0x200  }
.LBB2_2:
0x1d: {  	p1 =	sne.s32 s14, $0x9E00;
	[tilespmem:s13+$0x5270] =	vst v0  }
0x1e: {  	[tilespmem:s13+$0x5200] =	vst v0  }
0x1f: {  	[tilespmem:s13+$0x5210] =	vst v0  }
.Ltmp0:
0x20: {  	[tilespmem:s13+$0x5220] =	vst v0;
	(pc) =	sbr.rel @p1 .LBB2_2-.Ltmp0, $4  }
0x21: {  	[tilespmem:s13+$0x5230] =	vst v0  }
0x22: {  	[tilespmem:s13+$0x5240] =	vst v0  }
0x23: {  	[tilespmem:s13+$0x5250] =	vst v0  }
0x24: {  	[tilespmem:s13+$0x5260] =	vst v0;
	s13 =	sshra.s32 s14, $0x2;
	s14 =	sadd.s32 $0x200, s14  }
0x25: {  	[tilespmem:s13+$0x5270] =	vst v0  }
0x26: {  	[tilespmem:s13+$0x5200] =	vst v0  }
0x27: {  	[tilespmem:s13+$0x5210] =	vst v0  }
0x28: {  	[tilespmem:s13+$0x5220] =	vst v0  }
0x29: {  	[tilespmem:s13+$0x5230] =	vst v0  }
0x2a: {  	[tilespmem:s13+$0x5240] =	vst v0  }
0x2b: {  	[tilespmem:s13+$0x5250] =	vst v0  }
0x2c: {  	[tilespmem:s13+$0x5260] =	vst v0  }
0x2d: {  	[spmem:s15] =	stream.linear.scatter [tilespmem:s28], [sflag:$0x3], $0x2800, $0x38;
	[tilespmem:$0x1B280] =	vst v63  }
0x2e: {  	_ =	swait.ge [sflag:s29], $0x2800  }
0x2f: {  	[sflag:s29] =	ssyncset.done $0x0  }
0x30: {  	s17 =	rddreg [dreg:$0xe];
	[sflag:s29] =	ssyncadd.s32 $0xFFFFD800  }
0x31: {  	[spmem:s17] =	stream.linear.scatter [tilespmem:s28], [sflag:$0x3], $0x2800, $0x38;
	[tilespmem:$0x1B280] =	vst v63  }
0x32: {  	_ =	swait.ge [sflag:s29], $0x2800  }
0x33: {  	[sflag:s29] =	ssyncset.done $0x0  }
0x34: {  	s18 =	rddreg [dreg:$0xf];
	[sflag:s29] =	ssyncadd.s32 $0xFFFFD800  }
0x35: {  	[spmem:s18] =	stream.linear.scatter [tilespmem:s28], [sflag:$0x3], $0x2800, $0x38;
	[tilespmem:$0x1B280] =	vst v63  }
0x36: {  	_ =	swait.ge [sflag:s29], $0x2800  }
0x37: {  	[sflag:s29] =	ssyncset.done $0x0  }
0x38: {  	[sflag:s29] =	ssyncadd.s32 $0xFFFFD800  }
0x39: {  	[spmem:s21] =	stream.linear.scatter [tilespmem:s28], [sflag:$0x3], $0x2800, $0x38;
	[tilespmem:$0x1B280] =	vst v63  }
0x3a: {  	_ =	swait.ge [sflag:s29], $0x2800  }
0x3b: {  	[sflag:s29] =	ssyncset.done $0x0  }
0x3c: {  	[sflag:s29] =	ssyncadd.s32 $0xFFFFD800  }
0x3d: {  	[spmem:s22] =	stream.linear.scatter [tilespmem:s28], [sflag:$0x3], $0x2800, $0x38;
	[tilespmem:$0x1B280] =	vst v63  }
0x3e: {  	_ =	swait.ge [sflag:s29], $0x2800  }
0x3f: {  	[sflag:s29] =	ssyncset.done $0x0  }
0x40: {  	[sflag:s29] =	ssyncadd.s32 $0xFFFFD800  }
0x41: {  	[spmem:s23] =	stream.linear.scatter [tilespmem:s28], [sflag:$0x3], $0x2800, $0x38;
	[tilespmem:$0x1B280] =	vst v63  }
0x42: {  	_ =	swait.ge [sflag:s29], $0x2800  }
0x43: {  	[sflag:s29] =	ssyncset.done $0x0  }
0x44: {  	[sflag:s29] =	ssyncadd.s32 $0xFFFFD800  }
0x45: {  	[spmem:s24] =	stream.linear.scatter [tilespmem:s28], [sflag:$0x3], $0x2800, $0x38;
	[tilespmem:$0x1B280] =	vst v63  }
0x46: {  	_ =	swait.ge [sflag:s29], $0x2800  }
0x47: {  	[sflag:s29] =	ssyncset.done $0x0  }
0x48: {  	[sflag:s29] =	ssyncadd.s32 $0xFFFFD800  }
0x49: {  	[spmem:s26] =	stream.linear.scatter [tilespmem:s28], [sflag:$0x3], $0x2800, $0x38;
	[tilespmem:$0x1B280] =	vst v63  }
0x4a: {  	_ =	swait.ge [sflag:s29], $0x2800  }
0x4b: {  	[sflag:s29] =	ssyncset.done $0x0  }
0x4c: {  	[sflag:s29] =	ssyncadd.s32 $0xFFFFD800  }
0x4d: {  	[bflag:$0x0] =	sbarrier.arrive $0xFFFF  }
0x4e: {  	s13 =	simm.s32 $0x0;
	s14 =	rddreg [dreg:$0x5]  }
0x4f: {  	[tilespmem:s13], [sflag:$0x1] =	stream.linear.gather [hbm4b:s14+s13], $0x2800, $0x38;
	[tilespmem:$0x1B280] =	vst v63  }
0x50: {  	s19 =	rddreg [dreg:$0x6]  }
0x51: {  	[tilespmem:s30], [sflag:$0x1] =	stream.linear.gather [hbm4b:s19+s13], $0x50, $0x38;
	[tilespmem:$0x1B280] =	vst v63  }
0x52: {  	s20 =	rddreg [dreg:$0x7]  }
0x53: {  	[tilespmem:s31], [sflag:$0x1] =	stream.linear.gather [hbm4b:s20+s13], $0x50, $0x38;
	[tilespmem:$0x1B280] =	vst v63  }
.LBB2_4:
0x54: {  	s14 =	smul.u32 $0xA0, s13;
	_ =	sdelay $0x1  }
0x55: {  	s16 =	sadd.s32 s14, s10  }
0x56: {  	s17 =	sshll.u32 s16, $0x4  }
0x57: {  	s16 =	sshrl.u32 s16, $0x3;
	s17 =	sadd.s32 s0, s17  }
0x58: {  	[tilespmem:s1], [sflag:$0x2] =	stream.linear.gather [hbm4b:s17+s5], $0x2800, $0x38;
	[tilespmem:$0x1B280] =	vst v63  }
0x59: {  	s18 =	sadd.s32 s6, s16  }
0x5a: {  	[tilespmem:s2], [sflag:$0x2] =	stream.linear.gather [hbm4b:s18+s5], $0x50, $0x38;
	[tilespmem:$0x1B280] =	vst v63  }
0x5b: {  	s19 =	simm.s32 $0x1;
	s16 =	sadd.s32 s3, s16  }
0x5c: {  	[tilespmem:s7], [sflag:$0x2] =	stream.linear.gather [hbm4b:s16+s5], $0x50, $0x38;
	[tilespmem:$0x1B280] =	vst v63  }
0x5d: {  	_ =	swait.ge [sflag:s19], $0x2800  }
0x5e: {  	s20 =	simm.s32 $0x0;
	[sflag:s19] =	ssyncset.done $0x0  }
0x5f: {  	v1 =	vmov s20;
	[sflag:s19] =	ssyncadd.s32 $0xFFFFD800  }
0x60: {  	v1 =	vand.u32 $0xFFFFFFFE, v1;
	_ =	swait.ge [sflag:s19], $0x50  }
0x61: {  	v2 =	vbroadcast v1, $0x0;
	[sflag:s19] =	ssyncset.done $0x0  }
0x62: {  	[sflag:s19] =	ssyncadd.s32 $0xFFFFFFB0  }
0x63: {  	_ =	swait.ge [sflag:s19], $0x50  }
0x64: {  	[sflag:s19] =	ssyncset.done $0x0  }
0x65: {  	s16 =	simm.s32 $0x80;
	[sflag:s19] =	ssyncadd.s32 $0xFFFFFFB0  }
0x66: {  	v5 =	vld [tilespmem:s16+$0xFFFFFFF0]  }
0x67: {  	v6 =	vld.idx.msk [tilespmem:v2+s30+$0x0], $0xffff  }
0x68: {  	v7 =	vld [tilespmem:s16+$0xFFFFFF80]  }
0x69: {  	v8 =	vld [tilespmem:s16+$0xFFFFFFA0]  }
0x6a: {  	v4 =	vld [tilespmem:s16+$0xFFFFFFB0]  }
0x6b: {  	v3 =	vld [tilespmem:s16+$0xFFFFFFD0]  }
0x6c: {  	v9 =	vld [tilespmem:s16+$0xFFFFFFE0];
	v5 =	vmul.f32 v5, v6  }
0x6d: {  	v10 =	vld [tilespmem:s16+$0xFFFFFF90];
	v7 =	vmul.f32 v7, v6  }
0x6e: {  	v11 =	vld [tilespmem:s16+$0xFFFFFFC0];
	v8 =	vmul.f32 v8, v6;
	[tilespmem:s16+$0xFFFFFFF0] =	vst v5  }
0x6f: {  	v4 =	vmul.f32 v4, v6;
	[tilespmem:s16+$0xFFFFFF80] =	vst v7  }
0x70: {  	v3 =	vmul.f32 v3, v6;
	[tilespmem:s16+$0xFFFFFFA0] =	vst v8  }
0x71: {  	v5 =	vmul.f32 v9, v6;
	[tilespmem:s16+$0xFFFFFFB0] =	vst v4;
	v7 =	vmov s19  }
0x72: {  	v1 =	vld [tilespmem:s16+$0x0];
	v4 =	vmul.f32 v10, v6;
	[tilespmem:s16+$0xFFFFFFD0] =	vst v3  }
0x73: {  	v2 =	vld [tilespmem:s16+$0x10];
	v3 =	vmul.f32 v11, v6;
	[tilespmem:s16+$0xFFFFFFE0] =	vst v5  }
0x74: {  	[tilespmem:s16+$0xFFFFFF90] =	vst v4;
	v5 =	vld [tilespmem:s16+$0x20]  }
0x75: {  	[tilespmem:s16+$0xFFFFFFC0] =	vst v3;
	v4 =	vld [tilespmem:s16+$0x70]  }
0x76: {  	s17 =	simm.s32 $0x3;
	s18 =	simm.s32 $0x80;
	v3 =	vld.idx.msk [tilespmem:v7+s30+$0x0], $0xffff  }
.LBB2_5:
0x77: {  	p1 =	sne.s32 s17, $0x4F  }
0x78: {  	v6 =	vld [tilespmem:s16+$0x50];
	s18 =	sadd.s32 $0x100, s18;
	s19 =	smov.u32 s17;
	s17 =	sadd.s32 $0x2, s17  }
0x79: {  	v7 =	vld [tilespmem:s16+$0x30]  }
0x7a: {  	v8 =	vld [tilespmem:s16+$0x40]  }
0x7b: {  	v9 =	vld [tilespmem:s16+$0x60];
	_ =	sdelay $0x1  }
0x7c: {  	v1 =	vmul.f32 v1, v3;
	v2 =	vmul.f32 v2, v3  }
0x7d: {  	s20 =	sadd.s32 $0xFFFFFFFF, s19;
	v5 =	vmul.f32 v5, v3;
	v7 =	vmul.f32 v7, v3  }
0x7e: {  	v10 =	vmov s20;
	v6 =	vmul.f32 v6, v3;
	[tilespmem:s16+$0x0] =	vst v1;
	v8 =	vmul.f32 v8, v3  }
0x7f: {  	v10 =	vand.u32 $0xFFFFFFFE, v10;
	v1 =	vld [tilespmem:s18+$0x0];
	[tilespmem:s16+$0x20] =	vst v5;
	v5 =	vmul.f32 v9, v3;
	v3 =	vmul.f32 v4, v3  }
0x80: {  	v4 =	vbroadcast v10, $0x0;
	[tilespmem:s16+$0x10] =	vst v2  }
0x81: {  	[tilespmem:s16+$0x30] =	vst v7  }
0x82: {  	v7 =	vld [tilespmem:s18+$0xFFFFFFD0];
	[tilespmem:s16+$0x70] =	vst v3  }
0x83: {  	v3 =	vld [tilespmem:s18+$0xFFFFFFB0];
	[tilespmem:s16+$0x50] =	vst v6  }
0x84: {  	v6 =	vld [tilespmem:s18+$0xFFFFFFE0];
	[tilespmem:s16+$0x60] =	vst v5  }
0x85: {  	v5 =	vld [tilespmem:s18+$0xFFFFFFF0];
	[tilespmem:s16+$0x40] =	vst v8;
	s16 =	smov.u32 s18  }
0x86: {  	v4 =	vld.idx.msk [tilespmem:v4+s30+$0x0], $0xffff  }
0x87: {  	v8 =	vld [tilespmem:s18+$0xFFFFFF80]  }
0x88: {  	v9 =	vld [tilespmem:s18+$0xFFFFFFA0]  }
0x89: {  	v10 =	vld [tilespmem:s18+$0xFFFFFF90]  }
0x8a: {  	v11 =	vld [tilespmem:s18+$0xFFFFFFC0]  }
0x8b: {  	v2 =	vld [tilespmem:s18+$0x10]  }
0x8c: {  	v5 =	vmul.f32 v5, v4;
	v8 =	vmul.f32 v8, v4  }
0x8d: {  	v6 =	vmul.f32 v6, v4;
	v9 =	vmul.f32 v9, v4  }
0x8e: {  	v3 =	vmul.f32 v3, v4;
	v10 =	vmul.f32 v10, v4;
	[tilespmem:s18+$0xFFFFFFF0] =	vst v5  }
0x8f: {  	[tilespmem:s18+$0xFFFFFF80] =	vst v8;
	v8 =	vmul.f32 v11, v4;
	v4 =	vmul.f32 v7, v4  }
0x90: {  	[tilespmem:s18+$0xFFFFFFA0] =	vst v9  }
0x91: {  	[tilespmem:s18+$0xFFFFFFB0] =	vst v3;
	v3 =	vmov s19  }
.Ltmp1:
0x92: {  	[tilespmem:s18+$0xFFFFFFD0] =	vst v4;
	(pc) =	sbr.rel @p1 .LBB2_5-.Ltmp1, $4  }
0x93: {  	[tilespmem:s18+$0xFFFFFFE0] =	vst v6  }
0x94: {  	[tilespmem:s18+$0xFFFFFF90] =	vst v10;
	v5 =	vld [tilespmem:s18+$0x20]  }
0x95: {  	[tilespmem:s18+$0xFFFFFFC0] =	vst v8;
	v4 =	vld [tilespmem:s18+$0x70]  }
0x96: {  	v3 =	vld.idx.msk [tilespmem:v3+s30+$0x0], $0xffff  }
0x97: {  	_ =	sdelay $0x2  }
0x98: {  	v6 =	vld [tilespmem:s16+$0x30]  }
0x99: {  	v7 =	vld [tilespmem:s16+$0x50];
	v1 =	vmul.f32 v1, v3  }
0x9a: {  	v8 =	vld [tilespmem:s16+$0x60];
	v5 =	vmul.f32 v5, v3  }
0x9b: {  	v9 =	vld [tilespmem:s16+$0x40];
	v2 =	vmul.f32 v2, v3;
	[tilespmem:s16+$0x0] =	vst v1  }
0x9c: {  	v4 =	vmul.f32 v4, v3;
	[tilespmem:s16+$0x20] =	vst v5  }
0x9d: {  	v1 =	vmul.f32 v6, v3;
	[tilespmem:s16+$0x10] =	vst v2  }
0x9e: {  	v2 =	vmul.f32 v7, v3;
	[tilespmem:s16+$0x70] =	vst v4  }
0x9f: {  	[tilespmem:s16+$0x30] =	vst v1;
	v1 =	vmul.f32 v8, v3  }
0xa0: {  	v3 =	vmul.f32 v9, v3;
	[tilespmem:s16+$0x50] =	vst v2  }
0xa1: {  	[tilespmem:s16+$0x60] =	vst v1  }
0xa2: {  	[tilespmem:s16+$0x40] =	vst v3  }
0xa3: {  	[spmem:s4] =	stream.indirect.scatter.add.f32 [tilespmem:s5], [sflag:$0x3], $0x80, s31, s8, $0xb8;
	[tilespmem:$0x1B280] =	vst v63  }
0xa4: {  	s14 =	sadd.s32 s14, s11;
	_ =	swait.ge [sflag:s29], $0x2800  }
0xa5: {  	s17 =	sshll.u32 s14, $0x4;
	[sflag:s29] =	ssyncset.done $0x0  }
0xa6: {  	s14 =	sshrl.u32 s14, $0x3;
	s16 =	sadd.s32 s0, s17;
	[sflag:s29] =	ssyncadd.s32 $0xFFFFD800  }
0xa7: {  	[tilespmem:s5], [sflag:$0x1] =	stream.linear.gather [hbm4b:s16+s5], $0x2800, $0x38;
	[tilespmem:$0x1B280] =	vst v63  }
0xa8: {  	s18 =	sadd.s32 s6, s14  }
0xa9: {  	[tilespmem:s30], [sflag:$0x1] =	stream.linear.gather [hbm4b:s18+s5], $0x50, $0x38;
	[tilespmem:$0x1B280] =	vst v63  }
0xaa: {  	s14 =	sadd.s32 s3, s14  }
0xab: {  	[tilespmem:s31], [sflag:$0x1] =	stream.linear.gather [hbm4b:s14+s5], $0x50, $0x38;
	[tilespmem:$0x1B280] =	vst v63  }
0xac: {  	_ =	swait.ge [sflag:s9], $0x2800  }
0xad: {  	s19 =	simm.s32 $0x0;
	[sflag:s9] =	ssyncset.done $0x0  }
0xae: {  	v1 =	vmov s19;
	[sflag:s9] =	ssyncadd.s32 $0xFFFFD800  }
0xaf: {  	v1 =	vand.u32 $0xFFFFFFFE, v1;
	_ =	swait.ge [sflag:s9], $0x50  }
0xb0: {  	v2 =	vbroadcast v1, $0x0;
	[sflag:s9] =	ssyncset.done $0x0  }
0xb1: {  	[sflag:s9] =	ssyncadd.s32 $0xFFFFFFB0  }
0xb2: {  	_ =	swait.ge [sflag:s9], $0x50  }
0xb3: {  	[sflag:s9] =	ssyncset.done $0x0  }
0xb4: {  	s14 =	simm.s32 $0x28F0;
	[sflag:s9] =	ssyncadd.s32 $0xFFFFFFB0  }
0xb5: {  	v5 =	vld [tilespmem:s14+$0xFFFFFF80]  }
0xb6: {  	v6 =	vld.idx.msk [tilespmem:v2+s2+$0x0], $0xffff  }
0xb7: {  	v7 =	vld [tilespmem:s14+$0xFFFFFF10]  }
0xb8: {  	v62 =	vld [tilespmem:s14+$0xFFFFFF30]  }
0xb9: {  	v4 =	vld [tilespmem:s14+$0xFFFFFF40]  }
0xba: {  	v3 =	vld [tilespmem:s14+$0xFFFFFF60]  }
0xbb: {  	v63 =	vld [tilespmem:s14+$0xFFFFFF70];
	v5 =	vmul.f32 v5, v6  }
0xbc: {  	v10 =	vld [tilespmem:s14+$0xFFFFFF20];
	v7 =	vmul.f32 v7, v6  }
0xbd: {  	v11 =	vld [tilespmem:s14+$0xFFFFFF50];
	v8 =	vmul.f32 v62, v6;
	[tilespmem:s14+$0xFFFFFF80] =	vst v5  }
0xbe: {  	v4 =	vmul.f32 v4, v6;
	[tilespmem:s14+$0xFFFFFF10] =	vst v7  }
0xbf: {  	s20 =	simm.s32 $0x1;
	v3 =	vmul.f32 v3, v6;
	[tilespmem:s14+$0xFFFFFF30] =	vst v8  }
0xc0: {  	v5 =	vmul.f32 v63, v6;
	[tilespmem:s14+$0xFFFFFF40] =	vst v4;
	v4 =	vmov s20  }
0xc1: {  	v1 =	vld [tilespmem:s14+$0xFFFFFF90];
	v7 =	vmul.f32 v10, v6;
	[tilespmem:s14+$0xFFFFFF60] =	vst v3  }
0xc2: {  	v2 =	vld [tilespmem:s14+$0xFFFFFFA0];
	v6 =	vmul.f32 v11, v6;
	[tilespmem:s14+$0xFFFFFF70] =	vst v5  }
0xc3: {  	v3 =	vld [tilespmem:s14+$0xFFFFFFF0];
	[tilespmem:s14+$0xFFFFFF20] =	vst v7  }
0xc4: {  	[tilespmem:s14+$0xFFFFFF50] =	vst v6;
	v5 =	vld [tilespmem:s14+$0xFFFFFFB0]  }
0xc5: {  	s17 =	simm.s32 $0x28F0;
	s16 =	simm.s32 $0x3;
	v4 =	vld.idx.msk [tilespmem:v4+s2+$0x0], $0xffff  }
.LBB2_7:
0xc6: {  	p1 =	sne.s32 s16, $0x4F  }
0xc7: {  	v6 =	vld [tilespmem:s14+$0xFFFFFFE0];
	s17 =	sadd.s32 $0x100, s17;
	s18 =	smov.u32 s16;
	s16 =	sadd.s32 $0x2, s16  }
0xc8: {  	v7 =	vld [tilespmem:s14+$0xFFFFFFC0]  }
0xc9: {  	v8 =	vld [tilespmem:s14+$0xFFFFFFD0]  }
0xca: {  	v9 =	vld [tilespmem:s14+$0x0];
	_ =	sdelay $0x1  }
0xcb: {  	v1 =	vmul.f32 v1, v4;
	v2 =	vmul.f32 v2, v4  }
0xcc: {  	s19 =	sadd.s32 $0xFFFFFFFF, s18;
	v5 =	vmul.f32 v5, v4;
	v7 =	vmul.f32 v7, v4  }
0xcd: {  	v10 =	vmov s19;
	v6 =	vmul.f32 v6, v4;
	[tilespmem:s14+$0xFFFFFF90] =	vst v1;
	v8 =	vmul.f32 v8, v4  }
0xce: {  	v10 =	vand.u32 $0xFFFFFFFE, v10;
	v3 =	vmul.f32 v3, v4;
	v1 =	vld [tilespmem:s17+$0xFFFFFF90];
	[tilespmem:s14+$0xFFFFFFB0] =	vst v5;
	v4 =	vmul.f32 v9, v4  }
0xcf: {  	v5 =	vbroadcast v10, $0x0;
	[tilespmem:s14+$0xFFFFFFA0] =	vst v2  }
0xd0: {  	[tilespmem:s14+$0xFFFFFFC0] =	vst v7  }
0xd1: {  	v7 =	vld [tilespmem:s17+$0xFFFFFF60];
	[tilespmem:s14+$0x0] =	vst v4  }
0xd2: {  	v4 =	vld [tilespmem:s17+$0xFFFFFF40];
	[tilespmem:s14+$0xFFFFFFE0] =	vst v6  }
0xd3: {  	v6 =	vld [tilespmem:s17+$0xFFFFFF70];
	[tilespmem:s14+$0xFFFFFFF0] =	vst v3  }
0xd4: {  	v3 =	vld [tilespmem:s17+$0xFFFFFF80];
	[tilespmem:s14+$0xFFFFFFD0] =	vst v8;
	s14 =	smov.u32 s17  }
0xd5: {  	v5 =	vld.idx.msk [tilespmem:v5+s2+$0x0], $0xffff  }
0xd6: {  	v8 =	vld [tilespmem:s17+$0xFFFFFF10]  }
0xd7: {  	v9 =	vld [tilespmem:s17+$0xFFFFFF30]  }
0xd8: {  	v10 =	vld [tilespmem:s17+$0xFFFFFF20]  }
0xd9: {  	v11 =	vld [tilespmem:s17+$0xFFFFFF50]  }
0xda: {  	v2 =	vld [tilespmem:s17+$0xFFFFFFA0]  }
0xdb: {  	v3 =	vmul.f32 v3, v5;
	v8 =	vmul.f32 v8, v5  }
0xdc: {  	v6 =	vmul.f32 v6, v5;
	v9 =	vmul.f32 v9, v5  }
0xdd: {  	v4 =	vmul.f32 v4, v5;
	v10 =	vmul.f32 v10, v5;
	[tilespmem:s17+$0xFFFFFF80] =	vst v3  }
0xde: {  	v3 =	vmul.f32 v7, v5;
	[tilespmem:s17+$0xFFFFFF10] =	vst v8;
	v8 =	vmul.f32 v11, v5  }
0xdf: {  	[tilespmem:s17+$0xFFFFFF30] =	vst v9  }
0xe0: {  	[tilespmem:s17+$0xFFFFFF40] =	vst v4;
	v4 =	vmov s18  }
.Ltmp2:
0xe1: {  	[tilespmem:s17+$0xFFFFFF60] =	vst v3;
	(pc) =	sbr.rel @p1 .LBB2_7-.Ltmp2, $4  }
0xe2: {  	[tilespmem:s17+$0xFFFFFF70] =	vst v6  }
0xe3: {  	[tilespmem:s17+$0xFFFFFF20] =	vst v10;
	v3 =	vld [tilespmem:s17+$0xFFFFFFF0]  }
0xe4: {  	[tilespmem:s17+$0xFFFFFF50] =	vst v8;
	v5 =	vld [tilespmem:s17+$0xFFFFFFB0]  }
0xe5: {  	v4 =	vld.idx.msk [tilespmem:v4+s2+$0x0], $0xffff  }
0xe6: {  	_ =	sdelay $0x1  }
0xe7: {  	v7 =	vld [tilespmem:s14+$0x0]  }
0xe8: {  	v6 =	vld [tilespmem:s14+$0xFFFFFFC0]  }
0xe9: {  	v8 =	vld [tilespmem:s14+$0xFFFFFFE0];
	v1 =	vmul.f32 v1, v4  }
0xea: {  	v5 =	vmul.f32 v5, v4  }
0xeb: {  	v9 =	vld [tilespmem:s14+$0xFFFFFFD0];
	v2 =	vmul.f32 v2, v4;
	[tilespmem:s14+$0xFFFFFF90] =	vst v1  }
0xec: {  	v63 =	vmul.f32 v7, v4;
	[tilespmem:s14+$0xFFFFFFB0] =	vst v5  }
0xed: {  	v1 =	vmul.f32 v6, v4;
	[tilespmem:s14+$0xFFFFFFA0] =	vst v2  }
0xee: {  	v2 =	vmul.f32 v8, v4;
	[tilespmem:s14+$0x0] =	vst v63  }
0xef: {  	[tilespmem:s14+$0xFFFFFFC0] =	vst v1;
	v1 =	vmul.f32 v3, v4  }
0xf0: {  	s13 =	sadd.s32 $0x1, s13;
	v3 =	vmul.f32 v9, v4;
	[tilespmem:s14+$0xFFFFFFE0] =	vst v2  }
0xf1: {  	p1 =	sne.s32 s13, $0x1F;
	[tilespmem:s14+$0xFFFFFFF0] =	vst v1  }
.Ltmp3:
0xf2: {  	[tilespmem:s14+$0xFFFFFFD0] =	vst v3;
	(pc) =	sbr.rel @p1 .LBB2_4-.Ltmp3, $4  }
0xf3: {  	[spmem:s4] =	stream.indirect.scatter.add.f32 [tilespmem:s1], [sflag:$0x3], $0x80, s7, s8, $0xb8;
	[tilespmem:$0x1B280] =	vst v63  }
0xf4: {  	_ =	swait.ge [sflag:s29], $0x2800  }
0xf5: {  	[sflag:s29] =	ssyncset.done $0x0  }
0xf6: {  	[sflag:s29] =	ssyncadd.s32 $0xFFFFD800  }
0xf7: {  	s13 =	rddreg [dreg:$0x8]  }
0xf8: {  	[tilespmem:s1], [sflag:$0x2] =	stream.linear.gather [hbm4b:s13+s5], $0x2800, $0x38;
	[tilespmem:$0x1B280] =	vst v63  }
0xf9: {  	s18 =	rddreg [dreg:$0x9]  }
0xfa: {  	[tilespmem:s2], [sflag:$0x2] =	stream.linear.gather [hbm4b:s18+s5], $0x50, $0x38;
	[tilespmem:$0x1B280] =	vst v63  }
0xfb: {  	s19 =	rddreg [dreg:$0xa];
	s14 =	simm.s32 $0x1  }
0xfc: {  	[tilespmem:s7], [sflag:$0x2] =	stream.linear.gather [hbm4b:s19+s5], $0x50, $0x38;
	[tilespmem:$0x1B280] =	vst v63  }
0xfd: {  	_ =	swait.ge [sflag:s14], $0x2800  }
0xfe: {  	s20 =	simm.s32 $0x0;
	[sflag:s14] =	ssyncset.done $0x0  }
0xff: {  	v1 =	vmov s20;
	[sflag:s14] =	ssyncadd.s32 $0xFFFFD800  }
0x100: {  	v1 =	vand.u32 $0xFFFFFFFE, v1;
	_ =	swait.ge [sflag:s14], $0x50  }
0x101: {  	v2 =	vbroadcast v1, $0x0;
	[sflag:s14] =	ssyncset.done $0x0  }
0x102: {  	[sflag:s14] =	ssyncadd.s32 $0xFFFFFFB0  }
0x103: {  	_ =	swait.ge [sflag:s14], $0x50  }
0x104: {  	[sflag:s14] =	ssyncset.done $0x0  }
0x105: {  	s13 =	simm.s32 $0x80;
	[sflag:s14] =	ssyncadd.s32 $0xFFFFFFB0  }
0x106: {  	v5 =	vld [tilespmem:s13+$0xFFFFFFF0]  }
0x107: {  	v6 =	vld.idx.msk [tilespmem:v2+s30+$0x0], $0xffff  }
0x108: {  	v7 =	vld [tilespmem:s13+$0xFFFFFF80]  }
0x109: {  	v8 =	vld [tilespmem:s13+$0xFFFFFFA0]  }
0x10a: {  	v4 =	vld [tilespmem:s13+$0xFFFFFFB0]  }
0x10b: {  	v3 =	vld [tilespmem:s13+$0xFFFFFFD0]  }
0x10c: {  	v9 =	vld [tilespmem:s13+$0xFFFFFFE0];
	v5 =	vmul.f32 v5, v6  }
0x10d: {  	v10 =	vld [tilespmem:s13+$0xFFFFFF90];
	v7 =	vmul.f32 v7, v6  }
0x10e: {  	v11 =	vld [tilespmem:s13+$0xFFFFFFC0];
	v8 =	vmul.f32 v8, v6;
	[tilespmem:s13+$0xFFFFFFF0] =	vst v5  }
0x10f: {  	v4 =	vmul.f32 v4, v6;
	[tilespmem:s13+$0xFFFFFF80] =	vst v7  }
0x110: {  	v3 =	vmul.f32 v3, v6;
	[tilespmem:s13+$0xFFFFFFA0] =	vst v8  }
0x111: {  	v5 =	vmul.f32 v9, v6;
	[tilespmem:s13+$0xFFFFFFB0] =	vst v4;
	v7 =	vmov s14  }
0x112: {  	v1 =	vld [tilespmem:s13+$0x0];
	v4 =	vmul.f32 v10, v6;
	[tilespmem:s13+$0xFFFFFFD0] =	vst v3  }
0x113: {  	v2 =	vld [tilespmem:s13+$0x10];
	v3 =	vmul.f32 v11, v6;
	[tilespmem:s13+$0xFFFFFFE0] =	vst v5  }
0x114: {  	[tilespmem:s13+$0xFFFFFF90] =	vst v4;
	v5 =	vld [tilespmem:s13+$0x20]  }
0x115: {  	[tilespmem:s13+$0xFFFFFFC0] =	vst v3;
	v4 =	vld [tilespmem:s13+$0x70]  }
0x116: {  	s16 =	simm.s32 $0x80;
	s14 =	simm.s32 $0x3;
	v3 =	vld.idx.msk [tilespmem:v7+s30+$0x0], $0xffff  }
.LBB2_10:
0x117: {  	p1 =	sne.s32 s14, $0x4F  }
0x118: {  	v6 =	vld [tilespmem:s13+$0x50];
	s16 =	sadd.s32 $0x100, s16;
	s17 =	smov.u32 s14;
	s14 =	sadd.s32 $0x2, s14  }
0x119: {  	v7 =	vld [tilespmem:s13+$0x30]  }
0x11a: {  	v8 =	vld [tilespmem:s13+$0x40]  }
0x11b: {  	v9 =	vld [tilespmem:s13+$0x60];
	_ =	sdelay $0x1  }
0x11c: {  	v1 =	vmul.f32 v1, v3;
	v2 =	vmul.f32 v2, v3  }
0x11d: {  	s18 =	sadd.s32 $0xFFFFFFFF, s17;
	v5 =	vmul.f32 v5, v3;
	v7 =	vmul.f32 v7, v3  }
0x11e: {  	v10 =	vmov s18;
	v6 =	vmul.f32 v6, v3;
	[tilespmem:s13+$0x0] =	vst v1;
	v8 =	vmul.f32 v8, v3  }
0x11f: {  	v10 =	vand.u32 $0xFFFFFFFE, v10;
	v1 =	vld [tilespmem:s16+$0x0];
	[tilespmem:s13+$0x20] =	vst v5;
	v5 =	vmul.f32 v9, v3;
	v3 =	vmul.f32 v4, v3  }
0x120: {  	v4 =	vbroadcast v10, $0x0;
	[tilespmem:s13+$0x10] =	vst v2  }
0x121: {  	[tilespmem:s13+$0x30] =	vst v7  }
0x122: {  	v7 =	vld [tilespmem:s16+$0xFFFFFFD0];
	[tilespmem:s13+$0x70] =	vst v3  }
0x123: {  	v3 =	vld [tilespmem:s16+$0xFFFFFFB0];
	[tilespmem:s13+$0x50] =	vst v6  }
0x124: {  	v6 =	vld [tilespmem:s16+$0xFFFFFFE0];
	[tilespmem:s13+$0x60] =	vst v5  }
0x125: {  	v5 =	vld [tilespmem:s16+$0xFFFFFFF0];
	[tilespmem:s13+$0x40] =	vst v8;
	s13 =	smov.u32 s16  }
0x126: {  	v4 =	vld.idx.msk [tilespmem:v4+s30+$0x0], $0xffff  }
0x127: {  	v8 =	vld [tilespmem:s16+$0xFFFFFF80]  }
0x128: {  	v9 =	vld [tilespmem:s16+$0xFFFFFFA0]  }
0x129: {  	v10 =	vld [tilespmem:s16+$0xFFFFFF90]  }
0x12a: {  	v11 =	vld [tilespmem:s16+$0xFFFFFFC0]  }
0x12b: {  	v2 =	vld [tilespmem:s16+$0x10]  }
0x12c: {  	v5 =	vmul.f32 v5, v4;
	v8 =	vmul.f32 v8, v4  }
0x12d: {  	v6 =	vmul.f32 v6, v4;
	v9 =	vmul.f32 v9, v4  }
0x12e: {  	v3 =	vmul.f32 v3, v4;
	v10 =	vmul.f32 v10, v4;
	[tilespmem:s16+$0xFFFFFFF0] =	vst v5  }
0x12f: {  	[tilespmem:s16+$0xFFFFFF80] =	vst v8;
	v8 =	vmul.f32 v11, v4;
	v4 =	vmul.f32 v7, v4  }
0x130: {  	[tilespmem:s16+$0xFFFFFFA0] =	vst v9  }
0x131: {  	[tilespmem:s16+$0xFFFFFFB0] =	vst v3;
	v3 =	vmov s17  }
.Ltmp4:
0x132: {  	[tilespmem:s16+$0xFFFFFFD0] =	vst v4;
	(pc) =	sbr.rel @p1 .LBB2_10-.Ltmp4, $4  }
0x133: {  	[tilespmem:s16+$0xFFFFFFE0] =	vst v6  }
0x134: {  	[tilespmem:s16+$0xFFFFFF90] =	vst v10;
	v5 =	vld [tilespmem:s16+$0x20]  }
0x135: {  	[tilespmem:s16+$0xFFFFFFC0] =	vst v8;
	v4 =	vld [tilespmem:s16+$0x70]  }
0x136: {  	v3 =	vld.idx.msk [tilespmem:v3+s30+$0x0], $0xffff  }
0x137: {  	_ =	sdelay $0x2  }
0x138: {  	v6 =	vld [tilespmem:s13+$0x30]  }
0x139: {  	v7 =	vld [tilespmem:s13+$0x50];
	v1 =	vmul.f32 v1, v3  }
0x13a: {  	v8 =	vld [tilespmem:s13+$0x60];
	v5 =	vmul.f32 v5, v3  }
0x13b: {  	v9 =	vld [tilespmem:s13+$0x40];
	v2 =	vmul.f32 v2, v3;
	[tilespmem:s13+$0x0] =	vst v1  }
0x13c: {  	v4 =	vmul.f32 v4, v3;
	[tilespmem:s13+$0x20] =	vst v5  }
0x13d: {  	v1 =	vmul.f32 v6, v3;
	[tilespmem:s13+$0x10] =	vst v2  }
0x13e: {  	v2 =	vmul.f32 v7, v3;
	[tilespmem:s13+$0x70] =	vst v4  }
0x13f: {  	[tilespmem:s13+$0x30] =	vst v1;
	v1 =	vmul.f32 v8, v3  }
0x140: {  	v3 =	vmul.f32 v9, v3;
	[tilespmem:s13+$0x50] =	vst v2  }
0x141: {  	[tilespmem:s13+$0x60] =	vst v1  }
0x142: {  	[tilespmem:s13+$0x40] =	vst v3  }
0x143: {  	[spmem:s4] =	stream.indirect.scatter.add.f32 [tilespmem:s5], [sflag:$0x3], $0x80, s31, s8, $0xb8;
	[tilespmem:$0x1B280] =	vst v63  }
0x144: {  	_ =	swait.ge [sflag:s29], $0x2800  }
0x145: {  	[sflag:s29] =	ssyncset.done $0x0  }
0x146: {  	[sflag:s29] =	ssyncadd.s32 $0xFFFFD800  }
0x147: {  	_ =	swait.ge [sflag:s9], $0x2800  }
0x148: {  	s20 =	simm.s32 $0x0;
	[sflag:s9] =	ssyncset.done $0x0  }
0x149: {  	v1 =	vmov s20;
	[sflag:s9] =	ssyncadd.s32 $0xFFFFD800  }
0x14a: {  	v1 =	vand.u32 $0xFFFFFFFE, v1;
	_ =	swait.ge [sflag:s9], $0x50  }
0x14b: {  	v2 =	vbroadcast v1, $0x0;
	[sflag:s9] =	ssyncset.done $0x0  }
0x14c: {  	[sflag:s9] =	ssyncadd.s32 $0xFFFFFFB0  }
0x14d: {  	_ =	swait.ge [sflag:s9], $0x50  }
0x14e: {  	[sflag:s9] =	ssyncset.done $0x0  }
0x14f: {  	s13 =	simm.s32 $0x28F0;
	[sflag:s9] =	ssyncadd.s32 $0xFFFFFFB0  }
0x150: {  	v5 =	vld [tilespmem:s13+$0xFFFFFF80]  }
0x151: {  	v6 =	vld.idx.msk [tilespmem:v2+s2+$0x0], $0xffff  }
0x152: {  	v7 =	vld [tilespmem:s13+$0xFFFFFF10]  }
0x153: {  	v62 =	vld [tilespmem:s13+$0xFFFFFF30]  }
0x154: {  	v4 =	vld [tilespmem:s13+$0xFFFFFF40]  }
0x155: {  	v3 =	vld [tilespmem:s13+$0xFFFFFF60]  }
0x156: {  	v63 =	vld [tilespmem:s13+$0xFFFFFF70];
	v5 =	vmul.f32 v5, v6  }
0x157: {  	v10 =	vld [tilespmem:s13+$0xFFFFFF20];
	v7 =	vmul.f32 v7, v6  }
0x158: {  	v11 =	vld [tilespmem:s13+$0xFFFFFF50];
	v8 =	vmul.f32 v62, v6;
	[tilespmem:s13+$0xFFFFFF80] =	vst v5  }
0x159: {  	v4 =	vmul.f32 v4, v6;
	[tilespmem:s13+$0xFFFFFF10] =	vst v7  }
0x15a: {  	s14 =	simm.s32 $0x1;
	v3 =	vmul.f32 v3, v6;
	[tilespmem:s13+$0xFFFFFF30] =	vst v8  }
0x15b: {  	v5 =	vmul.f32 v63, v6;
	[tilespmem:s13+$0xFFFFFF40] =	vst v4;
	v4 =	vmov s14  }
0x15c: {  	v1 =	vld [tilespmem:s13+$0xFFFFFF90];
	v7 =	vmul.f32 v10, v6;
	[tilespmem:s13+$0xFFFFFF60] =	vst v3  }
0x15d: {  	v2 =	vld [tilespmem:s13+$0xFFFFFFA0];
	v6 =	vmul.f32 v11, v6;
	[tilespmem:s13+$0xFFFFFF70] =	vst v5  }
0x15e: {  	v3 =	vld [tilespmem:s13+$0xFFFFFFF0];
	[tilespmem:s13+$0xFFFFFF20] =	vst v7  }
0x15f: {  	[tilespmem:s13+$0xFFFFFF50] =	vst v6;
	v5 =	vld [tilespmem:s13+$0xFFFFFFB0]  }
0x160: {  	s16 =	simm.s32 $0x28F0;
	s14 =	simm.s32 $0x3;
	v4 =	vld.idx.msk [tilespmem:v4+s2+$0x0], $0xffff  }
.LBB2_12:
0x161: {  	p1 =	sne.s32 s14, $0x4F  }
0x162: {  	v6 =	vld [tilespmem:s13+$0xFFFFFFE0];
	s16 =	sadd.s32 $0x100, s16;
	s17 =	smov.u32 s14;
	s14 =	sadd.s32 $0x2, s14  }
0x163: {  	v7 =	vld [tilespmem:s13+$0xFFFFFFC0]  }
0x164: {  	v8 =	vld [tilespmem:s13+$0xFFFFFFD0]  }
0x165: {  	v9 =	vld [tilespmem:s13+$0x0];
	_ =	sdelay $0x1  }
0x166: {  	v1 =	vmul.f32 v1, v4;
	v2 =	vmul.f32 v2, v4  }
0x167: {  	s18 =	sadd.s32 $0xFFFFFFFF, s17;
	v5 =	vmul.f32 v5, v4;
	v7 =	vmul.f32 v7, v4  }
0x168: {  	v10 =	vmov s18;
	v6 =	vmul.f32 v6, v4;
	[tilespmem:s13+$0xFFFFFF90] =	vst v1;
	v8 =	vmul.f32 v8, v4  }
0x169: {  	v10 =	vand.u32 $0xFFFFFFFE, v10;
	v3 =	vmul.f32 v3, v4;
	v1 =	vld [tilespmem:s16+$0xFFFFFF90];
	[tilespmem:s13+$0xFFFFFFB0] =	vst v5;
	v4 =	vmul.f32 v9, v4  }
0x16a: {  	v5 =	vbroadcast v10, $0x0;
	[tilespmem:s13+$0xFFFFFFA0] =	vst v2  }
0x16b: {  	[tilespmem:s13+$0xFFFFFFC0] =	vst v7  }
0x16c: {  	v7 =	vld [tilespmem:s16+$0xFFFFFF60];
	[tilespmem:s13+$0x0] =	vst v4  }
0x16d: {  	v4 =	vld [tilespmem:s16+$0xFFFFFF40];
	[tilespmem:s13+$0xFFFFFFE0] =	vst v6  }
0x16e: {  	v6 =	vld [tilespmem:s16+$0xFFFFFF70];
	[tilespmem:s13+$0xFFFFFFF0] =	vst v3  }
0x16f: {  	v3 =	vld [tilespmem:s16+$0xFFFFFF80];
	[tilespmem:s13+$0xFFFFFFD0] =	vst v8;
	s13 =	smov.u32 s16  }
0x170: {  	v5 =	vld.idx.msk [tilespmem:v5+s2+$0x0], $0xffff  }
0x171: {  	v8 =	vld [tilespmem:s16+$0xFFFFFF10]  }
0x172: {  	v9 =	vld [tilespmem:s16+$0xFFFFFF30]  }
0x173: {  	v10 =	vld [tilespmem:s16+$0xFFFFFF20]  }
0x174: {  	v11 =	vld [tilespmem:s16+$0xFFFFFF50]  }
0x175: {  	v2 =	vld [tilespmem:s16+$0xFFFFFFA0]  }
0x176: {  	v3 =	vmul.f32 v3, v5;
	v8 =	vmul.f32 v8, v5  }
0x177: {  	v6 =	vmul.f32 v6, v5;
	v9 =	vmul.f32 v9, v5  }
0x178: {  	v4 =	vmul.f32 v4, v5;
	v10 =	vmul.f32 v10, v5;
	[tilespmem:s16+$0xFFFFFF80] =	vst v3  }
0x179: {  	v3 =	vmul.f32 v7, v5;
	[tilespmem:s16+$0xFFFFFF10] =	vst v8;
	v8 =	vmul.f32 v11, v5  }
0x17a: {  	[tilespmem:s16+$0xFFFFFF30] =	vst v9  }
0x17b: {  	[tilespmem:s16+$0xFFFFFF40] =	vst v4;
	v4 =	vmov s17  }
.Ltmp5:
0x17c: {  	[tilespmem:s16+$0xFFFFFF60] =	vst v3;
	(pc) =	sbr.rel @p1 .LBB2_12-.Ltmp5, $4  }
0x17d: {  	[tilespmem:s16+$0xFFFFFF70] =	vst v6  }
0x17e: {  	[tilespmem:s16+$0xFFFFFF20] =	vst v10;
	v3 =	vld [tilespmem:s16+$0xFFFFFFF0]  }
0x17f: {  	[tilespmem:s16+$0xFFFFFF50] =	vst v8;
	v5 =	vld [tilespmem:s16+$0xFFFFFFB0]  }
0x180: {  	v4 =	vld.idx.msk [tilespmem:v4+s2+$0x0], $0xffff  }
0x181: {  	_ =	sdelay $0x1  }
0x182: {  	v7 =	vld [tilespmem:s13+$0x0]  }
0x183: {  	v6 =	vld [tilespmem:s13+$0xFFFFFFC0]  }
0x184: {  	v8 =	vld [tilespmem:s13+$0xFFFFFFE0];
	v1 =	vmul.f32 v1, v4  }
0x185: {  	v5 =	vmul.f32 v5, v4  }
0x186: {  	v9 =	vld [tilespmem:s13+$0xFFFFFFD0];
	v2 =	vmul.f32 v2, v4;
	[tilespmem:s13+$0xFFFFFF90] =	vst v1  }
0x187: {  	v63 =	vmul.f32 v7, v4;
	[tilespmem:s13+$0xFFFFFFB0] =	vst v5  }
0x188: {  	v1 =	vmul.f32 v6, v4;
	[tilespmem:s13+$0xFFFFFFA0] =	vst v2  }
0x189: {  	v2 =	vmul.f32 v8, v4;
	[tilespmem:s13+$0x0] =	vst v63  }
0x18a: {  	[tilespmem:s13+$0xFFFFFFC0] =	vst v1;
	v1 =	vmul.f32 v3, v4  }
0x18b: {  	v3 =	vmul.f32 v9, v4;
	[tilespmem:s13+$0xFFFFFFE0] =	vst v2  }
0x18c: {  	[tilespmem:s13+$0xFFFFFFF0] =	vst v1  }
0x18d: {  	[tilespmem:s13+$0xFFFFFFD0] =	vst v3  }
0x18e: {  	[spmem:s4] =	stream.indirect.scatter.add.f32 [tilespmem:s1], [sflag:$0x3], $0x80, s7, s8, $0xb8;
	[tilespmem:$0x1B280] =	vst v63  }
0x18f: {  	_ =	swait.ge [sflag:s29], $0x2800  }
0x190: {  	[sflag:s29] =	ssyncset.done $0x0  }
0x191: {  	[sflag:s29] =	ssyncadd.s32 $0xFFFFD800  }
0x192: {  	[bflag:$0x0] =	sbarrier.arrive $0xFFFF  }
0x193: {  	s13 =	simm.s32 @p0 $0x1FC3;
	s14 =	rddreg [dreg:$0xc]  }
0x194: {  	[hbm:s14], [sflag:s13] =	dma.local @p0 [spmem:s25], $0x2800  }
0x195: {  	s13 =	simm.s32 @p0 $0x3  }
0x196: {  	s14 =	stileid.u32;
	_ =	swait.ge @p0 [sflag:s13], $0x2800  }
0x197: {  	s14 =	sshll.u32 @!p0 s14, $0x6;
	[sflag:s13] =	ssyncset.done @p0 $0x0;
	s16 =	rddreg [dreg:$0xb]  }
0x198: {  	[sflag:s13] =	ssyncadd.s32 @p0 $0xFFFFD800;
	s13 =	sor.u32 @!p0 $0x1C03, s14;
	s14 =	sshrl.u32 @!p0 s15, $0x3  }
0x199: {  	[hbm:s16], [sflag:s13] =	dma.local @!p0 [spmem:s14], $0x2700  }
0x19a: {  	s13 =	simm.s32 @!p0 $0x3  }
0x19b: {  	_ =	swait.ge @!p0 [sflag:s13], $0x2700  }
0x19c: {  	s12 =	sadd.s32 $0x1, s12;
	s20 =	rddreg [dreg:$0xd]  }
0x19d: {  	p1 =	sne.s32 s12, s20  }
.Ltmp6:
0x19e: {  	_ = 	snop;
	(pc) =	sbr.rel @p1 .LBB2_1-.Ltmp6, $3  }
0x19f: {  	_ =	sdelay $0x1  }
0x1a0: {  	[sflag:s13] =	ssyncset.done @!p0 $0x0  }
0x1a1: {  	[sflag:s13] =	ssyncadd.s32 @!p0 $0xFFFFD900  }
0x1a2: {  	_ =	sfence.sel $0x180000  }
0x1a3: {  	[bflag:$0x0] =	sbarrier.arrive $0xFFFF  }
0x1a4: {  	_ =	strace $0x90000047  }
0x1a5: {  	s0 =	stileid.u32;
	[bflag:$0x2] =	sbarrier.arrive $0xFFFF  }
0x1a6: {  	p0 =	sne.s32 s0, $0x0;
	s0 =	rddreg [dreg:$0x4]  }
0x1a7: {  	s0 =	sadd.s32 @!p0 $0x100000, s0  }
0x1a8: {  	[sflag:s0] =	ssyncadd.tile.s32 @!p0 $0x1;
	_ =	shalt  }
.Lfunc_end2:
_tile_overlayer_lowered:
.L_overlay_start_2:
0x1a9: {  	(tag) =	ssettag $0x2  }
0x1aa: {  	s0 =	rddreg [dreg:$0x0];
	s2 =	stileid.u32  }
0x1ab: {  	s1 =	rddreg [dreg:$0x1];
	p0 =	sne.s32 s2, $0x0  }
0x1ac: {  	s3 =	rddreg [dreg:$0x2];
	[bflag:$0x3] =	sbarrier.arrive $0xFFFF;
	s2 =	simm.s32 @!p0 $0x1C03  }
0x1ad: {  	[timem:s3], [sflag:s2] =	dma.local @!p0 [hbm:s0], s1  }
0x1ae: {  	s0 =	simm.s32 @!p0 $0x3  }
0x1af: {  	_ =	swait.ge @!p0 [sflag:s0], s1  }
0x1b0: {  	s1 =	ssub.s32 @!p0 $0x0, s1;
	[sflag:s0] =	ssyncset.done @!p0 $0x0  }
0x1b1: {  	[sflag:s0] =	ssyncadd.s32 @!p0 s1  }
0x1b2: {  	[bflag:$0x3] =	sbarrier.arrive $0xFFFF  }
0x1b3: {  	_ =	shalt  }

</sc_bundles>
